<compile_context>
chip_gen: v7x
topology: tpu7x:2x2x1
jax: 0.10.2.dev20260603
libtpu: 0.0.44.dev20260713+nightly
codegen_flags: <defaults>
</compile_context>

<pallas_src>
import functools

import jax
import jax.numpy as jnp
from jax import lax
from jax.experimental import pallas as pl
from jax.experimental.pallas import tpu as pltpu
from jax.experimental.pallas import tpu_sc as plsc

_LANES = 16


def _build_kernel(batch, emb_dim, emb_rows):
    info = plsc.get_sparse_core_info()
    num_workers = info.num_cores * info.num_subcores
    assert batch % num_workers == 0
    per_w = batch // num_workers
    nb = _LANES
    rounds = per_w // nb

    mesh = plsc.VectorSubcoreMesh(core_axis_name="c", subcore_axis_name="s")

    @functools.partial(
        pl.kernel,
        mesh=mesh,
        out_type=jax.ShapeDtypeStruct((emb_dim, batch), jnp.float32),
        scratch_types=[
            pltpu.VMEM((per_w,), jnp.int32),
            pltpu.VMEM((per_w,), jnp.int32),
            pltpu.VMEM((nb, emb_dim, 128), jnp.float32),
            pltpu.VMEM((emb_dim, per_w), jnp.float32),
            pltpu.SemaphoreType.DMA,
        ],
        compiler_params=pltpu.CompilerParams(needs_layout_passes=False),
    )
    def k(act_hbm, embt_hbm, out_hbm, idx_v, col_v, blk_v, cols_v, sem):
        wid = lax.axis_index("s") * info.num_cores + lax.axis_index("c")
        base = wid * per_w
        lane = lax.iota(jnp.int32, _LANES)
        pltpu.sync_copy(act_hbm.at[pl.ds(base, per_w)], idx_v)
        for g in range(per_w // _LANES):
            x = idx_v[pl.ds(g * _LANES, _LANES)]
            x = jnp.where(x == -1, 0, x)
            x = jnp.where(x == -100, 0, x)
            x = x + 1
            idx_v[pl.ds(g * _LANES, _LANES)] = x
            col_v[pl.ds(g * _LANES, _LANES)] = jnp.bitwise_and(x, 127)

        def round_body(r, _):
            ivec = idx_v[pl.ds(r * nb, _LANES)]
            copies = []
            for t in range(nb):
                c0 = pl.multiple_of((ivec[t] // 128) * 128, 128)
                for rr in range(emb_dim // 8):
                    copies.append(
                        pltpu.async_copy(
                            embt_hbm.at[pl.ds(rr * 8, 8), pl.ds(c0, 128)],
                            blk_v.at[t, pl.ds(rr * 8, 8)],
                            sem,
                        )
                    )
            for c in copies:
                c.wait()
            col16 = col_v[pl.ds(r * nb, _LANES)]
            for d in range(emb_dim):
                v = plsc.load_gather(
                    blk_v, [lane, jnp.full((_LANES,), d, jnp.int32), col16]
                )
                cols_v[d, pl.ds(r * nb, _LANES)] = v
            return _

        lax.fori_loop(0, rounds, round_body, None)
        pltpu.sync_copy(cols_v, out_hbm.at[:, pl.ds(base, per_w)])

    return k


def kernel(action_tuple, action_emb):
    if action_tuple.ndim == 1:
        idx_col = action_tuple
    else:
        idx_col = action_tuple[:, 0]
    batch = idx_col.shape[0]
    emb_rows, emb_dim = action_emb.shape
    k = _build_kernel(batch, emb_dim, emb_rows)
    out_t = k(idx_col.astype(jnp.int32), action_emb.T)
    return out_t.T

# --- scband reference (transcript-rebuilt; emitter-appended) ---
"""Pipeline reference for scband-legacy-action-embedding-42545946034554 (READ-ONLY COPY).

The authoritative reference and input builder live on the scoring server;
editing this copy changes nothing except your own understanding.
"""

import jax, jax.numpy as jnp
import numpy as np

NUM_ACTIONS = 1000000
EMB_DIM = 32
BATCH = 16384


def setup_inputs(seed: int = 0) -> dict:
    key = jax.random.key(seed)
    k1, k2 = jax.random.split(key)
    action_tuple = jax.random.randint(k1, (BATCH, 2), 0, NUM_ACTIONS, dtype=jnp.int32)
    # learned embedding table: (num_actions + 1, emb_dim)
    action_emb = jax.random.normal(k2, (NUM_ACTIONS + 1, EMB_DIM), dtype=jnp.float32)
    return {"action_tuple": action_tuple, "action_emb": action_emb}


def reference(action_tuple, action_emb):
    # Faithful translation of LegacyActionEmbedding.forward
    if action_tuple.ndim == 1:
        action_idx = action_tuple
    else:
        action_idx = action_tuple[:, 0]
    # replace sentinel values -1 and -100 with 0
    action_idx = jnp.where(action_idx == -1, 0, action_idx)
    action_idx = jnp.where(action_idx == -100, 0, action_idx)
    # embedding lookup with +1 offset
    return jnp.take(action_emb, action_idx + 1, axis=0)

if __name__ == "__main__":
    import jax
    _d = setup_inputs()
    print(jax.jit(kernel)(*tuple(_d.values())))

</pallas_src>

<mosaic_0001>
#map = affine_map<(d0, d1) -> (0)>
#map1 = affine_map<(d0, d1) -> (0, 0)>
module attributes {stable_mosaic.version = 14 : i64} {
  func.func @k(%arg0: i32, %arg1: i32, %arg2: memref<16384xi32, #tpu.memory_space<hbm>>, %arg3: memref<32x1000001xf32, #tpu.memory_space<hbm>>, %arg4: memref<32x16384xf32, #tpu.memory_space<hbm>>, %arg5: memref<512xi32, #tpu.memory_space<vmem>>, %arg6: memref<512xi32, #tpu.memory_space<vmem>>, %arg7: memref<16x32x128xf32, #tpu.memory_space<vmem>>, %arg8: memref<32x512xf32, #tpu.memory_space<vmem>>, %arg9: memref<!tpu.dma_semaphore, #tpu.memory_space<semaphore_mem>>) attributes {dimension_semantics = [#tpu.dimension_semantics<core_parallel>, #tpu.dimension_semantics<subcore_parallel>], iteration_bounds = array<i64: 2, 16>, scalar_prefetch = 0 : i64, scratch_operands = 5 : i64, tpu.core_type = #tpu.core_type<sc_vector_subcore>, window_params = [{transform_indices = #map}, {transform_indices = #map1}, {transform_indices = #map1}]} {
    %mul3A = arith.constant 2 : i32
    %mul3A_0 = arith.muli %arg1, %mul3A : i32
    %add3A = arith.addi %mul3A_0, %arg0 : i32
    %mul3A_1 = arith.constant 512 : i32
    %mul3A_2 = arith.muli %add3A, %mul3A_1 : i32
    %iota3A = tpu.iota {dimensions = array<i32: 0>} : vector<16xi32>
    "tpu.region"() ({
      %run_scoped3A = tpu.sem_alloc : memref<!tpu.dma_semaphore, #tpu.memory_space<semaphore_mem>>
      %dma_start3A = tpu.memref_slice %arg2[%mul3A_2] : memref<16384xi32, #tpu.memory_space<hbm>> -> memref<512xi32, #tpu.memory_space<hbm>>
      %dma_start3A_768 = tpu.memref_slice %arg2[%mul3A_2] : memref<16384xi32, #tpu.memory_space<hbm>> -> memref<512xi32, #tpu.memory_space<hbm>>
      tpu.enqueue_dma source(%dma_start3A_768 : memref<512xi32, #tpu.memory_space<hbm>>) target(%arg5 : memref<512xi32, #tpu.memory_space<vmem>>) target_semaphore(%run_scoped3A : memref<!tpu.dma_semaphore, #tpu.memory_space<semaphore_mem>>)
      %dma_wait3A = tpu.memref_slice %arg2[%mul3A_2] : memref<16384xi32, #tpu.memory_space<hbm>> -> memref<512xi32, #tpu.memory_space<hbm>>
      %dma_wait3A_769 = tpu.memref_slice %arg2[%mul3A_2] : memref<16384xi32, #tpu.memory_space<hbm>> -> memref<512xi32, #tpu.memory_space<hbm>>
      tpu.wait_dma2 semaphore(%run_scoped3A : memref<!tpu.dma_semaphore, #tpu.memory_space<semaphore_mem>>) src(%dma_wait3A_769 : memref<512xi32, #tpu.memory_space<hbm>>) dst(%arg5 : memref<512xi32, #tpu.memory_space<vmem>>)
      tpu.yield
    }) : () -> ()
    %get3A = arith.constant 0 : index
    %get3A_3 = tpu.vector_load %arg5[%get3A] {strides = array<i32>} : memref<512xi32, #tpu.memory_space<vmem>>, vector<16xi32>,
    %eq3A = arith.constant -1 : i32
    %eq3A_4 = vector.broadcast %eq3A : i32 to vector<16xi32>
    %eq3A_5 = arith.cmpi eq, %get3A_3, %eq3A_4 : vector<16xi32>
    %jit3A = arith.constant 0 : i32
    %broadcast_in_dim3A = vector.broadcast %jit3A : i32 to vector<16xi32>
    %select_n3A = arith.select %eq3A_5, %broadcast_in_dim3A, %get3A_3 : vector<16xi1>, vector<16xi32>
    %eq3A_6 = arith.constant -100 : i32
    %eq3A_7 = vector.broadcast %eq3A_6 : i32 to vector<16xi32>
    %eq3A_8 = arith.cmpi eq, %select_n3A, %eq3A_7 : vector<16xi32>
    %jit3A_9 = arith.constant 0 : i32
    %broadcast_in_dim3A_10 = vector.broadcast %jit3A_9 : i32 to vector<16xi32>
    %select_n3A_11 = arith.select %eq3A_8, %broadcast_in_dim3A_10, %select_n3A : vector<16xi1>, vector<16xi32>
    %add3A_12 = arith.constant 1 : i32
    %add3A_13 = vector.broadcast %add3A_12 : i32 to vector<16xi32>
    %add3A_14 = arith.addi %select_n3A_11, %add3A_13 : vector<16xi32>
    %swap3A = arith.constant 0 : index
    %swap3A_15 = tpu.vector_load %arg5[%swap3A] {strides = array<i32>} : memref<512xi32, #tpu.memory_space<vmem>>, vector<16xi32>,
    tpu.vector_store %arg5[%swap3A], %add3A_14 {strides = array<i32>} : memref<512xi32, #tpu.memory_space<vmem>>, vector<16xi32>,
    %and3A = arith.constant 127 : i32
    %and3A_16 = vector.broadcast %and3A : i32 to vector<16xi32>
    %and3A_17 = arith.andi %add3A_14, %and3A_16 : vector<16xi32>
    %swap3A_18 = arith.constant 0 : index
    %swap3A_19 = tpu.vector_load %arg6[%swap3A_18] {strides = array<i32>} : memref<512xi32, #tpu.memory_space<vmem>>, vector<16xi32>,
    tpu.vector_store %arg6[%swap3A_18], %and3A_17 {strides = array<i32>} : memref<512xi32, #tpu.memory_space<vmem>>, vector<16xi32>,
    %get3A_20 = arith.constant 16 : index
    %get3A_21 = tpu.vector_load %arg5[%get3A_20] {strides = array<i32>} : memref<512xi32, #tpu.memory_space<vmem>>, vector<16xi32>,
    %eq3A_22 = arith.constant -1 : i32
    %eq3A_23 = vector.broadcast %eq3A_22 : i32 to vector<16xi32>
    %eq3A_24 = arith.cmpi eq, %get3A_21, %eq3A_23 : vector<16xi32>
    %jit3A_25 = arith.constant 0 : i32
    %broadcast_in_dim3A_26 = vector.broadcast %jit3A_25 : i32 to vector<16xi32>
    %select_n3A_27 = arith.select %eq3A_24, %broadcast_in_dim3A_26, %get3A_21 : vector<16xi1>, vector<16xi32>
    %eq3A_28 = arith.constant -100 : i32
    %eq3A_29 = vector.broadcast %eq3A_28 : i32 to vector<16xi32>
    %eq3A_30 = arith.cmpi eq, %select_n3A_27, %eq3A_29 : vector<16xi32>
    %jit3A_31 = arith.constant 0 : i32
    %broadcast_in_dim3A_32 = vector.broadcast %jit3A_31 : i32 to vector<16xi32>
    %select_n3A_33 = arith.select %eq3A_30, %broadcast_in_dim3A_32, %select_n3A_27 : vector<16xi1>, vector<16xi32>
    %add3A_34 = arith.constant 1 : i32
    %add3A_35 = vector.broadcast %add3A_34 : i32 to vector<16xi32>
    %add3A_36 = arith.addi %select_n3A_33, %add3A_35 : vector<16xi32>
    %swap3A_37 = arith.constant 16 : index
    %swap3A_38 = tpu.vector_load %arg5[%swap3A_37] {strides = array<i32>} : memref<512xi32, #tpu.memory_space<vmem>>, vector<16xi32>,
    tpu.vector_store %arg5[%swap3A_37], %add3A_36 {strides = array<i32>} : memref<512xi32, #tpu.memory_space<vmem>>, vector<16xi32>,
    %and3A_39 = arith.constant 127 : i32
    %and3A_40 = vector.broadcast %and3A_39 : i32 to vector<16xi32>
    %and3A_41 = arith.andi %add3A_36, %and3A_40 : vector<16xi32>
    %swap3A_42 = arith.constant 16 : index
    %swap3A_43 = tpu.vector_load %arg6[%swap3A_42] {strides = array<i32>} : memref<512xi32, #tpu.memory_space<vmem>>, vector<16xi32>,
    tpu.vector_store %arg6[%swap3A_42], %and3A_41 {strides = array<i32>} : memref<512xi32, #tpu.memory_space<vmem>>, vector<16xi32>,
    %get3A_44 = arith.constant 32 : index
    %get3A_45 = tpu.vector_load %arg5[%get3A_44] {strides = array<i32>} : memref<512xi32, #tpu.memory_space<vmem>>, vector<16xi32>,
    %eq3A_46 = arith.constant -1 : i32
    %eq3A_47 = vector.broadcast %eq3A_46 : i32 to vector<16xi32>
    %eq3A_48 = arith.cmpi eq, %get3A_45, %eq3A_47 : vector<16xi32>
    %jit3A_49 = arith.constant 0 : i32
    %broadcast_in_dim3A_50 = vector.broadcast %jit3A_49 : i32 to vector<16xi32>
    %select_n3A_51 = arith.select %eq3A_48, %broadcast_in_dim3A_50, %get3A_45 : vector<16xi1>, vector<16xi32>
    %eq3A_52 = arith.constant -100 : i32
    %eq3A_53 = vector.broadcast %eq3A_52 : i32 to vector<16xi32>
    %eq3A_54 = arith.cmpi eq, %select_n3A_51, %eq3A_53 : vector<16xi32>
    %jit3A_55 = arith.constant 0 : i32
    %broadcast_in_dim3A_56 = vector.broadcast %jit3A_55 : i32 to vector<16xi32>
    %select_n3A_57 = arith.select %eq3A_54, %broadcast_in_dim3A_56, %select_n3A_51 : vector<16xi1>, vector<16xi32>
    %add3A_58 = arith.constant 1 : i32
    %add3A_59 = vector.broadcast %add3A_58 : i32 to vector<16xi32>
    %add3A_60 = arith.addi %select_n3A_57, %add3A_59 : vector<16xi32>
    %swap3A_61 = arith.constant 32 : index
    %swap3A_62 = tpu.vector_load %arg5[%swap3A_61] {strides = array<i32>} : memref<512xi32, #tpu.memory_space<vmem>>, vector<16xi32>,
    tpu.vector_store %arg5[%swap3A_61], %add3A_60 {strides = array<i32>} : memref<512xi32, #tpu.memory_space<vmem>>, vector<16xi32>,
    %and3A_63 = arith.constant 127 : i32
    %and3A_64 = vector.broadcast %and3A_63 : i32 to vector<16xi32>
    %and3A_65 = arith.andi %add3A_60, %and3A_64 : vector<16xi32>
    %swap3A_66 = arith.constant 32 : index
    %swap3A_67 = tpu.vector_load %arg6[%swap3A_66] {strides = array<i32>} : memref<512xi32, #tpu.memory_space<vmem>>, vector<16xi32>,
    tpu.vector_store %arg6[%swap3A_66], %and3A_65 {strides = array<i32>} : memref<512xi32, #tpu.memory_space<vmem>>, vector<16xi32>,
    %get3A_68 = arith.constant 48 : index
    %get3A_69 = tpu.vector_load %arg5[%get3A_68] {strides = array<i32>} : memref<512xi32, #tpu.memory_space<vmem>>, vector<16xi32>,
    %eq3A_70 = arith.constant -1 : i32
    %eq3A_71 = vector.broadcast %eq3A_70 : i32 to vector<16xi32>
    %eq3A_72 = arith.cmpi eq, %get3A_69, %eq3A_71 : vector<16xi32>
    %jit3A_73 = arith.constant 0 : i32
    %broadcast_in_dim3A_74 = vector.broadcast %jit3A_73 : i32 to vector<16xi32>
    %select_n3A_75 = arith.select %eq3A_72, %broadcast_in_dim3A_74, %get3A_69 : vector<16xi1>, vector<16xi32>
    %eq3A_76 = arith.constant -100 : i32
    %eq3A_77 = vector.broadcast %eq3A_76 : i32 to vector<16xi32>
    %eq3A_78 = arith.cmpi eq, %select_n3A_75, %eq3A_77 : vector<16xi32>
    %jit3A_79 = arith.constant 0 : i32
    %broadcast_in_dim3A_80 = vector.broadcast %jit3A_79 : i32 to vector<16xi32>
    %select_n3A_81 = arith.select %eq3A_78, %broadcast_in_dim3A_80, %select_n3A_75 : vector<16xi1>, vector<16xi32>
    %add3A_82 = arith.constant 1 : i32
    %add3A_83 = vector.broadcast %add3A_82 : i32 to vector<16xi32>
    %add3A_84 = arith.addi %select_n3A_81, %add3A_83 : vector<16xi32>
    %swap3A_85 = arith.constant 48 : index
    %swap3A_86 = tpu.vector_load %arg5[%swap3A_85] {strides = array<i32>} : memref<512xi32, #tpu.memory_space<vmem>>, vector<16xi32>,
    tpu.vector_store %arg5[%swap3A_85], %add3A_84 {strides = array<i32>} : memref<512xi32, #tpu.memory_space<vmem>>, vector<16xi32>,
    %and3A_87 = arith.constant 127 : i32
    %and3A_88 = vector.broadcast %and3A_87 : i32 to vector<16xi32>
    %and3A_89 = arith.andi %add3A_84, %and3A_88 : vector<16xi32>
    %swap3A_90 = arith.constant 48 : index
    %swap3A_91 = tpu.vector_load %arg6[%swap3A_90] {strides = array<i32>} : memref<512xi32, #tpu.memory_space<vmem>>, vector<16xi32>,
    tpu.vector_store %arg6[%swap3A_90], %and3A_89 {strides = array<i32>} : memref<512xi32, #tpu.memory_space<vmem>>, vector<16xi32>,
    %get3A_92 = arith.constant 64 : index
    %get3A_93 = tpu.vector_load %arg5[%get3A_92] {strides = array<i32>} : memref<512xi32, #tpu.memory_space<vmem>>, vector<16xi32>,
    %eq3A_94 = arith.constant -1 : i32
    %eq3A_95 = vector.broadcast %eq3A_94 : i32 to vector<16xi32>
    %eq3A_96 = arith.cmpi eq, %get3A_93, %eq3A_95 : vector<16xi32>
    %jit3A_97 = arith.constant 0 : i32
    %broadcast_in_dim3A_98 = vector.broadcast %jit3A_97 : i32 to vector<16xi32>
    %select_n3A_99 = arith.select %eq3A_96, %broadcast_in_dim3A_98, %get3A_93 : vector<16xi1>, vector<16xi32>
    %eq3A_100 = arith.constant -100 : i32
    %eq3A_101 = vector.broadcast %eq3A_100 : i32 to vector<16xi32>
    %eq3A_102 = arith.cmpi eq, %select_n3A_99, %eq3A_101 : vector<16xi32>
    %jit3A_103 = arith.constant 0 : i32
    %broadcast_in_dim3A_104 = vector.broadcast %jit3A_103 : i32 to vector<16xi32>
    %select_n3A_105 = arith.select %eq3A_102, %broadcast_in_dim3A_104, %select_n3A_99 : vector<16xi1>, vector<16xi32>
    %add3A_106 = arith.constant 1 : i32
    %add3A_107 = vector.broadcast %add3A_106 : i32 to vector<16xi32>
    %add3A_108 = arith.addi %select_n3A_105, %add3A_107 : vector<16xi32>
    %swap3A_109 = arith.constant 64 : index
    %swap3A_110 = tpu.vector_load %arg5[%swap3A_109] {strides = array<i32>} : memref<512xi32, #tpu.memory_space<vmem>>, vector<16xi32>,
    tpu.vector_store %arg5[%swap3A_109], %add3A_108 {strides = array<i32>} : memref<512xi32, #tpu.memory_space<vmem>>, vector<16xi32>,
    %and3A_111 = arith.constant 127 : i32
    %and3A_112 = vector.broadcast %and3A_111 : i32 to vector<16xi32>
    %and3A_113 = arith.andi %add3A_108, %and3A_112 : vector<16xi32>
    %swap3A_114 = arith.constant 64 : index
    %swap3A_115 = tpu.vector_load %arg6[%swap3A_114] {strides = array<i32>} : memref<512xi32, #tpu.memory_space<vmem>>, vector<16xi32>,
    tpu.vector_store %arg6[%swap3A_114], %and3A_113 {strides = array<i32>} : memref<512xi32, #tpu.memory_space<vmem>>, vector<16xi32>,
    %get3A_116 = arith.constant 80 : index
    %get3A_117 = tpu.vector_load %arg5[%get3A_116] {strides = array<i32>} : memref<512xi32, #tpu.memory_space<vmem>>, vector<16xi32>,
    %eq3A_118 = arith.constant -1 : i32
    %eq3A_119 = vector.broadcast %eq3A_118 : i32 to vector<16xi32>
    %eq3A_120 = arith.cmpi eq, %get3A_117, %eq3A_119 : vector<16xi32>
    %jit3A_121 = arith.constant 0 : i32
    %broadcast_in_dim3A_122 = vector.broadcast %jit3A_121 : i32 to vector<16xi32>
    %select_n3A_123 = arith.select %eq3A_120, %broadcast_in_dim3A_122, %get3A_117 : vector<16xi1>, vector<16xi32>
    %eq3A_124 = arith.constant -100 : i32
    %eq3A_125 = vector.broadcast %eq3A_124 : i32 to vector<16xi32>
    %eq3A_126 = arith.cmpi eq, %select_n3A_123, %eq3A_125 : vector<16xi32>
    %jit3A_127 = arith.constant 0 : i32
    %broadcast_in_dim3A_128 = vector.broadcast %jit3A_127 : i32 to vector<16xi32>
    %select_n3A_129 = arith.select %eq3A_126, %broadcast_in_dim3A_128, %select_n3A_123 : vector<16xi1>, vector<16xi32>
    %add3A_130 = arith.constant 1 : i32
    %add3A_131 = vector.broadcast %add3A_130 : i32 to vector<16xi32>
    %add3A_132 = arith.addi %select_n3A_129, %add3A_131 : vector<16xi32>
    %swap3A_133 = arith.constant 80 : index
    %swap3A_134 = tpu.vector_load %arg5[%swap3A_133] {strides = array<i32>} : memref<512xi32, #tpu.memory_space<vmem>>, vector<16xi32>,
    tpu.vector_store %arg5[%swap3A_133], %add3A_132 {strides = array<i32>} : memref<512xi32, #tpu.memory_space<vmem>>, vector<16xi32>,
    %and3A_135 = arith.constant 127 : i32
    %and3A_136 = vector.broadcast %and3A_135 : i32 to vector<16xi32>
    %and3A_137 = arith.andi %add3A_132, %and3A_136 : vector<16xi32>
    %swap3A_138 = arith.constant 80 : index
    %swap3A_139 = tpu.vector_load %arg6[%swap3A_138] {strides = array<i32>} : memref<512xi32, #tpu.memory_space<vmem>>, vector<16xi32>,
    tpu.vector_store %arg6[%swap3A_138], %and3A_137 {strides = array<i32>} : memref<512xi32, #tpu.memory_space<vmem>>, vector<16xi32>,
    %get3A_140 = arith.constant 96 : index
    %get3A_141 = tpu.vector_load %arg5[%get3A_140] {strides = array<i32>} : memref<512xi32, #tpu.memory_space<vmem>>, vector<16xi32>,
    %eq3A_142 = arith.constant -1 : i32
    %eq3A_143 = vector.broadcast %eq3A_142 : i32 to vector<16xi32>
    %eq3A_144 = arith.cmpi eq, %get3A_141, %eq3A_143 : vector<16xi32>
    %jit3A_145 = arith.constant 0 : i32
    %broadcast_in_dim3A_146 = vector.broadcast %jit3A_145 : i32 to vector<16xi32>
    %select_n3A_147 = arith.select %eq3A_144, %broadcast_in_dim3A_146, %get3A_141 : vector<16xi1>, vector<16xi32>
    %eq3A_148 = arith.constant -100 : i32
    %eq3A_149 = vector.broadcast %eq3A_148 : i32 to vector<16xi32>
    %eq3A_150 = arith.cmpi eq, %select_n3A_147, %eq3A_149 : vector<16xi32>
    %jit3A_151 = arith.constant 0 : i32
    %broadcast_in_dim3A_152 = vector.broadcast %jit3A_151 : i32 to vector<16xi32>
    %select_n3A_153 = arith.select %eq3A_150, %broadcast_in_dim3A_152, %select_n3A_147 : vector<16xi1>, vector<16xi32>
    %add3A_154 = arith.constant 1 : i32
    %add3A_155 = vector.broadcast %add3A_154 : i32 to vector<16xi32>
    %add3A_156 = arith.addi %select_n3A_153, %add3A_155 : vector<16xi32>
    %swap3A_157 = arith.constant 96 : index
    %swap3A_158 = tpu.vector_load %arg5[%swap3A_157] {strides = array<i32>} : memref<512xi32, #tpu.memory_space<vmem>>, vector<16xi32>,
    tpu.vector_store %arg5[%swap3A_157], %add3A_156 {strides = array<i32>} : memref<512xi32, #tpu.memory_space<vmem>>, vector<16xi32>,
    %and3A_159 = arith.constant 127 : i32
    %and3A_160 = vector.broadcast %and3A_159 : i32 to vector<16xi32>
    %and3A_161 = arith.andi %add3A_156, %and3A_160 : vector<16xi32>
    %swap3A_162 = arith.constant 96 : index
    %swap3A_163 = tpu.vector_load %arg6[%swap3A_162] {strides = array<i32>} : memref<512xi32, #tpu.memory_space<vmem>>, vector<16xi32>,
    tpu.vector_store %arg6[%swap3A_162], %and3A_161 {strides = array<i32>} : memref<512xi32, #tpu.memory_space<vmem>>, vector<16xi32>,
    %get3A_164 = arith.constant 112 : index
    %get3A_165 = tpu.vector_load %arg5[%get3A_164] {strides = array<i32>} : memref<512xi32, #tpu.memory_space<vmem>>, vector<16xi32>,
    %eq3A_166 = arith.constant -1 : i32
    %eq3A_167 = vector.broadcast %eq3A_166 : i32 to vector<16xi32>
    %eq3A_168 = arith.cmpi eq, %get3A_165, %eq3A_167 : vector<16xi32>
    %jit3A_169 = arith.constant 0 : i32
    %broadcast_in_dim3A_170 = vector.broadcast %jit3A_169 : i32 to vector<16xi32>
    %select_n3A_171 = arith.select %eq3A_168, %broadcast_in_dim3A_170, %get3A_165 : vector<16xi1>, vector<16xi32>
    %eq3A_172 = arith.constant -100 : i32
    %eq3A_173 = vector.broadcast %eq3A_172 : i32 to vector<16xi32>
    %eq3A_174 = arith.cmpi eq, %select_n3A_171, %eq3A_173 : vector<16xi32>
    %jit3A_175 = arith.constant 0 : i32
    %broadcast_in_dim3A_176 = vector.broadcast %jit3A_175 : i32 to vector<16xi32>
    %select_n3A_177 = arith.select %eq3A_174, %broadcast_in_dim3A_176, %select_n3A_171 : vector<16xi1>, vector<16xi32>
    %add3A_178 = arith.constant 1 : i32
    %add3A_179 = vector.broadcast %add3A_178 : i32 to vector<16xi32>
    %add3A_180 = arith.addi %select_n3A_177, %add3A_179 : vector<16xi32>
    %swap3A_181 = arith.constant 112 : index
    %swap3A_182 = tpu.vector_load %arg5[%swap3A_181] {strides = array<i32>} : memref<512xi32, #tpu.memory_space<vmem>>, vector<16xi32>,
    tpu.vector_store %arg5[%swap3A_181], %add3A_180 {strides = array<i32>} : memref<512xi32, #tpu.memory_space<vmem>>, vector<16xi32>,
    %and3A_183 = arith.constant 127 : i32
    %and3A_184 = vector.broadcast %and3A_183 : i32 to vector<16xi32>
    %and3A_185 = arith.andi %add3A_180, %and3A_184 : vector<16xi32>
    %swap3A_186 = arith.constant 112 : index
    %swap3A_187 = tpu.vector_load %arg6[%swap3A_186] {strides = array<i32>} : memref<512xi32, #tpu.memory_space<vmem>>, vector<16xi32>,
    tpu.vector_store %arg6[%swap3A_186], %and3A_185 {strides = array<i32>} : memref<512xi32, #tpu.memory_space<vmem>>, vector<16xi32>,
    %get3A_188 = arith.constant 128 : index
    %get3A_189 = tpu.vector_load %arg5[%get3A_188] {strides = array<i32>} : memref<512xi32, #tpu.memory_space<vmem>>, vector<16xi32>,
    %eq3A_190 = arith.constant -1 : i32
    %eq3A_191 = vector.broadcast %eq3A_190 : i32 to vector<16xi32>
    %eq3A_192 = arith.cmpi eq, %get3A_189, %eq3A_191 : vector<16xi32>
    %jit3A_193 = arith.constant 0 : i32
    %broadcast_in_dim3A_194 = vector.broadcast %jit3A_193 : i32 to vector<16xi32>
    %select_n3A_195 = arith.select %eq3A_192, %broadcast_in_dim3A_194, %get3A_189 : vector<16xi1>, vector<16xi32>
    %eq3A_196 = arith.constant -100 : i32
    %eq3A_197 = vector.broadcast %eq3A_196 : i32 to vector<16xi32>
    %eq3A_198 = arith.cmpi eq, %select_n3A_195, %eq3A_197 : vector<16xi32>
    %jit3A_199 = arith.constant 0 : i32
    %broadcast_in_dim3A_200 = vector.broadcast %jit3A_199 : i32 to vector<16xi32>
    %select_n3A_201 = arith.select %eq3A_198, %broadcast_in_dim3A_200, %select_n3A_195 : vector<16xi1>, vector<16xi32>
    %add3A_202 = arith.constant 1 : i32
    %add3A_203 = vector.broadcast %add3A_202 : i32 to vector<16xi32>
    %add3A_204 = arith.addi %select_n3A_201, %add3A_203 : vector<16xi32>
    %swap3A_205 = arith.constant 128 : index
    %swap3A_206 = tpu.vector_load %arg5[%swap3A_205] {strides = array<i32>} : memref<512xi32, #tpu.memory_space<vmem>>, vector<16xi32>,
    tpu.vector_store %arg5[%swap3A_205], %add3A_204 {strides = array<i32>} : memref<512xi32, #tpu.memory_space<vmem>>, vector<16xi32>,
    %and3A_207 = arith.constant 127 : i32
    %and3A_208 = vector.broadcast %and3A_207 : i32 to vector<16xi32>
    %and3A_209 = arith.andi %add3A_204, %and3A_208 : vector<16xi32>
    %swap3A_210 = arith.constant 128 : index
    %swap3A_211 = tpu.vector_load %arg6[%swap3A_210] {strides = array<i32>} : memref<512xi32, #tpu.memory_space<vmem>>, vector<16xi32>,
    tpu.vector_store %arg6[%swap3A_210], %and3A_209 {strides = array<i32>} : memref<512xi32, #tpu.memory_space<vmem>>, vector<16xi32>,
    %get3A_212 = arith.constant 144 : index
    %get3A_213 = tpu.vector_load %arg5[%get3A_212] {strides = array<i32>} : memref<512xi32, #tpu.memory_space<vmem>>, vector<16xi32>,
    %eq3A_214 = arith.constant -1 : i32
    %eq3A_215 = vector.broadcast %eq3A_214 : i32 to vector<16xi32>
    %eq3A_216 = arith.cmpi eq, %get3A_213, %eq3A_215 : vector<16xi32>
    %jit3A_217 = arith.constant 0 : i32
    %broadcast_in_dim3A_218 = vector.broadcast %jit3A_217 : i32 to vector<16xi32>
    %select_n3A_219 = arith.select %eq3A_216, %broadcast_in_dim3A_218, %get3A_213 : vector<16xi1>, vector<16xi32>
    %eq3A_220 = arith.constant -100 : i32
    %eq3A_221 = vector.broadcast %eq3A_220 : i32 to vector<16xi32>
    %eq3A_222 = arith.cmpi eq, %select_n3A_219, %eq3A_221 : vector<16xi32>
    %jit3A_223 = arith.constant 0 : i32
    %broadcast_in_dim3A_224 = vector.broadcast %jit3A_223 : i32 to vector<16xi32>
    %select_n3A_225 = arith.select %eq3A_222, %broadcast_in_dim3A_224, %select_n3A_219 : vector<16xi1>, vector<16xi32>
    %add3A_226 = arith.constant 1 : i32
    %add3A_227 = vector.broadcast %add3A_226 : i32 to vector<16xi32>
    %add3A_228 = arith.addi %select_n3A_225, %add3A_227 : vector<16xi32>
    %swap3A_229 = arith.constant 144 : index
    %swap3A_230 = tpu.vector_load %arg5[%swap3A_229] {strides = array<i32>} : memref<512xi32, #tpu.memory_space<vmem>>, vector<16xi32>,
    tpu.vector_store %arg5[%swap3A_229], %add3A_228 {strides = array<i32>} : memref<512xi32, #tpu.memory_space<vmem>>, vector<16xi32>,
    %and3A_231 = arith.constant 127 : i32
    %and3A_232 = vector.broadcast %and3A_231 : i32 to vector<16xi32>
    %and3A_233 = arith.andi %add3A_228, %and3A_232 : vector<16xi32>
    %swap3A_234 = arith.constant 144 : index
    %swap3A_235 = tpu.vector_load %arg6[%swap3A_234] {strides = array<i32>} : memref<512xi32, #tpu.memory_space<vmem>>, vector<16xi32>,
    tpu.vector_store %arg6[%swap3A_234], %and3A_233 {strides = array<i32>} : memref<512xi32, #tpu.memory_space<vmem>>, vector<16xi32>,
    %get3A_236 = arith.constant 160 : index
    %get3A_237 = tpu.vector_load %arg5[%get3A_236] {strides = array<i32>} : memref<512xi32, #tpu.memory_space<vmem>>, vector<16xi32>,
    %eq3A_238 = arith.constant -1 : i32
    %eq3A_239 = vector.broadcast %eq3A_238 : i32 to vector<16xi32>
    %eq3A_240 = arith.cmpi eq, %get3A_237, %eq3A_239 : vector<16xi32>
    %jit3A_241 = arith.constant 0 : i32
    %broadcast_in_dim3A_242 = vector.broadcast %jit3A_241 : i32 to vector<16xi32>
    %select_n3A_243 = arith.select %eq3A_240, %broadcast_in_dim3A_242, %get3A_237 : vector<16xi1>, vector<16xi32>
    %eq3A_244 = arith.constant -100 : i32
    %eq3A_245 = vector.broadcast %eq3A_244 : i32 to vector<16xi32>
    %eq3A_246 = arith.cmpi eq, %select_n3A_243, %eq3A_245 : vector<16xi32>
    %jit3A_247 = arith.constant 0 : i32
    %broadcast_in_dim3A_248 = vector.broadcast %jit3A_247 : i32 to vector<16xi32>
    %select_n3A_249 = arith.select %eq3A_246, %broadcast_in_dim3A_248, %select_n3A_243 : vector<16xi1>, vector<16xi32>
    %add3A_250 = arith.constant 1 : i32
    %add3A_251 = vector.broadcast %add3A_250 : i32 to vector<16xi32>
    %add3A_252 = arith.addi %select_n3A_249, %add3A_251 : vector<16xi32>
    %swap3A_253 = arith.constant 160 : index
    %swap3A_254 = tpu.vector_load %arg5[%swap3A_253] {strides = array<i32>} : memref<512xi32, #tpu.memory_space<vmem>>, vector<16xi32>,
    tpu.vector_store %arg5[%swap3A_253], %add3A_252 {strides = array<i32>} : memref<512xi32, #tpu.memory_space<vmem>>, vector<16xi32>,
    %and3A_255 = arith.constant 127 : i32
    %and3A_256 = vector.broadcast %and3A_255 : i32 to vector<16xi32>
    %and3A_257 = arith.andi %add3A_252, %and3A_256 : vector<16xi32>
    %swap3A_258 = arith.constant 160 : index
    %swap3A_259 = tpu.vector_load %arg6[%swap3A_258] {strides = array<i32>} : memref<512xi32, #tpu.memory_space<vmem>>, vector<16xi32>,
    tpu.vector_store %arg6[%swap3A_258], %and3A_257 {strides = array<i32>} : memref<512xi32, #tpu.memory_space<vmem>>, vector<16xi32>,
    %get3A_260 = arith.constant 176 : index
    %get3A_261 = tpu.vector_load %arg5[%get3A_260] {strides = array<i32>} : memref<512xi32, #tpu.memory_space<vmem>>, vector<16xi32>,
    %eq3A_262 = arith.constant -1 : i32
    %eq3A_263 = vector.broadcast %eq3A_262 : i32 to vector<16xi32>
    %eq3A_264 = arith.cmpi eq, %get3A_261, %eq3A_263 : vector<16xi32>
    %jit3A_265 = arith.constant 0 : i32
    %broadcast_in_dim3A_266 = vector.broadcast %jit3A_265 : i32 to vector<16xi32>
    %select_n3A_267 = arith.select %eq3A_264, %broadcast_in_dim3A_266, %get3A_261 : vector<16xi1>, vector<16xi32>
    %eq3A_268 = arith.constant -100 : i32
    %eq3A_269 = vector.broadcast %eq3A_268 : i32 to vector<16xi32>
    %eq3A_270 = arith.cmpi eq, %select_n3A_267, %eq3A_269 : vector<16xi32>
    %jit3A_271 = arith.constant 0 : i32
    %broadcast_in_dim3A_272 = vector.broadcast %jit3A_271 : i32 to vector<16xi32>
    %select_n3A_273 = arith.select %eq3A_270, %broadcast_in_dim3A_272, %select_n3A_267 : vector<16xi1>, vector<16xi32>
    %add3A_274 = arith.constant 1 : i32
    %add3A_275 = vector.broadcast %add3A_274 : i32 to vector<16xi32>
    %add3A_276 = arith.addi %select_n3A_273, %add3A_275 : vector<16xi32>
    %swap3A_277 = arith.constant 176 : index
    %swap3A_278 = tpu.vector_load %arg5[%swap3A_277] {strides = array<i32>} : memref<512xi32, #tpu.memory_space<vmem>>, vector<16xi32>,
    tpu.vector_store %arg5[%swap3A_277], %add3A_276 {strides = array<i32>} : memref<512xi32, #tpu.memory_space<vmem>>, vector<16xi32>,
    %and3A_279 = arith.constant 127 : i32
    %and3A_280 = vector.broadcast %and3A_279 : i32 to vector<16xi32>
    %and3A_281 = arith.andi %add3A_276, %and3A_280 : vector<16xi32>
    %swap3A_282 = arith.constant 176 : index
    %swap3A_283 = tpu.vector_load %arg6[%swap3A_282] {strides = array<i32>} : memref<512xi32, #tpu.memory_space<vmem>>, vector<16xi32>,
    tpu.vector_store %arg6[%swap3A_282], %and3A_281 {strides = array<i32>} : memref<512xi32, #tpu.memory_space<vmem>>, vector<16xi32>,
    %get3A_284 = arith.constant 192 : index
    %get3A_285 = tpu.vector_load %arg5[%get3A_284] {strides = array<i32>} : memref<512xi32, #tpu.memory_space<vmem>>, vector<16xi32>,
    %eq3A_286 = arith.constant -1 : i32
    %eq3A_287 = vector.broadcast %eq3A_286 : i32 to vector<16xi32>
    %eq3A_288 = arith.cmpi eq, %get3A_285, %eq3A_287 : vector<16xi32>
    %jit3A_289 = arith.constant 0 : i32
    %broadcast_in_dim3A_290 = vector.broadcast %jit3A_289 : i32 to vector<16xi32>
    %select_n3A_291 = arith.select %eq3A_288, %broadcast_in_dim3A_290, %get3A_285 : vector<16xi1>, vector<16xi32>
    %eq3A_292 = arith.constant -100 : i32
    %eq3A_293 = vector.broadcast %eq3A_292 : i32 to vector<16xi32>
    %eq3A_294 = arith.cmpi eq, %select_n3A_291, %eq3A_293 : vector<16xi32>
    %jit3A_295 = arith.constant 0 : i32
    %broadcast_in_dim3A_296 = vector.broadcast %jit3A_295 : i32 to vector<16xi32>
    %select_n3A_297 = arith.select %eq3A_294, %broadcast_in_dim3A_296, %select_n3A_291 : vector<16xi1>, vector<16xi32>
    %add3A_298 = arith.constant 1 : i32
    %add3A_299 = vector.broadcast %add3A_298 : i32 to vector<16xi32>
    %add3A_300 = arith.addi %select_n3A_297, %add3A_299 : vector<16xi32>
    %swap3A_301 = arith.constant 192 : index
    %swap3A_302 = tpu.vector_load %arg5[%swap3A_301] {strides = array<i32>} : memref<512xi32, #tpu.memory_space<vmem>>, vector<16xi32>,
    tpu.vector_store %arg5[%swap3A_301], %add3A_300 {strides = array<i32>} : memref<512xi32, #tpu.memory_space<vmem>>, vector<16xi32>,
    %and3A_303 = arith.constant 127 : i32
    %and3A_304 = vector.broadcast %and3A_303 : i32 to vector<16xi32>
    %and3A_305 = arith.andi %add3A_300, %and3A_304 : vector<16xi32>
    %swap3A_306 = arith.constant 192 : index
    %swap3A_307 = tpu.vector_load %arg6[%swap3A_306] {strides = array<i32>} : memref<512xi32, #tpu.memory_space<vmem>>, vector<16xi32>,
    tpu.vector_store %arg6[%swap3A_306], %and3A_305 {strides = array<i32>} : memref<512xi32, #tpu.memory_space<vmem>>, vector<16xi32>,
    %get3A_308 = arith.constant 208 : index
    %get3A_309 = tpu.vector_load %arg5[%get3A_308] {strides = array<i32>} : memref<512xi32, #tpu.memory_space<vmem>>, vector<16xi32>,
    %eq3A_310 = arith.constant -1 : i32
    %eq3A_311 = vector.broadcast %eq3A_310 : i32 to vector<16xi32>
    %eq3A_312 = arith.cmpi eq, %get3A_309, %eq3A_311 : vector<16xi32>
    %jit3A_313 = arith.constant 0 : i32
    %broadcast_in_dim3A_314 = vector.broadcast %jit3A_313 : i32 to vector<16xi32>
    %select_n3A_315 = arith.select %eq3A_312, %broadcast_in_dim3A_314, %get3A_309 : vector<16xi1>, vector<16xi32>
    %eq3A_316 = arith.constant -100 : i32
    %eq3A_317 = vector.broadcast %eq3A_316 : i32 to vector<16xi32>
    %eq3A_318 = arith.cmpi eq, %select_n3A_315, %eq3A_317 : vector<16xi32>
    %jit3A_319 = arith.constant 0 : i32
    %broadcast_in_dim3A_320 = vector.broadcast %jit3A_319 : i32 to vector<16xi32>
    %select_n3A_321 = arith.select %eq3A_318, %broadcast_in_dim3A_320, %select_n3A_315 : vector<16xi1>, vector<16xi32>
    %add3A_322 = arith.constant 1 : i32
    %add3A_323 = vector.broadcast %add3A_322 : i32 to vector<16xi32>
    %add3A_324 = arith.addi %select_n3A_321, %add3A_323 : vector<16xi32>
    %swap3A_325 = arith.constant 208 : index
    %swap3A_326 = tpu.vector_load %arg5[%swap3A_325] {strides = array<i32>} : memref<512xi32, #tpu.memory_space<vmem>>, vector<16xi32>,
    tpu.vector_store %arg5[%swap3A_325], %add3A_324 {strides = array<i32>} : memref<512xi32, #tpu.memory_space<vmem>>, vector<16xi32>,
    %and3A_327 = arith.constant 127 : i32
    %and3A_328 = vector.broadcast %and3A_327 : i32 to vector<16xi32>
    %and3A_329 = arith.andi %add3A_324, %and3A_328 : vector<16xi32>
    %swap3A_330 = arith.constant 208 : index
    %swap3A_331 = tpu.vector_load %arg6[%swap3A_330] {strides = array<i32>} : memref<512xi32, #tpu.memory_space<vmem>>, vector<16xi32>,
    tpu.vector_store %arg6[%swap3A_330], %and3A_329 {strides = array<i32>} : memref<512xi32, #tpu.memory_space<vmem>>, vector<16xi32>,
    %get3A_332 = arith.constant 224 : index
    %get3A_333 = tpu.vector_load %arg5[%get3A_332] {strides = array<i32>} : memref<512xi32, #tpu.memory_space<vmem>>, vector<16xi32>,
    %eq3A_334 = arith.constant -1 : i32
    %eq3A_335 = vector.broadcast %eq3A_334 : i32 to vector<16xi32>
    %eq3A_336 = arith.cmpi eq, %get3A_333, %eq3A_335 : vector<16xi32>
    %jit3A_337 = arith.constant 0 : i32
    %broadcast_in_dim3A_338 = vector.broadcast %jit3A_337 : i32 to vector<16xi32>
    %select_n3A_339 = arith.select %eq3A_336, %broadcast_in_dim3A_338, %get3A_333 : vector<16xi1>, vector<16xi32>
    %eq3A_340 = arith.constant -100 : i32
    %eq3A_341 = vector.broadcast %eq3A_340 : i32 to vector<16xi32>
    %eq3A_342 = arith.cmpi eq, %select_n3A_339, %eq3A_341 : vector<16xi32>
    %jit3A_343 = arith.constant 0 : i32
    %broadcast_in_dim3A_344 = vector.broadcast %jit3A_343 : i32 to vector<16xi32>
    %select_n3A_345 = arith.select %eq3A_342, %broadcast_in_dim3A_344, %select_n3A_339 : vector<16xi1>, vector<16xi32>
    %add3A_346 = arith.constant 1 : i32
    %add3A_347 = vector.broadcast %add3A_346 : i32 to vector<16xi32>
    %add3A_348 = arith.addi %select_n3A_345, %add3A_347 : vector<16xi32>
    %swap3A_349 = arith.constant 224 : index
    %swap3A_350 = tpu.vector_load %arg5[%swap3A_349] {strides = array<i32>} : memref<512xi32, #tpu.memory_space<vmem>>, vector<16xi32>,
    tpu.vector_store %arg5[%swap3A_349], %add3A_348 {strides = array<i32>} : memref<512xi32, #tpu.memory_space<vmem>>, vector<16xi32>,
    %and3A_351 = arith.constant 127 : i32
    %and3A_352 = vector.broadcast %and3A_351 : i32 to vector<16xi32>
    %and3A_353 = arith.andi %add3A_348, %and3A_352 : vector<16xi32>
    %swap3A_354 = arith.constant 224 : index
    %swap3A_355 = tpu.vector_load %arg6[%swap3A_354] {strides = array<i32>} : memref<512xi32, #tpu.memory_space<vmem>>, vector<16xi32>,
    tpu.vector_store %arg6[%swap3A_354], %and3A_353 {strides = array<i32>} : memref<512xi32, #tpu.memory_space<vmem>>, vector<16xi32>,
    %get3A_356 = arith.constant 240 : index
    %get3A_357 = tpu.vector_load %arg5[%get3A_356] {strides = array<i32>} : memref<512xi32, #tpu.memory_space<vmem>>, vector<16xi32>,
    %eq3A_358 = arith.constant -1 : i32
    %eq3A_359 = vector.broadcast %eq3A_358 : i32 to vector<16xi32>
    %eq3A_360 = arith.cmpi eq, %get3A_357, %eq3A_359 : vector<16xi32>
    %jit3A_361 = arith.constant 0 : i32
    %broadcast_in_dim3A_362 = vector.broadcast %jit3A_361 : i32 to vector<16xi32>
    %select_n3A_363 = arith.select %eq3A_360, %broadcast_in_dim3A_362, %get3A_357 : vector<16xi1>, vector<16xi32>
    %eq3A_364 = arith.constant -100 : i32
    %eq3A_365 = vector.broadcast %eq3A_364 : i32 to vector<16xi32>
    %eq3A_366 = arith.cmpi eq, %select_n3A_363, %eq3A_365 : vector<16xi32>
    %jit3A_367 = arith.constant 0 : i32
    %broadcast_in_dim3A_368 = vector.broadcast %jit3A_367 : i32 to vector<16xi32>
    %select_n3A_369 = arith.select %eq3A_366, %broadcast_in_dim3A_368, %select_n3A_363 : vector<16xi1>, vector<16xi32>
    %add3A_370 = arith.constant 1 : i32
    %add3A_371 = vector.broadcast %add3A_370 : i32 to vector<16xi32>
    %add3A_372 = arith.addi %select_n3A_369, %add3A_371 : vector<16xi32>
    %swap3A_373 = arith.constant 240 : index
    %swap3A_374 = tpu.vector_load %arg5[%swap3A_373] {strides = array<i32>} : memref<512xi32, #tpu.memory_space<vmem>>, vector<16xi32>,
    tpu.vector_store %arg5[%swap3A_373], %add3A_372 {strides = array<i32>} : memref<512xi32, #tpu.memory_space<vmem>>, vector<16xi32>,
    %and3A_375 = arith.constant 127 : i32
    %and3A_376 = vector.broadcast %and3A_375 : i32 to vector<16xi32>
    %and3A_377 = arith.andi %add3A_372, %and3A_376 : vector<16xi32>
    %swap3A_378 = arith.constant 240 : index
    %swap3A_379 = tpu.vector_load %arg6[%swap3A_378] {strides = array<i32>} : memref<512xi32, #tpu.memory_space<vmem>>, vector<16xi32>,
    tpu.vector_store %arg6[%swap3A_378], %and3A_377 {strides = array<i32>} : memref<512xi32, #tpu.memory_space<vmem>>, vector<16xi32>,
    %get3A_380 = arith.constant 256 : index
    %get3A_381 = tpu.vector_load %arg5[%get3A_380] {strides = array<i32>} : memref<512xi32, #tpu.memory_space<vmem>>, vector<16xi32>,
    %eq3A_382 = arith.constant -1 : i32
    %eq3A_383 = vector.broadcast %eq3A_382 : i32 to vector<16xi32>
    %eq3A_384 = arith.cmpi eq, %get3A_381, %eq3A_383 : vector<16xi32>
    %jit3A_385 = arith.constant 0 : i32
    %broadcast_in_dim3A_386 = vector.broadcast %jit3A_385 : i32 to vector<16xi32>
    %select_n3A_387 = arith.select %eq3A_384, %broadcast_in_dim3A_386, %get3A_381 : vector<16xi1>, vector<16xi32>
    %eq3A_388 = arith.constant -100 : i32
    %eq3A_389 = vector.broadcast %eq3A_388 : i32 to vector<16xi32>
    %eq3A_390 = arith.cmpi eq, %select_n3A_387, %eq3A_389 : vector<16xi32>
    %jit3A_391 = arith.constant 0 : i32
    %broadcast_in_dim3A_392 = vector.broadcast %jit3A_391 : i32 to vector<16xi32>
    %select_n3A_393 = arith.select %eq3A_390, %broadcast_in_dim3A_392, %select_n3A_387 : vector<16xi1>, vector<16xi32>
    %add3A_394 = arith.constant 1 : i32
    %add3A_395 = vector.broadcast %add3A_394 : i32 to vector<16xi32>
    %add3A_396 = arith.addi %select_n3A_393, %add3A_395 : vector<16xi32>
    %swap3A_397 = arith.constant 256 : index
    %swap3A_398 = tpu.vector_load %arg5[%swap3A_397] {strides = array<i32>} : memref<512xi32, #tpu.memory_space<vmem>>, vector<16xi32>,
    tpu.vector_store %arg5[%swap3A_397], %add3A_396 {strides = array<i32>} : memref<512xi32, #tpu.memory_space<vmem>>, vector<16xi32>,
    %and3A_399 = arith.constant 127 : i32
    %and3A_400 = vector.broadcast %and3A_399 : i32 to vector<16xi32>
    %and3A_401 = arith.andi %add3A_396, %and3A_400 : vector<16xi32>
    %swap3A_402 = arith.constant 256 : index
    %swap3A_403 = tpu.vector_load %arg6[%swap3A_402] {strides = array<i32>} : memref<512xi32, #tpu.memory_space<vmem>>, vector<16xi32>,
    tpu.vector_store %arg6[%swap3A_402], %and3A_401 {strides = array<i32>} : memref<512xi32, #tpu.memory_space<vmem>>, vector<16xi32>,
    %get3A_404 = arith.constant 272 : index
    %get3A_405 = tpu.vector_load %arg5[%get3A_404] {strides = array<i32>} : memref<512xi32, #tpu.memory_space<vmem>>, vector<16xi32>,
    %eq3A_406 = arith.constant -1 : i32
    %eq3A_407 = vector.broadcast %eq3A_406 : i32 to vector<16xi32>
    %eq3A_408 = arith.cmpi eq, %get3A_405, %eq3A_407 : vector<16xi32>
    %jit3A_409 = arith.constant 0 : i32
    %broadcast_in_dim3A_410 = vector.broadcast %jit3A_409 : i32 to vector<16xi32>
    %select_n3A_411 = arith.select %eq3A_408, %broadcast_in_dim3A_410, %get3A_405 : vector<16xi1>, vector<16xi32>
    %eq3A_412 = arith.constant -100 : i32
    %eq3A_413 = vector.broadcast %eq3A_412 : i32 to vector<16xi32>
    %eq3A_414 = arith.cmpi eq, %select_n3A_411, %eq3A_413 : vector<16xi32>
    %jit3A_415 = arith.constant 0 : i32
    %broadcast_in_dim3A_416 = vector.broadcast %jit3A_415 : i32 to vector<16xi32>
    %select_n3A_417 = arith.select %eq3A_414, %broadcast_in_dim3A_416, %select_n3A_411 : vector<16xi1>, vector<16xi32>
    %add3A_418 = arith.constant 1 : i32
    %add3A_419 = vector.broadcast %add3A_418 : i32 to vector<16xi32>
    %add3A_420 = arith.addi %select_n3A_417, %add3A_419 : vector<16xi32>
    %swap3A_421 = arith.constant 272 : index
    %swap3A_422 = tpu.vector_load %arg5[%swap3A_421] {strides = array<i32>} : memref<512xi32, #tpu.memory_space<vmem>>, vector<16xi32>,
    tpu.vector_store %arg5[%swap3A_421], %add3A_420 {strides = array<i32>} : memref<512xi32, #tpu.memory_space<vmem>>, vector<16xi32>,
    %and3A_423 = arith.constant 127 : i32
    %and3A_424 = vector.broadcast %and3A_423 : i32 to vector<16xi32>
    %and3A_425 = arith.andi %add3A_420, %and3A_424 : vector<16xi32>
    %swap3A_426 = arith.constant 272 : index
    %swap3A_427 = tpu.vector_load %arg6[%swap3A_426] {strides = array<i32>} : memref<512xi32, #tpu.memory_space<vmem>>, vector<16xi32>,
    tpu.vector_store %arg6[%swap3A_426], %and3A_425 {strides = array<i32>} : memref<512xi32, #tpu.memory_space<vmem>>, vector<16xi32>,
    %get3A_428 = arith.constant 288 : index
    %get3A_429 = tpu.vector_load %arg5[%get3A_428] {strides = array<i32>} : memref<512xi32, #tpu.memory_space<vmem>>, vector<16xi32>,
    %eq3A_430 = arith.constant -1 : i32
    %eq3A_431 = vector.broadcast %eq3A_430 : i32 to vector<16xi32>
    %eq3A_432 = arith.cmpi eq, %get3A_429, %eq3A_431 : vector<16xi32>
    %jit3A_433 = arith.constant 0 : i32
    %broadcast_in_dim3A_434 = vector.broadcast %jit3A_433 : i32 to vector<16xi32>
    %select_n3A_435 = arith.select %eq3A_432, %broadcast_in_dim3A_434, %get3A_429 : vector<16xi1>, vector<16xi32>
    %eq3A_436 = arith.constant -100 : i32
    %eq3A_437 = vector.broadcast %eq3A_436 : i32 to vector<16xi32>
    %eq3A_438 = arith.cmpi eq, %select_n3A_435, %eq3A_437 : vector<16xi32>
    %jit3A_439 = arith.constant 0 : i32
    %broadcast_in_dim3A_440 = vector.broadcast %jit3A_439 : i32 to vector<16xi32>
    %select_n3A_441 = arith.select %eq3A_438, %broadcast_in_dim3A_440, %select_n3A_435 : vector<16xi1>, vector<16xi32>
    %add3A_442 = arith.constant 1 : i32
    %add3A_443 = vector.broadcast %add3A_442 : i32 to vector<16xi32>
    %add3A_444 = arith.addi %select_n3A_441, %add3A_443 : vector<16xi32>
    %swap3A_445 = arith.constant 288 : index
    %swap3A_446 = tpu.vector_load %arg5[%swap3A_445] {strides = array<i32>} : memref<512xi32, #tpu.memory_space<vmem>>, vector<16xi32>,
    tpu.vector_store %arg5[%swap3A_445], %add3A_444 {strides = array<i32>} : memref<512xi32, #tpu.memory_space<vmem>>, vector<16xi32>,
    %and3A_447 = arith.constant 127 : i32
    %and3A_448 = vector.broadcast %and3A_447 : i32 to vector<16xi32>
    %and3A_449 = arith.andi %add3A_444, %and3A_448 : vector<16xi32>
    %swap3A_450 = arith.constant 288 : index
    %swap3A_451 = tpu.vector_load %arg6[%swap3A_450] {strides = array<i32>} : memref<512xi32, #tpu.memory_space<vmem>>, vector<16xi32>,
    tpu.vector_store %arg6[%swap3A_450], %and3A_449 {strides = array<i32>} : memref<512xi32, #tpu.memory_space<vmem>>, vector<16xi32>,
    %get3A_452 = arith.constant 304 : index
    %get3A_453 = tpu.vector_load %arg5[%get3A_452] {strides = array<i32>} : memref<512xi32, #tpu.memory_space<vmem>>, vector<16xi32>,
    %eq3A_454 = arith.constant -1 : i32
    %eq3A_455 = vector.broadcast %eq3A_454 : i32 to vector<16xi32>
    %eq3A_456 = arith.cmpi eq, %get3A_453, %eq3A_455 : vector<16xi32>
    %jit3A_457 = arith.constant 0 : i32
    %broadcast_in_dim3A_458 = vector.broadcast %jit3A_457 : i32 to vector<16xi32>
    %select_n3A_459 = arith.select %eq3A_456, %broadcast_in_dim3A_458, %get3A_453 : vector<16xi1>, vector<16xi32>
    %eq3A_460 = arith.constant -100 : i32
    %eq3A_461 = vector.broadcast %eq3A_460 : i32 to vector<16xi32>
    %eq3A_462 = arith.cmpi eq, %select_n3A_459, %eq3A_461 : vector<16xi32>
    %jit3A_463 = arith.constant 0 : i32
    %broadcast_in_dim3A_464 = vector.broadcast %jit3A_463 : i32 to vector<16xi32>
    %select_n3A_465 = arith.select %eq3A_462, %broadcast_in_dim3A_464, %select_n3A_459 : vector<16xi1>, vector<16xi32>
    %add3A_466 = arith.constant 1 : i32
    %add3A_467 = vector.broadcast %add3A_466 : i32 to vector<16xi32>
    %add3A_468 = arith.addi %select_n3A_465, %add3A_467 : vector<16xi32>
    %swap3A_469 = arith.constant 304 : index
    %swap3A_470 = tpu.vector_load %arg5[%swap3A_469] {strides = array<i32>} : memref<512xi32, #tpu.memory_space<vmem>>, vector<16xi32>,
    tpu.vector_store %arg5[%swap3A_469], %add3A_468 {strides = array<i32>} : memref<512xi32, #tpu.memory_space<vmem>>, vector<16xi32>,
    %and3A_471 = arith.constant 127 : i32
    %and3A_472 = vector.broadcast %and3A_471 : i32 to vector<16xi32>
    %and3A_473 = arith.andi %add3A_468, %and3A_472 : vector<16xi32>
    %swap3A_474 = arith.constant 304 : index
    %swap3A_475 = tpu.vector_load %arg6[%swap3A_474] {strides = array<i32>} : memref<512xi32, #tpu.memory_space<vmem>>, vector<16xi32>,
    tpu.vector_store %arg6[%swap3A_474], %and3A_473 {strides = array<i32>} : memref<512xi32, #tpu.memory_space<vmem>>, vector<16xi32>,
    %get3A_476 = arith.constant 320 : index
    %get3A_477 = tpu.vector_load %arg5[%get3A_476] {strides = array<i32>} : memref<512xi32, #tpu.memory_space<vmem>>, vector<16xi32>,
    %eq3A_478 = arith.constant -1 : i32
    %eq3A_479 = vector.broadcast %eq3A_478 : i32 to vector<16xi32>
    %eq3A_480 = arith.cmpi eq, %get3A_477, %eq3A_479 : vector<16xi32>
    %jit3A_481 = arith.constant 0 : i32
    %broadcast_in_dim3A_482 = vector.broadcast %jit3A_481 : i32 to vector<16xi32>
    %select_n3A_483 = arith.select %eq3A_480, %broadcast_in_dim3A_482, %get3A_477 : vector<16xi1>, vector<16xi32>
    %eq3A_484 = arith.constant -100 : i32
    %eq3A_485 = vector.broadcast %eq3A_484 : i32 to vector<16xi32>
    %eq3A_486 = arith.cmpi eq, %select_n3A_483, %eq3A_485 : vector<16xi32>
    %jit3A_487 = arith.constant 0 : i32
    %broadcast_in_dim3A_488 = vector.broadcast %jit3A_487 : i32 to vector<16xi32>
    %select_n3A_489 = arith.select %eq3A_486, %broadcast_in_dim3A_488, %select_n3A_483 : vector<16xi1>, vector<16xi32>
    %add3A_490 = arith.constant 1 : i32
    %add3A_491 = vector.broadcast %add3A_490 : i32 to vector<16xi32>
    %add3A_492 = arith.addi %select_n3A_489, %add3A_491 : vector<16xi32>
    %swap3A_493 = arith.constant 320 : index
    %swap3A_494 = tpu.vector_load %arg5[%swap3A_493] {strides = array<i32>} : memref<512xi32, #tpu.memory_space<vmem>>, vector<16xi32>,
    tpu.vector_store %arg5[%swap3A_493], %add3A_492 {strides = array<i32>} : memref<512xi32, #tpu.memory_space<vmem>>, vector<16xi32>,
    %and3A_495 = arith.constant 127 : i32
    %and3A_496 = vector.broadcast %and3A_495 : i32 to vector<16xi32>
    %and3A_497 = arith.andi %add3A_492, %and3A_496 : vector<16xi32>
    %swap3A_498 = arith.constant 320 : index
    %swap3A_499 = tpu.vector_load %arg6[%swap3A_498] {strides = array<i32>} : memref<512xi32, #tpu.memory_space<vmem>>, vector<16xi32>,
    tpu.vector_store %arg6[%swap3A_498], %and3A_497 {strides = array<i32>} : memref<512xi32, #tpu.memory_space<vmem>>, vector<16xi32>,
    %get3A_500 = arith.constant 336 : index
    %get3A_501 = tpu.vector_load %arg5[%get3A_500] {strides = array<i32>} : memref<512xi32, #tpu.memory_space<vmem>>, vector<16xi32>,
    %eq3A_502 = arith.constant -1 : i32
    %eq3A_503 = vector.broadcast %eq3A_502 : i32 to vector<16xi32>
    %eq3A_504 = arith.cmpi eq, %get3A_501, %eq3A_503 : vector<16xi32>
    %jit3A_505 = arith.constant 0 : i32
    %broadcast_in_dim3A_506 = vector.broadcast %jit3A_505 : i32 to vector<16xi32>
    %select_n3A_507 = arith.select %eq3A_504, %broadcast_in_dim3A_506, %get3A_501 : vector<16xi1>, vector<16xi32>
    %eq3A_508 = arith.constant -100 : i32
    %eq3A_509 = vector.broadcast %eq3A_508 : i32 to vector<16xi32>
    %eq3A_510 = arith.cmpi eq, %select_n3A_507, %eq3A_509 : vector<16xi32>
    %jit3A_511 = arith.constant 0 : i32
    %broadcast_in_dim3A_512 = vector.broadcast %jit3A_511 : i32 to vector<16xi32>
    %select_n3A_513 = arith.select %eq3A_510, %broadcast_in_dim3A_512, %select_n3A_507 : vector<16xi1>, vector<16xi32>
    %add3A_514 = arith.constant 1 : i32
    %add3A_515 = vector.broadcast %add3A_514 : i32 to vector<16xi32>
    %add3A_516 = arith.addi %select_n3A_513, %add3A_515 : vector<16xi32>
    %swap3A_517 = arith.constant 336 : index
    %swap3A_518 = tpu.vector_load %arg5[%swap3A_517] {strides = array<i32>} : memref<512xi32, #tpu.memory_space<vmem>>, vector<16xi32>,
    tpu.vector_store %arg5[%swap3A_517], %add3A_516 {strides = array<i32>} : memref<512xi32, #tpu.memory_space<vmem>>, vector<16xi32>,
    %and3A_519 = arith.constant 127 : i32
    %and3A_520 = vector.broadcast %and3A_519 : i32 to vector<16xi32>
    %and3A_521 = arith.andi %add3A_516, %and3A_520 : vector<16xi32>
    %swap3A_522 = arith.constant 336 : index
    %swap3A_523 = tpu.vector_load %arg6[%swap3A_522] {strides = array<i32>} : memref<512xi32, #tpu.memory_space<vmem>>, vector<16xi32>,
    tpu.vector_store %arg6[%swap3A_522], %and3A_521 {strides = array<i32>} : memref<512xi32, #tpu.memory_space<vmem>>, vector<16xi32>,
    %get3A_524 = arith.constant 352 : index
    %get3A_525 = tpu.vector_load %arg5[%get3A_524] {strides = array<i32>} : memref<512xi32, #tpu.memory_space<vmem>>, vector<16xi32>,
    %eq3A_526 = arith.constant -1 : i32
    %eq3A_527 = vector.broadcast %eq3A_526 : i32 to vector<16xi32>
    %eq3A_528 = arith.cmpi eq, %get3A_525, %eq3A_527 : vector<16xi32>
    %jit3A_529 = arith.constant 0 : i32
    %broadcast_in_dim3A_530 = vector.broadcast %jit3A_529 : i32 to vector<16xi32>
    %select_n3A_531 = arith.select %eq3A_528, %broadcast_in_dim3A_530, %get3A_525 : vector<16xi1>, vector<16xi32>
    %eq3A_532 = arith.constant -100 : i32
    %eq3A_533 = vector.broadcast %eq3A_532 : i32 to vector<16xi32>
    %eq3A_534 = arith.cmpi eq, %select_n3A_531, %eq3A_533 : vector<16xi32>
    %jit3A_535 = arith.constant 0 : i32
    %broadcast_in_dim3A_536 = vector.broadcast %jit3A_535 : i32 to vector<16xi32>
    %select_n3A_537 = arith.select %eq3A_534, %broadcast_in_dim3A_536, %select_n3A_531 : vector<16xi1>, vector<16xi32>
    %add3A_538 = arith.constant 1 : i32
    %add3A_539 = vector.broadcast %add3A_538 : i32 to vector<16xi32>
    %add3A_540 = arith.addi %select_n3A_537, %add3A_539 : vector<16xi32>
    %swap3A_541 = arith.constant 352 : index
    %swap3A_542 = tpu.vector_load %arg5[%swap3A_541] {strides = array<i32>} : memref<512xi32, #tpu.memory_space<vmem>>, vector<16xi32>,
    tpu.vector_store %arg5[%swap3A_541], %add3A_540 {strides = array<i32>} : memref<512xi32, #tpu.memory_space<vmem>>, vector<16xi32>,
    %and3A_543 = arith.constant 127 : i32
    %and3A_544 = vector.broadcast %and3A_543 : i32 to vector<16xi32>
    %and3A_545 = arith.andi %add3A_540, %and3A_544 : vector<16xi32>
    %swap3A_546 = arith.constant 352 : index
    %swap3A_547 = tpu.vector_load %arg6[%swap3A_546] {strides = array<i32>} : memref<512xi32, #tpu.memory_space<vmem>>, vector<16xi32>,
    tpu.vector_store %arg6[%swap3A_546], %and3A_545 {strides = array<i32>} : memref<512xi32, #tpu.memory_space<vmem>>, vector<16xi32>,
    %get3A_548 = arith.constant 368 : index
    %get3A_549 = tpu.vector_load %arg5[%get3A_548] {strides = array<i32>} : memref<512xi32, #tpu.memory_space<vmem>>, vector<16xi32>,
    %eq3A_550 = arith.constant -1 : i32
    %eq3A_551 = vector.broadcast %eq3A_550 : i32 to vector<16xi32>
    %eq3A_552 = arith.cmpi eq, %get3A_549, %eq3A_551 : vector<16xi32>
    %jit3A_553 = arith.constant 0 : i32
    %broadcast_in_dim3A_554 = vector.broadcast %jit3A_553 : i32 to vector<16xi32>
    %select_n3A_555 = arith.select %eq3A_552, %broadcast_in_dim3A_554, %get3A_549 : vector<16xi1>, vector<16xi32>
    %eq3A_556 = arith.constant -100 : i32
    %eq3A_557 = vector.broadcast %eq3A_556 : i32 to vector<16xi32>
    %eq3A_558 = arith.cmpi eq, %select_n3A_555, %eq3A_557 : vector<16xi32>
    %jit3A_559 = arith.constant 0 : i32
    %broadcast_in_dim3A_560 = vector.broadcast %jit3A_559 : i32 to vector<16xi32>
    %select_n3A_561 = arith.select %eq3A_558, %broadcast_in_dim3A_560, %select_n3A_555 : vector<16xi1>, vector<16xi32>
    %add3A_562 = arith.constant 1 : i32
    %add3A_563 = vector.broadcast %add3A_562 : i32 to vector<16xi32>
    %add3A_564 = arith.addi %select_n3A_561, %add3A_563 : vector<16xi32>
    %swap3A_565 = arith.constant 368 : index
    %swap3A_566 = tpu.vector_load %arg5[%swap3A_565] {strides = array<i32>} : memref<512xi32, #tpu.memory_space<vmem>>, vector<16xi32>,
    tpu.vector_store %arg5[%swap3A_565], %add3A_564 {strides = array<i32>} : memref<512xi32, #tpu.memory_space<vmem>>, vector<16xi32>,
    %and3A_567 = arith.constant 127 : i32
    %and3A_568 = vector.broadcast %and3A_567 : i32 to vector<16xi32>
    %and3A_569 = arith.andi %add3A_564, %and3A_568 : vector<16xi32>
    %swap3A_570 = arith.constant 368 : index
    %swap3A_571 = tpu.vector_load %arg6[%swap3A_570] {strides = array<i32>} : memref<512xi32, #tpu.memory_space<vmem>>, vector<16xi32>,
    tpu.vector_store %arg6[%swap3A_570], %and3A_569 {strides = array<i32>} : memref<512xi32, #tpu.memory_space<vmem>>, vector<16xi32>,
    %get3A_572 = arith.constant 384 : index
    %get3A_573 = tpu.vector_load %arg5[%get3A_572] {strides = array<i32>} : memref<512xi32, #tpu.memory_space<vmem>>, vector<16xi32>,
    %eq3A_574 = arith.constant -1 : i32
    %eq3A_575 = vector.broadcast %eq3A_574 : i32 to vector<16xi32>
    %eq3A_576 = arith.cmpi eq, %get3A_573, %eq3A_575 : vector<16xi32>
    %jit3A_577 = arith.constant 0 : i32
    %broadcast_in_dim3A_578 = vector.broadcast %jit3A_577 : i32 to vector<16xi32>
    %select_n3A_579 = arith.select %eq3A_576, %broadcast_in_dim3A_578, %get3A_573 : vector<16xi1>, vector<16xi32>
    %eq3A_580 = arith.constant -100 : i32
    %eq3A_581 = vector.broadcast %eq3A_580 : i32 to vector<16xi32>
    %eq3A_582 = arith.cmpi eq, %select_n3A_579, %eq3A_581 : vector<16xi32>
    %jit3A_583 = arith.constant 0 : i32
    %broadcast_in_dim3A_584 = vector.broadcast %jit3A_583 : i32 to vector<16xi32>
    %select_n3A_585 = arith.select %eq3A_582, %broadcast_in_dim3A_584, %select_n3A_579 : vector<16xi1>, vector<16xi32>
    %add3A_586 = arith.constant 1 : i32
    %add3A_587 = vector.broadcast %add3A_586 : i32 to vector<16xi32>
    %add3A_588 = arith.addi %select_n3A_585, %add3A_587 : vector<16xi32>
    %swap3A_589 = arith.constant 384 : index
    %swap3A_590 = tpu.vector_load %arg5[%swap3A_589] {strides = array<i32>} : memref<512xi32, #tpu.memory_space<vmem>>, vector<16xi32>,
    tpu.vector_store %arg5[%swap3A_589], %add3A_588 {strides = array<i32>} : memref<512xi32, #tpu.memory_space<vmem>>, vector<16xi32>,
    %and3A_591 = arith.constant 127 : i32
    %and3A_592 = vector.broadcast %and3A_591 : i32 to vector<16xi32>
    %and3A_593 = arith.andi %add3A_588, %and3A_592 : vector<16xi32>
    %swap3A_594 = arith.constant 384 : index
    %swap3A_595 = tpu.vector_load %arg6[%swap3A_594] {strides = array<i32>} : memref<512xi32, #tpu.memory_space<vmem>>, vector<16xi32>,
    tpu.vector_store %arg6[%swap3A_594], %and3A_593 {strides = array<i32>} : memref<512xi32, #tpu.memory_space<vmem>>, vector<16xi32>,
    %get3A_596 = arith.constant 400 : index
    %get3A_597 = tpu.vector_load %arg5[%get3A_596] {strides = array<i32>} : memref<512xi32, #tpu.memory_space<vmem>>, vector<16xi32>,
    %eq3A_598 = arith.constant -1 : i32
    %eq3A_599 = vector.broadcast %eq3A_598 : i32 to vector<16xi32>
    %eq3A_600 = arith.cmpi eq, %get3A_597, %eq3A_599 : vector<16xi32>
    %jit3A_601 = arith.constant 0 : i32
    %broadcast_in_dim3A_602 = vector.broadcast %jit3A_601 : i32 to vector<16xi32>
    %select_n3A_603 = arith.select %eq3A_600, %broadcast_in_dim3A_602, %get3A_597 : vector<16xi1>, vector<16xi32>
    %eq3A_604 = arith.constant -100 : i32
    %eq3A_605 = vector.broadcast %eq3A_604 : i32 to vector<16xi32>
    %eq3A_606 = arith.cmpi eq, %select_n3A_603, %eq3A_605 : vector<16xi32>
    %jit3A_607 = arith.constant 0 : i32
    %broadcast_in_dim3A_608 = vector.broadcast %jit3A_607 : i32 to vector<16xi32>
    %select_n3A_609 = arith.select %eq3A_606, %broadcast_in_dim3A_608, %select_n3A_603 : vector<16xi1>, vector<16xi32>
    %add3A_610 = arith.constant 1 : i32
    %add3A_611 = vector.broadcast %add3A_610 : i32 to vector<16xi32>
    %add3A_612 = arith.addi %select_n3A_609, %add3A_611 : vector<16xi32>
    %swap3A_613 = arith.constant 400 : index
    %swap3A_614 = tpu.vector_load %arg5[%swap3A_613] {strides = array<i32>} : memref<512xi32, #tpu.memory_space<vmem>>, vector<16xi32>,
    tpu.vector_store %arg5[%swap3A_613], %add3A_612 {strides = array<i32>} : memref<512xi32, #tpu.memory_space<vmem>>, vector<16xi32>,
    %and3A_615 = arith.constant 127 : i32
    %and3A_616 = vector.broadcast %and3A_615 : i32 to vector<16xi32>
    %and3A_617 = arith.andi %add3A_612, %and3A_616 : vector<16xi32>
    %swap3A_618 = arith.constant 400 : index
    %swap3A_619 = tpu.vector_load %arg6[%swap3A_618] {strides = array<i32>} : memref<512xi32, #tpu.memory_space<vmem>>, vector<16xi32>,
    tpu.vector_store %arg6[%swap3A_618], %and3A_617 {strides = array<i32>} : memref<512xi32, #tpu.memory_space<vmem>>, vector<16xi32>,
    %get3A_620 = arith.constant 416 : index
    %get3A_621 = tpu.vector_load %arg5[%get3A_620] {strides = array<i32>} : memref<512xi32, #tpu.memory_space<vmem>>, vector<16xi32>,
    %eq3A_622 = arith.constant -1 : i32
    %eq3A_623 = vector.broadcast %eq3A_622 : i32 to vector<16xi32>
    %eq3A_624 = arith.cmpi eq, %get3A_621, %eq3A_623 : vector<16xi32>
    %jit3A_625 = arith.constant 0 : i32
    %broadcast_in_dim3A_626 = vector.broadcast %jit3A_625 : i32 to vector<16xi32>
    %select_n3A_627 = arith.select %eq3A_624, %broadcast_in_dim3A_626, %get3A_621 : vector<16xi1>, vector<16xi32>
    %eq3A_628 = arith.constant -100 : i32
    %eq3A_629 = vector.broadcast %eq3A_628 : i32 to vector<16xi32>
    %eq3A_630 = arith.cmpi eq, %select_n3A_627, %eq3A_629 : vector<16xi32>
    %jit3A_631 = arith.constant 0 : i32
    %broadcast_in_dim3A_632 = vector.broadcast %jit3A_631 : i32 to vector<16xi32>
    %select_n3A_633 = arith.select %eq3A_630, %broadcast_in_dim3A_632, %select_n3A_627 : vector<16xi1>, vector<16xi32>
    %add3A_634 = arith.constant 1 : i32
    %add3A_635 = vector.broadcast %add3A_634 : i32 to vector<16xi32>
    %add3A_636 = arith.addi %select_n3A_633, %add3A_635 : vector<16xi32>
    %swap3A_637 = arith.constant 416 : index
    %swap3A_638 = tpu.vector_load %arg5[%swap3A_637] {strides = array<i32>} : memref<512xi32, #tpu.memory_space<vmem>>, vector<16xi32>,
    tpu.vector_store %arg5[%swap3A_637], %add3A_636 {strides = array<i32>} : memref<512xi32, #tpu.memory_space<vmem>>, vector<16xi32>,
    %and3A_639 = arith.constant 127 : i32
    %and3A_640 = vector.broadcast %and3A_639 : i32 to vector<16xi32>
    %and3A_641 = arith.andi %add3A_636, %and3A_640 : vector<16xi32>
    %swap3A_642 = arith.constant 416 : index
    %swap3A_643 = tpu.vector_load %arg6[%swap3A_642] {strides = array<i32>} : memref<512xi32, #tpu.memory_space<vmem>>, vector<16xi32>,
    tpu.vector_store %arg6[%swap3A_642], %and3A_641 {strides = array<i32>} : memref<512xi32, #tpu.memory_space<vmem>>, vector<16xi32>,
    %get3A_644 = arith.constant 432 : index
    %get3A_645 = tpu.vector_load %arg5[%get3A_644] {strides = array<i32>} : memref<512xi32, #tpu.memory_space<vmem>>, vector<16xi32>,
    %eq3A_646 = arith.constant -1 : i32
    %eq3A_647 = vector.broadcast %eq3A_646 : i32 to vector<16xi32>
    %eq3A_648 = arith.cmpi eq, %get3A_645, %eq3A_647 : vector<16xi32>
    %jit3A_649 = arith.constant 0 : i32
    %broadcast_in_dim3A_650 = vector.broadcast %jit3A_649 : i32 to vector<16xi32>
    %select_n3A_651 = arith.select %eq3A_648, %broadcast_in_dim3A_650, %get3A_645 : vector<16xi1>, vector<16xi32>
    %eq3A_652 = arith.constant -100 : i32
    %eq3A_653 = vector.broadcast %eq3A_652 : i32 to vector<16xi32>
    %eq3A_654 = arith.cmpi eq, %select_n3A_651, %eq3A_653 : vector<16xi32>
    %jit3A_655 = arith.constant 0 : i32
    %broadcast_in_dim3A_656 = vector.broadcast %jit3A_655 : i32 to vector<16xi32>
    %select_n3A_657 = arith.select %eq3A_654, %broadcast_in_dim3A_656, %select_n3A_651 : vector<16xi1>, vector<16xi32>
    %add3A_658 = arith.constant 1 : i32
    %add3A_659 = vector.broadcast %add3A_658 : i32 to vector<16xi32>
    %add3A_660 = arith.addi %select_n3A_657, %add3A_659 : vector<16xi32>
    %swap3A_661 = arith.constant 432 : index
    %swap3A_662 = tpu.vector_load %arg5[%swap3A_661] {strides = array<i32>} : memref<512xi32, #tpu.memory_space<vmem>>, vector<16xi32>,
    tpu.vector_store %arg5[%swap3A_661], %add3A_660 {strides = array<i32>} : memref<512xi32, #tpu.memory_space<vmem>>, vector<16xi32>,
    %and3A_663 = arith.constant 127 : i32
    %and3A_664 = vector.broadcast %and3A_663 : i32 to vector<16xi32>
    %and3A_665 = arith.andi %add3A_660, %and3A_664 : vector<16xi32>
    %swap3A_666 = arith.constant 432 : index
    %swap3A_667 = tpu.vector_load %arg6[%swap3A_666] {strides = array<i32>} : memref<512xi32, #tpu.memory_space<vmem>>, vector<16xi32>,
    tpu.vector_store %arg6[%swap3A_666], %and3A_665 {strides = array<i32>} : memref<512xi32, #tpu.memory_space<vmem>>, vector<16xi32>,
    %get3A_668 = arith.constant 448 : index
    %get3A_669 = tpu.vector_load %arg5[%get3A_668] {strides = array<i32>} : memref<512xi32, #tpu.memory_space<vmem>>, vector<16xi32>,
    %eq3A_670 = arith.constant -1 : i32
    %eq3A_671 = vector.broadcast %eq3A_670 : i32 to vector<16xi32>
    %eq3A_672 = arith.cmpi eq, %get3A_669, %eq3A_671 : vector<16xi32>
    %jit3A_673 = arith.constant 0 : i32
    %broadcast_in_dim3A_674 = vector.broadcast %jit3A_673 : i32 to vector<16xi32>
    %select_n3A_675 = arith.select %eq3A_672, %broadcast_in_dim3A_674, %get3A_669 : vector<16xi1>, vector<16xi32>
    %eq3A_676 = arith.constant -100 : i32
    %eq3A_677 = vector.broadcast %eq3A_676 : i32 to vector<16xi32>
    %eq3A_678 = arith.cmpi eq, %select_n3A_675, %eq3A_677 : vector<16xi32>
    %jit3A_679 = arith.constant 0 : i32
    %broadcast_in_dim3A_680 = vector.broadcast %jit3A_679 : i32 to vector<16xi32>
    %select_n3A_681 = arith.select %eq3A_678, %broadcast_in_dim3A_680, %select_n3A_675 : vector<16xi1>, vector<16xi32>
    %add3A_682 = arith.constant 1 : i32
    %add3A_683 = vector.broadcast %add3A_682 : i32 to vector<16xi32>
    %add3A_684 = arith.addi %select_n3A_681, %add3A_683 : vector<16xi32>
    %swap3A_685 = arith.constant 448 : index
    %swap3A_686 = tpu.vector_load %arg5[%swap3A_685] {strides = array<i32>} : memref<512xi32, #tpu.memory_space<vmem>>, vector<16xi32>,
    tpu.vector_store %arg5[%swap3A_685], %add3A_684 {strides = array<i32>} : memref<512xi32, #tpu.memory_space<vmem>>, vector<16xi32>,
    %and3A_687 = arith.constant 127 : i32
    %and3A_688 = vector.broadcast %and3A_687 : i32 to vector<16xi32>
    %and3A_689 = arith.andi %add3A_684, %and3A_688 : vector<16xi32>
    %swap3A_690 = arith.constant 448 : index
    %swap3A_691 = tpu.vector_load %arg6[%swap3A_690] {strides = array<i32>} : memref<512xi32, #tpu.memory_space<vmem>>, vector<16xi32>,
    tpu.vector_store %arg6[%swap3A_690], %and3A_689 {strides = array<i32>} : memref<512xi32, #tpu.memory_space<vmem>>, vector<16xi32>,
    %get3A_692 = arith.constant 464 : index
    %get3A_693 = tpu.vector_load %arg5[%get3A_692] {strides = array<i32>} : memref<512xi32, #tpu.memory_space<vmem>>, vector<16xi32>,
    %eq3A_694 = arith.constant -1 : i32
    %eq3A_695 = vector.broadcast %eq3A_694 : i32 to vector<16xi32>
    %eq3A_696 = arith.cmpi eq, %get3A_693, %eq3A_695 : vector<16xi32>
    %jit3A_697 = arith.constant 0 : i32
    %broadcast_in_dim3A_698 = vector.broadcast %jit3A_697 : i32 to vector<16xi32>
    %select_n3A_699 = arith.select %eq3A_696, %broadcast_in_dim3A_698, %get3A_693 : vector<16xi1>, vector<16xi32>
    %eq3A_700 = arith.constant -100 : i32
    %eq3A_701 = vector.broadcast %eq3A_700 : i32 to vector<16xi32>
    %eq3A_702 = arith.cmpi eq, %select_n3A_699, %eq3A_701 : vector<16xi32>
    %jit3A_703 = arith.constant 0 : i32
    %broadcast_in_dim3A_704 = vector.broadcast %jit3A_703 : i32 to vector<16xi32>
    %select_n3A_705 = arith.select %eq3A_702, %broadcast_in_dim3A_704, %select_n3A_699 : vector<16xi1>, vector<16xi32>
    %add3A_706 = arith.constant 1 : i32
    %add3A_707 = vector.broadcast %add3A_706 : i32 to vector<16xi32>
    %add3A_708 = arith.addi %select_n3A_705, %add3A_707 : vector<16xi32>
    %swap3A_709 = arith.constant 464 : index
    %swap3A_710 = tpu.vector_load %arg5[%swap3A_709] {strides = array<i32>} : memref<512xi32, #tpu.memory_space<vmem>>, vector<16xi32>,
    tpu.vector_store %arg5[%swap3A_709], %add3A_708 {strides = array<i32>} : memref<512xi32, #tpu.memory_space<vmem>>, vector<16xi32>,
    %and3A_711 = arith.constant 127 : i32
    %and3A_712 = vector.broadcast %and3A_711 : i32 to vector<16xi32>
    %and3A_713 = arith.andi %add3A_708, %and3A_712 : vector<16xi32>
    %swap3A_714 = arith.constant 464 : index
    %swap3A_715 = tpu.vector_load %arg6[%swap3A_714] {strides = array<i32>} : memref<512xi32, #tpu.memory_space<vmem>>, vector<16xi32>,
    tpu.vector_store %arg6[%swap3A_714], %and3A_713 {strides = array<i32>} : memref<512xi32, #tpu.memory_space<vmem>>, vector<16xi32>,
    %get3A_716 = arith.constant 480 : index
    %get3A_717 = tpu.vector_load %arg5[%get3A_716] {strides = array<i32>} : memref<512xi32, #tpu.memory_space<vmem>>, vector<16xi32>,
    %eq3A_718 = arith.constant -1 : i32
    %eq3A_719 = vector.broadcast %eq3A_718 : i32 to vector<16xi32>
    %eq3A_720 = arith.cmpi eq, %get3A_717, %eq3A_719 : vector<16xi32>
    %jit3A_721 = arith.constant 0 : i32
    %broadcast_in_dim3A_722 = vector.broadcast %jit3A_721 : i32 to vector<16xi32>
    %select_n3A_723 = arith.select %eq3A_720, %broadcast_in_dim3A_722, %get3A_717 : vector<16xi1>, vector<16xi32>
    %eq3A_724 = arith.constant -100 : i32
    %eq3A_725 = vector.broadcast %eq3A_724 : i32 to vector<16xi32>
    %eq3A_726 = arith.cmpi eq, %select_n3A_723, %eq3A_725 : vector<16xi32>
    %jit3A_727 = arith.constant 0 : i32
    %broadcast_in_dim3A_728 = vector.broadcast %jit3A_727 : i32 to vector<16xi32>
    %select_n3A_729 = arith.select %eq3A_726, %broadcast_in_dim3A_728, %select_n3A_723 : vector<16xi1>, vector<16xi32>
    %add3A_730 = arith.constant 1 : i32
    %add3A_731 = vector.broadcast %add3A_730 : i32 to vector<16xi32>
    %add3A_732 = arith.addi %select_n3A_729, %add3A_731 : vector<16xi32>
    %swap3A_733 = arith.constant 480 : index
    %swap3A_734 = tpu.vector_load %arg5[%swap3A_733] {strides = array<i32>} : memref<512xi32, #tpu.memory_space<vmem>>, vector<16xi32>,
    tpu.vector_store %arg5[%swap3A_733], %add3A_732 {strides = array<i32>} : memref<512xi32, #tpu.memory_space<vmem>>, vector<16xi32>,
    %and3A_735 = arith.constant 127 : i32
    %and3A_736 = vector.broadcast %and3A_735 : i32 to vector<16xi32>
    %and3A_737 = arith.andi %add3A_732, %and3A_736 : vector<16xi32>
    %swap3A_738 = arith.constant 480 : index
    %swap3A_739 = tpu.vector_load %arg6[%swap3A_738] {strides = array<i32>} : memref<512xi32, #tpu.memory_space<vmem>>, vector<16xi32>,
    tpu.vector_store %arg6[%swap3A_738], %and3A_737 {strides = array<i32>} : memref<512xi32, #tpu.memory_space<vmem>>, vector<16xi32>,
    %get3A_740 = arith.constant 496 : index
    %get3A_741 = tpu.vector_load %arg5[%get3A_740] {strides = array<i32>} : memref<512xi32, #tpu.memory_space<vmem>>, vector<16xi32>,
    %eq3A_742 = arith.constant -1 : i32
    %eq3A_743 = vector.broadcast %eq3A_742 : i32 to vector<16xi32>
    %eq3A_744 = arith.cmpi eq, %get3A_741, %eq3A_743 : vector<16xi32>
    %jit3A_745 = arith.constant 0 : i32
    %broadcast_in_dim3A_746 = vector.broadcast %jit3A_745 : i32 to vector<16xi32>
    %select_n3A_747 = arith.select %eq3A_744, %broadcast_in_dim3A_746, %get3A_741 : vector<16xi1>, vector<16xi32>
    %eq3A_748 = arith.constant -100 : i32
    %eq3A_749 = vector.broadcast %eq3A_748 : i32 to vector<16xi32>
    %eq3A_750 = arith.cmpi eq, %select_n3A_747, %eq3A_749 : vector<16xi32>
    %jit3A_751 = arith.constant 0 : i32
    %broadcast_in_dim3A_752 = vector.broadcast %jit3A_751 : i32 to vector<16xi32>
    %select_n3A_753 = arith.select %eq3A_750, %broadcast_in_dim3A_752, %select_n3A_747 : vector<16xi1>, vector<16xi32>
    %add3A_754 = arith.constant 1 : i32
    %add3A_755 = vector.broadcast %add3A_754 : i32 to vector<16xi32>
    %add3A_756 = arith.addi %select_n3A_753, %add3A_755 : vector<16xi32>
    %swap3A_757 = arith.constant 496 : index
    %swap3A_758 = tpu.vector_load %arg5[%swap3A_757] {strides = array<i32>} : memref<512xi32, #tpu.memory_space<vmem>>, vector<16xi32>,
    tpu.vector_store %arg5[%swap3A_757], %add3A_756 {strides = array<i32>} : memref<512xi32, #tpu.memory_space<vmem>>, vector<16xi32>,
    %and3A_759 = arith.constant 127 : i32
    %and3A_760 = vector.broadcast %and3A_759 : i32 to vector<16xi32>
    %and3A_761 = arith.andi %add3A_756, %and3A_760 : vector<16xi32>
    %swap3A_762 = arith.constant 496 : index
    %swap3A_763 = tpu.vector_load %arg6[%swap3A_762] {strides = array<i32>} : memref<512xi32, #tpu.memory_space<vmem>>, vector<16xi32>,
    tpu.vector_store %arg6[%swap3A_762], %and3A_761 {strides = array<i32>} : memref<512xi32, #tpu.memory_space<vmem>>, vector<16xi32>,
    %scan3A = arith.constant 0 : i32
    %scan3A_764 = arith.constant 32 : i32
    %scan3A_765 = arith.addi %scan3A, %scan3A_764 : i32
    %scan3A_766 = arith.constant 1 : i32
    scf.for %scan3A_768 = %scan3A to %scan3A_765 step %scan3A_766  : i32 {
      %mul3A_769 = arith.constant 16 : i32
      %mul3A_770 = arith.muli %scan3A_768, %mul3A_769 : i32
      %get3A_771 = arith.index_cast %mul3A_770 : i32 to index
      %get3A_772 = tpu.vector_load %arg5[%get3A_771] {strides = array<i32>} : memref<512xi32, #tpu.memory_space<vmem>>, vector<16xi32>,
      %slice3A = vector.extract_strided_slice %get3A_772 {offsets = [0], sizes = [1], strides = [1]} : vector<16xi32> to vector<1xi32>
      %squeeze3A = vector.extract %slice3A[0] : i32 from vector<1xi32>
      %jit3A_773 = arith.constant 128 : i32
      %div3A = arith.divsi %squeeze3A, %jit3A_773 : i32
      %sign3A = arith.constant 0 : i32
      %sign3A_774 = arith.cmpi sgt, %squeeze3A, %sign3A : i32
      %sign3A_775 = arith.extui %sign3A_774 : i1 to i32
      %sign3A_776 = arith.constant 0 : i32
      %sign3A_777 = arith.cmpi slt, %squeeze3A, %sign3A_776 : i32
      %sign3A_778 = arith.extui %sign3A_777 : i1 to i32
      %sign3A_779 = arith.subi %sign3A_775, %sign3A_778 : i32
      %sign3A_780 = arith.constant 0 : i32
      %sign3A_781 = arith.cmpi sgt, %jit3A_773, %sign3A_780 : i32
      %sign3A_782 = arith.extui %sign3A_781 : i1 to i32
      %sign3A_783 = arith.constant 0 : i32
      %sign3A_784 = arith.cmpi slt, %jit3A_773, %sign3A_783 : i32
      %sign3A_785 = arith.extui %sign3A_784 : i1 to i32
      %sign3A_786 = arith.subi %sign3A_782, %sign3A_785 : i32
      %ne3A = arith.cmpi ne, %sign3A_779, %sign3A_786 : i32
      %rem3A = arith.remsi %squeeze3A, %jit3A_773 : i32
      %ne3A_787 = arith.constant 0 : i32
      %ne3A_788 = arith.cmpi ne, %rem3A, %ne3A_787 : i32
      %and3A_789 = arith.andi %ne3A, %ne3A_788 : i1
      %sub3A = arith.constant 1 : i32
      %sub3A_790 = arith.subi %div3A, %sub3A : i32
      %select_n3A_791 = arith.select %and3A_789, %sub3A_790, %div3A : i32
      %mul3A_792 = arith.constant 128 : i32
      %mul3A_793 = arith.muli %select_n3A_791, %mul3A_792 : i32
      %multiple_of3A = tpu.assume_multiple %mul3A_793, 128 : i32
      %dma_start3A = arith.constant 0 : i32
      %dma_start3A_794 = arith.constant 0 : i32
      %dma_start3A_795 = arith.constant 0 : i32
      %dma_start3A_796 = tpu.memref_slice %arg7[%dma_start3A, %dma_start3A_794, %dma_start3A_795] : memref<16x32x128xf32, #tpu.memory_space<vmem>> -> memref<1x8x128xf32, #tpu.memory_space<vmem>>
      %dma_start3A_797 = tpu.memref_squeeze %dma_start3A_796 : memref<1x8x128xf32, #tpu.memory_space<vmem>> -> memref<8x128xf32, #tpu.memory_space<vmem>>
      %dma_start3A_798 = arith.constant 0 : i32
      %dma_start3A_799 = tpu.memref_slice %arg3[%dma_start3A_798, %multiple_of3A] : memref<32x1000001xf32, #tpu.memory_space<hbm>> -> memref<8x128xf32, #tpu.memory_space<hbm>>
      %dma_start3A_800 = arith.constant 0 : i32
      %dma_start3A_801 = arith.constant 0 : i32
      %dma_start3A_802 = tpu.memref_slice %arg7[%dma_start3A, %dma_start3A_800, %dma_start3A_801] : memref<16x32x128xf32, #tpu.memory_space<vmem>> -> memref<1x8x128xf32, #tpu.memory_space<vmem>>
      %dma_start3A_803 = tpu.memref_squeeze %dma_start3A_802 : memref<1x8x128xf32, #tpu.memory_space<vmem>> -> memref<8x128xf32, #tpu.memory_space<vmem>>
      %dma_start3A_804 = arith.constant 0 : i32
      %dma_start3A_805 = tpu.memref_slice %arg3[%dma_start3A_804, %multiple_of3A] : memref<32x1000001xf32, #tpu.memory_space<hbm>> -> memref<8x128xf32, #tpu.memory_space<hbm>>
      tpu.enqueue_dma source(%dma_start3A_805 : memref<8x128xf32, #tpu.memory_space<hbm>>) target(%dma_start3A_803 : memref<8x128xf32, #tpu.memory_space<vmem>>) target_semaphore(%arg9 : memref<!tpu.dma_semaphore, #tpu.memory_space<semaphore_mem>>)
      %dma_start3A_806 = arith.constant 0 : i32
      %dma_start3A_807 = arith.constant 8 : i32
      %dma_start3A_808 = arith.constant 0 : i32
      %dma_start3A_809 = tpu.memref_slice %arg7[%dma_start3A_806, %dma_start3A_807, %dma_start3A_808] : memref<16x32x128xf32, #tpu.memory_space<vmem>> -> memref<1x8x128xf32, #tpu.memory_space<vmem>>
      %dma_start3A_810 = tpu.memref_squeeze %dma_start3A_809 : memref<1x8x128xf32, #tpu.memory_space<vmem>> -> memref<8x128xf32, #tpu.memory_space<vmem>>
      %dma_start3A_811 = arith.constant 8 : i32
      %dma_start3A_812 = tpu.memref_slice %arg3[%dma_start3A_811, %multiple_of3A] : memref<32x1000001xf32, #tpu.memory_space<hbm>> -> memref<8x128xf32, #tpu.memory_space<hbm>>
      %dma_start3A_813 = arith.constant 8 : i32
      %dma_start3A_814 = arith.constant 0 : i32
      %dma_start3A_815 = tpu.memref_slice %arg7[%dma_start3A_806, %dma_start3A_813, %dma_start3A_814] : memref<16x32x128xf32, #tpu.memory_space<vmem>> -> memref<1x8x128xf32, #tpu.memory_space<vmem>>
      %dma_start3A_816 = tpu.memref_squeeze %dma_start3A_815 : memref<1x8x128xf32, #tpu.memory_space<vmem>> -> memref<8x128xf32, #tpu.memory_space<vmem>>
      %dma_start3A_817 = arith.constant 8 : i32
      %dma_start3A_818 = tpu.memref_slice %arg3[%dma_start3A_817, %multiple_of3A] : memref<32x1000001xf32, #tpu.memory_space<hbm>> -> memref<8x128xf32, #tpu.memory_space<hbm>>
      tpu.enqueue_dma source(%dma_start3A_818 : memref<8x128xf32, #tpu.memory_space<hbm>>) target(%dma_start3A_816 : memref<8x128xf32, #tpu.memory_space<vmem>>) target_semaphore(%arg9 : memref<!tpu.dma_semaphore, #tpu.memory_space<semaphore_mem>>)
      %dma_start3A_819 = arith.constant 0 : i32
      %dma_start3A_820 = arith.constant 16 : i32
      %dma_start3A_821 = arith.constant 0 : i32
      %dma_start3A_822 = tpu.memref_slice %arg7[%dma_start3A_819, %dma_start3A_820, %dma_start3A_821] : memref<16x32x128xf32, #tpu.memory_space<vmem>> -> memref<1x8x128xf32, #tpu.memory_space<vmem>>
      %dma_start3A_823 = tpu.memref_squeeze %dma_start3A_822 : memref<1x8x128xf32, #tpu.memory_space<vmem>> -> memref<8x128xf32, #tpu.memory_space<vmem>>
      %dma_start3A_824 = arith.constant 16 : i32
      %dma_start3A_825 = tpu.memref_slice %arg3[%dma_start3A_824, %multiple_of3A] : memref<32x1000001xf32, #tpu.memory_space<hbm>> -> memref<8x128xf32, #tpu.memory_space<hbm>>
      %dma_start3A_826 = arith.constant 16 : i32
      %dma_start3A_827 = arith.constant 0 : i32
      %dma_start3A_828 = tpu.memref_slice %arg7[%dma_start3A_819, %dma_start3A_826, %dma_start3A_827] : memref<16x32x128xf32, #tpu.memory_space<vmem>> -> memref<1x8x128xf32, #tpu.memory_space<vmem>>
      %dma_start3A_829 = tpu.memref_squeeze %dma_start3A_828 : memref<1x8x128xf32, #tpu.memory_space<vmem>> -> memref<8x128xf32, #tpu.memory_space<vmem>>
      %dma_start3A_830 = arith.constant 16 : i32
      %dma_start3A_831 = tpu.memref_slice %arg3[%dma_start3A_830, %multiple_of3A] : memref<32x1000001xf32, #tpu.memory_space<hbm>> -> memref<8x128xf32, #tpu.memory_space<hbm>>
      tpu.enqueue_dma source(%dma_start3A_831 : memref<8x128xf32, #tpu.memory_space<hbm>>) target(%dma_start3A_829 : memref<8x128xf32, #tpu.memory_space<vmem>>) target_semaphore(%arg9 : memref<!tpu.dma_semaphore, #tpu.memory_space<semaphore_mem>>)
      %dma_start3A_832 = arith.constant 0 : i32
      %dma_start3A_833 = arith.constant 24 : i32
      %dma_start3A_834 = arith.constant 0 : i32
      %dma_start3A_835 = tpu.memref_slice %arg7[%dma_start3A_832, %dma_start3A_833, %dma_start3A_834] : memref<16x32x128xf32, #tpu.memory_space<vmem>> -> memref<1x8x128xf32, #tpu.memory_space<vmem>>
      %dma_start3A_836 = tpu.memref_squeeze %dma_start3A_835 : memref<1x8x128xf32, #tpu.memory_space<vmem>> -> memref<8x128xf32, #tpu.memory_space<vmem>>
      %dma_start3A_837 = arith.constant 24 : i32
      %dma_start3A_838 = tpu.memref_slice %arg3[%dma_start3A_837, %multiple_of3A] : memref<32x1000001xf32, #tpu.memory_space<hbm>> -> memref<8x128xf32, #tpu.memory_space<hbm>>
      %dma_start3A_839 = arith.constant 24 : i32
      %dma_start3A_840 = arith.constant 0 : i32
      %dma_start3A_841 = tpu.memref_slice %arg7[%dma_start3A_832, %dma_start3A_839, %dma_start3A_840] : memref<16x32x128xf32, #tpu.memory_space<vmem>> -> memref<1x8x128xf32, #tpu.memory_space<vmem>>
      %dma_start3A_842 = tpu.memref_squeeze %dma_start3A_841 : memref<1x8x128xf32, #tpu.memory_space<vmem>> -> memref<8x128xf32, #tpu.memory_space<vmem>>
      %dma_start3A_843 = arith.constant 24 : i32
      %dma_start3A_844 = tpu.memref_slice %arg3[%dma_start3A_843, %multiple_of3A] : memref<32x1000001xf32, #tpu.memory_space<hbm>> -> memref<8x128xf32, #tpu.memory_space<hbm>>
      tpu.enqueue_dma source(%dma_start3A_844 : memref<8x128xf32, #tpu.memory_space<hbm>>) target(%dma_start3A_842 : memref<8x128xf32, #tpu.memory_space<vmem>>) target_semaphore(%arg9 : memref<!tpu.dma_semaphore, #tpu.memory_space<semaphore_mem>>)
      %slice3A_845 = vector.extract_strided_slice %get3A_772 {offsets = [1], sizes = [1], strides = [1]} : vector<16xi32> to vector<1xi32>
      %squeeze3A_846 = vector.extract %slice3A_845[0] : i32 from vector<1xi32>
      %jit3A_847 = arith.constant 128 : i32
      %div3A_848 = arith.divsi %squeeze3A_846, %jit3A_847 : i32
      %sign3A_849 = arith.constant 0 : i32
      %sign3A_850 = arith.cmpi sgt, %squeeze3A_846, %sign3A_849 : i32
      %sign3A_851 = arith.extui %sign3A_850 : i1 to i32
      %sign3A_852 = arith.constant 0 : i32
      %sign3A_853 = arith.cmpi slt, %squeeze3A_846, %sign3A_852 : i32
      %sign3A_854 = arith.extui %sign3A_853 : i1 to i32
      %sign3A_855 = arith.subi %sign3A_851, %sign3A_854 : i32
      %sign3A_856 = arith.constant 0 : i32
      %sign3A_857 = arith.cmpi sgt, %jit3A_847, %sign3A_856 : i32
      %sign3A_858 = arith.extui %sign3A_857 : i1 to i32
      %sign3A_859 = arith.constant 0 : i32
      %sign3A_860 = arith.cmpi slt, %jit3A_847, %sign3A_859 : i32
      %sign3A_861 = arith.extui %sign3A_860 : i1 to i32
      %sign3A_862 = arith.subi %sign3A_858, %sign3A_861 : i32
      %ne3A_863 = arith.cmpi ne, %sign3A_855, %sign3A_862 : i32
      %rem3A_864 = arith.remsi %squeeze3A_846, %jit3A_847 : i32
      %ne3A_865 = arith.constant 0 : i32
      %ne3A_866 = arith.cmpi ne, %rem3A_864, %ne3A_865 : i32
      %and3A_867 = arith.andi %ne3A_863, %ne3A_866 : i1
      %sub3A_868 = arith.constant 1 : i32
      %sub3A_869 = arith.subi %div3A_848, %sub3A_868 : i32
      %select_n3A_870 = arith.select %and3A_867, %sub3A_869, %div3A_848 : i32
      %mul3A_871 = arith.constant 128 : i32
      %mul3A_872 = arith.muli %select_n3A_870, %mul3A_871 : i32
      %multiple_of3A_873 = tpu.assume_multiple %mul3A_872, 128 : i32
      %dma_start3A_874 = arith.constant 1 : i32
      %dma_start3A_875 = arith.constant 0 : i32
      %dma_start3A_876 = arith.constant 0 : i32
      %dma_start3A_877 = tpu.memref_slice %arg7[%dma_start3A_874, %dma_start3A_875, %dma_start3A_876] : memref<16x32x128xf32, #tpu.memory_space<vmem>> -> memref<1x8x128xf32, #tpu.memory_space<vmem>>
      %dma_start3A_878 = tpu.memref_squeeze %dma_start3A_877 : memref<1x8x128xf32, #tpu.memory_space<vmem>> -> memref<8x128xf32, #tpu.memory_space<vmem>>
      %dma_start3A_879 = arith.constant 0 : i32
      %dma_start3A_880 = tpu.memref_slice %arg3[%dma_start3A_879, %multiple_of3A_873] : memref<32x1000001xf32, #tpu.memory_space<hbm>> -> memref<8x128xf32, #tpu.memory_space<hbm>>
      %dma_start3A_881 = arith.constant 0 : i32
      %dma_start3A_882 = arith.constant 0 : i32
      %dma_start3A_883 = tpu.memref_slice %arg7[%dma_start3A_874, %dma_start3A_881, %dma_start3A_882] : memref<16x32x128xf32, #tpu.memory_space<vmem>> -> memref<1x8x128xf32, #tpu.memory_space<vmem>>
      %dma_start3A_884 = tpu.memref_squeeze %dma_start3A_883 : memref<1x8x128xf32, #tpu.memory_space<vmem>> -> memref<8x128xf32, #tpu.memory_space<vmem>>
      %dma_start3A_885 = arith.constant 0 : i32
      %dma_start3A_886 = tpu.memref_slice %arg3[%dma_start3A_885, %multiple_of3A_873] : memref<32x1000001xf32, #tpu.memory_space<hbm>> -> memref<8x128xf32, #tpu.memory_space<hbm>>
      tpu.enqueue_dma source(%dma_start3A_886 : memref<8x128xf32, #tpu.memory_space<hbm>>) target(%dma_start3A_884 : memref<8x128xf32, #tpu.memory_space<vmem>>) target_semaphore(%arg9 : memref<!tpu.dma_semaphore, #tpu.memory_space<semaphore_mem>>)
      %dma_start3A_887 = arith.constant 1 : i32
      %dma_start3A_888 = arith.constant 8 : i32
      %dma_start3A_889 = arith.constant 0 : i32
      %dma_start3A_890 = tpu.memref_slice %arg7[%dma_start3A_887, %dma_start3A_888, %dma_start3A_889] : memref<16x32x128xf32, #tpu.memory_space<vmem>> -> memref<1x8x128xf32, #tpu.memory_space<vmem>>
      %dma_start3A_891 = tpu.memref_squeeze %dma_start3A_890 : memref<1x8x128xf32, #tpu.memory_space<vmem>> -> memref<8x128xf32, #tpu.memory_space<vmem>>
      %dma_start3A_892 = arith.constant 8 : i32
      %dma_start3A_893 = tpu.memref_slice %arg3[%dma_start3A_892, %multiple_of3A_873] : memref<32x1000001xf32, #tpu.memory_space<hbm>> -> memref<8x128xf32, #tpu.memory_space<hbm>>
      %dma_start3A_894 = arith.constant 8 : i32
      %dma_start3A_895 = arith.constant 0 : i32
      %dma_start3A_896 = tpu.memref_slice %arg7[%dma_start3A_887, %dma_start3A_894, %dma_start3A_895] : memref<16x32x128xf32, #tpu.memory_space<vmem>> -> memref<1x8x128xf32, #tpu.memory_space<vmem>>
      %dma_start3A_897 = tpu.memref_squeeze %dma_start3A_896 : memref<1x8x128xf32, #tpu.memory_space<vmem>> -> memref<8x128xf32, #tpu.memory_space<vmem>>
      %dma_start3A_898 = arith.constant 8 : i32
      %dma_start3A_899 = tpu.memref_slice %arg3[%dma_start3A_898, %multiple_of3A_873] : memref<32x1000001xf32, #tpu.memory_space<hbm>> -> memref<8x128xf32, #tpu.memory_space<hbm>>
      tpu.enqueue_dma source(%dma_start3A_899 : memref<8x128xf32, #tpu.memory_space<hbm>>) target(%dma_start3A_897 : memref<8x128xf32, #tpu.memory_space<vmem>>) target_semaphore(%arg9 : memref<!tpu.dma_semaphore, #tpu.memory_space<semaphore_mem>>)
      %dma_start3A_900 = arith.constant 1 : i32
      %dma_start3A_901 = arith.constant 16 : i32
      %dma_start3A_902 = arith.constant 0 : i32
      %dma_start3A_903 = tpu.memref_slice %arg7[%dma_start3A_900, %dma_start3A_901, %dma_start3A_902] : memref<16x32x128xf32, #tpu.memory_space<vmem>> -> memref<1x8x128xf32, #tpu.memory_space<vmem>>
      %dma_start3A_904 = tpu.memref_squeeze %dma_start3A_903 : memref<1x8x128xf32, #tpu.memory_space<vmem>> -> memref<8x128xf32, #tpu.memory_space<vmem>>
      %dma_start3A_905 = arith.constant 16 : i32
      %dma_start3A_906 = tpu.memref_slice %arg3[%dma_start3A_905, %multiple_of3A_873] : memref<32x1000001xf32, #tpu.memory_space<hbm>> -> memref<8x128xf32, #tpu.memory_space<hbm>>
      %dma_start3A_907 = arith.constant 16 : i32
      %dma_start3A_908 = arith.constant 0 : i32
      %dma_start3A_909 = tpu.memref_slice %arg7[%dma_start3A_900, %dma_start3A_907, %dma_start3A_908] : memref<16x32x128xf32, #tpu.memory_space<vmem>> -> memref<1x8x128xf32, #tpu.memory_space<vmem>>
      %dma_start3A_910 = tpu.memref_squeeze %dma_start3A_909 : memref<1x8x128xf32, #tpu.memory_space<vmem>> -> memref<8x128xf32, #tpu.memory_space<vmem>>
      %dma_start3A_911 = arith.constant 16 : i32
      %dma_start3A_912 = tpu.memref_slice %arg3[%dma_start3A_911, %multiple_of3A_873] : memref<32x1000001xf32, #tpu.memory_space<hbm>> -> memref<8x128xf32, #tpu.memory_space<hbm>>
      tpu.enqueue_dma source(%dma_start3A_912 : memref<8x128xf32, #tpu.memory_space<hbm>>) target(%dma_start3A_910 : memref<8x128xf32, #tpu.memory_space<vmem>>) target_semaphore(%arg9 : memref<!tpu.dma_semaphore, #tpu.memory_space<semaphore_mem>>)
      %dma_start3A_913 = arith.constant 1 : i32
      %dma_start3A_914 = arith.constant 24 : i32
      %dma_start3A_915 = arith.constant 0 : i32
      %dma_start3A_916 = tpu.memref_slice %arg7[%dma_start3A_913, %dma_start3A_914, %dma_start3A_915] : memref<16x32x128xf32, #tpu.memory_space<vmem>> -> memref<1x8x128xf32, #tpu.memory_space<vmem>>
      %dma_start3A_917 = tpu.memref_squeeze %dma_start3A_916 : memref<1x8x128xf32, #tpu.memory_space<vmem>> -> memref<8x128xf32, #tpu.memory_space<vmem>>
      %dma_start3A_918 = arith.constant 24 : i32
      %dma_start3A_919 = tpu.memref_slice %arg3[%dma_start3A_918, %multiple_of3A_873] : memref<32x1000001xf32, #tpu.memory_space<hbm>> -> memref<8x128xf32, #tpu.memory_space<hbm>>
      %dma_start3A_920 = arith.constant 24 : i32
      %dma_start3A_921 = arith.constant 0 : i32
      %dma_start3A_922 = tpu.memref_slice %arg7[%dma_start3A_913, %dma_start3A_920, %dma_start3A_921] : memref<16x32x128xf32, #tpu.memory_space<vmem>> -> memref<1x8x128xf32, #tpu.memory_space<vmem>>
      %dma_start3A_923 = tpu.memref_squeeze %dma_start3A_922 : memref<1x8x128xf32, #tpu.memory_space<vmem>> -> memref<8x128xf32, #tpu.memory_space<vmem>>
      %dma_start3A_924 = arith.constant 24 : i32
      %dma_start3A_925 = tpu.memref_slice %arg3[%dma_start3A_924, %multiple_of3A_873] : memref<32x1000001xf32, #tpu.memory_space<hbm>> -> memref<8x128xf32, #tpu.memory_space<hbm>>
      tpu.enqueue_dma source(%dma_start3A_925 : memref<8x128xf32, #tpu.memory_space<hbm>>) target(%dma_start3A_923 : memref<8x128xf32, #tpu.memory_space<vmem>>) target_semaphore(%arg9 : memref<!tpu.dma_semaphore, #tpu.memory_space<semaphore_mem>>)
      %slice3A_926 = vector.extract_strided_slice %get3A_772 {offsets = [2], sizes = [1], strides = [1]} : vector<16xi32> to vector<1xi32>
      %squeeze3A_927 = vector.extract %slice3A_926[0] : i32 from vector<1xi32>
      %jit3A_928 = arith.constant 128 : i32
      %div3A_929 = arith.divsi %squeeze3A_927, %jit3A_928 : i32
      %sign3A_930 = arith.constant 0 : i32
      %sign3A_931 = arith.cmpi sgt, %squeeze3A_927, %sign3A_930 : i32
      %sign3A_932 = arith.extui %sign3A_931 : i1 to i32
      %sign3A_933 = arith.constant 0 : i32
      %sign3A_934 = arith.cmpi slt, %squeeze3A_927, %sign3A_933 : i32
      %sign3A_935 = arith.extui %sign3A_934 : i1 to i32
      %sign3A_936 = arith.subi %sign3A_932, %sign3A_935 : i32
      %sign3A_937 = arith.constant 0 : i32
      %sign3A_938 = arith.cmpi sgt, %jit3A_928, %sign3A_937 : i32
      %sign3A_939 = arith.extui %sign3A_938 : i1 to i32
      %sign3A_940 = arith.constant 0 : i32
      %sign3A_941 = arith.cmpi slt, %jit3A_928, %sign3A_940 : i32
      %sign3A_942 = arith.extui %sign3A_941 : i1 to i32
      %sign3A_943 = arith.subi %sign3A_939, %sign3A_942 : i32
      %ne3A_944 = arith.cmpi ne, %sign3A_936, %sign3A_943 : i32
      %rem3A_945 = arith.remsi %squeeze3A_927, %jit3A_928 : i32
      %ne3A_946 = arith.constant 0 : i32
      %ne3A_947 = arith.cmpi ne, %rem3A_945, %ne3A_946 : i32
      %and3A_948 = arith.andi %ne3A_944, %ne3A_947 : i1
      %sub3A_949 = arith.constant 1 : i32
      %sub3A_950 = arith.subi %div3A_929, %sub3A_949 : i32
      %select_n3A_951 = arith.select %and3A_948, %sub3A_950, %div3A_929 : i32
      %mul3A_952 = arith.constant 128 : i32
      %mul3A_953 = arith.muli %select_n3A_951, %mul3A_952 : i32
      %multiple_of3A_954 = tpu.assume_multiple %mul3A_953, 128 : i32
      %dma_start3A_955 = arith.constant 2 : i32
      %dma_start3A_956 = arith.constant 0 : i32
      %dma_start3A_957 = arith.constant 0 : i32
      %dma_start3A_958 = tpu.memref_slice %arg7[%dma_start3A_955, %dma_start3A_956, %dma_start3A_957] : memref<16x32x128xf32, #tpu.memory_space<vmem>> -> memref<1x8x128xf32, #tpu.memory_space<vmem>>
      %dma_start3A_959 = tpu.memref_squeeze %dma_start3A_958 : memref<1x8x128xf32, #tpu.memory_space<vmem>> -> memref<8x128xf32, #tpu.memory_space<vmem>>
      %dma_start3A_960 = arith.constant 0 : i32
      %dma_start3A_961 = tpu.memref_slice %arg3[%dma_start3A_960, %multiple_of3A_954] : memref<32x1000001xf32, #tpu.memory_space<hbm>> -> memref<8x128xf32, #tpu.memory_space<hbm>>
      %dma_start3A_962 = arith.constant 0 : i32
      %dma_start3A_963 = arith.constant 0 : i32
      %dma_start3A_964 = tpu.memref_slice %arg7[%dma_start3A_955, %dma_start3A_962, %dma_start3A_963] : memref<16x32x128xf32, #tpu.memory_space<vmem>> -> memref<1x8x128xf32, #tpu.memory_space<vmem>>
      %dma_start3A_965 = tpu.memref_squeeze %dma_start3A_964 : memref<1x8x128xf32, #tpu.memory_space<vmem>> -> memref<8x128xf32, #tpu.memory_space<vmem>>
      %dma_start3A_966 = arith.constant 0 : i32
      %dma_start3A_967 = tpu.memref_slice %arg3[%dma_start3A_966, %multiple_of3A_954] : memref<32x1000001xf32, #tpu.memory_space<hbm>> -> memref<8x128xf32, #tpu.memory_space<hbm>>
      tpu.enqueue_dma source(%dma_start3A_967 : memref<8x128xf32, #tpu.memory_space<hbm>>) target(%dma_start3A_965 : memref<8x128xf32, #tpu.memory_space<vmem>>) target_semaphore(%arg9 : memref<!tpu.dma_semaphore, #tpu.memory_space<semaphore_mem>>)
      %dma_start3A_968 = arith.constant 2 : i32
      %dma_start3A_969 = arith.constant 8 : i32
      %dma_start3A_970 = arith.constant 0 : i32
      %dma_start3A_971 = tpu.memref_slice %arg7[%dma_start3A_968, %dma_start3A_969, %dma_start3A_970] : memref<16x32x128xf32, #tpu.memory_space<vmem>> -> memref<1x8x128xf32, #tpu.memory_space<vmem>>
      %dma_start3A_972 = tpu.memref_squeeze %dma_start3A_971 : memref<1x8x128xf32, #tpu.memory_space<vmem>> -> memref<8x128xf32, #tpu.memory_space<vmem>>
      %dma_start3A_973 = arith.constant 8 : i32
      %dma_start3A_974 = tpu.memref_slice %arg3[%dma_start3A_973, %multiple_of3A_954] : memref<32x1000001xf32, #tpu.memory_space<hbm>> -> memref<8x128xf32, #tpu.memory_space<hbm>>
      %dma_start3A_975 = arith.constant 8 : i32
      %dma_start3A_976 = arith.constant 0 : i32
      %dma_start3A_977 = tpu.memref_slice %arg7[%dma_start3A_968, %dma_start3A_975, %dma_start3A_976] : memref<16x32x128xf32, #tpu.memory_space<vmem>> -> memref<1x8x128xf32, #tpu.memory_space<vmem>>
      %dma_start3A_978 = tpu.memref_squeeze %dma_start3A_977 : memref<1x8x128xf32, #tpu.memory_space<vmem>> -> memref<8x128xf32, #tpu.memory_space<vmem>>
      %dma_start3A_979 = arith.constant 8 : i32
      %dma_start3A_980 = tpu.memref_slice %arg3[%dma_start3A_979, %multiple_of3A_954] : memref<32x1000001xf32, #tpu.memory_space<hbm>> -> memref<8x128xf32, #tpu.memory_space<hbm>>
      tpu.enqueue_dma source(%dma_start3A_980 : memref<8x128xf32, #tpu.memory_space<hbm>>) target(%dma_start3A_978 : memref<8x128xf32, #tpu.memory_space<vmem>>) target_semaphore(%arg9 : memref<!tpu.dma_semaphore, #tpu.memory_space<semaphore_mem>>)
      %dma_start3A_981 = arith.constant 2 : i32
      %dma_start3A_982 = arith.constant 16 : i32
      %dma_start3A_983 = arith.constant 0 : i32
      %dma_start3A_984 = tpu.memref_slice %arg7[%dma_start3A_981, %dma_start3A_982, %dma_start3A_983] : memref<16x32x128xf32, #tpu.memory_space<vmem>> -> memref<1x8x128xf32, #tpu.memory_space<vmem>>
      %dma_start3A_985 = tpu.memref_squeeze %dma_start3A_984 : memref<1x8x128xf32, #tpu.memory_space<vmem>> -> memref<8x128xf32, #tpu.memory_space<vmem>>
      %dma_start3A_986 = arith.constant 16 : i32
      %dma_start3A_987 = tpu.memref_slice %arg3[%dma_start3A_986, %multiple_of3A_954] : memref<32x1000001xf32, #tpu.memory_space<hbm>> -> memref<8x128xf32, #tpu.memory_space<hbm>>
      %dma_start3A_988 = arith.constant 16 : i32
      %dma_start3A_989 = arith.constant 0 : i32
      %dma_start3A_990 = tpu.memref_slice %arg7[%dma_start3A_981, %dma_start3A_988, %dma_start3A_989] : memref<16x32x128xf32, #tpu.memory_space<vmem>> -> memref<1x8x128xf32, #tpu.memory_space<vmem>>
      %dma_start3A_991 = tpu.memref_squeeze %dma_start3A_990 : memref<1x8x128xf32, #tpu.memory_space<vmem>> -> memref<8x128xf32, #tpu.memory_space<vmem>>
      %dma_start3A_992 = arith.constant 16 : i32
      %dma_start3A_993 = tpu.memref_slice %arg3[%dma_start3A_992, %multiple_of3A_954] : memref<32x1000001xf32, #tpu.memory_space<hbm>> -> memref<8x128xf32, #tpu.memory_space<hbm>>
      tpu.enqueue_dma source(%dma_start3A_993 : memref<8x128xf32, #tpu.memory_space<hbm>>) target(%dma_start3A_991 : memref<8x128xf32, #tpu.memory_space<vmem>>) target_semaphore(%arg9 : memref<!tpu.dma_semaphore, #tpu.memory_space<semaphore_mem>>)
      %dma_start3A_994 = arith.constant 2 : i32
      %dma_start3A_995 = arith.constant 24 : i32
      %dma_start3A_996 = arith.constant 0 : i32
      %dma_start3A_997 = tpu.memref_slice %arg7[%dma_start3A_994, %dma_start3A_995, %dma_start3A_996] : memref<16x32x128xf32, #tpu.memory_space<vmem>> -> memref<1x8x128xf32, #tpu.memory_space<vmem>>
      %dma_start3A_998 = tpu.memref_squeeze %dma_start3A_997 : memref<1x8x128xf32, #tpu.memory_space<vmem>> -> memref<8x128xf32, #tpu.memory_space<vmem>>
      %dma_start3A_999 = arith.constant 24 : i32
      %dma_start3A_1000 = tpu.memref_slice %arg3[%dma_start3A_999, %multiple_of3A_954] : memref<32x1000001xf32, #tpu.memory_space<hbm>> -> memref<8x128xf32, #tpu.memory_space<hbm>>
      %dma_start3A_1001 = arith.constant 24 : i32
      %dma_start3A_1002 = arith.constant 0 : i32
      %dma_start3A_1003 = tpu.memref_slice %arg7[%dma_start3A_994, %dma_start3A_1001, %dma_start3A_1002] : memref<16x32x128xf32, #tpu.memory_space<vmem>> -> memref<1x8x128xf32, #tpu.memory_space<vmem>>
      %dma_start3A_1004 = tpu.memref_squeeze %dma_start3A_1003 : memref<1x8x128xf32, #tpu.memory_space<vmem>> -> memref<8x128xf32, #tpu.memory_space<vmem>>
      %dma_start3A_1005 = arith.constant 24 : i32
      %dma_start3A_1006 = tpu.memref_slice %arg3[%dma_start3A_1005, %multiple_of3A_954] : memref<32x1000001xf32, #tpu.memory_space<hbm>> -> memref<8x128xf32, #tpu.memory_space<hbm>>
      tpu.enqueue_dma source(%dma_start3A_1006 : memref<8x128xf32, #tpu.memory_space<hbm>>) target(%dma_start3A_1004 : memref<8x128xf32, #tpu.memory_space<vmem>>) target_semaphore(%arg9 : memref<!tpu.dma_semaphore, #tpu.memory_space<semaphore_mem>>)
      %slice3A_1007 = vector.extract_strided_slice %get3A_772 {offsets = [3], sizes = [1], strides = [1]} : vector<16xi32> to vector<1xi32>
      %squeeze3A_1008 = vector.extract %slice3A_1007[0] : i32 from vector<1xi32>
      %jit3A_1009 = arith.constant 128 : i32
      %div3A_1010 = arith.divsi %squeeze3A_1008, %jit3A_1009 : i32
      %sign3A_1011 = arith.constant 0 : i32
      %sign3A_1012 = arith.cmpi sgt, %squeeze3A_1008, %sign3A_1011 : i32
      %sign3A_1013 = arith.extui %sign3A_1012 : i1 to i32
      %sign3A_1014 = arith.constant 0 : i32
      %sign3A_1015 = arith.cmpi slt, %squeeze3A_1008, %sign3A_1014 : i32
      %sign3A_1016 = arith.extui %sign3A_1015 : i1 to i32
      %sign3A_1017 = arith.subi %sign3A_1013, %sign3A_1016 : i32
      %sign3A_1018 = arith.constant 0 : i32
      %sign3A_1019 = arith.cmpi sgt, %jit3A_1009, %sign3A_1018 : i32
      %sign3A_1020 = arith.extui %sign3A_1019 : i1 to i32
      %sign3A_1021 = arith.constant 0 : i32
      %sign3A_1022 = arith.cmpi slt, %jit3A_1009, %sign3A_1021 : i32
      %sign3A_1023 = arith.extui %sign3A_1022 : i1 to i32
      %sign3A_1024 = arith.subi %sign3A_1020, %sign3A_1023 : i32
      %ne3A_1025 = arith.cmpi ne, %sign3A_1017, %sign3A_1024 : i32
      %rem3A_1026 = arith.remsi %squeeze3A_1008, %jit3A_1009 : i32
      %ne3A_1027 = arith.constant 0 : i32
      %ne3A_1028 = arith.cmpi ne, %rem3A_1026, %ne3A_1027 : i32
      %and3A_1029 = arith.andi %ne3A_1025, %ne3A_1028 : i1
      %sub3A_1030 = arith.constant 1 : i32
      %sub3A_1031 = arith.subi %div3A_1010, %sub3A_1030 : i32
      %select_n3A_1032 = arith.select %and3A_1029, %sub3A_1031, %div3A_1010 : i32
      %mul3A_1033 = arith.constant 128 : i32
      %mul3A_1034 = arith.muli %select_n3A_1032, %mul3A_1033 : i32
      %multiple_of3A_1035 = tpu.assume_multiple %mul3A_1034, 128 : i32
      %dma_start3A_1036 = arith.constant 3 : i32
      %dma_start3A_1037 = arith.constant 0 : i32
      %dma_start3A_1038 = arith.constant 0 : i32
      %dma_start3A_1039 = tpu.memref_slice %arg7[%dma_start3A_1036, %dma_start3A_1037, %dma_start3A_1038] : memref<16x32x128xf32, #tpu.memory_space<vmem>> -> memref<1x8x128xf32, #tpu.memory_space<vmem>>
      %dma_start3A_1040 = tpu.memref_squeeze %dma_start3A_1039 : memref<1x8x128xf32, #tpu.memory_space<vmem>> -> memref<8x128xf32, #tpu.memory_space<vmem>>
      %dma_start3A_1041 = arith.constant 0 : i32
      %dma_start3A_1042 = tpu.memref_slice %arg3[%dma_start3A_1041, %multiple_of3A_1035] : memref<32x1000001xf32, #tpu.memory_space<hbm>> -> memref<8x128xf32, #tpu.memory_space<hbm>>
      %dma_start3A_1043 = arith.constant 0 : i32
      %dma_start3A_1044 = arith.constant 0 : i32
      %dma_start3A_1045 = tpu.memref_slice %arg7[%dma_start3A_1036, %dma_start3A_1043, %dma_start3A_1044] : memref<16x32x128xf32, #tpu.memory_space<vmem>> -> memref<1x8x128xf32, #tpu.memory_space<vmem>>
      %dma_start3A_1046 = tpu.memref_squeeze %dma_start3A_1045 : memref<1x8x128xf32, #tpu.memory_space<vmem>> -> memref<8x128xf32, #tpu.memory_space<vmem>>
      %dma_start3A_1047 = arith.constant 0 : i32
      %dma_start3A_1048 = tpu.memref_slice %arg3[%dma_start3A_1047, %multiple_of3A_1035] : memref<32x1000001xf32, #tpu.memory_space<hbm>> -> memref<8x128xf32, #tpu.memory_space<hbm>>
      tpu.enqueue_dma source(%dma_start3A_1048 : memref<8x128xf32, #tpu.memory_space<hbm>>) target(%dma_start3A_1046 : memref<8x128xf32, #tpu.memory_space<vmem>>) target_semaphore(%arg9 : memref<!tpu.dma_semaphore, #tpu.memory_space<semaphore_mem>>)
      %dma_start3A_1049 = arith.constant 3 : i32
      %dma_start3A_1050 = arith.constant 8 : i32
      %dma_start3A_1051 = arith.constant 0 : i32
      %dma_start3A_1052 = tpu.memref_slice %arg7[%dma_start3A_1049, %dma_start3A_1050, %dma_start3A_1051] : memref<16x32x128xf32, #tpu.memory_space<vmem>> -> memref<1x8x128xf32, #tpu.memory_space<vmem>>
      %dma_start3A_1053 = tpu.memref_squeeze %dma_start3A_1052 : memref<1x8x128xf32, #tpu.memory_space<vmem>> -> memref<8x128xf32, #tpu.memory_space<vmem>>
      %dma_start3A_1054 = arith.constant 8 : i32
      %dma_start3A_1055 = tpu.memref_slice %arg3[%dma_start3A_1054, %multiple_of3A_1035] : memref<32x1000001xf32, #tpu.memory_space<hbm>> -> memref<8x128xf32, #tpu.memory_space<hbm>>
      %dma_start3A_1056 = arith.constant 8 : i32
      %dma_start3A_1057 = arith.constant 0 : i32
      %dma_start3A_1058 = tpu.memref_slice %arg7[%dma_start3A_1049, %dma_start3A_1056, %dma_start3A_1057] : memref<16x32x128xf32, #tpu.memory_space<vmem>> -> memref<1x8x128xf32, #tpu.memory_space<vmem>>
      %dma_start3A_1059 = tpu.memref_squeeze %dma_start3A_1058 : memref<1x8x128xf32, #tpu.memory_space<vmem>> -> memref<8x128xf32, #tpu.memory_space<vmem>>
      %dma_start3A_1060 = arith.constant 8 : i32
      %dma_start3A_1061 = tpu.memref_slice %arg3[%dma_start3A_1060, %multiple_of3A_1035] : memref<32x1000001xf32, #tpu.memory_space<hbm>> -> memref<8x128xf32, #tpu.memory_space<hbm>>
      tpu.enqueue_dma source(%dma_start3A_1061 : memref<8x128xf32, #tpu.memory_space<hbm>>) target(%dma_start3A_1059 : memref<8x128xf32, #tpu.memory_space<vmem>>) target_semaphore(%arg9 : memref<!tpu.dma_semaphore, #tpu.memory_space<semaphore_mem>>)
      %dma_start3A_1062 = arith.constant 3 : i32
      %dma_start3A_1063 = arith.constant 16 : i32
      %dma_start3A_1064 = arith.constant 0 : i32
      %dma_start3A_1065 = tpu.memref_slice %arg7[%dma_start3A_1062, %dma_start3A_1063, %dma_start3A_1064] : memref<16x32x128xf32, #tpu.memory_space<vmem>> -> memref<1x8x128xf32, #tpu.memory_space<vmem>>
      %dma_start3A_1066 = tpu.memref_squeeze %dma_start3A_1065 : memref<1x8x128xf32, #tpu.memory_space<vmem>> -> memref<8x128xf32, #tpu.memory_space<vmem>>
      %dma_start3A_1067 = arith.constant 16 : i32
      %dma_start3A_1068 = tpu.memref_slice %arg3[%dma_start3A_1067, %multiple_of3A_1035] : memref<32x1000001xf32, #tpu.memory_space<hbm>> -> memref<8x128xf32, #tpu.memory_space<hbm>>
      %dma_start3A_1069 = arith.constant 16 : i32
      %dma_start3A_1070 = arith.constant 0 : i32
      %dma_start3A_1071 = tpu.memref_slice %arg7[%dma_start3A_1062, %dma_start3A_1069, %dma_start3A_1070] : memref<16x32x128xf32, #tpu.memory_space<vmem>> -> memref<1x8x128xf32, #tpu.memory_space<vmem>>
      %dma_start3A_1072 = tpu.memref_squeeze %dma_start3A_1071 : memref<1x8x128xf32, #tpu.memory_space<vmem>> -> memref<8x128xf32, #tpu.memory_space<vmem>>
      %dma_start3A_1073 = arith.constant 16 : i32
      %dma_start3A_1074 = tpu.memref_slice %arg3[%dma_start3A_1073, %multiple_of3A_1035] : memref<32x1000001xf32, #tpu.memory_space<hbm>> -> memref<8x128xf32, #tpu.memory_space<hbm>>
      tpu.enqueue_dma source(%dma_start3A_1074 : memref<8x128xf32, #tpu.memory_space<hbm>>) target(%dma_start3A_1072 : memref<8x128xf32, #tpu.memory_space<vmem>>) target_semaphore(%arg9 : memref<!tpu.dma_semaphore, #tpu.memory_space<semaphore_mem>>)
      %dma_start3A_1075 = arith.constant 3 : i32
      %dma_start3A_1076 = arith.constant 24 : i32
      %dma_start3A_1077 = arith.constant 0 : i32
      %dma_start3A_1078 = tpu.memref_slice %arg7[%dma_start3A_1075, %dma_start3A_1076, %dma_start3A_1077] : memref<16x32x128xf32, #tpu.memory_space<vmem>> -> memref<1x8x128xf32, #tpu.memory_space<vmem>>
      %dma_start3A_1079 = tpu.memref_squeeze %dma_start3A_1078 : memref<1x8x128xf32, #tpu.memory_space<vmem>> -> memref<8x128xf32, #tpu.memory_space<vmem>>
      %dma_start3A_1080 = arith.constant 24 : i32
      %dma_start3A_1081 = tpu.memref_slice %arg3[%dma_start3A_1080, %multiple_of3A_1035] : memref<32x1000001xf32, #tpu.memory_space<hbm>> -> memref<8x128xf32, #tpu.memory_space<hbm>>
      %dma_start3A_1082 = arith.constant 24 : i32
      %dma_start3A_1083 = arith.constant 0 : i32
      %dma_start3A_1084 = tpu.memref_slice %arg7[%dma_start3A_1075, %dma_start3A_1082, %dma_start3A_1083] : memref<16x32x128xf32, #tpu.memory_space<vmem>> -> memref<1x8x128xf32, #tpu.memory_space<vmem>>
      %dma_start3A_1085 = tpu.memref_squeeze %dma_start3A_1084 : memref<1x8x128xf32, #tpu.memory_space<vmem>> -> memref<8x128xf32, #tpu.memory_space<vmem>>
      %dma_start3A_1086 = arith.constant 24 : i32
      %dma_start3A_1087 = tpu.memref_slice %arg3[%dma_start3A_1086, %multiple_of3A_1035] : memref<32x1000001xf32, #tpu.memory_space<hbm>> -> memref<8x128xf32, #tpu.memory_space<hbm>>
      tpu.enqueue_dma source(%dma_start3A_1087 : memref<8x128xf32, #tpu.memory_space<hbm>>) target(%dma_start3A_1085 : memref<8x128xf32, #tpu.memory_space<vmem>>) target_semaphore(%arg9 : memref<!tpu.dma_semaphore, #tpu.memory_space<semaphore_mem>>)
      %slice3A_1088 = vector.extract_strided_slice %get3A_772 {offsets = [4], sizes = [1], strides = [1]} : vector<16xi32> to vector<1xi32>
      %squeeze3A_1089 = vector.extract %slice3A_1088[0] : i32 from vector<1xi32>
      %jit3A_1090 = arith.constant 128 : i32
      %div3A_1091 = arith.divsi %squeeze3A_1089, %jit3A_1090 : i32
      %sign3A_1092 = arith.constant 0 : i32
      %sign3A_1093 = arith.cmpi sgt, %squeeze3A_1089, %sign3A_1092 : i32
      %sign3A_1094 = arith.extui %sign3A_1093 : i1 to i32
      %sign3A_1095 = arith.constant 0 : i32
      %sign3A_1096 = arith.cmpi slt, %squeeze3A_1089, %sign3A_1095 : i32
      %sign3A_1097 = arith.extui %sign3A_1096 : i1 to i32
      %sign3A_1098 = arith.subi %sign3A_1094, %sign3A_1097 : i32
      %sign3A_1099 = arith.constant 0 : i32
      %sign3A_1100 = arith.cmpi sgt, %jit3A_1090, %sign3A_1099 : i32
      %sign3A_1101 = arith.extui %sign3A_1100 : i1 to i32
      %sign3A_1102 = arith.constant 0 : i32
      %sign3A_1103 = arith.cmpi slt, %jit3A_1090, %sign3A_1102 : i32
      %sign3A_1104 = arith.extui %sign3A_1103 : i1 to i32
      %sign3A_1105 = arith.subi %sign3A_1101, %sign3A_1104 : i32
      %ne3A_1106 = arith.cmpi ne, %sign3A_1098, %sign3A_1105 : i32
      %rem3A_1107 = arith.remsi %squeeze3A_1089, %jit3A_1090 : i32
      %ne3A_1108 = arith.constant 0 : i32
      %ne3A_1109 = arith.cmpi ne, %rem3A_1107, %ne3A_1108 : i32
      %and3A_1110 = arith.andi %ne3A_1106, %ne3A_1109 : i1
      %sub3A_1111 = arith.constant 1 : i32
      %sub3A_1112 = arith.subi %div3A_1091, %sub3A_1111 : i32
      %select_n3A_1113 = arith.select %and3A_1110, %sub3A_1112, %div3A_1091 : i32
      %mul3A_1114 = arith.constant 128 : i32
      %mul3A_1115 = arith.muli %select_n3A_1113, %mul3A_1114 : i32
      %multiple_of3A_1116 = tpu.assume_multiple %mul3A_1115, 128 : i32
      %dma_start3A_1117 = arith.constant 4 : i32
      %dma_start3A_1118 = arith.constant 0 : i32
      %dma_start3A_1119 = arith.constant 0 : i32
      %dma_start3A_1120 = tpu.memref_slice %arg7[%dma_start3A_1117, %dma_start3A_1118, %dma_start3A_1119] : memref<16x32x128xf32, #tpu.memory_space<vmem>> -> memref<1x8x128xf32, #tpu.memory_space<vmem>>
      %dma_start3A_1121 = tpu.memref_squeeze %dma_start3A_1120 : memref<1x8x128xf32, #tpu.memory_space<vmem>> -> memref<8x128xf32, #tpu.memory_space<vmem>>
      %dma_start3A_1122 = arith.constant 0 : i32
      %dma_start3A_1123 = tpu.memref_slice %arg3[%dma_start3A_1122, %multiple_of3A_1116] : memref<32x1000001xf32, #tpu.memory_space<hbm>> -> memref<8x128xf32, #tpu.memory_space<hbm>>
      %dma_start3A_1124 = arith.constant 0 : i32
      %dma_start3A_1125 = arith.constant 0 : i32
      %dma_start3A_1126 = tpu.memref_slice %arg7[%dma_start3A_1117, %dma_start3A_1124, %dma_start3A_1125] : memref<16x32x128xf32, #tpu.memory_space<vmem>> -> memref<1x8x128xf32, #tpu.memory_space<vmem>>
      %dma_start3A_1127 = tpu.memref_squeeze %dma_start3A_1126 : memref<1x8x128xf32, #tpu.memory_space<vmem>> -> memref<8x128xf32, #tpu.memory_space<vmem>>
      %dma_start3A_1128 = arith.constant 0 : i32
      %dma_start3A_1129 = tpu.memref_slice %arg3[%dma_start3A_1128, %multiple_of3A_1116] : memref<32x1000001xf32, #tpu.memory_space<hbm>> -> memref<8x128xf32, #tpu.memory_space<hbm>>
      tpu.enqueue_dma source(%dma_start3A_1129 : memref<8x128xf32, #tpu.memory_space<hbm>>) target(%dma_start3A_1127 : memref<8x128xf32, #tpu.memory_space<vmem>>) target_semaphore(%arg9 : memref<!tpu.dma_semaphore, #tpu.memory_space<semaphore_mem>>)
      %dma_start3A_1130 = arith.constant 4 : i32
      %dma_start3A_1131 = arith.constant 8 : i32
      %dma_start3A_1132 = arith.constant 0 : i32
      %dma_start3A_1133 = tpu.memref_slice %arg7[%dma_start3A_1130, %dma_start3A_1131, %dma_start3A_1132] : memref<16x32x128xf32, #tpu.memory_space<vmem>> -> memref<1x8x128xf32, #tpu.memory_space<vmem>>
      %dma_start3A_1134 = tpu.memref_squeeze %dma_start3A_1133 : memref<1x8x128xf32, #tpu.memory_space<vmem>> -> memref<8x128xf32, #tpu.memory_space<vmem>>
      %dma_start3A_1135 = arith.constant 8 : i32
      %dma_start3A_1136 = tpu.memref_slice %arg3[%dma_start3A_1135, %multiple_of3A_1116] : memref<32x1000001xf32, #tpu.memory_space<hbm>> -> memref<8x128xf32, #tpu.memory_space<hbm>>
      %dma_start3A_1137 = arith.constant 8 : i32
      %dma_start3A_1138 = arith.constant 0 : i32
      %dma_start3A_1139 = tpu.memref_slice %arg7[%dma_start3A_1130, %dma_start3A_1137, %dma_start3A_1138] : memref<16x32x128xf32, #tpu.memory_space<vmem>> -> memref<1x8x128xf32, #tpu.memory_space<vmem>>
      %dma_start3A_1140 = tpu.memref_squeeze %dma_start3A_1139 : memref<1x8x128xf32, #tpu.memory_space<vmem>> -> memref<8x128xf32, #tpu.memory_space<vmem>>
      %dma_start3A_1141 = arith.constant 8 : i32
      %dma_start3A_1142 = tpu.memref_slice %arg3[%dma_start3A_1141, %multiple_of3A_1116] : memref<32x1000001xf32, #tpu.memory_space<hbm>> -> memref<8x128xf32, #tpu.memory_space<hbm>>
      tpu.enqueue_dma source(%dma_start3A_1142 : memref<8x128xf32, #tpu.memory_space<hbm>>) target(%dma_start3A_1140 : memref<8x128xf32, #tpu.memory_space<vmem>>) target_semaphore(%arg9 : memref<!tpu.dma_semaphore, #tpu.memory_space<semaphore_mem>>)
      %dma_start3A_1143 = arith.constant 4 : i32
      %dma_start3A_1144 = arith.constant 16 : i32
      %dma_start3A_1145 = arith.constant 0 : i32
      %dma_start3A_1146 = tpu.memref_slice %arg7[%dma_start3A_1143, %dma_start3A_1144, %dma_start3A_1145] : memref<16x32x128xf32, #tpu.memory_space<vmem>> -> memref<1x8x128xf32, #tpu.memory_space<vmem>>
      %dma_start3A_1147 = tpu.memref_squeeze %dma_start3A_1146 : memref<1x8x128xf32, #tpu.memory_space<vmem>> -> memref<8x128xf32, #tpu.memory_space<vmem>>
      %dma_start3A_1148 = arith.constant 16 : i32
      %dma_start3A_1149 = tpu.memref_slice %arg3[%dma_start3A_1148, %multiple_of3A_1116] : memref<32x1000001xf32, #tpu.memory_space<hbm>> -> memref<8x128xf32, #tpu.memory_space<hbm>>
      %dma_start3A_1150 = arith.constant 16 : i32
      %dma_start3A_1151 = arith.constant 0 : i32
      %dma_start3A_1152 = tpu.memref_slice %arg7[%dma_start3A_1143, %dma_start3A_1150, %dma_start3A_1151] : memref<16x32x128xf32, #tpu.memory_space<vmem>> -> memref<1x8x128xf32, #tpu.memory_space<vmem>>
      %dma_start3A_1153 = tpu.memref_squeeze %dma_start3A_1152 : memref<1x8x128xf32, #tpu.memory_space<vmem>> -> memref<8x128xf32, #tpu.memory_space<vmem>>
      %dma_start3A_1154 = arith.constant 16 : i32
      %dma_start3A_1155 = tpu.memref_slice %arg3[%dma_start3A_1154, %multiple_of3A_1116] : memref<32x1000001xf32, #tpu.memory_space<hbm>> -> memref<8x128xf32, #tpu.memory_space<hbm>>
      tpu.enqueue_dma source(%dma_start3A_1155 : memref<8x128xf32, #tpu.memory_space<hbm>>) target(%dma_start3A_1153 : memref<8x128xf32, #tpu.memory_space<vmem>>) target_semaphore(%arg9 : memref<!tpu.dma_semaphore, #tpu.memory_space<semaphore_mem>>)
      %dma_start3A_1156 = arith.constant 4 : i32
      %dma_start3A_1157 = arith.constant 24 : i32
      %dma_start3A_1158 = arith.constant 0 : i32
      %dma_start3A_1159 = tpu.memref_slice %arg7[%dma_start3A_1156, %dma_start3A_1157, %dma_start3A_1158] : memref<16x32x128xf32, #tpu.memory_space<vmem>> -> memref<1x8x128xf32, #tpu.memory_space<vmem>>
      %dma_start3A_1160 = tpu.memref_squeeze %dma_start3A_1159 : memref<1x8x128xf32, #tpu.memory_space<vmem>> -> memref<8x128xf32, #tpu.memory_space<vmem>>
      %dma_start3A_1161 = arith.constant 24 : i32
      %dma_start3A_1162 = tpu.memref_slice %arg3[%dma_start3A_1161, %multiple_of3A_1116] : memref<32x1000001xf32, #tpu.memory_space<hbm>> -> memref<8x128xf32, #tpu.memory_space<hbm>>
      %dma_start3A_1163 = arith.constant 24 : i32
      %dma_start3A_1164 = arith.constant 0 : i32
      %dma_start3A_1165 = tpu.memref_slice %arg7[%dma_start3A_1156, %dma_start3A_1163, %dma_start3A_1164] : memref<16x32x128xf32, #tpu.memory_space<vmem>> -> memref<1x8x128xf32, #tpu.memory_space<vmem>>
      %dma_start3A_1166 = tpu.memref_squeeze %dma_start3A_1165 : memref<1x8x128xf32, #tpu.memory_space<vmem>> -> memref<8x128xf32, #tpu.memory_space<vmem>>
      %dma_start3A_1167 = arith.constant 24 : i32
      %dma_start3A_1168 = tpu.memref_slice %arg3[%dma_start3A_1167, %multiple_of3A_1116] : memref<32x1000001xf32, #tpu.memory_space<hbm>> -> memref<8x128xf32, #tpu.memory_space<hbm>>
      tpu.enqueue_dma source(%dma_start3A_1168 : memref<8x128xf32, #tpu.memory_space<hbm>>) target(%dma_start3A_1166 : memref<8x128xf32, #tpu.memory_space<vmem>>) target_semaphore(%arg9 : memref<!tpu.dma_semaphore, #tpu.memory_space<semaphore_mem>>)
      %slice3A_1169 = vector.extract_strided_slice %get3A_772 {offsets = [5], sizes = [1], strides = [1]} : vector<16xi32> to vector<1xi32>
      %squeeze3A_1170 = vector.extract %slice3A_1169[0] : i32 from vector<1xi32>
      %jit3A_1171 = arith.constant 128 : i32
      %div3A_1172 = arith.divsi %squeeze3A_1170, %jit3A_1171 : i32
      %sign3A_1173 = arith.constant 0 : i32
      %sign3A_1174 = arith.cmpi sgt, %squeeze3A_1170, %sign3A_1173 : i32
      %sign3A_1175 = arith.extui %sign3A_1174 : i1 to i32
      %sign3A_1176 = arith.constant 0 : i32
      %sign3A_1177 = arith.cmpi slt, %squeeze3A_1170, %sign3A_1176 : i32
      %sign3A_1178 = arith.extui %sign3A_1177 : i1 to i32
      %sign3A_1179 = arith.subi %sign3A_1175, %sign3A_1178 : i32
      %sign3A_1180 = arith.constant 0 : i32
      %sign3A_1181 = arith.cmpi sgt, %jit3A_1171, %sign3A_1180 : i32
      %sign3A_1182 = arith.extui %sign3A_1181 : i1 to i32
      %sign3A_1183 = arith.constant 0 : i32
      %sign3A_1184 = arith.cmpi slt, %jit3A_1171, %sign3A_1183 : i32
      %sign3A_1185 = arith.extui %sign3A_1184 : i1 to i32
      %sign3A_1186 = arith.subi %sign3A_1182, %sign3A_1185 : i32
      %ne3A_1187 = arith.cmpi ne, %sign3A_1179, %sign3A_1186 : i32
      %rem3A_1188 = arith.remsi %squeeze3A_1170, %jit3A_1171 : i32
      %ne3A_1189 = arith.constant 0 : i32
      %ne3A_1190 = arith.cmpi ne, %rem3A_1188, %ne3A_1189 : i32
      %and3A_1191 = arith.andi %ne3A_1187, %ne3A_1190 : i1
      %sub3A_1192 = arith.constant 1 : i32
      %sub3A_1193 = arith.subi %div3A_1172, %sub3A_1192 : i32
      %select_n3A_1194 = arith.select %and3A_1191, %sub3A_1193, %div3A_1172 : i32
      %mul3A_1195 = arith.constant 128 : i32
      %mul3A_1196 = arith.muli %select_n3A_1194, %mul3A_1195 : i32
      %multiple_of3A_1197 = tpu.assume_multiple %mul3A_1196, 128 : i32
      %dma_start3A_1198 = arith.constant 5 : i32
      %dma_start3A_1199 = arith.constant 0 : i32
      %dma_start3A_1200 = arith.constant 0 : i32
      %dma_start3A_1201 = tpu.memref_slice %arg7[%dma_start3A_1198, %dma_start3A_1199, %dma_start3A_1200] : memref<16x32x128xf32, #tpu.memory_space<vmem>> -> memref<1x8x128xf32, #tpu.memory_space<vmem>>
      %dma_start3A_1202 = tpu.memref_squeeze %dma_start3A_1201 : memref<1x8x128xf32, #tpu.memory_space<vmem>> -> memref<8x128xf32, #tpu.memory_space<vmem>>
      %dma_start3A_1203 = arith.constant 0 : i32
      %dma_start3A_1204 = tpu.memref_slice %arg3[%dma_start3A_1203, %multiple_of3A_1197] : memref<32x1000001xf32, #tpu.memory_space<hbm>> -> memref<8x128xf32, #tpu.memory_space<hbm>>
      %dma_start3A_1205 = arith.constant 0 : i32
      %dma_start3A_1206 = arith.constant 0 : i32
      %dma_start3A_1207 = tpu.memref_slice %arg7[%dma_start3A_1198, %dma_start3A_1205, %dma_start3A_1206] : memref<16x32x128xf32, #tpu.memory_space<vmem>> -> memref<1x8x128xf32, #tpu.memory_space<vmem>>
      %dma_start3A_1208 = tpu.memref_squeeze %dma_start3A_1207 : memref<1x8x128xf32, #tpu.memory_space<vmem>> -> memref<8x128xf32, #tpu.memory_space<vmem>>
      %dma_start3A_1209 = arith.constant 0 : i32
      %dma_start3A_1210 = tpu.memref_slice %arg3[%dma_start3A_1209, %multiple_of3A_1197] : memref<32x1000001xf32, #tpu.memory_space<hbm>> -> memref<8x128xf32, #tpu.memory_space<hbm>>
      tpu.enqueue_dma source(%dma_start3A_1210 : memref<8x128xf32, #tpu.memory_space<hbm>>) target(%dma_start3A_1208 : memref<8x128xf32, #tpu.memory_space<vmem>>) target_semaphore(%arg9 : memref<!tpu.dma_semaphore, #tpu.memory_space<semaphore_mem>>)
      %dma_start3A_1211 = arith.constant 5 : i32
      %dma_start3A_1212 = arith.constant 8 : i32
      %dma_start3A_1213 = arith.constant 0 : i32
      %dma_start3A_1214 = tpu.memref_slice %arg7[%dma_start3A_1211, %dma_start3A_1212, %dma_start3A_1213] : memref<16x32x128xf32, #tpu.memory_space<vmem>> -> memref<1x8x128xf32, #tpu.memory_space<vmem>>
      %dma_start3A_1215 = tpu.memref_squeeze %dma_start3A_1214 : memref<1x8x128xf32, #tpu.memory_space<vmem>> -> memref<8x128xf32, #tpu.memory_space<vmem>>
      %dma_start3A_1216 = arith.constant 8 : i32
      %dma_start3A_1217 = tpu.memref_slice %arg3[%dma_start3A_1216, %multiple_of3A_1197] : memref<32x1000001xf32, #tpu.memory_space<hbm>> -> memref<8x128xf32, #tpu.memory_space<hbm>>
      %dma_start3A_1218 = arith.constant 8 : i32
      %dma_start3A_1219 = arith.constant 0 : i32
      %dma_start3A_1220 = tpu.memref_slice %arg7[%dma_start3A_1211, %dma_start3A_1218, %dma_start3A_1219] : memref<16x32x128xf32, #tpu.memory_space<vmem>> -> memref<1x8x128xf32, #tpu.memory_space<vmem>>
      %dma_start3A_1221 = tpu.memref_squeeze %dma_start3A_1220 : memref<1x8x128xf32, #tpu.memory_space<vmem>> -> memref<8x128xf32, #tpu.memory_space<vmem>>
      %dma_start3A_1222 = arith.constant 8 : i32
      %dma_start3A_1223 = tpu.memref_slice %arg3[%dma_start3A_1222, %multiple_of3A_1197] : memref<32x1000001xf32, #tpu.memory_space<hbm>> -> memref<8x128xf32, #tpu.memory_space<hbm>>
      tpu.enqueue_dma source(%dma_start3A_1223 : memref<8x128xf32, #tpu.memory_space<hbm>>) target(%dma_start3A_1221 : memref<8x128xf32, #tpu.memory_space<vmem>>) target_semaphore(%arg9 : memref<!tpu.dma_semaphore, #tpu.memory_space<semaphore_mem>>)
      %dma_start3A_1224 = arith.constant 5 : i32
      %dma_start3A_1225 = arith.constant 16 : i32
      %dma_start3A_1226 = arith.constant 0 : i32
      %dma_start3A_1227 = tpu.memref_slice %arg7[%dma_start3A_1224, %dma_start3A_1225, %dma_start3A_1226] : memref<16x32x128xf32, #tpu.memory_space<vmem>> -> memref<1x8x128xf32, #tpu.memory_space<vmem>>
      %dma_start3A_1228 = tpu.memref_squeeze %dma_start3A_1227 : memref<1x8x128xf32, #tpu.memory_space<vmem>> -> memref<8x128xf32, #tpu.memory_space<vmem>>
      %dma_start3A_1229 = arith.constant 16 : i32
      %dma_start3A_1230 = tpu.memref_slice %arg3[%dma_start3A_1229, %multiple_of3A_1197] : memref<32x1000001xf32, #tpu.memory_space<hbm>> -> memref<8x128xf32, #tpu.memory_space<hbm>>
      %dma_start3A_1231 = arith.constant 16 : i32
      %dma_start3A_1232 = arith.constant 0 : i32
      %dma_start3A_1233 = tpu.memref_slice %arg7[%dma_start3A_1224, %dma_start3A_1231, %dma_start3A_1232] : memref<16x32x128xf32, #tpu.memory_space<vmem>> -> memref<1x8x128xf32, #tpu.memory_space<vmem>>
      %dma_start3A_1234 = tpu.memref_squeeze %dma_start3A_1233 : memref<1x8x128xf32, #tpu.memory_space<vmem>> -> memref<8x128xf32, #tpu.memory_space<vmem>>
      %dma_start3A_1235 = arith.constant 16 : i32
      %dma_start3A_1236 = tpu.memref_slice %arg3[%dma_start3A_1235, %multiple_of3A_1197] : memref<32x1000001xf32, #tpu.memory_space<hbm>> -> memref<8x128xf32, #tpu.memory_space<hbm>>
      tpu.enqueue_dma source(%dma_start3A_1236 : memref<8x128xf32, #tpu.memory_space<hbm>>) target(%dma_start3A_1234 : memref<8x128xf32, #tpu.memory_space<vmem>>) target_semaphore(%arg9 : memref<!tpu.dma_semaphore, #tpu.memory_space<semaphore_mem>>)
      %dma_start3A_1237 = arith.constant 5 : i32
      %dma_start3A_1238 = arith.constant 24 : i32
      %dma_start3A_1239 = arith.constant 0 : i32
      %dma_start3A_1240 = tpu.memref_slice %arg7[%dma_start3A_1237, %dma_start3A_1238, %dma_start3A_1239] : memref<16x32x128xf32, #tpu.memory_space<vmem>> -> memref<1x8x128xf32, #tpu.memory_space<vmem>>
      %dma_start3A_1241 = tpu.memref_squeeze %dma_start3A_1240 : memref<1x8x128xf32, #tpu.memory_space<vmem>> -> memref<8x128xf32, #tpu.memory_space<vmem>>
      %dma_start3A_1242 = arith.constant 24 : i32
      %dma_start3A_1243 = tpu.memref_slice %arg3[%dma_start3A_1242, %multiple_of3A_1197] : memref<32x1000001xf32, #tpu.memory_space<hbm>> -> memref<8x128xf32, #tpu.memory_space<hbm>>
      %dma_start3A_1244 = arith.constant 24 : i32
      %dma_start3A_1245 = arith.constant 0 : i32
      %dma_start3A_1246 = tpu.memref_slice %arg7[%dma_start3A_1237, %dma_start3A_1244, %dma_start3A_1245] : memref<16x32x128xf32, #tpu.memory_space<vmem>> -> memref<1x8x128xf32, #tpu.memory_space<vmem>>
      %dma_start3A_1247 = tpu.memref_squeeze %dma_start3A_1246 : memref<1x8x128xf32, #tpu.memory_space<vmem>> -> memref<8x128xf32, #tpu.memory_space<vmem>>
      %dma_start3A_1248 = arith.constant 24 : i32
      %dma_start3A_1249 = tpu.memref_slice %arg3[%dma_start3A_1248, %multiple_of3A_1197] : memref<32x1000001xf32, #tpu.memory_space<hbm>> -> memref<8x128xf32, #tpu.memory_space<hbm>>
      tpu.enqueue_dma source(%dma_start3A_1249 : memref<8x128xf32, #tpu.memory_space<hbm>>) target(%dma_start3A_1247 : memref<8x128xf32, #tpu.memory_space<vmem>>) target_semaphore(%arg9 : memref<!tpu.dma_semaphore, #tpu.memory_space<semaphore_mem>>)
      %slice3A_1250 = vector.extract_strided_slice %get3A_772 {offsets = [6], sizes = [1], strides = [1]} : vector<16xi32> to vector<1xi32>
      %squeeze3A_1251 = vector.extract %slice3A_1250[0] : i32 from vector<1xi32>
      %jit3A_1252 = arith.constant 128 : i32
      %div3A_1253 = arith.divsi %squeeze3A_1251, %jit3A_1252 : i32
      %sign3A_1254 = arith.constant 0 : i32
      %sign3A_1255 = arith.cmpi sgt, %squeeze3A_1251, %sign3A_1254 : i32
      %sign3A_1256 = arith.extui %sign3A_1255 : i1 to i32
      %sign3A_1257 = arith.constant 0 : i32
      %sign3A_1258 = arith.cmpi slt, %squeeze3A_1251, %sign3A_1257 : i32
      %sign3A_1259 = arith.extui %sign3A_1258 : i1 to i32
      %sign3A_1260 = arith.subi %sign3A_1256, %sign3A_1259 : i32
      %sign3A_1261 = arith.constant 0 : i32
      %sign3A_1262 = arith.cmpi sgt, %jit3A_1252, %sign3A_1261 : i32
      %sign3A_1263 = arith.extui %sign3A_1262 : i1 to i32
      %sign3A_1264 = arith.constant 0 : i32
      %sign3A_1265 = arith.cmpi slt, %jit3A_1252, %sign3A_1264 : i32
      %sign3A_1266 = arith.extui %sign3A_1265 : i1 to i32
      %sign3A_1267 = arith.subi %sign3A_1263, %sign3A_1266 : i32
      %ne3A_1268 = arith.cmpi ne, %sign3A_1260, %sign3A_1267 : i32
      %rem3A_1269 = arith.remsi %squeeze3A_1251, %jit3A_1252 : i32
      %ne3A_1270 = arith.constant 0 : i32
      %ne3A_1271 = arith.cmpi ne, %rem3A_1269, %ne3A_1270 : i32
      %and3A_1272 = arith.andi %ne3A_1268, %ne3A_1271 : i1
      %sub3A_1273 = arith.constant 1 : i32
      %sub3A_1274 = arith.subi %div3A_1253, %sub3A_1273 : i32
      %select_n3A_1275 = arith.select %and3A_1272, %sub3A_1274, %div3A_1253 : i32
      %mul3A_1276 = arith.constant 128 : i32
      %mul3A_1277 = arith.muli %select_n3A_1275, %mul3A_1276 : i32
      %multiple_of3A_1278 = tpu.assume_multiple %mul3A_1277, 128 : i32
      %dma_start3A_1279 = arith.constant 6 : i32
      %dma_start3A_1280 = arith.constant 0 : i32
      %dma_start3A_1281 = arith.constant 0 : i32
      %dma_start3A_1282 = tpu.memref_slice %arg7[%dma_start3A_1279, %dma_start3A_1280, %dma_start3A_1281] : memref<16x32x128xf32, #tpu.memory_space<vmem>> -> memref<1x8x128xf32, #tpu.memory_space<vmem>>
      %dma_start3A_1283 = tpu.memref_squeeze %dma_start3A_1282 : memref<1x8x128xf32, #tpu.memory_space<vmem>> -> memref<8x128xf32, #tpu.memory_space<vmem>>
      %dma_start3A_1284 = arith.constant 0 : i32
      %dma_start3A_1285 = tpu.memref_slice %arg3[%dma_start3A_1284, %multiple_of3A_1278] : memref<32x1000001xf32, #tpu.memory_space<hbm>> -> memref<8x128xf32, #tpu.memory_space<hbm>>
      %dma_start3A_1286 = arith.constant 0 : i32
      %dma_start3A_1287 = arith.constant 0 : i32
      %dma_start3A_1288 = tpu.memref_slice %arg7[%dma_start3A_1279, %dma_start3A_1286, %dma_start3A_1287] : memref<16x32x128xf32, #tpu.memory_space<vmem>> -> memref<1x8x128xf32, #tpu.memory_space<vmem>>
      %dma_start3A_1289 = tpu.memref_squeeze %dma_start3A_1288 : memref<1x8x128xf32, #tpu.memory_space<vmem>> -> memref<8x128xf32, #tpu.memory_space<vmem>>
      %dma_start3A_1290 = arith.constant 0 : i32
      %dma_start3A_1291 = tpu.memref_slice %arg3[%dma_start3A_1290, %multiple_of3A_1278] : memref<32x1000001xf32, #tpu.memory_space<hbm>> -> memref<8x128xf32, #tpu.memory_space<hbm>>
      tpu.enqueue_dma source(%dma_start3A_1291 : memref<8x128xf32, #tpu.memory_space<hbm>>) target(%dma_start3A_1289 : memref<8x128xf32, #tpu.memory_space<vmem>>) target_semaphore(%arg9 : memref<!tpu.dma_semaphore, #tpu.memory_space<semaphore_mem>>)
      %dma_start3A_1292 = arith.constant 6 : i32
      %dma_start3A_1293 = arith.constant 8 : i32
      %dma_start3A_1294 = arith.constant 0 : i32
      %dma_start3A_1295 = tpu.memref_slice %arg7[%dma_start3A_1292, %dma_start3A_1293, %dma_start3A_1294] : memref<16x32x128xf32, #tpu.memory_space<vmem>> -> memref<1x8x128xf32, #tpu.memory_space<vmem>>
      %dma_start3A_1296 = tpu.memref_squeeze %dma_start3A_1295 : memref<1x8x128xf32, #tpu.memory_space<vmem>> -> memref<8x128xf32, #tpu.memory_space<vmem>>
      %dma_start3A_1297 = arith.constant 8 : i32
      %dma_start3A_1298 = tpu.memref_slice %arg3[%dma_start3A_1297, %multiple_of3A_1278] : memref<32x1000001xf32, #tpu.memory_space<hbm>> -> memref<8x128xf32, #tpu.memory_space<hbm>>
      %dma_start3A_1299 = arith.constant 8 : i32
      %dma_start3A_1300 = arith.constant 0 : i32
      %dma_start3A_1301 = tpu.memref_slice %arg7[%dma_start3A_1292, %dma_start3A_1299, %dma_start3A_1300] : memref<16x32x128xf32, #tpu.memory_space<vmem>> -> memref<1x8x128xf32, #tpu.memory_space<vmem>>
      %dma_start3A_1302 = tpu.memref_squeeze %dma_start3A_1301 : memref<1x8x128xf32, #tpu.memory_space<vmem>> -> memref<8x128xf32, #tpu.memory_space<vmem>>
      %dma_start3A_1303 = arith.constant 8 : i32
      %dma_start3A_1304 = tpu.memref_slice %arg3[%dma_start3A_1303, %multiple_of3A_1278] : memref<32x1000001xf32, #tpu.memory_space<hbm>> -> memref<8x128xf32, #tpu.memory_space<hbm>>
      tpu.enqueue_dma source(%dma_start3A_1304 : memref<8x128xf32, #tpu.memory_space<hbm>>) target(%dma_start3A_1302 : memref<8x128xf32, #tpu.memory_space<vmem>>) target_semaphore(%arg9 : memref<!tpu.dma_semaphore, #tpu.memory_space<semaphore_mem>>)
      %dma_start3A_1305 = arith.constant 6 : i32
      %dma_start3A_1306 = arith.constant 16 : i32
      %dma_start3A_1307 = arith.constant 0 : i32
      %dma_start3A_1308 = tpu.memref_slice %arg7[%dma_start3A_1305, %dma_start3A_1306, %dma_start3A_1307] : memref<16x32x128xf32, #tpu.memory_space<vmem>> -> memref<1x8x128xf32, #tpu.memory_space<vmem>>
      %dma_start3A_1309 = tpu.memref_squeeze %dma_start3A_1308 : memref<1x8x128xf32, #tpu.memory_space<vmem>> -> memref<8x128xf32, #tpu.memory_space<vmem>>
      %dma_start3A_1310 = arith.constant 16 : i32
      %dma_start3A_1311 = tpu.memref_slice %arg3[%dma_start3A_1310, %multiple_of3A_1278] : memref<32x1000001xf32, #tpu.memory_space<hbm>> -> memref<8x128xf32, #tpu.memory_space<hbm>>
      %dma_start3A_1312 = arith.constant 16 : i32
      %dma_start3A_1313 = arith.constant 0 : i32
      %dma_start3A_1314 = tpu.memref_slice %arg7[%dma_start3A_1305, %dma_start3A_1312, %dma_start3A_1313] : memref<16x32x128xf32, #tpu.memory_space<vmem>> -> memref<1x8x128xf32, #tpu.memory_space<vmem>>
      %dma_start3A_1315 = tpu.memref_squeeze %dma_start3A_1314 : memref<1x8x128xf32, #tpu.memory_space<vmem>> -> memref<8x128xf32, #tpu.memory_space<vmem>>
      %dma_start3A_1316 = arith.constant 16 : i32
      %dma_start3A_1317 = tpu.memref_slice %arg3[%dma_start3A_1316, %multiple_of3A_1278] : memref<32x1000001xf32, #tpu.memory_space<hbm>> -> memref<8x128xf32, #tpu.memory_space<hbm>>
      tpu.enqueue_dma source(%dma_start3A_1317 : memref<8x128xf32, #tpu.memory_space<hbm>>) target(%dma_start3A_1315 : memref<8x128xf32, #tpu.memory_space<vmem>>) target_semaphore(%arg9 : memref<!tpu.dma_semaphore, #tpu.memory_space<semaphore_mem>>)
      %dma_start3A_1318 = arith.constant 6 : i32
      %dma_start3A_1319 = arith.constant 24 : i32
      %dma_start3A_1320 = arith.constant 0 : i32
      %dma_start3A_1321 = tpu.memref_slice %arg7[%dma_start3A_1318, %dma_start3A_1319, %dma_start3A_1320] : memref<16x32x128xf32, #tpu.memory_space<vmem>> -> memref<1x8x128xf32, #tpu.memory_space<vmem>>
      %dma_start3A_1322 = tpu.memref_squeeze %dma_start3A_1321 : memref<1x8x128xf32, #tpu.memory_space<vmem>> -> memref<8x128xf32, #tpu.memory_space<vmem>>
      %dma_start3A_1323 = arith.constant 24 : i32
      %dma_start3A_1324 = tpu.memref_slice %arg3[%dma_start3A_1323, %multiple_of3A_1278] : memref<32x1000001xf32, #tpu.memory_space<hbm>> -> memref<8x128xf32, #tpu.memory_space<hbm>>
      %dma_start3A_1325 = arith.constant 24 : i32
      %dma_start3A_1326 = arith.constant 0 : i32
      %dma_start3A_1327 = tpu.memref_slice %arg7[%dma_start3A_1318, %dma_start3A_1325, %dma_start3A_1326] : memref<16x32x128xf32, #tpu.memory_space<vmem>> -> memref<1x8x128xf32, #tpu.memory_space<vmem>>
      %dma_start3A_1328 = tpu.memref_squeeze %dma_start3A_1327 : memref<1x8x128xf32, #tpu.memory_space<vmem>> -> memref<8x128xf32, #tpu.memory_space<vmem>>
      %dma_start3A_1329 = arith.constant 24 : i32
      %dma_start3A_1330 = tpu.memref_slice %arg3[%dma_start3A_1329, %multiple_of3A_1278] : memref<32x1000001xf32, #tpu.memory_space<hbm>> -> memref<8x128xf32, #tpu.memory_space<hbm>>
      tpu.enqueue_dma source(%dma_start3A_1330 : memref<8x128xf32, #tpu.memory_space<hbm>>) target(%dma_start3A_1328 : memref<8x128xf32, #tpu.memory_space<vmem>>) target_semaphore(%arg9 : memref<!tpu.dma_semaphore, #tpu.memory_space<semaphore_mem>>)
      %slice3A_1331 = vector.extract_strided_slice %get3A_772 {offsets = [7], sizes = [1], strides = [1]} : vector<16xi32> to vector<1xi32>
      %squeeze3A_1332 = vector.extract %slice3A_1331[0] : i32 from vector<1xi32>
      %jit3A_1333 = arith.constant 128 : i32
      %div3A_1334 = arith.divsi %squeeze3A_1332, %jit3A_1333 : i32
      %sign3A_1335 = arith.constant 0 : i32
      %sign3A_1336 = arith.cmpi sgt, %squeeze3A_1332, %sign3A_1335 : i32
      %sign3A_1337 = arith.extui %sign3A_1336 : i1 to i32
      %sign3A_1338 = arith.constant 0 : i32
      %sign3A_1339 = arith.cmpi slt, %squeeze3A_1332, %sign3A_1338 : i32
      %sign3A_1340 = arith.extui %sign3A_1339 : i1 to i32
      %sign3A_1341 = arith.subi %sign3A_1337, %sign3A_1340 : i32
      %sign3A_1342 = arith.constant 0 : i32
      %sign3A_1343 = arith.cmpi sgt, %jit3A_1333, %sign3A_1342 : i32
      %sign3A_1344 = arith.extui %sign3A_1343 : i1 to i32
      %sign3A_1345 = arith.constant 0 : i32
      %sign3A_1346 = arith.cmpi slt, %jit3A_1333, %sign3A_1345 : i32
      %sign3A_1347 = arith.extui %sign3A_1346 : i1 to i32
      %sign3A_1348 = arith.subi %sign3A_1344, %sign3A_1347 : i32
      %ne3A_1349 = arith.cmpi ne, %sign3A_1341, %sign3A_1348 : i32
      %rem3A_1350 = arith.remsi %squeeze3A_1332, %jit3A_1333 : i32
      %ne3A_1351 = arith.constant 0 : i32
      %ne3A_1352 = arith.cmpi ne, %rem3A_1350, %ne3A_1351 : i32
      %and3A_1353 = arith.andi %ne3A_1349, %ne3A_1352 : i1
      %sub3A_1354 = arith.constant 1 : i32
      %sub3A_1355 = arith.subi %div3A_1334, %sub3A_1354 : i32
      %select_n3A_1356 = arith.select %and3A_1353, %sub3A_1355, %div3A_1334 : i32
      %mul3A_1357 = arith.constant 128 : i32
      %mul3A_1358 = arith.muli %select_n3A_1356, %mul3A_1357 : i32
      %multiple_of3A_1359 = tpu.assume_multiple %mul3A_1358, 128 : i32
      %dma_start3A_1360 = arith.constant 7 : i32
      %dma_start3A_1361 = arith.constant 0 : i32
      %dma_start3A_1362 = arith.constant 0 : i32
      %dma_start3A_1363 = tpu.memref_slice %arg7[%dma_start3A_1360, %dma_start3A_1361, %dma_start3A_1362] : memref<16x32x128xf32, #tpu.memory_space<vmem>> -> memref<1x8x128xf32, #tpu.memory_space<vmem>>
      %dma_start3A_1364 = tpu.memref_squeeze %dma_start3A_1363 : memref<1x8x128xf32, #tpu.memory_space<vmem>> -> memref<8x128xf32, #tpu.memory_space<vmem>>
      %dma_start3A_1365 = arith.constant 0 : i32
      %dma_start3A_1366 = tpu.memref_slice %arg3[%dma_start3A_1365, %multiple_of3A_1359] : memref<32x1000001xf32, #tpu.memory_space<hbm>> -> memref<8x128xf32, #tpu.memory_space<hbm>>
      %dma_start3A_1367 = arith.constant 0 : i32
      %dma_start3A_1368 = arith.constant 0 : i32
      %dma_start3A_1369 = tpu.memref_slice %arg7[%dma_start3A_1360, %dma_start3A_1367, %dma_start3A_1368] : memref<16x32x128xf32, #tpu.memory_space<vmem>> -> memref<1x8x128xf32, #tpu.memory_space<vmem>>
      %dma_start3A_1370 = tpu.memref_squeeze %dma_start3A_1369 : memref<1x8x128xf32, #tpu.memory_space<vmem>> -> memref<8x128xf32, #tpu.memory_space<vmem>>
      %dma_start3A_1371 = arith.constant 0 : i32
      %dma_start3A_1372 = tpu.memref_slice %arg3[%dma_start3A_1371, %multiple_of3A_1359] : memref<32x1000001xf32, #tpu.memory_space<hbm>> -> memref<8x128xf32, #tpu.memory_space<hbm>>
      tpu.enqueue_dma source(%dma_start3A_1372 : memref<8x128xf32, #tpu.memory_space<hbm>>) target(%dma_start3A_1370 : memref<8x128xf32, #tpu.memory_space<vmem>>) target_semaphore(%arg9 : memref<!tpu.dma_semaphore, #tpu.memory_space<semaphore_mem>>)
      %dma_start3A_1373 = arith.constant 7 : i32
      %dma_start3A_1374 = arith.constant 8 : i32
      %dma_start3A_1375 = arith.constant 0 : i32
      %dma_start3A_1376 = tpu.memref_slice %arg7[%dma_start3A_1373, %dma_start3A_1374, %dma_start3A_1375] : memref<16x32x128xf32, #tpu.memory_space<vmem>> -> memref<1x8x128xf32, #tpu.memory_space<vmem>>
      %dma_start3A_1377 = tpu.memref_squeeze %dma_start3A_1376 : memref<1x8x128xf32, #tpu.memory_space<vmem>> -> memref<8x128xf32, #tpu.memory_space<vmem>>
      %dma_start3A_1378 = arith.constant 8 : i32
      %dma_start3A_1379 = tpu.memref_slice %arg3[%dma_start3A_1378, %multiple_of3A_1359] : memref<32x1000001xf32, #tpu.memory_space<hbm>> -> memref<8x128xf32, #tpu.memory_space<hbm>>
      %dma_start3A_1380 = arith.constant 8 : i32
      %dma_start3A_1381 = arith.constant 0 : i32
      %dma_start3A_1382 = tpu.memref_slice %arg7[%dma_start3A_1373, %dma_start3A_1380, %dma_start3A_1381] : memref<16x32x128xf32, #tpu.memory_space<vmem>> -> memref<1x8x128xf32, #tpu.memory_space<vmem>>
      %dma_start3A_1383 = tpu.memref_squeeze %dma_start3A_1382 : memref<1x8x128xf32, #tpu.memory_space<vmem>> -> memref<8x128xf32, #tpu.memory_space<vmem>>
      %dma_start3A_1384 = arith.constant 8 : i32
      %dma_start3A_1385 = tpu.memref_slice %arg3[%dma_start3A_1384, %multiple_of3A_1359] : memref<32x1000001xf32, #tpu.memory_space<hbm>> -> memref<8x128xf32, #tpu.memory_space<hbm>>
      tpu.enqueue_dma source(%dma_start3A_1385 : memref<8x128xf32, #tpu.memory_space<hbm>>) target(%dma_start3A_1383 : memref<8x128xf32, #tpu.memory_space<vmem>>) target_semaphore(%arg9 : memref<!tpu.dma_semaphore, #tpu.memory_space<semaphore_mem>>)
      %dma_start3A_1386 = arith.constant 7 : i32
      %dma_start3A_1387 = arith.constant 16 : i32
      %dma_start3A_1388 = arith.constant 0 : i32
      %dma_start3A_1389 = tpu.memref_slice %arg7[%dma_start3A_1386, %dma_start3A_1387, %dma_start3A_1388] : memref<16x32x128xf32, #tpu.memory_space<vmem>> -> memref<1x8x128xf32, #tpu.memory_space<vmem>>
      %dma_start3A_1390 = tpu.memref_squeeze %dma_start3A_1389 : memref<1x8x128xf32, #tpu.memory_space<vmem>> -> memref<8x128xf32, #tpu.memory_space<vmem>>
      %dma_start3A_1391 = arith.constant 16 : i32
      %dma_start3A_1392 = tpu.memref_slice %arg3[%dma_start3A_1391, %multiple_of3A_1359] : memref<32x1000001xf32, #tpu.memory_space<hbm>> -> memref<8x128xf32, #tpu.memory_space<hbm>>
      %dma_start3A_1393 = arith.constant 16 : i32
      %dma_start3A_1394 = arith.constant 0 : i32
      %dma_start3A_1395 = tpu.memref_slice %arg7[%dma_start3A_1386, %dma_start3A_1393, %dma_start3A_1394] : memref<16x32x128xf32, #tpu.memory_space<vmem>> -> memref<1x8x128xf32, #tpu.memory_space<vmem>>
      %dma_start3A_1396 = tpu.memref_squeeze %dma_start3A_1395 : memref<1x8x128xf32, #tpu.memory_space<vmem>> -> memref<8x128xf32, #tpu.memory_space<vmem>>
      %dma_start3A_1397 = arith.constant 16 : i32
      %dma_start3A_1398 = tpu.memref_slice %arg3[%dma_start3A_1397, %multiple_of3A_1359] : memref<32x1000001xf32, #tpu.memory_space<hbm>> -> memref<8x128xf32, #tpu.memory_space<hbm>>
      tpu.enqueue_dma source(%dma_start3A_1398 : memref<8x128xf32, #tpu.memory_space<hbm>>) target(%dma_start3A_1396 : memref<8x128xf32, #tpu.memory_space<vmem>>) target_semaphore(%arg9 : memref<!tpu.dma_semaphore, #tpu.memory_space<semaphore_mem>>)
      %dma_start3A_1399 = arith.constant 7 : i32
      %dma_start3A_1400 = arith.constant 24 : i32
      %dma_start3A_1401 = arith.constant 0 : i32
      %dma_start3A_1402 = tpu.memref_slice %arg7[%dma_start3A_1399, %dma_start3A_1400, %dma_start3A_1401] : memref<16x32x128xf32, #tpu.memory_space<vmem>> -> memref<1x8x128xf32, #tpu.memory_space<vmem>>
      %dma_start3A_1403 = tpu.memref_squeeze %dma_start3A_1402 : memref<1x8x128xf32, #tpu.memory_space<vmem>> -> memref<8x128xf32, #tpu.memory_space<vmem>>
      %dma_start3A_1404 = arith.constant 24 : i32
      %dma_start3A_1405 = tpu.memref_slice %arg3[%dma_start3A_1404, %multiple_of3A_1359] : memref<32x1000001xf32, #tpu.memory_space<hbm>> -> memref<8x128xf32, #tpu.memory_space<hbm>>
      %dma_start3A_1406 = arith.constant 24 : i32
      %dma_start3A_1407 = arith.constant 0 : i32
      %dma_start3A_1408 = tpu.memref_slice %arg7[%dma_start3A_1399, %dma_start3A_1406, %dma_start3A_1407] : memref<16x32x128xf32, #tpu.memory_space<vmem>> -> memref<1x8x128xf32, #tpu.memory_space<vmem>>
      %dma_start3A_1409 = tpu.memref_squeeze %dma_start3A_1408 : memref<1x8x128xf32, #tpu.memory_space<vmem>> -> memref<8x128xf32, #tpu.memory_space<vmem>>
      %dma_start3A_1410 = arith.constant 24 : i32
      %dma_start3A_1411 = tpu.memref_slice %arg3[%dma_start3A_1410, %multiple_of3A_1359] : memref<32x1000001xf32, #tpu.memory_space<hbm>> -> memref<8x128xf32, #tpu.memory_space<hbm>>
      tpu.enqueue_dma source(%dma_start3A_1411 : memref<8x128xf32, #tpu.memory_space<hbm>>) target(%dma_start3A_1409 : memref<8x128xf32, #tpu.memory_space<vmem>>) target_semaphore(%arg9 : memref<!tpu.dma_semaphore, #tpu.memory_space<semaphore_mem>>)
      %slice3A_1412 = vector.extract_strided_slice %get3A_772 {offsets = [8], sizes = [1], strides = [1]} : vector<16xi32> to vector<1xi32>
      %squeeze3A_1413 = vector.extract %slice3A_1412[0] : i32 from vector<1xi32>
      %jit3A_1414 = arith.constant 128 : i32
      %div3A_1415 = arith.divsi %squeeze3A_1413, %jit3A_1414 : i32
      %sign3A_1416 = arith.constant 0 : i32
      %sign3A_1417 = arith.cmpi sgt, %squeeze3A_1413, %sign3A_1416 : i32
      %sign3A_1418 = arith.extui %sign3A_1417 : i1 to i32
      %sign3A_1419 = arith.constant 0 : i32
      %sign3A_1420 = arith.cmpi slt, %squeeze3A_1413, %sign3A_1419 : i32
      %sign3A_1421 = arith.extui %sign3A_1420 : i1 to i32
      %sign3A_1422 = arith.subi %sign3A_1418, %sign3A_1421 : i32
      %sign3A_1423 = arith.constant 0 : i32
      %sign3A_1424 = arith.cmpi sgt, %jit3A_1414, %sign3A_1423 : i32
      %sign3A_1425 = arith.extui %sign3A_1424 : i1 to i32
      %sign3A_1426 = arith.constant 0 : i32
      %sign3A_1427 = arith.cmpi slt, %jit3A_1414, %sign3A_1426 : i32
      %sign3A_1428 = arith.extui %sign3A_1427 : i1 to i32
      %sign3A_1429 = arith.subi %sign3A_1425, %sign3A_1428 : i32
      %ne3A_1430 = arith.cmpi ne, %sign3A_1422, %sign3A_1429 : i32
      %rem3A_1431 = arith.remsi %squeeze3A_1413, %jit3A_1414 : i32
      %ne3A_1432 = arith.constant 0 : i32
      %ne3A_1433 = arith.cmpi ne, %rem3A_1431, %ne3A_1432 : i32
      %and3A_1434 = arith.andi %ne3A_1430, %ne3A_1433 : i1
      %sub3A_1435 = arith.constant 1 : i32
      %sub3A_1436 = arith.subi %div3A_1415, %sub3A_1435 : i32
      %select_n3A_1437 = arith.select %and3A_1434, %sub3A_1436, %div3A_1415 : i32
      %mul3A_1438 = arith.constant 128 : i32
      %mul3A_1439 = arith.muli %select_n3A_1437, %mul3A_1438 : i32
      %multiple_of3A_1440 = tpu.assume_multiple %mul3A_1439, 128 : i32
      %dma_start3A_1441 = arith.constant 8 : i32
      %dma_start3A_1442 = arith.constant 0 : i32
      %dma_start3A_1443 = arith.constant 0 : i32
      %dma_start3A_1444 = tpu.memref_slice %arg7[%dma_start3A_1441, %dma_start3A_1442, %dma_start3A_1443] : memref<16x32x128xf32, #tpu.memory_space<vmem>> -> memref<1x8x128xf32, #tpu.memory_space<vmem>>
      %dma_start3A_1445 = tpu.memref_squeeze %dma_start3A_1444 : memref<1x8x128xf32, #tpu.memory_space<vmem>> -> memref<8x128xf32, #tpu.memory_space<vmem>>
      %dma_start3A_1446 = arith.constant 0 : i32
      %dma_start3A_1447 = tpu.memref_slice %arg3[%dma_start3A_1446, %multiple_of3A_1440] : memref<32x1000001xf32, #tpu.memory_space<hbm>> -> memref<8x128xf32, #tpu.memory_space<hbm>>
      %dma_start3A_1448 = arith.constant 0 : i32
      %dma_start3A_1449 = arith.constant 0 : i32
      %dma_start3A_1450 = tpu.memref_slice %arg7[%dma_start3A_1441, %dma_start3A_1448, %dma_start3A_1449] : memref<16x32x128xf32, #tpu.memory_space<vmem>> -> memref<1x8x128xf32, #tpu.memory_space<vmem>>
      %dma_start3A_1451 = tpu.memref_squeeze %dma_start3A_1450 : memref<1x8x128xf32, #tpu.memory_space<vmem>> -> memref<8x128xf32, #tpu.memory_space<vmem>>
      %dma_start3A_1452 = arith.constant 0 : i32
      %dma_start3A_1453 = tpu.memref_slice %arg3[%dma_start3A_1452, %multiple_of3A_1440] : memref<32x1000001xf32, #tpu.memory_space<hbm>> -> memref<8x128xf32, #tpu.memory_space<hbm>>
      tpu.enqueue_dma source(%dma_start3A_1453 : memref<8x128xf32, #tpu.memory_space<hbm>>) target(%dma_start3A_1451 : memref<8x128xf32, #tpu.memory_space<vmem>>) target_semaphore(%arg9 : memref<!tpu.dma_semaphore, #tpu.memory_space<semaphore_mem>>)
      %dma_start3A_1454 = arith.constant 8 : i32
      %dma_start3A_1455 = arith.constant 8 : i32
      %dma_start3A_1456 = arith.constant 0 : i32
      %dma_start3A_1457 = tpu.memref_slice %arg7[%dma_start3A_1454, %dma_start3A_1455, %dma_start3A_1456] : memref<16x32x128xf32, #tpu.memory_space<vmem>> -> memref<1x8x128xf32, #tpu.memory_space<vmem>>
      %dma_start3A_1458 = tpu.memref_squeeze %dma_start3A_1457 : memref<1x8x128xf32, #tpu.memory_space<vmem>> -> memref<8x128xf32, #tpu.memory_space<vmem>>
      %dma_start3A_1459 = arith.constant 8 : i32
      %dma_start3A_1460 = tpu.memref_slice %arg3[%dma_start3A_1459, %multiple_of3A_1440] : memref<32x1000001xf32, #tpu.memory_space<hbm>> -> memref<8x128xf32, #tpu.memory_space<hbm>>
      %dma_start3A_1461 = arith.constant 8 : i32
      %dma_start3A_1462 = arith.constant 0 : i32
      %dma_start3A_1463 = tpu.memref_slice %arg7[%dma_start3A_1454, %dma_start3A_1461, %dma_start3A_1462] : memref<16x32x128xf32, #tpu.memory_space<vmem>> -> memref<1x8x128xf32, #tpu.memory_space<vmem>>
      %dma_start3A_1464 = tpu.memref_squeeze %dma_start3A_1463 : memref<1x8x128xf32, #tpu.memory_space<vmem>> -> memref<8x128xf32, #tpu.memory_space<vmem>>
      %dma_start3A_1465 = arith.constant 8 : i32
      %dma_start3A_1466 = tpu.memref_slice %arg3[%dma_start3A_1465, %multiple_of3A_1440] : memref<32x1000001xf32, #tpu.memory_space<hbm>> -> memref<8x128xf32, #tpu.memory_space<hbm>>
      tpu.enqueue_dma source(%dma_start3A_1466 : memref<8x128xf32, #tpu.memory_space<hbm>>) target(%dma_start3A_1464 : memref<8x128xf32, #tpu.memory_space<vmem>>) target_semaphore(%arg9 : memref<!tpu.dma_semaphore, #tpu.memory_space<semaphore_mem>>)
      %dma_start3A_1467 = arith.constant 8 : i32
      %dma_start3A_1468 = arith.constant 16 : i32
      %dma_start3A_1469 = arith.constant 0 : i32
      %dma_start3A_1470 = tpu.memref_slice %arg7[%dma_start3A_1467, %dma_start3A_1468, %dma_start3A_1469] : memref<16x32x128xf32, #tpu.memory_space<vmem>> -> memref<1x8x128xf32, #tpu.memory_space<vmem>>
      %dma_start3A_1471 = tpu.memref_squeeze %dma_start3A_1470 : memref<1x8x128xf32, #tpu.memory_space<vmem>> -> memref<8x128xf32, #tpu.memory_space<vmem>>
      %dma_start3A_1472 = arith.constant 16 : i32
      %dma_start3A_1473 = tpu.memref_slice %arg3[%dma_start3A_1472, %multiple_of3A_1440] : memref<32x1000001xf32, #tpu.memory_space<hbm>> -> memref<8x128xf32, #tpu.memory_space<hbm>>
      %dma_start3A_1474 = arith.constant 16 : i32
      %dma_start3A_1475 = arith.constant 0 : i32
      %dma_start3A_1476 = tpu.memref_slice %arg7[%dma_start3A_1467, %dma_start3A_1474, %dma_start3A_1475] : memref<16x32x128xf32, #tpu.memory_space<vmem>> -> memref<1x8x128xf32, #tpu.memory_space<vmem>>
      %dma_start3A_1477 = tpu.memref_squeeze %dma_start3A_1476 : memref<1x8x128xf32, #tpu.memory_space<vmem>> -> memref<8x128xf32, #tpu.memory_space<vmem>>
      %dma_start3A_1478 = arith.constant 16 : i32
      %dma_start3A_1479 = tpu.memref_slice %arg3[%dma_start3A_1478, %multiple_of3A_1440] : memref<32x1000001xf32, #tpu.memory_space<hbm>> -> memref<8x128xf32, #tpu.memory_space<hbm>>
      tpu.enqueue_dma source(%dma_start3A_1479 : memref<8x128xf32, #tpu.memory_space<hbm>>) target(%dma_start3A_1477 : memref<8x128xf32, #tpu.memory_space<vmem>>) target_semaphore(%arg9 : memref<!tpu.dma_semaphore, #tpu.memory_space<semaphore_mem>>)
      %dma_start3A_1480 = arith.constant 8 : i32
      %dma_start3A_1481 = arith.constant 24 : i32
      %dma_start3A_1482 = arith.constant 0 : i32
      %dma_start3A_1483 = tpu.memref_slice %arg7[%dma_start3A_1480, %dma_start3A_1481, %dma_start3A_1482] : memref<16x32x128xf32, #tpu.memory_space<vmem>> -> memref<1x8x128xf32, #tpu.memory_space<vmem>>
      %dma_start3A_1484 = tpu.memref_squeeze %dma_start3A_1483 : memref<1x8x128xf32, #tpu.memory_space<vmem>> -> memref<8x128xf32, #tpu.memory_space<vmem>>
      %dma_start3A_1485 = arith.constant 24 : i32
      %dma_start3A_1486 = tpu.memref_slice %arg3[%dma_start3A_1485, %multiple_of3A_1440] : memref<32x1000001xf32, #tpu.memory_space<hbm>> -> memref<8x128xf32, #tpu.memory_space<hbm>>
      %dma_start3A_1487 = arith.constant 24 : i32
      %dma_start3A_1488 = arith.constant 0 : i32
      %dma_start3A_1489 = tpu.memref_slice %arg7[%dma_start3A_1480, %dma_start3A_1487, %dma_start3A_1488] : memref<16x32x128xf32, #tpu.memory_space<vmem>> -> memref<1x8x128xf32, #tpu.memory_space<vmem>>
      %dma_start3A_1490 = tpu.memref_squeeze %dma_start3A_1489 : memref<1x8x128xf32, #tpu.memory_space<vmem>> -> memref<8x128xf32, #tpu.memory_space<vmem>>
      %dma_start3A_1491 = arith.constant 24 : i32
      %dma_start3A_1492 = tpu.memref_slice %arg3[%dma_start3A_1491, %multiple_of3A_1440] : memref<32x1000001xf32, #tpu.memory_space<hbm>> -> memref<8x128xf32, #tpu.memory_space<hbm>>
      tpu.enqueue_dma source(%dma_start3A_1492 : memref<8x128xf32, #tpu.memory_space<hbm>>) target(%dma_start3A_1490 : memref<8x128xf32, #tpu.memory_space<vmem>>) target_semaphore(%arg9 : memref<!tpu.dma_semaphore, #tpu.memory_space<semaphore_mem>>)
      %slice3A_1493 = vector.extract_strided_slice %get3A_772 {offsets = [9], sizes = [1], strides = [1]} : vector<16xi32> to vector<1xi32>
      %squeeze3A_1494 = vector.extract %slice3A_1493[0] : i32 from vector<1xi32>
      %jit3A_1495 = arith.constant 128 : i32
      %div3A_1496 = arith.divsi %squeeze3A_1494, %jit3A_1495 : i32
      %sign3A_1497 = arith.constant 0 : i32
      %sign3A_1498 = arith.cmpi sgt, %squeeze3A_1494, %sign3A_1497 : i32
      %sign3A_1499 = arith.extui %sign3A_1498 : i1 to i32
      %sign3A_1500 = arith.constant 0 : i32
      %sign3A_1501 = arith.cmpi slt, %squeeze3A_1494, %sign3A_1500 : i32
      %sign3A_1502 = arith.extui %sign3A_1501 : i1 to i32
      %sign3A_1503 = arith.subi %sign3A_1499, %sign3A_1502 : i32
      %sign3A_1504 = arith.constant 0 : i32
      %sign3A_1505 = arith.cmpi sgt, %jit3A_1495, %sign3A_1504 : i32
      %sign3A_1506 = arith.extui %sign3A_1505 : i1 to i32
      %sign3A_1507 = arith.constant 0 : i32
      %sign3A_1508 = arith.cmpi slt, %jit3A_1495, %sign3A_1507 : i32
      %sign3A_1509 = arith.extui %sign3A_1508 : i1 to i32
      %sign3A_1510 = arith.subi %sign3A_1506, %sign3A_1509 : i32
      %ne3A_1511 = arith.cmpi ne, %sign3A_1503, %sign3A_1510 : i32
      %rem3A_1512 = arith.remsi %squeeze3A_1494, %jit3A_1495 : i32
      %ne3A_1513 = arith.constant 0 : i32
      %ne3A_1514 = arith.cmpi ne, %rem3A_1512, %ne3A_1513 : i32
      %and3A_1515 = arith.andi %ne3A_1511, %ne3A_1514 : i1
      %sub3A_1516 = arith.constant 1 : i32
      %sub3A_1517 = arith.subi %div3A_1496, %sub3A_1516 : i32
      %select_n3A_1518 = arith.select %and3A_1515, %sub3A_1517, %div3A_1496 : i32
      %mul3A_1519 = arith.constant 128 : i32
      %mul3A_1520 = arith.muli %select_n3A_1518, %mul3A_1519 : i32
      %multiple_of3A_1521 = tpu.assume_multiple %mul3A_1520, 128 : i32
      %dma_start3A_1522 = arith.constant 9 : i32
      %dma_start3A_1523 = arith.constant 0 : i32
      %dma_start3A_1524 = arith.constant 0 : i32
      %dma_start3A_1525 = tpu.memref_slice %arg7[%dma_start3A_1522, %dma_start3A_1523, %dma_start3A_1524] : memref<16x32x128xf32, #tpu.memory_space<vmem>> -> memref<1x8x128xf32, #tpu.memory_space<vmem>>
      %dma_start3A_1526 = tpu.memref_squeeze %dma_start3A_1525 : memref<1x8x128xf32, #tpu.memory_space<vmem>> -> memref<8x128xf32, #tpu.memory_space<vmem>>
      %dma_start3A_1527 = arith.constant 0 : i32
      %dma_start3A_1528 = tpu.memref_slice %arg3[%dma_start3A_1527, %multiple_of3A_1521] : memref<32x1000001xf32, #tpu.memory_space<hbm>> -> memref<8x128xf32, #tpu.memory_space<hbm>>
      %dma_start3A_1529 = arith.constant 0 : i32
      %dma_start3A_1530 = arith.constant 0 : i32
      %dma_start3A_1531 = tpu.memref_slice %arg7[%dma_start3A_1522, %dma_start3A_1529, %dma_start3A_1530] : memref<16x32x128xf32, #tpu.memory_space<vmem>> -> memref<1x8x128xf32, #tpu.memory_space<vmem>>
      %dma_start3A_1532 = tpu.memref_squeeze %dma_start3A_1531 : memref<1x8x128xf32, #tpu.memory_space<vmem>> -> memref<8x128xf32, #tpu.memory_space<vmem>>
      %dma_start3A_1533 = arith.constant 0 : i32
      %dma_start3A_1534 = tpu.memref_slice %arg3[%dma_start3A_1533, %multiple_of3A_1521] : memref<32x1000001xf32, #tpu.memory_space<hbm>> -> memref<8x128xf32, #tpu.memory_space<hbm>>
      tpu.enqueue_dma source(%dma_start3A_1534 : memref<8x128xf32, #tpu.memory_space<hbm>>) target(%dma_start3A_1532 : memref<8x128xf32, #tpu.memory_space<vmem>>) target_semaphore(%arg9 : memref<!tpu.dma_semaphore, #tpu.memory_space<semaphore_mem>>)
      %dma_start3A_1535 = arith.constant 9 : i32
      %dma_start3A_1536 = arith.constant 8 : i32
      %dma_start3A_1537 = arith.constant 0 : i32
      %dma_start3A_1538 = tpu.memref_slice %arg7[%dma_start3A_1535, %dma_start3A_1536, %dma_start3A_1537] : memref<16x32x128xf32, #tpu.memory_space<vmem>> -> memref<1x8x128xf32, #tpu.memory_space<vmem>>
      %dma_start3A_1539 = tpu.memref_squeeze %dma_start3A_1538 : memref<1x8x128xf32, #tpu.memory_space<vmem>> -> memref<8x128xf32, #tpu.memory_space<vmem>>
      %dma_start3A_1540 = arith.constant 8 : i32
      %dma_start3A_1541 = tpu.memref_slice %arg3[%dma_start3A_1540, %multiple_of3A_1521] : memref<32x1000001xf32, #tpu.memory_space<hbm>> -> memref<8x128xf32, #tpu.memory_space<hbm>>
      %dma_start3A_1542 = arith.constant 8 : i32
      %dma_start3A_1543 = arith.constant 0 : i32
      %dma_start3A_1544 = tpu.memref_slice %arg7[%dma_start3A_1535, %dma_start3A_1542, %dma_start3A_1543] : memref<16x32x128xf32, #tpu.memory_space<vmem>> -> memref<1x8x128xf32, #tpu.memory_space<vmem>>
      %dma_start3A_1545 = tpu.memref_squeeze %dma_start3A_1544 : memref<1x8x128xf32, #tpu.memory_space<vmem>> -> memref<8x128xf32, #tpu.memory_space<vmem>>
      %dma_start3A_1546 = arith.constant 8 : i32
      %dma_start3A_1547 = tpu.memref_slice %arg3[%dma_start3A_1546, %multiple_of3A_1521] : memref<32x1000001xf32, #tpu.memory_space<hbm>> -> memref<8x128xf32, #tpu.memory_space<hbm>>
      tpu.enqueue_dma source(%dma_start3A_1547 : memref<8x128xf32, #tpu.memory_space<hbm>>) target(%dma_start3A_1545 : memref<8x128xf32, #tpu.memory_space<vmem>>) target_semaphore(%arg9 : memref<!tpu.dma_semaphore, #tpu.memory_space<semaphore_mem>>)
      %dma_start3A_1548 = arith.constant 9 : i32
      %dma_start3A_1549 = arith.constant 16 : i32
      %dma_start3A_1550 = arith.constant 0 : i32
      %dma_start3A_1551 = tpu.memref_slice %arg7[%dma_start3A_1548, %dma_start3A_1549, %dma_start3A_1550] : memref<16x32x128xf32, #tpu.memory_space<vmem>> -> memref<1x8x128xf32, #tpu.memory_space<vmem>>
      %dma_start3A_1552 = tpu.memref_squeeze %dma_start3A_1551 : memref<1x8x128xf32, #tpu.memory_space<vmem>> -> memref<8x128xf32, #tpu.memory_space<vmem>>
      %dma_start3A_1553 = arith.constant 16 : i32
      %dma_start3A_1554 = tpu.memref_slice %arg3[%dma_start3A_1553, %multiple_of3A_1521] : memref<32x1000001xf32, #tpu.memory_space<hbm>> -> memref<8x128xf32, #tpu.memory_space<hbm>>
      %dma_start3A_1555 = arith.constant 16 : i32
      %dma_start3A_1556 = arith.constant 0 : i32
      %dma_start3A_1557 = tpu.memref_slice %arg7[%dma_start3A_1548, %dma_start3A_1555, %dma_start3A_1556] : memref<16x32x128xf32, #tpu.memory_space<vmem>> -> memref<1x8x128xf32, #tpu.memory_space<vmem>>
      %dma_start3A_1558 = tpu.memref_squeeze %dma_start3A_1557 : memref<1x8x128xf32, #tpu.memory_space<vmem>> -> memref<8x128xf32, #tpu.memory_space<vmem>>
      %dma_start3A_1559 = arith.constant 16 : i32
      %dma_start3A_1560 = tpu.memref_slice %arg3[%dma_start3A_1559, %multiple_of3A_1521] : memref<32x1000001xf32, #tpu.memory_space<hbm>> -> memref<8x128xf32, #tpu.memory_space<hbm>>
      tpu.enqueue_dma source(%dma_start3A_1560 : memref<8x128xf32, #tpu.memory_space<hbm>>) target(%dma_start3A_1558 : memref<8x128xf32, #tpu.memory_space<vmem>>) target_semaphore(%arg9 : memref<!tpu.dma_semaphore, #tpu.memory_space<semaphore_mem>>)
      %dma_start3A_1561 = arith.constant 9 : i32
      %dma_start3A_1562 = arith.constant 24 : i32
      %dma_start3A_1563 = arith.constant 0 : i32
      %dma_start3A_1564 = tpu.memref_slice %arg7[%dma_start3A_1561, %dma_start3A_1562, %dma_start3A_1563] : memref<16x32x128xf32, #tpu.memory_space<vmem>> -> memref<1x8x128xf32, #tpu.memory_space<vmem>>
      %dma_start3A_1565 = tpu.memref_squeeze %dma_start3A_1564 : memref<1x8x128xf32, #tpu.memory_space<vmem>> -> memref<8x128xf32, #tpu.memory_space<vmem>>
      %dma_start3A_1566 = arith.constant 24 : i32
      %dma_start3A_1567 = tpu.memref_slice %arg3[%dma_start3A_1566, %multiple_of3A_1521] : memref<32x1000001xf32, #tpu.memory_space<hbm>> -> memref<8x128xf32, #tpu.memory_space<hbm>>
      %dma_start3A_1568 = arith.constant 24 : i32
      %dma_start3A_1569 = arith.constant 0 : i32
      %dma_start3A_1570 = tpu.memref_slice %arg7[%dma_start3A_1561, %dma_start3A_1568, %dma_start3A_1569] : memref<16x32x128xf32, #tpu.memory_space<vmem>> -> memref<1x8x128xf32, #tpu.memory_space<vmem>>
      %dma_start3A_1571 = tpu.memref_squeeze %dma_start3A_1570 : memref<1x8x128xf32, #tpu.memory_space<vmem>> -> memref<8x128xf32, #tpu.memory_space<vmem>>
      %dma_start3A_1572 = arith.constant 24 : i32
      %dma_start3A_1573 = tpu.memref_slice %arg3[%dma_start3A_1572, %multiple_of3A_1521] : memref<32x1000001xf32, #tpu.memory_space<hbm>> -> memref<8x128xf32, #tpu.memory_space<hbm>>
      tpu.enqueue_dma source(%dma_start3A_1573 : memref<8x128xf32, #tpu.memory_space<hbm>>) target(%dma_start3A_1571 : memref<8x128xf32, #tpu.memory_space<vmem>>) target_semaphore(%arg9 : memref<!tpu.dma_semaphore, #tpu.memory_space<semaphore_mem>>)
      %slice3A_1574 = vector.extract_strided_slice %get3A_772 {offsets = [10], sizes = [1], strides = [1]} : vector<16xi32> to vector<1xi32>
      %squeeze3A_1575 = vector.extract %slice3A_1574[0] : i32 from vector<1xi32>
      %jit3A_1576 = arith.constant 128 : i32
      %div3A_1577 = arith.divsi %squeeze3A_1575, %jit3A_1576 : i32
      %sign3A_1578 = arith.constant 0 : i32
      %sign3A_1579 = arith.cmpi sgt, %squeeze3A_1575, %sign3A_1578 : i32
      %sign3A_1580 = arith.extui %sign3A_1579 : i1 to i32
      %sign3A_1581 = arith.constant 0 : i32
      %sign3A_1582 = arith.cmpi slt, %squeeze3A_1575, %sign3A_1581 : i32
      %sign3A_1583 = arith.extui %sign3A_1582 : i1 to i32
      %sign3A_1584 = arith.subi %sign3A_1580, %sign3A_1583 : i32
      %sign3A_1585 = arith.constant 0 : i32
      %sign3A_1586 = arith.cmpi sgt, %jit3A_1576, %sign3A_1585 : i32
      %sign3A_1587 = arith.extui %sign3A_1586 : i1 to i32
      %sign3A_1588 = arith.constant 0 : i32
      %sign3A_1589 = arith.cmpi slt, %jit3A_1576, %sign3A_1588 : i32
      %sign3A_1590 = arith.extui %sign3A_1589 : i1 to i32
      %sign3A_1591 = arith.subi %sign3A_1587, %sign3A_1590 : i32
      %ne3A_1592 = arith.cmpi ne, %sign3A_1584, %sign3A_1591 : i32
      %rem3A_1593 = arith.remsi %squeeze3A_1575, %jit3A_1576 : i32
      %ne3A_1594 = arith.constant 0 : i32
      %ne3A_1595 = arith.cmpi ne, %rem3A_1593, %ne3A_1594 : i32
      %and3A_1596 = arith.andi %ne3A_1592, %ne3A_1595 : i1
      %sub3A_1597 = arith.constant 1 : i32
      %sub3A_1598 = arith.subi %div3A_1577, %sub3A_1597 : i32
      %select_n3A_1599 = arith.select %and3A_1596, %sub3A_1598, %div3A_1577 : i32
      %mul3A_1600 = arith.constant 128 : i32
      %mul3A_1601 = arith.muli %select_n3A_1599, %mul3A_1600 : i32
      %multiple_of3A_1602 = tpu.assume_multiple %mul3A_1601, 128 : i32
      %dma_start3A_1603 = arith.constant 10 : i32
      %dma_start3A_1604 = arith.constant 0 : i32
      %dma_start3A_1605 = arith.constant 0 : i32
      %dma_start3A_1606 = tpu.memref_slice %arg7[%dma_start3A_1603, %dma_start3A_1604, %dma_start3A_1605] : memref<16x32x128xf32, #tpu.memory_space<vmem>> -> memref<1x8x128xf32, #tpu.memory_space<vmem>>
      %dma_start3A_1607 = tpu.memref_squeeze %dma_start3A_1606 : memref<1x8x128xf32, #tpu.memory_space<vmem>> -> memref<8x128xf32, #tpu.memory_space<vmem>>
      %dma_start3A_1608 = arith.constant 0 : i32
      %dma_start3A_1609 = tpu.memref_slice %arg3[%dma_start3A_1608, %multiple_of3A_1602] : memref<32x1000001xf32, #tpu.memory_space<hbm>> -> memref<8x128xf32, #tpu.memory_space<hbm>>
      %dma_start3A_1610 = arith.constant 0 : i32
      %dma_start3A_1611 = arith.constant 0 : i32
      %dma_start3A_1612 = tpu.memref_slice %arg7[%dma_start3A_1603, %dma_start3A_1610, %dma_start3A_1611] : memref<16x32x128xf32, #tpu.memory_space<vmem>> -> memref<1x8x128xf32, #tpu.memory_space<vmem>>
      %dma_start3A_1613 = tpu.memref_squeeze %dma_start3A_1612 : memref<1x8x128xf32, #tpu.memory_space<vmem>> -> memref<8x128xf32, #tpu.memory_space<vmem>>
      %dma_start3A_1614 = arith.constant 0 : i32
      %dma_start3A_1615 = tpu.memref_slice %arg3[%dma_start3A_1614, %multiple_of3A_1602] : memref<32x1000001xf32, #tpu.memory_space<hbm>> -> memref<8x128xf32, #tpu.memory_space<hbm>>
      tpu.enqueue_dma source(%dma_start3A_1615 : memref<8x128xf32, #tpu.memory_space<hbm>>) target(%dma_start3A_1613 : memref<8x128xf32, #tpu.memory_space<vmem>>) target_semaphore(%arg9 : memref<!tpu.dma_semaphore, #tpu.memory_space<semaphore_mem>>)
      %dma_start3A_1616 = arith.constant 10 : i32
      %dma_start3A_1617 = arith.constant 8 : i32
      %dma_start3A_1618 = arith.constant 0 : i32
      %dma_start3A_1619 = tpu.memref_slice %arg7[%dma_start3A_1616, %dma_start3A_1617, %dma_start3A_1618] : memref<16x32x128xf32, #tpu.memory_space<vmem>> -> memref<1x8x128xf32, #tpu.memory_space<vmem>>
      %dma_start3A_1620 = tpu.memref_squeeze %dma_start3A_1619 : memref<1x8x128xf32, #tpu.memory_space<vmem>> -> memref<8x128xf32, #tpu.memory_space<vmem>>
      %dma_start3A_1621 = arith.constant 8 : i32
      %dma_start3A_1622 = tpu.memref_slice %arg3[%dma_start3A_1621, %multiple_of3A_1602] : memref<32x1000001xf32, #tpu.memory_space<hbm>> -> memref<8x128xf32, #tpu.memory_space<hbm>>
      %dma_start3A_1623 = arith.constant 8 : i32
      %dma_start3A_1624 = arith.constant 0 : i32
      %dma_start3A_1625 = tpu.memref_slice %arg7[%dma_start3A_1616, %dma_start3A_1623, %dma_start3A_1624] : memref<16x32x128xf32, #tpu.memory_space<vmem>> -> memref<1x8x128xf32, #tpu.memory_space<vmem>>
      %dma_start3A_1626 = tpu.memref_squeeze %dma_start3A_1625 : memref<1x8x128xf32, #tpu.memory_space<vmem>> -> memref<8x128xf32, #tpu.memory_space<vmem>>
      %dma_start3A_1627 = arith.constant 8 : i32
      %dma_start3A_1628 = tpu.memref_slice %arg3[%dma_start3A_1627, %multiple_of3A_1602] : memref<32x1000001xf32, #tpu.memory_space<hbm>> -> memref<8x128xf32, #tpu.memory_space<hbm>>
      tpu.enqueue_dma source(%dma_start3A_1628 : memref<8x128xf32, #tpu.memory_space<hbm>>) target(%dma_start3A_1626 : memref<8x128xf32, #tpu.memory_space<vmem>>) target_semaphore(%arg9 : memref<!tpu.dma_semaphore, #tpu.memory_space<semaphore_mem>>)
      %dma_start3A_1629 = arith.constant 10 : i32
      %dma_start3A_1630 = arith.constant 16 : i32
      %dma_start3A_1631 = arith.constant 0 : i32
      %dma_start3A_1632 = tpu.memref_slice %arg7[%dma_start3A_1629, %dma_start3A_1630, %dma_start3A_1631] : memref<16x32x128xf32, #tpu.memory_space<vmem>> -> memref<1x8x128xf32, #tpu.memory_space<vmem>>
      %dma_start3A_1633 = tpu.memref_squeeze %dma_start3A_1632 : memref<1x8x128xf32, #tpu.memory_space<vmem>> -> memref<8x128xf32, #tpu.memory_space<vmem>>
      %dma_start3A_1634 = arith.constant 16 : i32
      %dma_start3A_1635 = tpu.memref_slice %arg3[%dma_start3A_1634, %multiple_of3A_1602] : memref<32x1000001xf32, #tpu.memory_space<hbm>> -> memref<8x128xf32, #tpu.memory_space<hbm>>
      %dma_start3A_1636 = arith.constant 16 : i32
      %dma_start3A_1637 = arith.constant 0 : i32
      %dma_start3A_1638 = tpu.memref_slice %arg7[%dma_start3A_1629, %dma_start3A_1636, %dma_start3A_1637] : memref<16x32x128xf32, #tpu.memory_space<vmem>> -> memref<1x8x128xf32, #tpu.memory_space<vmem>>
      %dma_start3A_1639 = tpu.memref_squeeze %dma_start3A_1638 : memref<1x8x128xf32, #tpu.memory_space<vmem>> -> memref<8x128xf32, #tpu.memory_space<vmem>>
      %dma_start3A_1640 = arith.constant 16 : i32
      %dma_start3A_1641 = tpu.memref_slice %arg3[%dma_start3A_1640, %multiple_of3A_1602] : memref<32x1000001xf32, #tpu.memory_space<hbm>> -> memref<8x128xf32, #tpu.memory_space<hbm>>
      tpu.enqueue_dma source(%dma_start3A_1641 : memref<8x128xf32, #tpu.memory_space<hbm>>) target(%dma_start3A_1639 : memref<8x128xf32, #tpu.memory_space<vmem>>) target_semaphore(%arg9 : memref<!tpu.dma_semaphore, #tpu.memory_space<semaphore_mem>>)
      %dma_start3A_1642 = arith.constant 10 : i32
      %dma_start3A_1643 = arith.constant 24 : i32
      %dma_start3A_1644 = arith.constant 0 : i32
      %dma_start3A_1645 = tpu.memref_slice %arg7[%dma_start3A_1642, %dma_start3A_1643, %dma_start3A_1644] : memref<16x32x128xf32, #tpu.memory_space<vmem>> -> memref<1x8x128xf32, #tpu.memory_space<vmem>>
      %dma_start3A_1646 = tpu.memref_squeeze %dma_start3A_1645 : memref<1x8x128xf32, #tpu.memory_space<vmem>> -> memref<8x128xf32, #tpu.memory_space<vmem>>
      %dma_start3A_1647 = arith.constant 24 : i32
      %dma_start3A_1648 = tpu.memref_slice %arg3[%dma_start3A_1647, %multiple_of3A_1602] : memref<32x1000001xf32, #tpu.memory_space<hbm>> -> memref<8x128xf32, #tpu.memory_space<hbm>>
      %dma_start3A_1649 = arith.constant 24 : i32
      %dma_start3A_1650 = arith.constant 0 : i32
      %dma_start3A_1651 = tpu.memref_slice %arg7[%dma_start3A_1642, %dma_start3A_1649, %dma_start3A_1650] : memref<16x32x128xf32, #tpu.memory_space<vmem>> -> memref<1x8x128xf32, #tpu.memory_space<vmem>>
      %dma_start3A_1652 = tpu.memref_squeeze %dma_start3A_1651 : memref<1x8x128xf32, #tpu.memory_space<vmem>> -> memref<8x128xf32, #tpu.memory_space<vmem>>
      %dma_start3A_1653 = arith.constant 24 : i32
      %dma_start3A_1654 = tpu.memref_slice %arg3[%dma_start3A_1653, %multiple_of3A_1602] : memref<32x1000001xf32, #tpu.memory_space<hbm>> -> memref<8x128xf32, #tpu.memory_space<hbm>>
      tpu.enqueue_dma source(%dma_start3A_1654 : memref<8x128xf32, #tpu.memory_space<hbm>>) target(%dma_start3A_1652 : memref<8x128xf32, #tpu.memory_space<vmem>>) target_semaphore(%arg9 : memref<!tpu.dma_semaphore, #tpu.memory_space<semaphore_mem>>)
      %slice3A_1655 = vector.extract_strided_slice %get3A_772 {offsets = [11], sizes = [1], strides = [1]} : vector<16xi32> to vector<1xi32>
      %squeeze3A_1656 = vector.extract %slice3A_1655[0] : i32 from vector<1xi32>
      %jit3A_1657 = arith.constant 128 : i32
      %div3A_1658 = arith.divsi %squeeze3A_1656, %jit3A_1657 : i32
      %sign3A_1659 = arith.constant 0 : i32
      %sign3A_1660 = arith.cmpi sgt, %squeeze3A_1656, %sign3A_1659 : i32
      %sign3A_1661 = arith.extui %sign3A_1660 : i1 to i32
      %sign3A_1662 = arith.constant 0 : i32
      %sign3A_1663 = arith.cmpi slt, %squeeze3A_1656, %sign3A_1662 : i32
      %sign3A_1664 = arith.extui %sign3A_1663 : i1 to i32
      %sign3A_1665 = arith.subi %sign3A_1661, %sign3A_1664 : i32
      %sign3A_1666 = arith.constant 0 : i32
      %sign3A_1667 = arith.cmpi sgt, %jit3A_1657, %sign3A_1666 : i32
      %sign3A_1668 = arith.extui %sign3A_1667 : i1 to i32
      %sign3A_1669 = arith.constant 0 : i32
      %sign3A_1670 = arith.cmpi slt, %jit3A_1657, %sign3A_1669 : i32
      %sign3A_1671 = arith.extui %sign3A_1670 : i1 to i32
      %sign3A_1672 = arith.subi %sign3A_1668, %sign3A_1671 : i32
      %ne3A_1673 = arith.cmpi ne, %sign3A_1665, %sign3A_1672 : i32
      %rem3A_1674 = arith.remsi %squeeze3A_1656, %jit3A_1657 : i32
      %ne3A_1675 = arith.constant 0 : i32
      %ne3A_1676 = arith.cmpi ne, %rem3A_1674, %ne3A_1675 : i32
      %and3A_1677 = arith.andi %ne3A_1673, %ne3A_1676 : i1
      %sub3A_1678 = arith.constant 1 : i32
      %sub3A_1679 = arith.subi %div3A_1658, %sub3A_1678 : i32
      %select_n3A_1680 = arith.select %and3A_1677, %sub3A_1679, %div3A_1658 : i32
      %mul3A_1681 = arith.constant 128 : i32
      %mul3A_1682 = arith.muli %select_n3A_1680, %mul3A_1681 : i32
      %multiple_of3A_1683 = tpu.assume_multiple %mul3A_1682, 128 : i32
      %dma_start3A_1684 = arith.constant 11 : i32
      %dma_start3A_1685 = arith.constant 0 : i32
      %dma_start3A_1686 = arith.constant 0 : i32
      %dma_start3A_1687 = tpu.memref_slice %arg7[%dma_start3A_1684, %dma_start3A_1685, %dma_start3A_1686] : memref<16x32x128xf32, #tpu.memory_space<vmem>> -> memref<1x8x128xf32, #tpu.memory_space<vmem>>
      %dma_start3A_1688 = tpu.memref_squeeze %dma_start3A_1687 : memref<1x8x128xf32, #tpu.memory_space<vmem>> -> memref<8x128xf32, #tpu.memory_space<vmem>>
      %dma_start3A_1689 = arith.constant 0 : i32
      %dma_start3A_1690 = tpu.memref_slice %arg3[%dma_start3A_1689, %multiple_of3A_1683] : memref<32x1000001xf32, #tpu.memory_space<hbm>> -> memref<8x128xf32, #tpu.memory_space<hbm>>
      %dma_start3A_1691 = arith.constant 0 : i32
      %dma_start3A_1692 = arith.constant 0 : i32
      %dma_start3A_1693 = tpu.memref_slice %arg7[%dma_start3A_1684, %dma_start3A_1691, %dma_start3A_1692] : memref<16x32x128xf32, #tpu.memory_space<vmem>> -> memref<1x8x128xf32, #tpu.memory_space<vmem>>
      %dma_start3A_1694 = tpu.memref_squeeze %dma_start3A_1693 : memref<1x8x128xf32, #tpu.memory_space<vmem>> -> memref<8x128xf32, #tpu.memory_space<vmem>>
      %dma_start3A_1695 = arith.constant 0 : i32
      %dma_start3A_1696 = tpu.memref_slice %arg3[%dma_start3A_1695, %multiple_of3A_1683] : memref<32x1000001xf32, #tpu.memory_space<hbm>> -> memref<8x128xf32, #tpu.memory_space<hbm>>
      tpu.enqueue_dma source(%dma_start3A_1696 : memref<8x128xf32, #tpu.memory_space<hbm>>) target(%dma_start3A_1694 : memref<8x128xf32, #tpu.memory_space<vmem>>) target_semaphore(%arg9 : memref<!tpu.dma_semaphore, #tpu.memory_space<semaphore_mem>>)
      %dma_start3A_1697 = arith.constant 11 : i32
      %dma_start3A_1698 = arith.constant 8 : i32
      %dma_start3A_1699 = arith.constant 0 : i32
      %dma_start3A_1700 = tpu.memref_slice %arg7[%dma_start3A_1697, %dma_start3A_1698, %dma_start3A_1699] : memref<16x32x128xf32, #tpu.memory_space<vmem>> -> memref<1x8x128xf32, #tpu.memory_space<vmem>>
      %dma_start3A_1701 = tpu.memref_squeeze %dma_start3A_1700 : memref<1x8x128xf32, #tpu.memory_space<vmem>> -> memref<8x128xf32, #tpu.memory_space<vmem>>
      %dma_start3A_1702 = arith.constant 8 : i32
      %dma_start3A_1703 = tpu.memref_slice %arg3[%dma_start3A_1702, %multiple_of3A_1683] : memref<32x1000001xf32, #tpu.memory_space<hbm>> -> memref<8x128xf32, #tpu.memory_space<hbm>>
      %dma_start3A_1704 = arith.constant 8 : i32
      %dma_start3A_1705 = arith.constant 0 : i32
      %dma_start3A_1706 = tpu.memref_slice %arg7[%dma_start3A_1697, %dma_start3A_1704, %dma_start3A_1705] : memref<16x32x128xf32, #tpu.memory_space<vmem>> -> memref<1x8x128xf32, #tpu.memory_space<vmem>>
      %dma_start3A_1707 = tpu.memref_squeeze %dma_start3A_1706 : memref<1x8x128xf32, #tpu.memory_space<vmem>> -> memref<8x128xf32, #tpu.memory_space<vmem>>
      %dma_start3A_1708 = arith.constant 8 : i32
      %dma_start3A_1709 = tpu.memref_slice %arg3[%dma_start3A_1708, %multiple_of3A_1683] : memref<32x1000001xf32, #tpu.memory_space<hbm>> -> memref<8x128xf32, #tpu.memory_space<hbm>>
      tpu.enqueue_dma source(%dma_start3A_1709 : memref<8x128xf32, #tpu.memory_space<hbm>>) target(%dma_start3A_1707 : memref<8x128xf32, #tpu.memory_space<vmem>>) target_semaphore(%arg9 : memref<!tpu.dma_semaphore, #tpu.memory_space<semaphore_mem>>)
      %dma_start3A_1710 = arith.constant 11 : i32
      %dma_start3A_1711 = arith.constant 16 : i32
      %dma_start3A_1712 = arith.constant 0 : i32
      %dma_start3A_1713 = tpu.memref_slice %arg7[%dma_start3A_1710, %dma_start3A_1711, %dma_start3A_1712] : memref<16x32x128xf32, #tpu.memory_space<vmem>> -> memref<1x8x128xf32, #tpu.memory_space<vmem>>
      %dma_start3A_1714 = tpu.memref_squeeze %dma_start3A_1713 : memref<1x8x128xf32, #tpu.memory_space<vmem>> -> memref<8x128xf32, #tpu.memory_space<vmem>>
      %dma_start3A_1715 = arith.constant 16 : i32
      %dma_start3A_1716 = tpu.memref_slice %arg3[%dma_start3A_1715, %multiple_of3A_1683] : memref<32x1000001xf32, #tpu.memory_space<hbm>> -> memref<8x128xf32, #tpu.memory_space<hbm>>
      %dma_start3A_1717 = arith.constant 16 : i32
      %dma_start3A_1718 = arith.constant 0 : i32
      %dma_start3A_1719 = tpu.memref_slice %arg7[%dma_start3A_1710, %dma_start3A_1717, %dma_start3A_1718] : memref<16x32x128xf32, #tpu.memory_space<vmem>> -> memref<1x8x128xf32, #tpu.memory_space<vmem>>
      %dma_start3A_1720 = tpu.memref_squeeze %dma_start3A_1719 : memref<1x8x128xf32, #tpu.memory_space<vmem>> -> memref<8x128xf32, #tpu.memory_space<vmem>>
      %dma_start3A_1721 = arith.constant 16 : i32
      %dma_start3A_1722 = tpu.memref_slice %arg3[%dma_start3A_1721, %multiple_of3A_1683] : memref<32x1000001xf32, #tpu.memory_space<hbm>> -> memref<8x128xf32, #tpu.memory_space<hbm>>
      tpu.enqueue_dma source(%dma_start3A_1722 : memref<8x128xf32, #tpu.memory_space<hbm>>) target(%dma_start3A_1720 : memref<8x128xf32, #tpu.memory_space<vmem>>) target_semaphore(%arg9 : memref<!tpu.dma_semaphore, #tpu.memory_space<semaphore_mem>>)
      %dma_start3A_1723 = arith.constant 11 : i32
      %dma_start3A_1724 = arith.constant 24 : i32
      %dma_start3A_1725 = arith.constant 0 : i32
      %dma_start3A_1726 = tpu.memref_slice %arg7[%dma_start3A_1723, %dma_start3A_1724, %dma_start3A_1725] : memref<16x32x128xf32, #tpu.memory_space<vmem>> -> memref<1x8x128xf32, #tpu.memory_space<vmem>>
      %dma_start3A_1727 = tpu.memref_squeeze %dma_start3A_1726 : memref<1x8x128xf32, #tpu.memory_space<vmem>> -> memref<8x128xf32, #tpu.memory_space<vmem>>
      %dma_start3A_1728 = arith.constant 24 : i32
      %dma_start3A_1729 = tpu.memref_slice %arg3[%dma_start3A_1728, %multiple_of3A_1683] : memref<32x1000001xf32, #tpu.memory_space<hbm>> -> memref<8x128xf32, #tpu.memory_space<hbm>>
      %dma_start3A_1730 = arith.constant 24 : i32
      %dma_start3A_1731 = arith.constant 0 : i32
      %dma_start3A_1732 = tpu.memref_slice %arg7[%dma_start3A_1723, %dma_start3A_1730, %dma_start3A_1731] : memref<16x32x128xf32, #tpu.memory_space<vmem>> -> memref<1x8x128xf32, #tpu.memory_space<vmem>>
      %dma_start3A_1733 = tpu.memref_squeeze %dma_start3A_1732 : memref<1x8x128xf32, #tpu.memory_space<vmem>> -> memref<8x128xf32, #tpu.memory_space<vmem>>
      %dma_start3A_1734 = arith.constant 24 : i32
      %dma_start3A_1735 = tpu.memref_slice %arg3[%dma_start3A_1734, %multiple_of3A_1683] : memref<32x1000001xf32, #tpu.memory_space<hbm>> -> memref<8x128xf32, #tpu.memory_space<hbm>>
      tpu.enqueue_dma source(%dma_start3A_1735 : memref<8x128xf32, #tpu.memory_space<hbm>>) target(%dma_start3A_1733 : memref<8x128xf32, #tpu.memory_space<vmem>>) target_semaphore(%arg9 : memref<!tpu.dma_semaphore, #tpu.memory_space<semaphore_mem>>)
      %slice3A_1736 = vector.extract_strided_slice %get3A_772 {offsets = [12], sizes = [1], strides = [1]} : vector<16xi32> to vector<1xi32>
      %squeeze3A_1737 = vector.extract %slice3A_1736[0] : i32 from vector<1xi32>
      %jit3A_1738 = arith.constant 128 : i32
      %div3A_1739 = arith.divsi %squeeze3A_1737, %jit3A_1738 : i32
      %sign3A_1740 = arith.constant 0 : i32
      %sign3A_1741 = arith.cmpi sgt, %squeeze3A_1737, %sign3A_1740 : i32
      %sign3A_1742 = arith.extui %sign3A_1741 : i1 to i32
      %sign3A_1743 = arith.constant 0 : i32
      %sign3A_1744 = arith.cmpi slt, %squeeze3A_1737, %sign3A_1743 : i32
      %sign3A_1745 = arith.extui %sign3A_1744 : i1 to i32
      %sign3A_1746 = arith.subi %sign3A_1742, %sign3A_1745 : i32
      %sign3A_1747 = arith.constant 0 : i32
      %sign3A_1748 = arith.cmpi sgt, %jit3A_1738, %sign3A_1747 : i32
      %sign3A_1749 = arith.extui %sign3A_1748 : i1 to i32
      %sign3A_1750 = arith.constant 0 : i32
      %sign3A_1751 = arith.cmpi slt, %jit3A_1738, %sign3A_1750 : i32
      %sign3A_1752 = arith.extui %sign3A_1751 : i1 to i32
      %sign3A_1753 = arith.subi %sign3A_1749, %sign3A_1752 : i32
      %ne3A_1754 = arith.cmpi ne, %sign3A_1746, %sign3A_1753 : i32
      %rem3A_1755 = arith.remsi %squeeze3A_1737, %jit3A_1738 : i32
      %ne3A_1756 = arith.constant 0 : i32
      %ne3A_1757 = arith.cmpi ne, %rem3A_1755, %ne3A_1756 : i32
      %and3A_1758 = arith.andi %ne3A_1754, %ne3A_1757 : i1
      %sub3A_1759 = arith.constant 1 : i32
      %sub3A_1760 = arith.subi %div3A_1739, %sub3A_1759 : i32
      %select_n3A_1761 = arith.select %and3A_1758, %sub3A_1760, %div3A_1739 : i32
      %mul3A_1762 = arith.constant 128 : i32
      %mul3A_1763 = arith.muli %select_n3A_1761, %mul3A_1762 : i32
      %multiple_of3A_1764 = tpu.assume_multiple %mul3A_1763, 128 : i32
      %dma_start3A_1765 = arith.constant 12 : i32
      %dma_start3A_1766 = arith.constant 0 : i32
      %dma_start3A_1767 = arith.constant 0 : i32
      %dma_start3A_1768 = tpu.memref_slice %arg7[%dma_start3A_1765, %dma_start3A_1766, %dma_start3A_1767] : memref<16x32x128xf32, #tpu.memory_space<vmem>> -> memref<1x8x128xf32, #tpu.memory_space<vmem>>
      %dma_start3A_1769 = tpu.memref_squeeze %dma_start3A_1768 : memref<1x8x128xf32, #tpu.memory_space<vmem>> -> memref<8x128xf32, #tpu.memory_space<vmem>>
      %dma_start3A_1770 = arith.constant 0 : i32
      %dma_start3A_1771 = tpu.memref_slice %arg3[%dma_start3A_1770, %multiple_of3A_1764] : memref<32x1000001xf32, #tpu.memory_space<hbm>> -> memref<8x128xf32, #tpu.memory_space<hbm>>
      %dma_start3A_1772 = arith.constant 0 : i32
      %dma_start3A_1773 = arith.constant 0 : i32
      %dma_start3A_1774 = tpu.memref_slice %arg7[%dma_start3A_1765, %dma_start3A_1772, %dma_start3A_1773] : memref<16x32x128xf32, #tpu.memory_space<vmem>> -> memref<1x8x128xf32, #tpu.memory_space<vmem>>
      %dma_start3A_1775 = tpu.memref_squeeze %dma_start3A_1774 : memref<1x8x128xf32, #tpu.memory_space<vmem>> -> memref<8x128xf32, #tpu.memory_space<vmem>>
      %dma_start3A_1776 = arith.constant 0 : i32
      %dma_start3A_1777 = tpu.memref_slice %arg3[%dma_start3A_1776, %multiple_of3A_1764] : memref<32x1000001xf32, #tpu.memory_space<hbm>> -> memref<8x128xf32, #tpu.memory_space<hbm>>
      tpu.enqueue_dma source(%dma_start3A_1777 : memref<8x128xf32, #tpu.memory_space<hbm>>) target(%dma_start3A_1775 : memref<8x128xf32, #tpu.memory_space<vmem>>) target_semaphore(%arg9 : memref<!tpu.dma_semaphore, #tpu.memory_space<semaphore_mem>>)
      %dma_start3A_1778 = arith.constant 12 : i32
      %dma_start3A_1779 = arith.constant 8 : i32
      %dma_start3A_1780 = arith.constant 0 : i32
      %dma_start3A_1781 = tpu.memref_slice %arg7[%dma_start3A_1778, %dma_start3A_1779, %dma_start3A_1780] : memref<16x32x128xf32, #tpu.memory_space<vmem>> -> memref<1x8x128xf32, #tpu.memory_space<vmem>>
      %dma_start3A_1782 = tpu.memref_squeeze %dma_start3A_1781 : memref<1x8x128xf32, #tpu.memory_space<vmem>> -> memref<8x128xf32, #tpu.memory_space<vmem>>
      %dma_start3A_1783 = arith.constant 8 : i32
      %dma_start3A_1784 = tpu.memref_slice %arg3[%dma_start3A_1783, %multiple_of3A_1764] : memref<32x1000001xf32, #tpu.memory_space<hbm>> -> memref<8x128xf32, #tpu.memory_space<hbm>>
      %dma_start3A_1785 = arith.constant 8 : i32
      %dma_start3A_1786 = arith.constant 0 : i32
      %dma_start3A_1787 = tpu.memref_slice %arg7[%dma_start3A_1778, %dma_start3A_1785, %dma_start3A_1786] : memref<16x32x128xf32, #tpu.memory_space<vmem>> -> memref<1x8x128xf32, #tpu.memory_space<vmem>>
      %dma_start3A_1788 = tpu.memref_squeeze %dma_start3A_1787 : memref<1x8x128xf32, #tpu.memory_space<vmem>> -> memref<8x128xf32, #tpu.memory_space<vmem>>
      %dma_start3A_1789 = arith.constant 8 : i32
      %dma_start3A_1790 = tpu.memref_slice %arg3[%dma_start3A_1789, %multiple_of3A_1764] : memref<32x1000001xf32, #tpu.memory_space<hbm>> -> memref<8x128xf32, #tpu.memory_space<hbm>>
      tpu.enqueue_dma source(%dma_start3A_1790 : memref<8x128xf32, #tpu.memory_space<hbm>>) target(%dma_start3A_1788 : memref<8x128xf32, #tpu.memory_space<vmem>>) target_semaphore(%arg9 : memref<!tpu.dma_semaphore, #tpu.memory_space<semaphore_mem>>)
      %dma_start3A_1791 = arith.constant 12 : i32
      %dma_start3A_1792 = arith.constant 16 : i32
      %dma_start3A_1793 = arith.constant 0 : i32
      %dma_start3A_1794 = tpu.memref_slice %arg7[%dma_start3A_1791, %dma_start3A_1792, %dma_start3A_1793] : memref<16x32x128xf32, #tpu.memory_space<vmem>> -> memref<1x8x128xf32, #tpu.memory_space<vmem>>
      %dma_start3A_1795 = tpu.memref_squeeze %dma_start3A_1794 : memref<1x8x128xf32, #tpu.memory_space<vmem>> -> memref<8x128xf32, #tpu.memory_space<vmem>>
      %dma_start3A_1796 = arith.constant 16 : i32
      %dma_start3A_1797 = tpu.memref_slice %arg3[%dma_start3A_1796, %multiple_of3A_1764] : memref<32x1000001xf32, #tpu.memory_space<hbm>> -> memref<8x128xf32, #tpu.memory_space<hbm>>
      %dma_start3A_1798 = arith.constant 16 : i32
      %dma_start3A_1799 = arith.constant 0 : i32
      %dma_start3A_1800 = tpu.memref_slice %arg7[%dma_start3A_1791, %dma_start3A_1798, %dma_start3A_1799] : memref<16x32x128xf32, #tpu.memory_space<vmem>> -> memref<1x8x128xf32, #tpu.memory_space<vmem>>
      %dma_start3A_1801 = tpu.memref_squeeze %dma_start3A_1800 : memref<1x8x128xf32, #tpu.memory_space<vmem>> -> memref<8x128xf32, #tpu.memory_space<vmem>>
      %dma_start3A_1802 = arith.constant 16 : i32
      %dma_start3A_1803 = tpu.memref_slice %arg3[%dma_start3A_1802, %multiple_of3A_1764] : memref<32x1000001xf32, #tpu.memory_space<hbm>> -> memref<8x128xf32, #tpu.memory_space<hbm>>
      tpu.enqueue_dma source(%dma_start3A_1803 : memref<8x128xf32, #tpu.memory_space<hbm>>) target(%dma_start3A_1801 : memref<8x128xf32, #tpu.memory_space<vmem>>) target_semaphore(%arg9 : memref<!tpu.dma_semaphore, #tpu.memory_space<semaphore_mem>>)
      %dma_start3A_1804 = arith.constant 12 : i32
      %dma_start3A_1805 = arith.constant 24 : i32
      %dma_start3A_1806 = arith.constant 0 : i32
      %dma_start3A_1807 = tpu.memref_slice %arg7[%dma_start3A_1804, %dma_start3A_1805, %dma_start3A_1806] : memref<16x32x128xf32, #tpu.memory_space<vmem>> -> memref<1x8x128xf32, #tpu.memory_space<vmem>>
      %dma_start3A_1808 = tpu.memref_squeeze %dma_start3A_1807 : memref<1x8x128xf32, #tpu.memory_space<vmem>> -> memref<8x128xf32, #tpu.memory_space<vmem>>
      %dma_start3A_1809 = arith.constant 24 : i32
      %dma_start3A_1810 = tpu.memref_slice %arg3[%dma_start3A_1809, %multiple_of3A_1764] : memref<32x1000001xf32, #tpu.memory_space<hbm>> -> memref<8x128xf32, #tpu.memory_space<hbm>>
      %dma_start3A_1811 = arith.constant 24 : i32
      %dma_start3A_1812 = arith.constant 0 : i32
      %dma_start3A_1813 = tpu.memref_slice %arg7[%dma_start3A_1804, %dma_start3A_1811, %dma_start3A_1812] : memref<16x32x128xf32, #tpu.memory_space<vmem>> -> memref<1x8x128xf32, #tpu.memory_space<vmem>>
      %dma_start3A_1814 = tpu.memref_squeeze %dma_start3A_1813 : memref<1x8x128xf32, #tpu.memory_space<vmem>> -> memref<8x128xf32, #tpu.memory_space<vmem>>
      %dma_start3A_1815 = arith.constant 24 : i32
      %dma_start3A_1816 = tpu.memref_slice %arg3[%dma_start3A_1815, %multiple_of3A_1764] : memref<32x1000001xf32, #tpu.memory_space<hbm>> -> memref<8x128xf32, #tpu.memory_space<hbm>>
      tpu.enqueue_dma source(%dma_start3A_1816 : memref<8x128xf32, #tpu.memory_space<hbm>>) target(%dma_start3A_1814 : memref<8x128xf32, #tpu.memory_space<vmem>>) target_semaphore(%arg9 : memref<!tpu.dma_semaphore, #tpu.memory_space<semaphore_mem>>)
      %slice3A_1817 = vector.extract_strided_slice %get3A_772 {offsets = [13], sizes = [1], strides = [1]} : vector<16xi32> to vector<1xi32>
      %squeeze3A_1818 = vector.extract %slice3A_1817[0] : i32 from vector<1xi32>
      %jit3A_1819 = arith.constant 128 : i32
      %div3A_1820 = arith.divsi %squeeze3A_1818, %jit3A_1819 : i32
      %sign3A_1821 = arith.constant 0 : i32
      %sign3A_1822 = arith.cmpi sgt, %squeeze3A_1818, %sign3A_1821 : i32
      %sign3A_1823 = arith.extui %sign3A_1822 : i1 to i32
      %sign3A_1824 = arith.constant 0 : i32
      %sign3A_1825 = arith.cmpi slt, %squeeze3A_1818, %sign3A_1824 : i32
      %sign3A_1826 = arith.extui %sign3A_1825 : i1 to i32
      %sign3A_1827 = arith.subi %sign3A_1823, %sign3A_1826 : i32
      %sign3A_1828 = arith.constant 0 : i32
      %sign3A_1829 = arith.cmpi sgt, %jit3A_1819, %sign3A_1828 : i32
      %sign3A_1830 = arith.extui %sign3A_1829 : i1 to i32
      %sign3A_1831 = arith.constant 0 : i32
      %sign3A_1832 = arith.cmpi slt, %jit3A_1819, %sign3A_1831 : i32
      %sign3A_1833 = arith.extui %sign3A_1832 : i1 to i32
      %sign3A_1834 = arith.subi %sign3A_1830, %sign3A_1833 : i32
      %ne3A_1835 = arith.cmpi ne, %sign3A_1827, %sign3A_1834 : i32
      %rem3A_1836 = arith.remsi %squeeze3A_1818, %jit3A_1819 : i32
      %ne3A_1837 = arith.constant 0 : i32
      %ne3A_1838 = arith.cmpi ne, %rem3A_1836, %ne3A_1837 : i32
      %and3A_1839 = arith.andi %ne3A_1835, %ne3A_1838 : i1
      %sub3A_1840 = arith.constant 1 : i32
      %sub3A_1841 = arith.subi %div3A_1820, %sub3A_1840 : i32
      %select_n3A_1842 = arith.select %and3A_1839, %sub3A_1841, %div3A_1820 : i32
      %mul3A_1843 = arith.constant 128 : i32
      %mul3A_1844 = arith.muli %select_n3A_1842, %mul3A_1843 : i32
      %multiple_of3A_1845 = tpu.assume_multiple %mul3A_1844, 128 : i32
      %dma_start3A_1846 = arith.constant 13 : i32
      %dma_start3A_1847 = arith.constant 0 : i32
      %dma_start3A_1848 = arith.constant 0 : i32
      %dma_start3A_1849 = tpu.memref_slice %arg7[%dma_start3A_1846, %dma_start3A_1847, %dma_start3A_1848] : memref<16x32x128xf32, #tpu.memory_space<vmem>> -> memref<1x8x128xf32, #tpu.memory_space<vmem>>
      %dma_start3A_1850 = tpu.memref_squeeze %dma_start3A_1849 : memref<1x8x128xf32, #tpu.memory_space<vmem>> -> memref<8x128xf32, #tpu.memory_space<vmem>>
      %dma_start3A_1851 = arith.constant 0 : i32
      %dma_start3A_1852 = tpu.memref_slice %arg3[%dma_start3A_1851, %multiple_of3A_1845] : memref<32x1000001xf32, #tpu.memory_space<hbm>> -> memref<8x128xf32, #tpu.memory_space<hbm>>
      %dma_start3A_1853 = arith.constant 0 : i32
      %dma_start3A_1854 = arith.constant 0 : i32
      %dma_start3A_1855 = tpu.memref_slice %arg7[%dma_start3A_1846, %dma_start3A_1853, %dma_start3A_1854] : memref<16x32x128xf32, #tpu.memory_space<vmem>> -> memref<1x8x128xf32, #tpu.memory_space<vmem>>
      %dma_start3A_1856 = tpu.memref_squeeze %dma_start3A_1855 : memref<1x8x128xf32, #tpu.memory_space<vmem>> -> memref<8x128xf32, #tpu.memory_space<vmem>>
      %dma_start3A_1857 = arith.constant 0 : i32
      %dma_start3A_1858 = tpu.memref_slice %arg3[%dma_start3A_1857, %multiple_of3A_1845] : memref<32x1000001xf32, #tpu.memory_space<hbm>> -> memref<8x128xf32, #tpu.memory_space<hbm>>
      tpu.enqueue_dma source(%dma_start3A_1858 : memref<8x128xf32, #tpu.memory_space<hbm>>) target(%dma_start3A_1856 : memref<8x128xf32, #tpu.memory_space<vmem>>) target_semaphore(%arg9 : memref<!tpu.dma_semaphore, #tpu.memory_space<semaphore_mem>>)
      %dma_start3A_1859 = arith.constant 13 : i32
      %dma_start3A_1860 = arith.constant 8 : i32
      %dma_start3A_1861 = arith.constant 0 : i32
      %dma_start3A_1862 = tpu.memref_slice %arg7[%dma_start3A_1859, %dma_start3A_1860, %dma_start3A_1861] : memref<16x32x128xf32, #tpu.memory_space<vmem>> -> memref<1x8x128xf32, #tpu.memory_space<vmem>>
      %dma_start3A_1863 = tpu.memref_squeeze %dma_start3A_1862 : memref<1x8x128xf32, #tpu.memory_space<vmem>> -> memref<8x128xf32, #tpu.memory_space<vmem>>
      %dma_start3A_1864 = arith.constant 8 : i32
      %dma_start3A_1865 = tpu.memref_slice %arg3[%dma_start3A_1864, %multiple_of3A_1845] : memref<32x1000001xf32, #tpu.memory_space<hbm>> -> memref<8x128xf32, #tpu.memory_space<hbm>>
      %dma_start3A_1866 = arith.constant 8 : i32
      %dma_start3A_1867 = arith.constant 0 : i32
      %dma_start3A_1868 = tpu.memref_slice %arg7[%dma_start3A_1859, %dma_start3A_1866, %dma_start3A_1867] : memref<16x32x128xf32, #tpu.memory_space<vmem>> -> memref<1x8x128xf32, #tpu.memory_space<vmem>>
      %dma_start3A_1869 = tpu.memref_squeeze %dma_start3A_1868 : memref<1x8x128xf32, #tpu.memory_space<vmem>> -> memref<8x128xf32, #tpu.memory_space<vmem>>
      %dma_start3A_1870 = arith.constant 8 : i32
      %dma_start3A_1871 = tpu.memref_slice %arg3[%dma_start3A_1870, %multiple_of3A_1845] : memref<32x1000001xf32, #tpu.memory_space<hbm>> -> memref<8x128xf32, #tpu.memory_space<hbm>>
      tpu.enqueue_dma source(%dma_start3A_1871 : memref<8x128xf32, #tpu.memory_space<hbm>>) target(%dma_start3A_1869 : memref<8x128xf32, #tpu.memory_space<vmem>>) target_semaphore(%arg9 : memref<!tpu.dma_semaphore, #tpu.memory_space<semaphore_mem>>)
      %dma_start3A_1872 = arith.constant 13 : i32
      %dma_start3A_1873 = arith.constant 16 : i32
      %dma_start3A_1874 = arith.constant 0 : i32
      %dma_start3A_1875 = tpu.memref_slice %arg7[%dma_start3A_1872, %dma_start3A_1873, %dma_start3A_1874] : memref<16x32x128xf32, #tpu.memory_space<vmem>> -> memref<1x8x128xf32, #tpu.memory_space<vmem>>
      %dma_start3A_1876 = tpu.memref_squeeze %dma_start3A_1875 : memref<1x8x128xf32, #tpu.memory_space<vmem>> -> memref<8x128xf32, #tpu.memory_space<vmem>>
      %dma_start3A_1877 = arith.constant 16 : i32
      %dma_start3A_1878 = tpu.memref_slice %arg3[%dma_start3A_1877, %multiple_of3A_1845] : memref<32x1000001xf32, #tpu.memory_space<hbm>> -> memref<8x128xf32, #tpu.memory_space<hbm>>
      %dma_start3A_1879 = arith.constant 16 : i32
      %dma_start3A_1880 = arith.constant 0 : i32
      %dma_start3A_1881 = tpu.memref_slice %arg7[%dma_start3A_1872, %dma_start3A_1879, %dma_start3A_1880] : memref<16x32x128xf32, #tpu.memory_space<vmem>> -> memref<1x8x128xf32, #tpu.memory_space<vmem>>
      %dma_start3A_1882 = tpu.memref_squeeze %dma_start3A_1881 : memref<1x8x128xf32, #tpu.memory_space<vmem>> -> memref<8x128xf32, #tpu.memory_space<vmem>>
      %dma_start3A_1883 = arith.constant 16 : i32
      %dma_start3A_1884 = tpu.memref_slice %arg3[%dma_start3A_1883, %multiple_of3A_1845] : memref<32x1000001xf32, #tpu.memory_space<hbm>> -> memref<8x128xf32, #tpu.memory_space<hbm>>
      tpu.enqueue_dma source(%dma_start3A_1884 : memref<8x128xf32, #tpu.memory_space<hbm>>) target(%dma_start3A_1882 : memref<8x128xf32, #tpu.memory_space<vmem>>) target_semaphore(%arg9 : memref<!tpu.dma_semaphore, #tpu.memory_space<semaphore_mem>>)
      %dma_start3A_1885 = arith.constant 13 : i32
      %dma_start3A_1886 = arith.constant 24 : i32
      %dma_start3A_1887 = arith.constant 0 : i32
      %dma_start3A_1888 = tpu.memref_slice %arg7[%dma_start3A_1885, %dma_start3A_1886, %dma_start3A_1887] : memref<16x32x128xf32, #tpu.memory_space<vmem>> -> memref<1x8x128xf32, #tpu.memory_space<vmem>>
      %dma_start3A_1889 = tpu.memref_squeeze %dma_start3A_1888 : memref<1x8x128xf32, #tpu.memory_space<vmem>> -> memref<8x128xf32, #tpu.memory_space<vmem>>
      %dma_start3A_1890 = arith.constant 24 : i32
      %dma_start3A_1891 = tpu.memref_slice %arg3[%dma_start3A_1890, %multiple_of3A_1845] : memref<32x1000001xf32, #tpu.memory_space<hbm>> -> memref<8x128xf32, #tpu.memory_space<hbm>>
      %dma_start3A_1892 = arith.constant 24 : i32
      %dma_start3A_1893 = arith.constant 0 : i32
      %dma_start3A_1894 = tpu.memref_slice %arg7[%dma_start3A_1885, %dma_start3A_1892, %dma_start3A_1893] : memref<16x32x128xf32, #tpu.memory_space<vmem>> -> memref<1x8x128xf32, #tpu.memory_space<vmem>>
      %dma_start3A_1895 = tpu.memref_squeeze %dma_start3A_1894 : memref<1x8x128xf32, #tpu.memory_space<vmem>> -> memref<8x128xf32, #tpu.memory_space<vmem>>
      %dma_start3A_1896 = arith.constant 24 : i32
      %dma_start3A_1897 = tpu.memref_slice %arg3[%dma_start3A_1896, %multiple_of3A_1845] : memref<32x1000001xf32, #tpu.memory_space<hbm>> -> memref<8x128xf32, #tpu.memory_space<hbm>>
      tpu.enqueue_dma source(%dma_start3A_1897 : memref<8x128xf32, #tpu.memory_space<hbm>>) target(%dma_start3A_1895 : memref<8x128xf32, #tpu.memory_space<vmem>>) target_semaphore(%arg9 : memref<!tpu.dma_semaphore, #tpu.memory_space<semaphore_mem>>)
      %slice3A_1898 = vector.extract_strided_slice %get3A_772 {offsets = [14], sizes = [1], strides = [1]} : vector<16xi32> to vector<1xi32>
      %squeeze3A_1899 = vector.extract %slice3A_1898[0] : i32 from vector<1xi32>
      %jit3A_1900 = arith.constant 128 : i32
      %div3A_1901 = arith.divsi %squeeze3A_1899, %jit3A_1900 : i32
      %sign3A_1902 = arith.constant 0 : i32
      %sign3A_1903 = arith.cmpi sgt, %squeeze3A_1899, %sign3A_1902 : i32
      %sign3A_1904 = arith.extui %sign3A_1903 : i1 to i32
      %sign3A_1905 = arith.constant 0 : i32
      %sign3A_1906 = arith.cmpi slt, %squeeze3A_1899, %sign3A_1905 : i32
      %sign3A_1907 = arith.extui %sign3A_1906 : i1 to i32
      %sign3A_1908 = arith.subi %sign3A_1904, %sign3A_1907 : i32
      %sign3A_1909 = arith.constant 0 : i32
      %sign3A_1910 = arith.cmpi sgt, %jit3A_1900, %sign3A_1909 : i32
      %sign3A_1911 = arith.extui %sign3A_1910 : i1 to i32
      %sign3A_1912 = arith.constant 0 : i32
      %sign3A_1913 = arith.cmpi slt, %jit3A_1900, %sign3A_1912 : i32
      %sign3A_1914 = arith.extui %sign3A_1913 : i1 to i32
      %sign3A_1915 = arith.subi %sign3A_1911, %sign3A_1914 : i32
      %ne3A_1916 = arith.cmpi ne, %sign3A_1908, %sign3A_1915 : i32
      %rem3A_1917 = arith.remsi %squeeze3A_1899, %jit3A_1900 : i32
      %ne3A_1918 = arith.constant 0 : i32
      %ne3A_1919 = arith.cmpi ne, %rem3A_1917, %ne3A_1918 : i32
      %and3A_1920 = arith.andi %ne3A_1916, %ne3A_1919 : i1
      %sub3A_1921 = arith.constant 1 : i32
      %sub3A_1922 = arith.subi %div3A_1901, %sub3A_1921 : i32
      %select_n3A_1923 = arith.select %and3A_1920, %sub3A_1922, %div3A_1901 : i32
      %mul3A_1924 = arith.constant 128 : i32
      %mul3A_1925 = arith.muli %select_n3A_1923, %mul3A_1924 : i32
      %multiple_of3A_1926 = tpu.assume_multiple %mul3A_1925, 128 : i32
      %dma_start3A_1927 = arith.constant 14 : i32
      %dma_start3A_1928 = arith.constant 0 : i32
      %dma_start3A_1929 = arith.constant 0 : i32
      %dma_start3A_1930 = tpu.memref_slice %arg7[%dma_start3A_1927, %dma_start3A_1928, %dma_start3A_1929] : memref<16x32x128xf32, #tpu.memory_space<vmem>> -> memref<1x8x128xf32, #tpu.memory_space<vmem>>
      %dma_start3A_1931 = tpu.memref_squeeze %dma_start3A_1930 : memref<1x8x128xf32, #tpu.memory_space<vmem>> -> memref<8x128xf32, #tpu.memory_space<vmem>>
      %dma_start3A_1932 = arith.constant 0 : i32
      %dma_start3A_1933 = tpu.memref_slice %arg3[%dma_start3A_1932, %multiple_of3A_1926] : memref<32x1000001xf32, #tpu.memory_space<hbm>> -> memref<8x128xf32, #tpu.memory_space<hbm>>
      %dma_start3A_1934 = arith.constant 0 : i32
      %dma_start3A_1935 = arith.constant 0 : i32
      %dma_start3A_1936 = tpu.memref_slice %arg7[%dma_start3A_1927, %dma_start3A_1934, %dma_start3A_1935] : memref<16x32x128xf32, #tpu.memory_space<vmem>> -> memref<1x8x128xf32, #tpu.memory_space<vmem>>
      %dma_start3A_1937 = tpu.memref_squeeze %dma_start3A_1936 : memref<1x8x128xf32, #tpu.memory_space<vmem>> -> memref<8x128xf32, #tpu.memory_space<vmem>>
      %dma_start3A_1938 = arith.constant 0 : i32
      %dma_start3A_1939 = tpu.memref_slice %arg3[%dma_start3A_1938, %multiple_of3A_1926] : memref<32x1000001xf32, #tpu.memory_space<hbm>> -> memref<8x128xf32, #tpu.memory_space<hbm>>
      tpu.enqueue_dma source(%dma_start3A_1939 : memref<8x128xf32, #tpu.memory_space<hbm>>) target(%dma_start3A_1937 : memref<8x128xf32, #tpu.memory_space<vmem>>) target_semaphore(%arg9 : memref<!tpu.dma_semaphore, #tpu.memory_space<semaphore_mem>>)
      %dma_start3A_1940 = arith.constant 14 : i32
      %dma_start3A_1941 = arith.constant 8 : i32
      %dma_start3A_1942 = arith.constant 0 : i32
      %dma_start3A_1943 = tpu.memref_slice %arg7[%dma_start3A_1940, %dma_start3A_1941, %dma_start3A_1942] : memref<16x32x128xf32, #tpu.memory_space<vmem>> -> memref<1x8x128xf32, #tpu.memory_space<vmem>>
      %dma_start3A_1944 = tpu.memref_squeeze %dma_start3A_1943 : memref<1x8x128xf32, #tpu.memory_space<vmem>> -> memref<8x128xf32, #tpu.memory_space<vmem>>
      %dma_start3A_1945 = arith.constant 8 : i32
      %dma_start3A_1946 = tpu.memref_slice %arg3[%dma_start3A_1945, %multiple_of3A_1926] : memref<32x1000001xf32, #tpu.memory_space<hbm>> -> memref<8x128xf32, #tpu.memory_space<hbm>>
      %dma_start3A_1947 = arith.constant 8 : i32
      %dma_start3A_1948 = arith.constant 0 : i32
      %dma_start3A_1949 = tpu.memref_slice %arg7[%dma_start3A_1940, %dma_start3A_1947, %dma_start3A_1948] : memref<16x32x128xf32, #tpu.memory_space<vmem>> -> memref<1x8x128xf32, #tpu.memory_space<vmem>>
      %dma_start3A_1950 = tpu.memref_squeeze %dma_start3A_1949 : memref<1x8x128xf32, #tpu.memory_space<vmem>> -> memref<8x128xf32, #tpu.memory_space<vmem>>
      %dma_start3A_1951 = arith.constant 8 : i32
      %dma_start3A_1952 = tpu.memref_slice %arg3[%dma_start3A_1951, %multiple_of3A_1926] : memref<32x1000001xf32, #tpu.memory_space<hbm>> -> memref<8x128xf32, #tpu.memory_space<hbm>>
      tpu.enqueue_dma source(%dma_start3A_1952 : memref<8x128xf32, #tpu.memory_space<hbm>>) target(%dma_start3A_1950 : memref<8x128xf32, #tpu.memory_space<vmem>>) target_semaphore(%arg9 : memref<!tpu.dma_semaphore, #tpu.memory_space<semaphore_mem>>)
      %dma_start3A_1953 = arith.constant 14 : i32
      %dma_start3A_1954 = arith.constant 16 : i32
      %dma_start3A_1955 = arith.constant 0 : i32
      %dma_start3A_1956 = tpu.memref_slice %arg7[%dma_start3A_1953, %dma_start3A_1954, %dma_start3A_1955] : memref<16x32x128xf32, #tpu.memory_space<vmem>> -> memref<1x8x128xf32, #tpu.memory_space<vmem>>
      %dma_start3A_1957 = tpu.memref_squeeze %dma_start3A_1956 : memref<1x8x128xf32, #tpu.memory_space<vmem>> -> memref<8x128xf32, #tpu.memory_space<vmem>>
      %dma_start3A_1958 = arith.constant 16 : i32
      %dma_start3A_1959 = tpu.memref_slice %arg3[%dma_start3A_1958, %multiple_of3A_1926] : memref<32x1000001xf32, #tpu.memory_space<hbm>> -> memref<8x128xf32, #tpu.memory_space<hbm>>
      %dma_start3A_1960 = arith.constant 16 : i32
      %dma_start3A_1961 = arith.constant 0 : i32
      %dma_start3A_1962 = tpu.memref_slice %arg7[%dma_start3A_1953, %dma_start3A_1960, %dma_start3A_1961] : memref<16x32x128xf32, #tpu.memory_space<vmem>> -> memref<1x8x128xf32, #tpu.memory_space<vmem>>
      %dma_start3A_1963 = tpu.memref_squeeze %dma_start3A_1962 : memref<1x8x128xf32, #tpu.memory_space<vmem>> -> memref<8x128xf32, #tpu.memory_space<vmem>>
      %dma_start3A_1964 = arith.constant 16 : i32
      %dma_start3A_1965 = tpu.memref_slice %arg3[%dma_start3A_1964, %multiple_of3A_1926] : memref<32x1000001xf32, #tpu.memory_space<hbm>> -> memref<8x128xf32, #tpu.memory_space<hbm>>
      tpu.enqueue_dma source(%dma_start3A_1965 : memref<8x128xf32, #tpu.memory_space<hbm>>) target(%dma_start3A_1963 : memref<8x128xf32, #tpu.memory_space<vmem>>) target_semaphore(%arg9 : memref<!tpu.dma_semaphore, #tpu.memory_space<semaphore_mem>>)
      %dma_start3A_1966 = arith.constant 14 : i32
      %dma_start3A_1967 = arith.constant 24 : i32
      %dma_start3A_1968 = arith.constant 0 : i32
      %dma_start3A_1969 = tpu.memref_slice %arg7[%dma_start3A_1966, %dma_start3A_1967, %dma_start3A_1968] : memref<16x32x128xf32, #tpu.memory_space<vmem>> -> memref<1x8x128xf32, #tpu.memory_space<vmem>>
      %dma_start3A_1970 = tpu.memref_squeeze %dma_start3A_1969 : memref<1x8x128xf32, #tpu.memory_space<vmem>> -> memref<8x128xf32, #tpu.memory_space<vmem>>
      %dma_start3A_1971 = arith.constant 24 : i32
      %dma_start3A_1972 = tpu.memref_slice %arg3[%dma_start3A_1971, %multiple_of3A_1926] : memref<32x1000001xf32, #tpu.memory_space<hbm>> -> memref<8x128xf32, #tpu.memory_space<hbm>>
      %dma_start3A_1973 = arith.constant 24 : i32
      %dma_start3A_1974 = arith.constant 0 : i32
      %dma_start3A_1975 = tpu.memref_slice %arg7[%dma_start3A_1966, %dma_start3A_1973, %dma_start3A_1974] : memref<16x32x128xf32, #tpu.memory_space<vmem>> -> memref<1x8x128xf32, #tpu.memory_space<vmem>>
      %dma_start3A_1976 = tpu.memref_squeeze %dma_start3A_1975 : memref<1x8x128xf32, #tpu.memory_space<vmem>> -> memref<8x128xf32, #tpu.memory_space<vmem>>
      %dma_start3A_1977 = arith.constant 24 : i32
      %dma_start3A_1978 = tpu.memref_slice %arg3[%dma_start3A_1977, %multiple_of3A_1926] : memref<32x1000001xf32, #tpu.memory_space<hbm>> -> memref<8x128xf32, #tpu.memory_space<hbm>>
      tpu.enqueue_dma source(%dma_start3A_1978 : memref<8x128xf32, #tpu.memory_space<hbm>>) target(%dma_start3A_1976 : memref<8x128xf32, #tpu.memory_space<vmem>>) target_semaphore(%arg9 : memref<!tpu.dma_semaphore, #tpu.memory_space<semaphore_mem>>)
      %slice3A_1979 = vector.extract_strided_slice %get3A_772 {offsets = [15], sizes = [1], strides = [1]} : vector<16xi32> to vector<1xi32>
      %squeeze3A_1980 = vector.extract %slice3A_1979[0] : i32 from vector<1xi32>
      %jit3A_1981 = arith.constant 128 : i32
      %div3A_1982 = arith.divsi %squeeze3A_1980, %jit3A_1981 : i32
      %sign3A_1983 = arith.constant 0 : i32
      %sign3A_1984 = arith.cmpi sgt, %squeeze3A_1980, %sign3A_1983 : i32
      %sign3A_1985 = arith.extui %sign3A_1984 : i1 to i32
      %sign3A_1986 = arith.constant 0 : i32
      %sign3A_1987 = arith.cmpi slt, %squeeze3A_1980, %sign3A_1986 : i32
      %sign3A_1988 = arith.extui %sign3A_1987 : i1 to i32
      %sign3A_1989 = arith.subi %sign3A_1985, %sign3A_1988 : i32
      %sign3A_1990 = arith.constant 0 : i32
      %sign3A_1991 = arith.cmpi sgt, %jit3A_1981, %sign3A_1990 : i32
      %sign3A_1992 = arith.extui %sign3A_1991 : i1 to i32
      %sign3A_1993 = arith.constant 0 : i32
      %sign3A_1994 = arith.cmpi slt, %jit3A_1981, %sign3A_1993 : i32
      %sign3A_1995 = arith.extui %sign3A_1994 : i1 to i32
      %sign3A_1996 = arith.subi %sign3A_1992, %sign3A_1995 : i32
      %ne3A_1997 = arith.cmpi ne, %sign3A_1989, %sign3A_1996 : i32
      %rem3A_1998 = arith.remsi %squeeze3A_1980, %jit3A_1981 : i32
      %ne3A_1999 = arith.constant 0 : i32
      %ne3A_2000 = arith.cmpi ne, %rem3A_1998, %ne3A_1999 : i32
      %and3A_2001 = arith.andi %ne3A_1997, %ne3A_2000 : i1
      %sub3A_2002 = arith.constant 1 : i32
      %sub3A_2003 = arith.subi %div3A_1982, %sub3A_2002 : i32
      %select_n3A_2004 = arith.select %and3A_2001, %sub3A_2003, %div3A_1982 : i32
      %mul3A_2005 = arith.constant 128 : i32
      %mul3A_2006 = arith.muli %select_n3A_2004, %mul3A_2005 : i32
      %multiple_of3A_2007 = tpu.assume_multiple %mul3A_2006, 128 : i32
      %dma_start3A_2008 = arith.constant 15 : i32
      %dma_start3A_2009 = arith.constant 0 : i32
      %dma_start3A_2010 = arith.constant 0 : i32
      %dma_start3A_2011 = tpu.memref_slice %arg7[%dma_start3A_2008, %dma_start3A_2009, %dma_start3A_2010] : memref<16x32x128xf32, #tpu.memory_space<vmem>> -> memref<1x8x128xf32, #tpu.memory_space<vmem>>
      %dma_start3A_2012 = tpu.memref_squeeze %dma_start3A_2011 : memref<1x8x128xf32, #tpu.memory_space<vmem>> -> memref<8x128xf32, #tpu.memory_space<vmem>>
      %dma_start3A_2013 = arith.constant 0 : i32
      %dma_start3A_2014 = tpu.memref_slice %arg3[%dma_start3A_2013, %multiple_of3A_2007] : memref<32x1000001xf32, #tpu.memory_space<hbm>> -> memref<8x128xf32, #tpu.memory_space<hbm>>
      %dma_start3A_2015 = arith.constant 0 : i32
      %dma_start3A_2016 = arith.constant 0 : i32
      %dma_start3A_2017 = tpu.memref_slice %arg7[%dma_start3A_2008, %dma_start3A_2015, %dma_start3A_2016] : memref<16x32x128xf32, #tpu.memory_space<vmem>> -> memref<1x8x128xf32, #tpu.memory_space<vmem>>
      %dma_start3A_2018 = tpu.memref_squeeze %dma_start3A_2017 : memref<1x8x128xf32, #tpu.memory_space<vmem>> -> memref<8x128xf32, #tpu.memory_space<vmem>>
      %dma_start3A_2019 = arith.constant 0 : i32
      %dma_start3A_2020 = tpu.memref_slice %arg3[%dma_start3A_2019, %multiple_of3A_2007] : memref<32x1000001xf32, #tpu.memory_space<hbm>> -> memref<8x128xf32, #tpu.memory_space<hbm>>
      tpu.enqueue_dma source(%dma_start3A_2020 : memref<8x128xf32, #tpu.memory_space<hbm>>) target(%dma_start3A_2018 : memref<8x128xf32, #tpu.memory_space<vmem>>) target_semaphore(%arg9 : memref<!tpu.dma_semaphore, #tpu.memory_space<semaphore_mem>>)
      %dma_start3A_2021 = arith.constant 15 : i32
      %dma_start3A_2022 = arith.constant 8 : i32
      %dma_start3A_2023 = arith.constant 0 : i32
      %dma_start3A_2024 = tpu.memref_slice %arg7[%dma_start3A_2021, %dma_start3A_2022, %dma_start3A_2023] : memref<16x32x128xf32, #tpu.memory_space<vmem>> -> memref<1x8x128xf32, #tpu.memory_space<vmem>>
      %dma_start3A_2025 = tpu.memref_squeeze %dma_start3A_2024 : memref<1x8x128xf32, #tpu.memory_space<vmem>> -> memref<8x128xf32, #tpu.memory_space<vmem>>
      %dma_start3A_2026 = arith.constant 8 : i32
      %dma_start3A_2027 = tpu.memref_slice %arg3[%dma_start3A_2026, %multiple_of3A_2007] : memref<32x1000001xf32, #tpu.memory_space<hbm>> -> memref<8x128xf32, #tpu.memory_space<hbm>>
      %dma_start3A_2028 = arith.constant 8 : i32
      %dma_start3A_2029 = arith.constant 0 : i32
      %dma_start3A_2030 = tpu.memref_slice %arg7[%dma_start3A_2021, %dma_start3A_2028, %dma_start3A_2029] : memref<16x32x128xf32, #tpu.memory_space<vmem>> -> memref<1x8x128xf32, #tpu.memory_space<vmem>>
      %dma_start3A_2031 = tpu.memref_squeeze %dma_start3A_2030 : memref<1x8x128xf32, #tpu.memory_space<vmem>> -> memref<8x128xf32, #tpu.memory_space<vmem>>
      %dma_start3A_2032 = arith.constant 8 : i32
      %dma_start3A_2033 = tpu.memref_slice %arg3[%dma_start3A_2032, %multiple_of3A_2007] : memref<32x1000001xf32, #tpu.memory_space<hbm>> -> memref<8x128xf32, #tpu.memory_space<hbm>>
      tpu.enqueue_dma source(%dma_start3A_2033 : memref<8x128xf32, #tpu.memory_space<hbm>>) target(%dma_start3A_2031 : memref<8x128xf32, #tpu.memory_space<vmem>>) target_semaphore(%arg9 : memref<!tpu.dma_semaphore, #tpu.memory_space<semaphore_mem>>)
      %dma_start3A_2034 = arith.constant 15 : i32
      %dma_start3A_2035 = arith.constant 16 : i32
      %dma_start3A_2036 = arith.constant 0 : i32
      %dma_start3A_2037 = tpu.memref_slice %arg7[%dma_start3A_2034, %dma_start3A_2035, %dma_start3A_2036] : memref<16x32x128xf32, #tpu.memory_space<vmem>> -> memref<1x8x128xf32, #tpu.memory_space<vmem>>
      %dma_start3A_2038 = tpu.memref_squeeze %dma_start3A_2037 : memref<1x8x128xf32, #tpu.memory_space<vmem>> -> memref<8x128xf32, #tpu.memory_space<vmem>>
      %dma_start3A_2039 = arith.constant 16 : i32
      %dma_start3A_2040 = tpu.memref_slice %arg3[%dma_start3A_2039, %multiple_of3A_2007] : memref<32x1000001xf32, #tpu.memory_space<hbm>> -> memref<8x128xf32, #tpu.memory_space<hbm>>
      %dma_start3A_2041 = arith.constant 16 : i32
      %dma_start3A_2042 = arith.constant 0 : i32
      %dma_start3A_2043 = tpu.memref_slice %arg7[%dma_start3A_2034, %dma_start3A_2041, %dma_start3A_2042] : memref<16x32x128xf32, #tpu.memory_space<vmem>> -> memref<1x8x128xf32, #tpu.memory_space<vmem>>
      %dma_start3A_2044 = tpu.memref_squeeze %dma_start3A_2043 : memref<1x8x128xf32, #tpu.memory_space<vmem>> -> memref<8x128xf32, #tpu.memory_space<vmem>>
      %dma_start3A_2045 = arith.constant 16 : i32
      %dma_start3A_2046 = tpu.memref_slice %arg3[%dma_start3A_2045, %multiple_of3A_2007] : memref<32x1000001xf32, #tpu.memory_space<hbm>> -> memref<8x128xf32, #tpu.memory_space<hbm>>
      tpu.enqueue_dma source(%dma_start3A_2046 : memref<8x128xf32, #tpu.memory_space<hbm>>) target(%dma_start3A_2044 : memref<8x128xf32, #tpu.memory_space<vmem>>) target_semaphore(%arg9 : memref<!tpu.dma_semaphore, #tpu.memory_space<semaphore_mem>>)
      %dma_start3A_2047 = arith.constant 15 : i32
      %dma_start3A_2048 = arith.constant 24 : i32
      %dma_start3A_2049 = arith.constant 0 : i32
      %dma_start3A_2050 = tpu.memref_slice %arg7[%dma_start3A_2047, %dma_start3A_2048, %dma_start3A_2049] : memref<16x32x128xf32, #tpu.memory_space<vmem>> -> memref<1x8x128xf32, #tpu.memory_space<vmem>>
      %dma_start3A_2051 = tpu.memref_squeeze %dma_start3A_2050 : memref<1x8x128xf32, #tpu.memory_space<vmem>> -> memref<8x128xf32, #tpu.memory_space<vmem>>
      %dma_start3A_2052 = arith.constant 24 : i32
      %dma_start3A_2053 = tpu.memref_slice %arg3[%dma_start3A_2052, %multiple_of3A_2007] : memref<32x1000001xf32, #tpu.memory_space<hbm>> -> memref<8x128xf32, #tpu.memory_space<hbm>>
      %dma_start3A_2054 = arith.constant 24 : i32
      %dma_start3A_2055 = arith.constant 0 : i32
      %dma_start3A_2056 = tpu.memref_slice %arg7[%dma_start3A_2047, %dma_start3A_2054, %dma_start3A_2055] : memref<16x32x128xf32, #tpu.memory_space<vmem>> -> memref<1x8x128xf32, #tpu.memory_space<vmem>>
      %dma_start3A_2057 = tpu.memref_squeeze %dma_start3A_2056 : memref<1x8x128xf32, #tpu.memory_space<vmem>> -> memref<8x128xf32, #tpu.memory_space<vmem>>
      %dma_start3A_2058 = arith.constant 24 : i32
      %dma_start3A_2059 = tpu.memref_slice %arg3[%dma_start3A_2058, %multiple_of3A_2007] : memref<32x1000001xf32, #tpu.memory_space<hbm>> -> memref<8x128xf32, #tpu.memory_space<hbm>>
      tpu.enqueue_dma source(%dma_start3A_2059 : memref<8x128xf32, #tpu.memory_space<hbm>>) target(%dma_start3A_2057 : memref<8x128xf32, #tpu.memory_space<vmem>>) target_semaphore(%arg9 : memref<!tpu.dma_semaphore, #tpu.memory_space<semaphore_mem>>)
      %dma_wait3A = arith.constant 0 : i32
      %dma_wait3A_2060 = arith.constant 0 : i32
      %dma_wait3A_2061 = arith.constant 0 : i32
      %dma_wait3A_2062 = tpu.memref_slice %arg7[%dma_wait3A, %dma_wait3A_2060, %dma_wait3A_2061] : memref<16x32x128xf32, #tpu.memory_space<vmem>> -> memref<1x8x128xf32, #tpu.memory_space<vmem>>
      %dma_wait3A_2063 = tpu.memref_squeeze %dma_wait3A_2062 : memref<1x8x128xf32, #tpu.memory_space<vmem>> -> memref<8x128xf32, #tpu.memory_space<vmem>>
      %dma_wait3A_2064 = arith.constant 0 : i32
      %dma_wait3A_2065 = tpu.memref_slice %arg3[%dma_wait3A_2064, %multiple_of3A] : memref<32x1000001xf32, #tpu.memory_space<hbm>> -> memref<8x128xf32, #tpu.memory_space<hbm>>
      %dma_wait3A_2066 = arith.constant 0 : i32
      %dma_wait3A_2067 = arith.constant 0 : i32
      %dma_wait3A_2068 = tpu.memref_slice %arg7[%dma_wait3A, %dma_wait3A_2066, %dma_wait3A_2067] : memref<16x32x128xf32, #tpu.memory_space<vmem>> -> memref<1x8x128xf32, #tpu.memory_space<vmem>>
      %dma_wait3A_2069 = tpu.memref_squeeze %dma_wait3A_2068 : memref<1x8x128xf32, #tpu.memory_space<vmem>> -> memref<8x128xf32, #tpu.memory_space<vmem>>
      %dma_wait3A_2070 = arith.constant 0 : i32
      %dma_wait3A_2071 = tpu.memref_slice %arg3[%dma_wait3A_2070, %multiple_of3A] : memref<32x1000001xf32, #tpu.memory_space<hbm>> -> memref<8x128xf32, #tpu.memory_space<hbm>>
      tpu.wait_dma2 semaphore(%arg9 : memref<!tpu.dma_semaphore, #tpu.memory_space<semaphore_mem>>) src(%dma_wait3A_2071 : memref<8x128xf32, #tpu.memory_space<hbm>>) dst(%dma_wait3A_2069 : memref<8x128xf32, #tpu.memory_space<vmem>>)
      %dma_wait3A_2072 = arith.constant 0 : i32
      %dma_wait3A_2073 = arith.constant 8 : i32
      %dma_wait3A_2074 = arith.constant 0 : i32
      %dma_wait3A_2075 = tpu.memref_slice %arg7[%dma_wait3A_2072, %dma_wait3A_2073, %dma_wait3A_2074] : memref<16x32x128xf32, #tpu.memory_space<vmem>> -> memref<1x8x128xf32, #tpu.memory_space<vmem>>
      %dma_wait3A_2076 = tpu.memref_squeeze %dma_wait3A_2075 : memref<1x8x128xf32, #tpu.memory_space<vmem>> -> memref<8x128xf32, #tpu.memory_space<vmem>>
      %dma_wait3A_2077 = arith.constant 8 : i32
      %dma_wait3A_2078 = tpu.memref_slice %arg3[%dma_wait3A_2077, %multiple_of3A] : memref<32x1000001xf32, #tpu.memory_space<hbm>> -> memref<8x128xf32, #tpu.memory_space<hbm>>
      %dma_wait3A_2079 = arith.constant 8 : i32
      %dma_wait3A_2080 = arith.constant 0 : i32
      %dma_wait3A_2081 = tpu.memref_slice %arg7[%dma_wait3A_2072, %dma_wait3A_2079, %dma_wait3A_2080] : memref<16x32x128xf32, #tpu.memory_space<vmem>> -> memref<1x8x128xf32, #tpu.memory_space<vmem>>
      %dma_wait3A_2082 = tpu.memref_squeeze %dma_wait3A_2081 : memref<1x8x128xf32, #tpu.memory_space<vmem>> -> memref<8x128xf32, #tpu.memory_space<vmem>>
      %dma_wait3A_2083 = arith.constant 8 : i32
      %dma_wait3A_2084 = tpu.memref_slice %arg3[%dma_wait3A_2083, %multiple_of3A] : memref<32x1000001xf32, #tpu.memory_space<hbm>> -> memref<8x128xf32, #tpu.memory_space<hbm>>
      tpu.wait_dma2 semaphore(%arg9 : memref<!tpu.dma_semaphore, #tpu.memory_space<semaphore_mem>>) src(%dma_wait3A_2084 : memref<8x128xf32, #tpu.memory_space<hbm>>) dst(%dma_wait3A_2082 : memref<8x128xf32, #tpu.memory_space<vmem>>)
      %dma_wait3A_2085 = arith.constant 0 : i32
      %dma_wait3A_2086 = arith.constant 16 : i32
      %dma_wait3A_2087 = arith.constant 0 : i32
      %dma_wait3A_2088 = tpu.memref_slice %arg7[%dma_wait3A_2085, %dma_wait3A_2086, %dma_wait3A_2087] : memref<16x32x128xf32, #tpu.memory_space<vmem>> -> memref<1x8x128xf32, #tpu.memory_space<vmem>>
      %dma_wait3A_2089 = tpu.memref_squeeze %dma_wait3A_2088 : memref<1x8x128xf32, #tpu.memory_space<vmem>> -> memref<8x128xf32, #tpu.memory_space<vmem>>
      %dma_wait3A_2090 = arith.constant 16 : i32
      %dma_wait3A_2091 = tpu.memref_slice %arg3[%dma_wait3A_2090, %multiple_of3A] : memref<32x1000001xf32, #tpu.memory_space<hbm>> -> memref<8x128xf32, #tpu.memory_space<hbm>>
      %dma_wait3A_2092 = arith.constant 16 : i32
      %dma_wait3A_2093 = arith.constant 0 : i32
      %dma_wait3A_2094 = tpu.memref_slice %arg7[%dma_wait3A_2085, %dma_wait3A_2092, %dma_wait3A_2093] : memref<16x32x128xf32, #tpu.memory_space<vmem>> -> memref<1x8x128xf32, #tpu.memory_space<vmem>>
      %dma_wait3A_2095 = tpu.memref_squeeze %dma_wait3A_2094 : memref<1x8x128xf32, #tpu.memory_space<vmem>> -> memref<8x128xf32, #tpu.memory_space<vmem>>
      %dma_wait3A_2096 = arith.constant 16 : i32
      %dma_wait3A_2097 = tpu.memref_slice %arg3[%dma_wait3A_2096, %multiple_of3A] : memref<32x1000001xf32, #tpu.memory_space<hbm>> -> memref<8x128xf32, #tpu.memory_space<hbm>>
      tpu.wait_dma2 semaphore(%arg9 : memref<!tpu.dma_semaphore, #tpu.memory_space<semaphore_mem>>) src(%dma_wait3A_2097 : memref<8x128xf32, #tpu.memory_space<hbm>>) dst(%dma_wait3A_2095 : memref<8x128xf32, #tpu.memory_space<vmem>>)
      %dma_wait3A_2098 = arith.constant 0 : i32
      %dma_wait3A_2099 = arith.constant 24 : i32
      %dma_wait3A_2100 = arith.constant 0 : i32
      %dma_wait3A_2101 = tpu.memref_slice %arg7[%dma_wait3A_2098, %dma_wait3A_2099, %dma_wait3A_2100] : memref<16x32x128xf32, #tpu.memory_space<vmem>> -> memref<1x8x128xf32, #tpu.memory_space<vmem>>
      %dma_wait3A_2102 = tpu.memref_squeeze %dma_wait3A_2101 : memref<1x8x128xf32, #tpu.memory_space<vmem>> -> memref<8x128xf32, #tpu.memory_space<vmem>>
      %dma_wait3A_2103 = arith.constant 24 : i32
      %dma_wait3A_2104 = tpu.memref_slice %arg3[%dma_wait3A_2103, %multiple_of3A] : memref<32x1000001xf32, #tpu.memory_space<hbm>> -> memref<8x128xf32, #tpu.memory_space<hbm>>
      %dma_wait3A_2105 = arith.constant 24 : i32
      %dma_wait3A_2106 = arith.constant 0 : i32
      %dma_wait3A_2107 = tpu.memref_slice %arg7[%dma_wait3A_2098, %dma_wait3A_2105, %dma_wait3A_2106] : memref<16x32x128xf32, #tpu.memory_space<vmem>> -> memref<1x8x128xf32, #tpu.memory_space<vmem>>
      %dma_wait3A_2108 = tpu.memref_squeeze %dma_wait3A_2107 : memref<1x8x128xf32, #tpu.memory_space<vmem>> -> memref<8x128xf32, #tpu.memory_space<vmem>>
      %dma_wait3A_2109 = arith.constant 24 : i32
      %dma_wait3A_2110 = tpu.memref_slice %arg3[%dma_wait3A_2109, %multiple_of3A] : memref<32x1000001xf32, #tpu.memory_space<hbm>> -> memref<8x128xf32, #tpu.memory_space<hbm>>
      tpu.wait_dma2 semaphore(%arg9 : memref<!tpu.dma_semaphore, #tpu.memory_space<semaphore_mem>>) src(%dma_wait3A_2110 : memref<8x128xf32, #tpu.memory_space<hbm>>) dst(%dma_wait3A_2108 : memref<8x128xf32, #tpu.memory_space<vmem>>)
      %dma_wait3A_2111 = arith.constant 1 : i32
      %dma_wait3A_2112 = arith.constant 0 : i32
      %dma_wait3A_2113 = arith.constant 0 : i32
      %dma_wait3A_2114 = tpu.memref_slice %arg7[%dma_wait3A_2111, %dma_wait3A_2112, %dma_wait3A_2113] : memref<16x32x128xf32, #tpu.memory_space<vmem>> -> memref<1x8x128xf32, #tpu.memory_space<vmem>>
      %dma_wait3A_2115 = tpu.memref_squeeze %dma_wait3A_2114 : memref<1x8x128xf32, #tpu.memory_space<vmem>> -> memref<8x128xf32, #tpu.memory_space<vmem>>
      %dma_wait3A_2116 = arith.constant 0 : i32
      %dma_wait3A_2117 = tpu.memref_slice %arg3[%dma_wait3A_2116, %multiple_of3A_873] : memref<32x1000001xf32, #tpu.memory_space<hbm>> -> memref<8x128xf32, #tpu.memory_space<hbm>>
      %dma_wait3A_2118 = arith.constant 0 : i32
      %dma_wait3A_2119 = arith.constant 0 : i32
      %dma_wait3A_2120 = tpu.memref_slice %arg7[%dma_wait3A_2111, %dma_wait3A_2118, %dma_wait3A_2119] : memref<16x32x128xf32, #tpu.memory_space<vmem>> -> memref<1x8x128xf32, #tpu.memory_space<vmem>>
      %dma_wait3A_2121 = tpu.memref_squeeze %dma_wait3A_2120 : memref<1x8x128xf32, #tpu.memory_space<vmem>> -> memref<8x128xf32, #tpu.memory_space<vmem>>
      %dma_wait3A_2122 = arith.constant 0 : i32
      %dma_wait3A_2123 = tpu.memref_slice %arg3[%dma_wait3A_2122, %multiple_of3A_873] : memref<32x1000001xf32, #tpu.memory_space<hbm>> -> memref<8x128xf32, #tpu.memory_space<hbm>>
      tpu.wait_dma2 semaphore(%arg9 : memref<!tpu.dma_semaphore, #tpu.memory_space<semaphore_mem>>) src(%dma_wait3A_2123 : memref<8x128xf32, #tpu.memory_space<hbm>>) dst(%dma_wait3A_2121 : memref<8x128xf32, #tpu.memory_space<vmem>>)
      %dma_wait3A_2124 = arith.constant 1 : i32
      %dma_wait3A_2125 = arith.constant 8 : i32
      %dma_wait3A_2126 = arith.constant 0 : i32
      %dma_wait3A_2127 = tpu.memref_slice %arg7[%dma_wait3A_2124, %dma_wait3A_2125, %dma_wait3A_2126] : memref<16x32x128xf32, #tpu.memory_space<vmem>> -> memref<1x8x128xf32, #tpu.memory_space<vmem>>
      %dma_wait3A_2128 = tpu.memref_squeeze %dma_wait3A_2127 : memref<1x8x128xf32, #tpu.memory_space<vmem>> -> memref<8x128xf32, #tpu.memory_space<vmem>>
      %dma_wait3A_2129 = arith.constant 8 : i32
      %dma_wait3A_2130 = tpu.memref_slice %arg3[%dma_wait3A_2129, %multiple_of3A_873] : memref<32x1000001xf32, #tpu.memory_space<hbm>> -> memref<8x128xf32, #tpu.memory_space<hbm>>
      %dma_wait3A_2131 = arith.constant 8 : i32
      %dma_wait3A_2132 = arith.constant 0 : i32
      %dma_wait3A_2133 = tpu.memref_slice %arg7[%dma_wait3A_2124, %dma_wait3A_2131, %dma_wait3A_2132] : memref<16x32x128xf32, #tpu.memory_space<vmem>> -> memref<1x8x128xf32, #tpu.memory_space<vmem>>
      %dma_wait3A_2134 = tpu.memref_squeeze %dma_wait3A_2133 : memref<1x8x128xf32, #tpu.memory_space<vmem>> -> memref<8x128xf32, #tpu.memory_space<vmem>>
      %dma_wait3A_2135 = arith.constant 8 : i32
      %dma_wait3A_2136 = tpu.memref_slice %arg3[%dma_wait3A_2135, %multiple_of3A_873] : memref<32x1000001xf32, #tpu.memory_space<hbm>> -> memref<8x128xf32, #tpu.memory_space<hbm>>
      tpu.wait_dma2 semaphore(%arg9 : memref<!tpu.dma_semaphore, #tpu.memory_space<semaphore_mem>>) src(%dma_wait3A_2136 : memref<8x128xf32, #tpu.memory_space<hbm>>) dst(%dma_wait3A_2134 : memref<8x128xf32, #tpu.memory_space<vmem>>)
      %dma_wait3A_2137 = arith.constant 1 : i32
      %dma_wait3A_2138 = arith.constant 16 : i32
      %dma_wait3A_2139 = arith.constant 0 : i32
      %dma_wait3A_2140 = tpu.memref_slice %arg7[%dma_wait3A_2137, %dma_wait3A_2138, %dma_wait3A_2139] : memref<16x32x128xf32, #tpu.memory_space<vmem>> -> memref<1x8x128xf32, #tpu.memory_space<vmem>>
      %dma_wait3A_2141 = tpu.memref_squeeze %dma_wait3A_2140 : memref<1x8x128xf32, #tpu.memory_space<vmem>> -> memref<8x128xf32, #tpu.memory_space<vmem>>
      %dma_wait3A_2142 = arith.constant 16 : i32
      %dma_wait3A_2143 = tpu.memref_slice %arg3[%dma_wait3A_2142, %multiple_of3A_873] : memref<32x1000001xf32, #tpu.memory_space<hbm>> -> memref<8x128xf32, #tpu.memory_space<hbm>>
      %dma_wait3A_2144 = arith.constant 16 : i32
      %dma_wait3A_2145 = arith.constant 0 : i32
      %dma_wait3A_2146 = tpu.memref_slice %arg7[%dma_wait3A_2137, %dma_wait3A_2144, %dma_wait3A_2145] : memref<16x32x128xf32, #tpu.memory_space<vmem>> -> memref<1x8x128xf32, #tpu.memory_space<vmem>>
      %dma_wait3A_2147 = tpu.memref_squeeze %dma_wait3A_2146 : memref<1x8x128xf32, #tpu.memory_space<vmem>> -> memref<8x128xf32, #tpu.memory_space<vmem>>
      %dma_wait3A_2148 = arith.constant 16 : i32
      %dma_wait3A_2149 = tpu.memref_slice %arg3[%dma_wait3A_2148, %multiple_of3A_873] : memref<32x1000001xf32, #tpu.memory_space<hbm>> -> memref<8x128xf32, #tpu.memory_space<hbm>>
      tpu.wait_dma2 semaphore(%arg9 : memref<!tpu.dma_semaphore, #tpu.memory_space<semaphore_mem>>) src(%dma_wait3A_2149 : memref<8x128xf32, #tpu.memory_space<hbm>>) dst(%dma_wait3A_2147 : memref<8x128xf32, #tpu.memory_space<vmem>>)
      %dma_wait3A_2150 = arith.constant 1 : i32
      %dma_wait3A_2151 = arith.constant 24 : i32
      %dma_wait3A_2152 = arith.constant 0 : i32
      %dma_wait3A_2153 = tpu.memref_slice %arg7[%dma_wait3A_2150, %dma_wait3A_2151, %dma_wait3A_2152] : memref<16x32x128xf32, #tpu.memory_space<vmem>> -> memref<1x8x128xf32, #tpu.memory_space<vmem>>
      %dma_wait3A_2154 = tpu.memref_squeeze %dma_wait3A_2153 : memref<1x8x128xf32, #tpu.memory_space<vmem>> -> memref<8x128xf32, #tpu.memory_space<vmem>>
      %dma_wait3A_2155 = arith.constant 24 : i32
      %dma_wait3A_2156 = tpu.memref_slice %arg3[%dma_wait3A_2155, %multiple_of3A_873] : memref<32x1000001xf32, #tpu.memory_space<hbm>> -> memref<8x128xf32, #tpu.memory_space<hbm>>
      %dma_wait3A_2157 = arith.constant 24 : i32
      %dma_wait3A_2158 = arith.constant 0 : i32
      %dma_wait3A_2159 = tpu.memref_slice %arg7[%dma_wait3A_2150, %dma_wait3A_2157, %dma_wait3A_2158] : memref<16x32x128xf32, #tpu.memory_space<vmem>> -> memref<1x8x128xf32, #tpu.memory_space<vmem>>
      %dma_wait3A_2160 = tpu.memref_squeeze %dma_wait3A_2159 : memref<1x8x128xf32, #tpu.memory_space<vmem>> -> memref<8x128xf32, #tpu.memory_space<vmem>>
      %dma_wait3A_2161 = arith.constant 24 : i32
      %dma_wait3A_2162 = tpu.memref_slice %arg3[%dma_wait3A_2161, %multiple_of3A_873] : memref<32x1000001xf32, #tpu.memory_space<hbm>> -> memref<8x128xf32, #tpu.memory_space<hbm>>
      tpu.wait_dma2 semaphore(%arg9 : memref<!tpu.dma_semaphore, #tpu.memory_space<semaphore_mem>>) src(%dma_wait3A_2162 : memref<8x128xf32, #tpu.memory_space<hbm>>) dst(%dma_wait3A_2160 : memref<8x128xf32, #tpu.memory_space<vmem>>)
      %dma_wait3A_2163 = arith.constant 2 : i32
      %dma_wait3A_2164 = arith.constant 0 : i32
      %dma_wait3A_2165 = arith.constant 0 : i32
      %dma_wait3A_2166 = tpu.memref_slice %arg7[%dma_wait3A_2163, %dma_wait3A_2164, %dma_wait3A_2165] : memref<16x32x128xf32, #tpu.memory_space<vmem>> -> memref<1x8x128xf32, #tpu.memory_space<vmem>>
      %dma_wait3A_2167 = tpu.memref_squeeze %dma_wait3A_2166 : memref<1x8x128xf32, #tpu.memory_space<vmem>> -> memref<8x128xf32, #tpu.memory_space<vmem>>
      %dma_wait3A_2168 = arith.constant 0 : i32
      %dma_wait3A_2169 = tpu.memref_slice %arg3[%dma_wait3A_2168, %multiple_of3A_954] : memref<32x1000001xf32, #tpu.memory_space<hbm>> -> memref<8x128xf32, #tpu.memory_space<hbm>>
      %dma_wait3A_2170 = arith.constant 0 : i32
      %dma_wait3A_2171 = arith.constant 0 : i32
      %dma_wait3A_2172 = tpu.memref_slice %arg7[%dma_wait3A_2163, %dma_wait3A_2170, %dma_wait3A_2171] : memref<16x32x128xf32, #tpu.memory_space<vmem>> -> memref<1x8x128xf32, #tpu.memory_space<vmem>>
      %dma_wait3A_2173 = tpu.memref_squeeze %dma_wait3A_2172 : memref<1x8x128xf32, #tpu.memory_space<vmem>> -> memref<8x128xf32, #tpu.memory_space<vmem>>
      %dma_wait3A_2174 = arith.constant 0 : i32
      %dma_wait3A_2175 = tpu.memref_slice %arg3[%dma_wait3A_2174, %multiple_of3A_954] : memref<32x1000001xf32, #tpu.memory_space<hbm>> -> memref<8x128xf32, #tpu.memory_space<hbm>>
      tpu.wait_dma2 semaphore(%arg9 : memref<!tpu.dma_semaphore, #tpu.memory_space<semaphore_mem>>) src(%dma_wait3A_2175 : memref<8x128xf32, #tpu.memory_space<hbm>>) dst(%dma_wait3A_2173 : memref<8x128xf32, #tpu.memory_space<vmem>>)
      %dma_wait3A_2176 = arith.constant 2 : i32
      %dma_wait3A_2177 = arith.constant 8 : i32
      %dma_wait3A_2178 = arith.constant 0 : i32
      %dma_wait3A_2179 = tpu.memref_slice %arg7[%dma_wait3A_2176, %dma_wait3A_2177, %dma_wait3A_2178] : memref<16x32x128xf32, #tpu.memory_space<vmem>> -> memref<1x8x128xf32, #tpu.memory_space<vmem>>
      %dma_wait3A_2180 = tpu.memref_squeeze %dma_wait3A_2179 : memref<1x8x128xf32, #tpu.memory_space<vmem>> -> memref<8x128xf32, #tpu.memory_space<vmem>>
      %dma_wait3A_2181 = arith.constant 8 : i32
      %dma_wait3A_2182 = tpu.memref_slice %arg3[%dma_wait3A_2181, %multiple_of3A_954] : memref<32x1000001xf32, #tpu.memory_space<hbm>> -> memref<8x128xf32, #tpu.memory_space<hbm>>
      %dma_wait3A_2183 = arith.constant 8 : i32
      %dma_wait3A_2184 = arith.constant 0 : i32
      %dma_wait3A_2185 = tpu.memref_slice %arg7[%dma_wait3A_2176, %dma_wait3A_2183, %dma_wait3A_2184] : memref<16x32x128xf32, #tpu.memory_space<vmem>> -> memref<1x8x128xf32, #tpu.memory_space<vmem>>
      %dma_wait3A_2186 = tpu.memref_squeeze %dma_wait3A_2185 : memref<1x8x128xf32, #tpu.memory_space<vmem>> -> memref<8x128xf32, #tpu.memory_space<vmem>>
      %dma_wait3A_2187 = arith.constant 8 : i32
      %dma_wait3A_2188 = tpu.memref_slice %arg3[%dma_wait3A_2187, %multiple_of3A_954] : memref<32x1000001xf32, #tpu.memory_space<hbm>> -> memref<8x128xf32, #tpu.memory_space<hbm>>
      tpu.wait_dma2 semaphore(%arg9 : memref<!tpu.dma_semaphore, #tpu.memory_space<semaphore_mem>>) src(%dma_wait3A_2188 : memref<8x128xf32, #tpu.memory_space<hbm>>) dst(%dma_wait3A_2186 : memref<8x128xf32, #tpu.memory_space<vmem>>)
      %dma_wait3A_2189 = arith.constant 2 : i32
      %dma_wait3A_2190 = arith.constant 16 : i32
      %dma_wait3A_2191 = arith.constant 0 : i32
      %dma_wait3A_2192 = tpu.memref_slice %arg7[%dma_wait3A_2189, %dma_wait3A_2190, %dma_wait3A_2191] : memref<16x32x128xf32, #tpu.memory_space<vmem>> -> memref<1x8x128xf32, #tpu.memory_space<vmem>>
      %dma_wait3A_2193 = tpu.memref_squeeze %dma_wait3A_2192 : memref<1x8x128xf32, #tpu.memory_space<vmem>> -> memref<8x128xf32, #tpu.memory_space<vmem>>
      %dma_wait3A_2194 = arith.constant 16 : i32
      %dma_wait3A_2195 = tpu.memref_slice %arg3[%dma_wait3A_2194, %multiple_of3A_954] : memref<32x1000001xf32, #tpu.memory_space<hbm>> -> memref<8x128xf32, #tpu.memory_space<hbm>>
      %dma_wait3A_2196 = arith.constant 16 : i32
      %dma_wait3A_2197 = arith.constant 0 : i32
      %dma_wait3A_2198 = tpu.memref_slice %arg7[%dma_wait3A_2189, %dma_wait3A_2196, %dma_wait3A_2197] : memref<16x32x128xf32, #tpu.memory_space<vmem>> -> memref<1x8x128xf32, #tpu.memory_space<vmem>>
      %dma_wait3A_2199 = tpu.memref_squeeze %dma_wait3A_2198 : memref<1x8x128xf32, #tpu.memory_space<vmem>> -> memref<8x128xf32, #tpu.memory_space<vmem>>
      %dma_wait3A_2200 = arith.constant 16 : i32
      %dma_wait3A_2201 = tpu.memref_slice %arg3[%dma_wait3A_2200, %multiple_of3A_954] : memref<32x1000001xf32, #tpu.memory_space<hbm>> -> memref<8x128xf32, #tpu.memory_space<hbm>>
      tpu.wait_dma2 semaphore(%arg9 : memref<!tpu.dma_semaphore, #tpu.memory_space<semaphore_mem>>) src(%dma_wait3A_2201 : memref<8x128xf32, #tpu.memory_space<hbm>>) dst(%dma_wait3A_2199 : memref<8x128xf32, #tpu.memory_space<vmem>>)
      %dma_wait3A_2202 = arith.constant 2 : i32
      %dma_wait3A_2203 = arith.constant 24 : i32
      %dma_wait3A_2204 = arith.constant 0 : i32
      %dma_wait3A_2205 = tpu.memref_slice %arg7[%dma_wait3A_2202, %dma_wait3A_2203, %dma_wait3A_2204] : memref<16x32x128xf32, #tpu.memory_space<vmem>> -> memref<1x8x128xf32, #tpu.memory_space<vmem>>
      %dma_wait3A_2206 = tpu.memref_squeeze %dma_wait3A_2205 : memref<1x8x128xf32, #tpu.memory_space<vmem>> -> memref<8x128xf32, #tpu.memory_space<vmem>>
      %dma_wait3A_2207 = arith.constant 24 : i32
      %dma_wait3A_2208 = tpu.memref_slice %arg3[%dma_wait3A_2207, %multiple_of3A_954] : memref<32x1000001xf32, #tpu.memory_space<hbm>> -> memref<8x128xf32, #tpu.memory_space<hbm>>
      %dma_wait3A_2209 = arith.constant 24 : i32
      %dma_wait3A_2210 = arith.constant 0 : i32
      %dma_wait3A_2211 = tpu.memref_slice %arg7[%dma_wait3A_2202, %dma_wait3A_2209, %dma_wait3A_2210] : memref<16x32x128xf32, #tpu.memory_space<vmem>> -> memref<1x8x128xf32, #tpu.memory_space<vmem>>
      %dma_wait3A_2212 = tpu.memref_squeeze %dma_wait3A_2211 : memref<1x8x128xf32, #tpu.memory_space<vmem>> -> memref<8x128xf32, #tpu.memory_space<vmem>>
      %dma_wait3A_2213 = arith.constant 24 : i32
      %dma_wait3A_2214 = tpu.memref_slice %arg3[%dma_wait3A_2213, %multiple_of3A_954] : memref<32x1000001xf32, #tpu.memory_space<hbm>> -> memref<8x128xf32, #tpu.memory_space<hbm>>
      tpu.wait_dma2 semaphore(%arg9 : memref<!tpu.dma_semaphore, #tpu.memory_space<semaphore_mem>>) src(%dma_wait3A_2214 : memref<8x128xf32, #tpu.memory_space<hbm>>) dst(%dma_wait3A_2212 : memref<8x128xf32, #tpu.memory_space<vmem>>)
      %dma_wait3A_2215 = arith.constant 3 : i32
      %dma_wait3A_2216 = arith.constant 0 : i32
      %dma_wait3A_2217 = arith.constant 0 : i32
      %dma_wait3A_2218 = tpu.memref_slice %arg7[%dma_wait3A_2215, %dma_wait3A_2216, %dma_wait3A_2217] : memref<16x32x128xf32, #tpu.memory_space<vmem>> -> memref<1x8x128xf32, #tpu.memory_space<vmem>>
      %dma_wait3A_2219 = tpu.memref_squeeze %dma_wait3A_2218 : memref<1x8x128xf32, #tpu.memory_space<vmem>> -> memref<8x128xf32, #tpu.memory_space<vmem>>
      %dma_wait3A_2220 = arith.constant 0 : i32
      %dma_wait3A_2221 = tpu.memref_slice %arg3[%dma_wait3A_2220, %multiple_of3A_1035] : memref<32x1000001xf32, #tpu.memory_space<hbm>> -> memref<8x128xf32, #tpu.memory_space<hbm>>
      %dma_wait3A_2222 = arith.constant 0 : i32
      %dma_wait3A_2223 = arith.constant 0 : i32
      %dma_wait3A_2224 = tpu.memref_slice %arg7[%dma_wait3A_2215, %dma_wait3A_2222, %dma_wait3A_2223] : memref<16x32x128xf32, #tpu.memory_space<vmem>> -> memref<1x8x128xf32, #tpu.memory_space<vmem>>
      %dma_wait3A_2225 = tpu.memref_squeeze %dma_wait3A_2224 : memref<1x8x128xf32, #tpu.memory_space<vmem>> -> memref<8x128xf32, #tpu.memory_space<vmem>>
      %dma_wait3A_2226 = arith.constant 0 : i32
      %dma_wait3A_2227 = tpu.memref_slice %arg3[%dma_wait3A_2226, %multiple_of3A_1035] : memref<32x1000001xf32, #tpu.memory_space<hbm>> -> memref<8x128xf32, #tpu.memory_space<hbm>>
      tpu.wait_dma2 semaphore(%arg9 : memref<!tpu.dma_semaphore, #tpu.memory_space<semaphore_mem>>) src(%dma_wait3A_2227 : memref<8x128xf32, #tpu.memory_space<hbm>>) dst(%dma_wait3A_2225 : memref<8x128xf32, #tpu.memory_space<vmem>>)
      %dma_wait3A_2228 = arith.constant 3 : i32
      %dma_wait3A_2229 = arith.constant 8 : i32
      %dma_wait3A_2230 = arith.constant 0 : i32
      %dma_wait3A_2231 = tpu.memref_slice %arg7[%dma_wait3A_2228, %dma_wait3A_2229, %dma_wait3A_2230] : memref<16x32x128xf32, #tpu.memory_space<vmem>> -> memref<1x8x128xf32, #tpu.memory_space<vmem>>
      %dma_wait3A_2232 = tpu.memref_squeeze %dma_wait3A_2231 : memref<1x8x128xf32, #tpu.memory_space<vmem>> -> memref<8x128xf32, #tpu.memory_space<vmem>>
      %dma_wait3A_2233 = arith.constant 8 : i32
      %dma_wait3A_2234 = tpu.memref_slice %arg3[%dma_wait3A_2233, %multiple_of3A_1035] : memref<32x1000001xf32, #tpu.memory_space<hbm>> -> memref<8x128xf32, #tpu.memory_space<hbm>>
      %dma_wait3A_2235 = arith.constant 8 : i32
      %dma_wait3A_2236 = arith.constant 0 : i32
      %dma_wait3A_2237 = tpu.memref_slice %arg7[%dma_wait3A_2228, %dma_wait3A_2235, %dma_wait3A_2236] : memref<16x32x128xf32, #tpu.memory_space<vmem>> -> memref<1x8x128xf32, #tpu.memory_space<vmem>>
      %dma_wait3A_2238 = tpu.memref_squeeze %dma_wait3A_2237 : memref<1x8x128xf32, #tpu.memory_space<vmem>> -> memref<8x128xf32, #tpu.memory_space<vmem>>
      %dma_wait3A_2239 = arith.constant 8 : i32
      %dma_wait3A_2240 = tpu.memref_slice %arg3[%dma_wait3A_2239, %multiple_of3A_1035] : memref<32x1000001xf32, #tpu.memory_space<hbm>> -> memref<8x128xf32, #tpu.memory_space<hbm>>
      tpu.wait_dma2 semaphore(%arg9 : memref<!tpu.dma_semaphore, #tpu.memory_space<semaphore_mem>>) src(%dma_wait3A_2240 : memref<8x128xf32, #tpu.memory_space<hbm>>) dst(%dma_wait3A_2238 : memref<8x128xf32, #tpu.memory_space<vmem>>)
      %dma_wait3A_2241 = arith.constant 3 : i32
      %dma_wait3A_2242 = arith.constant 16 : i32
      %dma_wait3A_2243 = arith.constant 0 : i32
      %dma_wait3A_2244 = tpu.memref_slice %arg7[%dma_wait3A_2241, %dma_wait3A_2242, %dma_wait3A_2243] : memref<16x32x128xf32, #tpu.memory_space<vmem>> -> memref<1x8x128xf32, #tpu.memory_space<vmem>>
      %dma_wait3A_2245 = tpu.memref_squeeze %dma_wait3A_2244 : memref<1x8x128xf32, #tpu.memory_space<vmem>> -> memref<8x128xf32, #tpu.memory_space<vmem>>
      %dma_wait3A_2246 = arith.constant 16 : i32
      %dma_wait3A_2247 = tpu.memref_slice %arg3[%dma_wait3A_2246, %multiple_of3A_1035] : memref<32x1000001xf32, #tpu.memory_space<hbm>> -> memref<8x128xf32, #tpu.memory_space<hbm>>
      %dma_wait3A_2248 = arith.constant 16 : i32
      %dma_wait3A_2249 = arith.constant 0 : i32
      %dma_wait3A_2250 = tpu.memref_slice %arg7[%dma_wait3A_2241, %dma_wait3A_2248, %dma_wait3A_2249] : memref<16x32x128xf32, #tpu.memory_space<vmem>> -> memref<1x8x128xf32, #tpu.memory_space<vmem>>
      %dma_wait3A_2251 = tpu.memref_squeeze %dma_wait3A_2250 : memref<1x8x128xf32, #tpu.memory_space<vmem>> -> memref<8x128xf32, #tpu.memory_space<vmem>>
      %dma_wait3A_2252 = arith.constant 16 : i32
      %dma_wait3A_2253 = tpu.memref_slice %arg3[%dma_wait3A_2252, %multiple_of3A_1035] : memref<32x1000001xf32, #tpu.memory_space<hbm>> -> memref<8x128xf32, #tpu.memory_space<hbm>>
      tpu.wait_dma2 semaphore(%arg9 : memref<!tpu.dma_semaphore, #tpu.memory_space<semaphore_mem>>) src(%dma_wait3A_2253 : memref<8x128xf32, #tpu.memory_space<hbm>>) dst(%dma_wait3A_2251 : memref<8x128xf32, #tpu.memory_space<vmem>>)
      %dma_wait3A_2254 = arith.constant 3 : i32
      %dma_wait3A_2255 = arith.constant 24 : i32
      %dma_wait3A_2256 = arith.constant 0 : i32
      %dma_wait3A_2257 = tpu.memref_slice %arg7[%dma_wait3A_2254, %dma_wait3A_2255, %dma_wait3A_2256] : memref<16x32x128xf32, #tpu.memory_space<vmem>> -> memref<1x8x128xf32, #tpu.memory_space<vmem>>
      %dma_wait3A_2258 = tpu.memref_squeeze %dma_wait3A_2257 : memref<1x8x128xf32, #tpu.memory_space<vmem>> -> memref<8x128xf32, #tpu.memory_space<vmem>>
      %dma_wait3A_2259 = arith.constant 24 : i32
      %dma_wait3A_2260 = tpu.memref_slice %arg3[%dma_wait3A_2259, %multiple_of3A_1035] : memref<32x1000001xf32, #tpu.memory_space<hbm>> -> memref<8x128xf32, #tpu.memory_space<hbm>>
      %dma_wait3A_2261 = arith.constant 24 : i32
      %dma_wait3A_2262 = arith.constant 0 : i32
      %dma_wait3A_2263 = tpu.memref_slice %arg7[%dma_wait3A_2254, %dma_wait3A_2261, %dma_wait3A_2262] : memref<16x32x128xf32, #tpu.memory_space<vmem>> -> memref<1x8x128xf32, #tpu.memory_space<vmem>>
      %dma_wait3A_2264 = tpu.memref_squeeze %dma_wait3A_2263 : memref<1x8x128xf32, #tpu.memory_space<vmem>> -> memref<8x128xf32, #tpu.memory_space<vmem>>
      %dma_wait3A_2265 = arith.constant 24 : i32
      %dma_wait3A_2266 = tpu.memref_slice %arg3[%dma_wait3A_2265, %multiple_of3A_1035] : memref<32x1000001xf32, #tpu.memory_space<hbm>> -> memref<8x128xf32, #tpu.memory_space<hbm>>
      tpu.wait_dma2 semaphore(%arg9 : memref<!tpu.dma_semaphore, #tpu.memory_space<semaphore_mem>>) src(%dma_wait3A_2266 : memref<8x128xf32, #tpu.memory_space<hbm>>) dst(%dma_wait3A_2264 : memref<8x128xf32, #tpu.memory_space<vmem>>)
      %dma_wait3A_2267 = arith.constant 4 : i32
      %dma_wait3A_2268 = arith.constant 0 : i32
      %dma_wait3A_2269 = arith.constant 0 : i32
      %dma_wait3A_2270 = tpu.memref_slice %arg7[%dma_wait3A_2267, %dma_wait3A_2268, %dma_wait3A_2269] : memref<16x32x128xf32, #tpu.memory_space<vmem>> -> memref<1x8x128xf32, #tpu.memory_space<vmem>>
      %dma_wait3A_2271 = tpu.memref_squeeze %dma_wait3A_2270 : memref<1x8x128xf32, #tpu.memory_space<vmem>> -> memref<8x128xf32, #tpu.memory_space<vmem>>
      %dma_wait3A_2272 = arith.constant 0 : i32
      %dma_wait3A_2273 = tpu.memref_slice %arg3[%dma_wait3A_2272, %multiple_of3A_1116] : memref<32x1000001xf32, #tpu.memory_space<hbm>> -> memref<8x128xf32, #tpu.memory_space<hbm>>
      %dma_wait3A_2274 = arith.constant 0 : i32
      %dma_wait3A_2275 = arith.constant 0 : i32
      %dma_wait3A_2276 = tpu.memref_slice %arg7[%dma_wait3A_2267, %dma_wait3A_2274, %dma_wait3A_2275] : memref<16x32x128xf32, #tpu.memory_space<vmem>> -> memref<1x8x128xf32, #tpu.memory_space<vmem>>
      %dma_wait3A_2277 = tpu.memref_squeeze %dma_wait3A_2276 : memref<1x8x128xf32, #tpu.memory_space<vmem>> -> memref<8x128xf32, #tpu.memory_space<vmem>>
      %dma_wait3A_2278 = arith.constant 0 : i32
      %dma_wait3A_2279 = tpu.memref_slice %arg3[%dma_wait3A_2278, %multiple_of3A_1116] : memref<32x1000001xf32, #tpu.memory_space<hbm>> -> memref<8x128xf32, #tpu.memory_space<hbm>>
      tpu.wait_dma2 semaphore(%arg9 : memref<!tpu.dma_semaphore, #tpu.memory_space<semaphore_mem>>) src(%dma_wait3A_2279 : memref<8x128xf32, #tpu.memory_space<hbm>>) dst(%dma_wait3A_2277 : memref<8x128xf32, #tpu.memory_space<vmem>>)
      %dma_wait3A_2280 = arith.constant 4 : i32
      %dma_wait3A_2281 = arith.constant 8 : i32
      %dma_wait3A_2282 = arith.constant 0 : i32
      %dma_wait3A_2283 = tpu.memref_slice %arg7[%dma_wait3A_2280, %dma_wait3A_2281, %dma_wait3A_2282] : memref<16x32x128xf32, #tpu.memory_space<vmem>> -> memref<1x8x128xf32, #tpu.memory_space<vmem>>
      %dma_wait3A_2284 = tpu.memref_squeeze %dma_wait3A_2283 : memref<1x8x128xf32, #tpu.memory_space<vmem>> -> memref<8x128xf32, #tpu.memory_space<vmem>>
      %dma_wait3A_2285 = arith.constant 8 : i32
      %dma_wait3A_2286 = tpu.memref_slice %arg3[%dma_wait3A_2285, %multiple_of3A_1116] : memref<32x1000001xf32, #tpu.memory_space<hbm>> -> memref<8x128xf32, #tpu.memory_space<hbm>>
      %dma_wait3A_2287 = arith.constant 8 : i32
      %dma_wait3A_2288 = arith.constant 0 : i32
      %dma_wait3A_2289 = tpu.memref_slice %arg7[%dma_wait3A_2280, %dma_wait3A_2287, %dma_wait3A_2288] : memref<16x32x128xf32, #tpu.memory_space<vmem>> -> memref<1x8x128xf32, #tpu.memory_space<vmem>>
      %dma_wait3A_2290 = tpu.memref_squeeze %dma_wait3A_2289 : memref<1x8x128xf32, #tpu.memory_space<vmem>> -> memref<8x128xf32, #tpu.memory_space<vmem>>
      %dma_wait3A_2291 = arith.constant 8 : i32
      %dma_wait3A_2292 = tpu.memref_slice %arg3[%dma_wait3A_2291, %multiple_of3A_1116] : memref<32x1000001xf32, #tpu.memory_space<hbm>> -> memref<8x128xf32, #tpu.memory_space<hbm>>
      tpu.wait_dma2 semaphore(%arg9 : memref<!tpu.dma_semaphore, #tpu.memory_space<semaphore_mem>>) src(%dma_wait3A_2292 : memref<8x128xf32, #tpu.memory_space<hbm>>) dst(%dma_wait3A_2290 : memref<8x128xf32, #tpu.memory_space<vmem>>)
      %dma_wait3A_2293 = arith.constant 4 : i32
      %dma_wait3A_2294 = arith.constant 16 : i32
      %dma_wait3A_2295 = arith.constant 0 : i32
      %dma_wait3A_2296 = tpu.memref_slice %arg7[%dma_wait3A_2293, %dma_wait3A_2294, %dma_wait3A_2295] : memref<16x32x128xf32, #tpu.memory_space<vmem>> -> memref<1x8x128xf32, #tpu.memory_space<vmem>>
      %dma_wait3A_2297 = tpu.memref_squeeze %dma_wait3A_2296 : memref<1x8x128xf32, #tpu.memory_space<vmem>> -> memref<8x128xf32, #tpu.memory_space<vmem>>
      %dma_wait3A_2298 = arith.constant 16 : i32
      %dma_wait3A_2299 = tpu.memref_slice %arg3[%dma_wait3A_2298, %multiple_of3A_1116] : memref<32x1000001xf32, #tpu.memory_space<hbm>> -> memref<8x128xf32, #tpu.memory_space<hbm>>
      %dma_wait3A_2300 = arith.constant 16 : i32
      %dma_wait3A_2301 = arith.constant 0 : i32
      %dma_wait3A_2302 = tpu.memref_slice %arg7[%dma_wait3A_2293, %dma_wait3A_2300, %dma_wait3A_2301] : memref<16x32x128xf32, #tpu.memory_space<vmem>> -> memref<1x8x128xf32, #tpu.memory_space<vmem>>
      %dma_wait3A_2303 = tpu.memref_squeeze %dma_wait3A_2302 : memref<1x8x128xf32, #tpu.memory_space<vmem>> -> memref<8x128xf32, #tpu.memory_space<vmem>>
      %dma_wait3A_2304 = arith.constant 16 : i32
      %dma_wait3A_2305 = tpu.memref_slice %arg3[%dma_wait3A_2304, %multiple_of3A_1116] : memref<32x1000001xf32, #tpu.memory_space<hbm>> -> memref<8x128xf32, #tpu.memory_space<hbm>>
      tpu.wait_dma2 semaphore(%arg9 : memref<!tpu.dma_semaphore, #tpu.memory_space<semaphore_mem>>) src(%dma_wait3A_2305 : memref<8x128xf32, #tpu.memory_space<hbm>>) dst(%dma_wait3A_2303 : memref<8x128xf32, #tpu.memory_space<vmem>>)
      %dma_wait3A_2306 = arith.constant 4 : i32
      %dma_wait3A_2307 = arith.constant 24 : i32
      %dma_wait3A_2308 = arith.constant 0 : i32
      %dma_wait3A_2309 = tpu.memref_slice %arg7[%dma_wait3A_2306, %dma_wait3A_2307, %dma_wait3A_2308] : memref<16x32x128xf32, #tpu.memory_space<vmem>> -> memref<1x8x128xf32, #tpu.memory_space<vmem>>
      %dma_wait3A_2310 = tpu.memref_squeeze %dma_wait3A_2309 : memref<1x8x128xf32, #tpu.memory_space<vmem>> -> memref<8x128xf32, #tpu.memory_space<vmem>>
      %dma_wait3A_2311 = arith.constant 24 : i32
      %dma_wait3A_2312 = tpu.memref_slice %arg3[%dma_wait3A_2311, %multiple_of3A_1116] : memref<32x1000001xf32, #tpu.memory_space<hbm>> -> memref<8x128xf32, #tpu.memory_space<hbm>>
      %dma_wait3A_2313 = arith.constant 24 : i32
      %dma_wait3A_2314 = arith.constant 0 : i32
      %dma_wait3A_2315 = tpu.memref_slice %arg7[%dma_wait3A_2306, %dma_wait3A_2313, %dma_wait3A_2314] : memref<16x32x128xf32, #tpu.memory_space<vmem>> -> memref<1x8x128xf32, #tpu.memory_space<vmem>>
      %dma_wait3A_2316 = tpu.memref_squeeze %dma_wait3A_2315 : memref<1x8x128xf32, #tpu.memory_space<vmem>> -> memref<8x128xf32, #tpu.memory_space<vmem>>
      %dma_wait3A_2317 = arith.constant 24 : i32
      %dma_wait3A_2318 = tpu.memref_slice %arg3[%dma_wait3A_2317, %multiple_of3A_1116] : memref<32x1000001xf32, #tpu.memory_space<hbm>> -> memref<8x128xf32, #tpu.memory_space<hbm>>
      tpu.wait_dma2 semaphore(%arg9 : memref<!tpu.dma_semaphore, #tpu.memory_space<semaphore_mem>>) src(%dma_wait3A_2318 : memref<8x128xf32, #tpu.memory_space<hbm>>) dst(%dma_wait3A_2316 : memref<8x128xf32, #tpu.memory_space<vmem>>)
      %dma_wait3A_2319 = arith.constant 5 : i32
      %dma_wait3A_2320 = arith.constant 0 : i32
      %dma_wait3A_2321 = arith.constant 0 : i32
      %dma_wait3A_2322 = tpu.memref_slice %arg7[%dma_wait3A_2319, %dma_wait3A_2320, %dma_wait3A_2321] : memref<16x32x128xf32, #tpu.memory_space<vmem>> -> memref<1x8x128xf32, #tpu.memory_space<vmem>>
      %dma_wait3A_2323 = tpu.memref_squeeze %dma_wait3A_2322 : memref<1x8x128xf32, #tpu.memory_space<vmem>> -> memref<8x128xf32, #tpu.memory_space<vmem>>
      %dma_wait3A_2324 = arith.constant 0 : i32
      %dma_wait3A_2325 = tpu.memref_slice %arg3[%dma_wait3A_2324, %multiple_of3A_1197] : memref<32x1000001xf32, #tpu.memory_space<hbm>> -> memref<8x128xf32, #tpu.memory_space<hbm>>
      %dma_wait3A_2326 = arith.constant 0 : i32
      %dma_wait3A_2327 = arith.constant 0 : i32
      %dma_wait3A_2328 = tpu.memref_slice %arg7[%dma_wait3A_2319, %dma_wait3A_2326, %dma_wait3A_2327] : memref<16x32x128xf32, #tpu.memory_space<vmem>> -> memref<1x8x128xf32, #tpu.memory_space<vmem>>
      %dma_wait3A_2329 = tpu.memref_squeeze %dma_wait3A_2328 : memref<1x8x128xf32, #tpu.memory_space<vmem>> -> memref<8x128xf32, #tpu.memory_space<vmem>>
      %dma_wait3A_2330 = arith.constant 0 : i32
      %dma_wait3A_2331 = tpu.memref_slice %arg3[%dma_wait3A_2330, %multiple_of3A_1197] : memref<32x1000001xf32, #tpu.memory_space<hbm>> -> memref<8x128xf32, #tpu.memory_space<hbm>>
      tpu.wait_dma2 semaphore(%arg9 : memref<!tpu.dma_semaphore, #tpu.memory_space<semaphore_mem>>) src(%dma_wait3A_2331 : memref<8x128xf32, #tpu.memory_space<hbm>>) dst(%dma_wait3A_2329 : memref<8x128xf32, #tpu.memory_space<vmem>>)
      %dma_wait3A_2332 = arith.constant 5 : i32
      %dma_wait3A_2333 = arith.constant 8 : i32
      %dma_wait3A_2334 = arith.constant 0 : i32
      %dma_wait3A_2335 = tpu.memref_slice %arg7[%dma_wait3A_2332, %dma_wait3A_2333, %dma_wait3A_2334] : memref<16x32x128xf32, #tpu.memory_space<vmem>> -> memref<1x8x128xf32, #tpu.memory_space<vmem>>
      %dma_wait3A_2336 = tpu.memref_squeeze %dma_wait3A_2335 : memref<1x8x128xf32, #tpu.memory_space<vmem>> -> memref<8x128xf32, #tpu.memory_space<vmem>>
      %dma_wait3A_2337 = arith.constant 8 : i32
      %dma_wait3A_2338 = tpu.memref_slice %arg3[%dma_wait3A_2337, %multiple_of3A_1197] : memref<32x1000001xf32, #tpu.memory_space<hbm>> -> memref<8x128xf32, #tpu.memory_space<hbm>>
      %dma_wait3A_2339 = arith.constant 8 : i32
      %dma_wait3A_2340 = arith.constant 0 : i32
      %dma_wait3A_2341 = tpu.memref_slice %arg7[%dma_wait3A_2332, %dma_wait3A_2339, %dma_wait3A_2340] : memref<16x32x128xf32, #tpu.memory_space<vmem>> -> memref<1x8x128xf32, #tpu.memory_space<vmem>>
      %dma_wait3A_2342 = tpu.memref_squeeze %dma_wait3A_2341 : memref<1x8x128xf32, #tpu.memory_space<vmem>> -> memref<8x128xf32, #tpu.memory_space<vmem>>
      %dma_wait3A_2343 = arith.constant 8 : i32
      %dma_wait3A_2344 = tpu.memref_slice %arg3[%dma_wait3A_2343, %multiple_of3A_1197] : memref<32x1000001xf32, #tpu.memory_space<hbm>> -> memref<8x128xf32, #tpu.memory_space<hbm>>
      tpu.wait_dma2 semaphore(%arg9 : memref<!tpu.dma_semaphore, #tpu.memory_space<semaphore_mem>>) src(%dma_wait3A_2344 : memref<8x128xf32, #tpu.memory_space<hbm>>) dst(%dma_wait3A_2342 : memref<8x128xf32, #tpu.memory_space<vmem>>)
      %dma_wait3A_2345 = arith.constant 5 : i32
      %dma_wait3A_2346 = arith.constant 16 : i32
      %dma_wait3A_2347 = arith.constant 0 : i32
      %dma_wait3A_2348 = tpu.memref_slice %arg7[%dma_wait3A_2345, %dma_wait3A_2346, %dma_wait3A_2347] : memref<16x32x128xf32, #tpu.memory_space<vmem>> -> memref<1x8x128xf32, #tpu.memory_space<vmem>>
      %dma_wait3A_2349 = tpu.memref_squeeze %dma_wait3A_2348 : memref<1x8x128xf32, #tpu.memory_space<vmem>> -> memref<8x128xf32, #tpu.memory_space<vmem>>
      %dma_wait3A_2350 = arith.constant 16 : i32
      %dma_wait3A_2351 = tpu.memref_slice %arg3[%dma_wait3A_2350, %multiple_of3A_1197] : memref<32x1000001xf32, #tpu.memory_space<hbm>> -> memref<8x128xf32, #tpu.memory_space<hbm>>
      %dma_wait3A_2352 = arith.constant 16 : i32
      %dma_wait3A_2353 = arith.constant 0 : i32
      %dma_wait3A_2354 = tpu.memref_slice %arg7[%dma_wait3A_2345, %dma_wait3A_2352, %dma_wait3A_2353] : memref<16x32x128xf32, #tpu.memory_space<vmem>> -> memref<1x8x128xf32, #tpu.memory_space<vmem>>
      %dma_wait3A_2355 = tpu.memref_squeeze %dma_wait3A_2354 : memref<1x8x128xf32, #tpu.memory_space<vmem>> -> memref<8x128xf32, #tpu.memory_space<vmem>>
      %dma_wait3A_2356 = arith.constant 16 : i32
      %dma_wait3A_2357 = tpu.memref_slice %arg3[%dma_wait3A_2356, %multiple_of3A_1197] : memref<32x1000001xf32, #tpu.memory_space<hbm>> -> memref<8x128xf32, #tpu.memory_space<hbm>>
      tpu.wait_dma2 semaphore(%arg9 : memref<!tpu.dma_semaphore, #tpu.memory_space<semaphore_mem>>) src(%dma_wait3A_2357 : memref<8x128xf32, #tpu.memory_space<hbm>>) dst(%dma_wait3A_2355 : memref<8x128xf32, #tpu.memory_space<vmem>>)
      %dma_wait3A_2358 = arith.constant 5 : i32
      %dma_wait3A_2359 = arith.constant 24 : i32
      %dma_wait3A_2360 = arith.constant 0 : i32
      %dma_wait3A_2361 = tpu.memref_slice %arg7[%dma_wait3A_2358, %dma_wait3A_2359, %dma_wait3A_2360] : memref<16x32x128xf32, #tpu.memory_space<vmem>> -> memref<1x8x128xf32, #tpu.memory_space<vmem>>
      %dma_wait3A_2362 = tpu.memref_squeeze %dma_wait3A_2361 : memref<1x8x128xf32, #tpu.memory_space<vmem>> -> memref<8x128xf32, #tpu.memory_space<vmem>>
      %dma_wait3A_2363 = arith.constant 24 : i32
      %dma_wait3A_2364 = tpu.memref_slice %arg3[%dma_wait3A_2363, %multiple_of3A_1197] : memref<32x1000001xf32, #tpu.memory_space<hbm>> -> memref<8x128xf32, #tpu.memory_space<hbm>>
      %dma_wait3A_2365 = arith.constant 24 : i32
      %dma_wait3A_2366 = arith.constant 0 : i32
      %dma_wait3A_2367 = tpu.memref_slice %arg7[%dma_wait3A_2358, %dma_wait3A_2365, %dma_wait3A_2366] : memref<16x32x128xf32, #tpu.memory_space<vmem>> -> memref<1x8x128xf32, #tpu.memory_space<vmem>>
      %dma_wait3A_2368 = tpu.memref_squeeze %dma_wait3A_2367 : memref<1x8x128xf32, #tpu.memory_space<vmem>> -> memref<8x128xf32, #tpu.memory_space<vmem>>
      %dma_wait3A_2369 = arith.constant 24 : i32
      %dma_wait3A_2370 = tpu.memref_slice %arg3[%dma_wait3A_2369, %multiple_of3A_1197] : memref<32x1000001xf32, #tpu.memory_space<hbm>> -> memref<8x128xf32, #tpu.memory_space<hbm>>
      tpu.wait_dma2 semaphore(%arg9 : memref<!tpu.dma_semaphore, #tpu.memory_space<semaphore_mem>>) src(%dma_wait3A_2370 : memref<8x128xf32, #tpu.memory_space<hbm>>) dst(%dma_wait3A_2368 : memref<8x128xf32, #tpu.memory_space<vmem>>)
      %dma_wait3A_2371 = arith.constant 6 : i32
      %dma_wait3A_2372 = arith.constant 0 : i32
      %dma_wait3A_2373 = arith.constant 0 : i32
      %dma_wait3A_2374 = tpu.memref_slice %arg7[%dma_wait3A_2371, %dma_wait3A_2372, %dma_wait3A_2373] : memref<16x32x128xf32, #tpu.memory_space<vmem>> -> memref<1x8x128xf32, #tpu.memory_space<vmem>>
      %dma_wait3A_2375 = tpu.memref_squeeze %dma_wait3A_2374 : memref<1x8x128xf32, #tpu.memory_space<vmem>> -> memref<8x128xf32, #tpu.memory_space<vmem>>
      %dma_wait3A_2376 = arith.constant 0 : i32
      %dma_wait3A_2377 = tpu.memref_slice %arg3[%dma_wait3A_2376, %multiple_of3A_1278] : memref<32x1000001xf32, #tpu.memory_space<hbm>> -> memref<8x128xf32, #tpu.memory_space<hbm>>
      %dma_wait3A_2378 = arith.constant 0 : i32
      %dma_wait3A_2379 = arith.constant 0 : i32
      %dma_wait3A_2380 = tpu.memref_slice %arg7[%dma_wait3A_2371, %dma_wait3A_2378, %dma_wait3A_2379] : memref<16x32x128xf32, #tpu.memory_space<vmem>> -> memref<1x8x128xf32, #tpu.memory_space<vmem>>
      %dma_wait3A_2381 = tpu.memref_squeeze %dma_wait3A_2380 : memref<1x8x128xf32, #tpu.memory_space<vmem>> -> memref<8x128xf32, #tpu.memory_space<vmem>>
      %dma_wait3A_2382 = arith.constant 0 : i32
      %dma_wait3A_2383 = tpu.memref_slice %arg3[%dma_wait3A_2382, %multiple_of3A_1278] : memref<32x1000001xf32, #tpu.memory_space<hbm>> -> memref<8x128xf32, #tpu.memory_space<hbm>>
      tpu.wait_dma2 semaphore(%arg9 : memref<!tpu.dma_semaphore, #tpu.memory_space<semaphore_mem>>) src(%dma_wait3A_2383 : memref<8x128xf32, #tpu.memory_space<hbm>>) dst(%dma_wait3A_2381 : memref<8x128xf32, #tpu.memory_space<vmem>>)
      %dma_wait3A_2384 = arith.constant 6 : i32
      %dma_wait3A_2385 = arith.constant 8 : i32
      %dma_wait3A_2386 = arith.constant 0 : i32
      %dma_wait3A_2387 = tpu.memref_slice %arg7[%dma_wait3A_2384, %dma_wait3A_2385, %dma_wait3A_2386] : memref<16x32x128xf32, #tpu.memory_space<vmem>> -> memref<1x8x128xf32, #tpu.memory_space<vmem>>
      %dma_wait3A_2388 = tpu.memref_squeeze %dma_wait3A_2387 : memref<1x8x128xf32, #tpu.memory_space<vmem>> -> memref<8x128xf32, #tpu.memory_space<vmem>>
      %dma_wait3A_2389 = arith.constant 8 : i32
      %dma_wait3A_2390 = tpu.memref_slice %arg3[%dma_wait3A_2389, %multiple_of3A_1278] : memref<32x1000001xf32, #tpu.memory_space<hbm>> -> memref<8x128xf32, #tpu.memory_space<hbm>>
      %dma_wait3A_2391 = arith.constant 8 : i32
      %dma_wait3A_2392 = arith.constant 0 : i32
      %dma_wait3A_2393 = tpu.memref_slice %arg7[%dma_wait3A_2384, %dma_wait3A_2391, %dma_wait3A_2392] : memref<16x32x128xf32, #tpu.memory_space<vmem>> -> memref<1x8x128xf32, #tpu.memory_space<vmem>>
      %dma_wait3A_2394 = tpu.memref_squeeze %dma_wait3A_2393 : memref<1x8x128xf32, #tpu.memory_space<vmem>> -> memref<8x128xf32, #tpu.memory_space<vmem>>
      %dma_wait3A_2395 = arith.constant 8 : i32
      %dma_wait3A_2396 = tpu.memref_slice %arg3[%dma_wait3A_2395, %multiple_of3A_1278] : memref<32x1000001xf32, #tpu.memory_space<hbm>> -> memref<8x128xf32, #tpu.memory_space<hbm>>
      tpu.wait_dma2 semaphore(%arg9 : memref<!tpu.dma_semaphore, #tpu.memory_space<semaphore_mem>>) src(%dma_wait3A_2396 : memref<8x128xf32, #tpu.memory_space<hbm>>) dst(%dma_wait3A_2394 : memref<8x128xf32, #tpu.memory_space<vmem>>)
      %dma_wait3A_2397 = arith.constant 6 : i32
      %dma_wait3A_2398 = arith.constant 16 : i32
      %dma_wait3A_2399 = arith.constant 0 : i32
      %dma_wait3A_2400 = tpu.memref_slice %arg7[%dma_wait3A_2397, %dma_wait3A_2398, %dma_wait3A_2399] : memref<16x32x128xf32, #tpu.memory_space<vmem>> -> memref<1x8x128xf32, #tpu.memory_space<vmem>>
      %dma_wait3A_2401 = tpu.memref_squeeze %dma_wait3A_2400 : memref<1x8x128xf32, #tpu.memory_space<vmem>> -> memref<8x128xf32, #tpu.memory_space<vmem>>
      %dma_wait3A_2402 = arith.constant 16 : i32
      %dma_wait3A_2403 = tpu.memref_slice %arg3[%dma_wait3A_2402, %multiple_of3A_1278] : memref<32x1000001xf32, #tpu.memory_space<hbm>> -> memref<8x128xf32, #tpu.memory_space<hbm>>
      %dma_wait3A_2404 = arith.constant 16 : i32
      %dma_wait3A_2405 = arith.constant 0 : i32
      %dma_wait3A_2406 = tpu.memref_slice %arg7[%dma_wait3A_2397, %dma_wait3A_2404, %dma_wait3A_2405] : memref<16x32x128xf32, #tpu.memory_space<vmem>> -> memref<1x8x128xf32, #tpu.memory_space<vmem>>
      %dma_wait3A_2407 = tpu.memref_squeeze %dma_wait3A_2406 : memref<1x8x128xf32, #tpu.memory_space<vmem>> -> memref<8x128xf32, #tpu.memory_space<vmem>>
      %dma_wait3A_2408 = arith.constant 16 : i32
      %dma_wait3A_2409 = tpu.memref_slice %arg3[%dma_wait3A_2408, %multiple_of3A_1278] : memref<32x1000001xf32, #tpu.memory_space<hbm>> -> memref<8x128xf32, #tpu.memory_space<hbm>>
      tpu.wait_dma2 semaphore(%arg9 : memref<!tpu.dma_semaphore, #tpu.memory_space<semaphore_mem>>) src(%dma_wait3A_2409 : memref<8x128xf32, #tpu.memory_space<hbm>>) dst(%dma_wait3A_2407 : memref<8x128xf32, #tpu.memory_space<vmem>>)
      %dma_wait3A_2410 = arith.constant 6 : i32
      %dma_wait3A_2411 = arith.constant 24 : i32
      %dma_wait3A_2412 = arith.constant 0 : i32
      %dma_wait3A_2413 = tpu.memref_slice %arg7[%dma_wait3A_2410, %dma_wait3A_2411, %dma_wait3A_2412] : memref<16x32x128xf32, #tpu.memory_space<vmem>> -> memref<1x8x128xf32, #tpu.memory_space<vmem>>
      %dma_wait3A_2414 = tpu.memref_squeeze %dma_wait3A_2413 : memref<1x8x128xf32, #tpu.memory_space<vmem>> -> memref<8x128xf32, #tpu.memory_space<vmem>>
      %dma_wait3A_2415 = arith.constant 24 : i32
      %dma_wait3A_2416 = tpu.memref_slice %arg3[%dma_wait3A_2415, %multiple_of3A_1278] : memref<32x1000001xf32, #tpu.memory_space<hbm>> -> memref<8x128xf32, #tpu.memory_space<hbm>>
      %dma_wait3A_2417 = arith.constant 24 : i32
      %dma_wait3A_2418 = arith.constant 0 : i32
      %dma_wait3A_2419 = tpu.memref_slice %arg7[%dma_wait3A_2410, %dma_wait3A_2417, %dma_wait3A_2418] : memref<16x32x128xf32, #tpu.memory_space<vmem>> -> memref<1x8x128xf32, #tpu.memory_space<vmem>>
      %dma_wait3A_2420 = tpu.memref_squeeze %dma_wait3A_2419 : memref<1x8x128xf32, #tpu.memory_space<vmem>> -> memref<8x128xf32, #tpu.memory_space<vmem>>
      %dma_wait3A_2421 = arith.constant 24 : i32
      %dma_wait3A_2422 = tpu.memref_slice %arg3[%dma_wait3A_2421, %multiple_of3A_1278] : memref<32x1000001xf32, #tpu.memory_space<hbm>> -> memref<8x128xf32, #tpu.memory_space<hbm>>
      tpu.wait_dma2 semaphore(%arg9 : memref<!tpu.dma_semaphore, #tpu.memory_space<semaphore_mem>>) src(%dma_wait3A_2422 : memref<8x128xf32, #tpu.memory_space<hbm>>) dst(%dma_wait3A_2420 : memref<8x128xf32, #tpu.memory_space<vmem>>)
      %dma_wait3A_2423 = arith.constant 7 : i32
      %dma_wait3A_2424 = arith.constant 0 : i32
      %dma_wait3A_2425 = arith.constant 0 : i32
      %dma_wait3A_2426 = tpu.memref_slice %arg7[%dma_wait3A_2423, %dma_wait3A_2424, %dma_wait3A_2425] : memref<16x32x128xf32, #tpu.memory_space<vmem>> -> memref<1x8x128xf32, #tpu.memory_space<vmem>>
      %dma_wait3A_2427 = tpu.memref_squeeze %dma_wait3A_2426 : memref<1x8x128xf32, #tpu.memory_space<vmem>> -> memref<8x128xf32, #tpu.memory_space<vmem>>
      %dma_wait3A_2428 = arith.constant 0 : i32
      %dma_wait3A_2429 = tpu.memref_slice %arg3[%dma_wait3A_2428, %multiple_of3A_1359] : memref<32x1000001xf32, #tpu.memory_space<hbm>> -> memref<8x128xf32, #tpu.memory_space<hbm>>
      %dma_wait3A_2430 = arith.constant 0 : i32
      %dma_wait3A_2431 = arith.constant 0 : i32
      %dma_wait3A_2432 = tpu.memref_slice %arg7[%dma_wait3A_2423, %dma_wait3A_2430, %dma_wait3A_2431] : memref<16x32x128xf32, #tpu.memory_space<vmem>> -> memref<1x8x128xf32, #tpu.memory_space<vmem>>
      %dma_wait3A_2433 = tpu.memref_squeeze %dma_wait3A_2432 : memref<1x8x128xf32, #tpu.memory_space<vmem>> -> memref<8x128xf32, #tpu.memory_space<vmem>>
      %dma_wait3A_2434 = arith.constant 0 : i32
      %dma_wait3A_2435 = tpu.memref_slice %arg3[%dma_wait3A_2434, %multiple_of3A_1359] : memref<32x1000001xf32, #tpu.memory_space<hbm>> -> memref<8x128xf32, #tpu.memory_space<hbm>>
      tpu.wait_dma2 semaphore(%arg9 : memref<!tpu.dma_semaphore, #tpu.memory_space<semaphore_mem>>) src(%dma_wait3A_2435 : memref<8x128xf32, #tpu.memory_space<hbm>>) dst(%dma_wait3A_2433 : memref<8x128xf32, #tpu.memory_space<vmem>>)
      %dma_wait3A_2436 = arith.constant 7 : i32
      %dma_wait3A_2437 = arith.constant 8 : i32
      %dma_wait3A_2438 = arith.constant 0 : i32
      %dma_wait3A_2439 = tpu.memref_slice %arg7[%dma_wait3A_2436, %dma_wait3A_2437, %dma_wait3A_2438] : memref<16x32x128xf32, #tpu.memory_space<vmem>> -> memref<1x8x128xf32, #tpu.memory_space<vmem>>
      %dma_wait3A_2440 = tpu.memref_squeeze %dma_wait3A_2439 : memref<1x8x128xf32, #tpu.memory_space<vmem>> -> memref<8x128xf32, #tpu.memory_space<vmem>>
      %dma_wait3A_2441 = arith.constant 8 : i32
      %dma_wait3A_2442 = tpu.memref_slice %arg3[%dma_wait3A_2441, %multiple_of3A_1359] : memref<32x1000001xf32, #tpu.memory_space<hbm>> -> memref<8x128xf32, #tpu.memory_space<hbm>>
      %dma_wait3A_2443 = arith.constant 8 : i32
      %dma_wait3A_2444 = arith.constant 0 : i32
      %dma_wait3A_2445 = tpu.memref_slice %arg7[%dma_wait3A_2436, %dma_wait3A_2443, %dma_wait3A_2444] : memref<16x32x128xf32, #tpu.memory_space<vmem>> -> memref<1x8x128xf32, #tpu.memory_space<vmem>>
      %dma_wait3A_2446 = tpu.memref_squeeze %dma_wait3A_2445 : memref<1x8x128xf32, #tpu.memory_space<vmem>> -> memref<8x128xf32, #tpu.memory_space<vmem>>
      %dma_wait3A_2447 = arith.constant 8 : i32
      %dma_wait3A_2448 = tpu.memref_slice %arg3[%dma_wait3A_2447, %multiple_of3A_1359] : memref<32x1000001xf32, #tpu.memory_space<hbm>> -> memref<8x128xf32, #tpu.memory_space<hbm>>
      tpu.wait_dma2 semaphore(%arg9 : memref<!tpu.dma_semaphore, #tpu.memory_space<semaphore_mem>>) src(%dma_wait3A_2448 : memref<8x128xf32, #tpu.memory_space<hbm>>) dst(%dma_wait3A_2446 : memref<8x128xf32, #tpu.memory_space<vmem>>)
      %dma_wait3A_2449 = arith.constant 7 : i32
      %dma_wait3A_2450 = arith.constant 16 : i32
      %dma_wait3A_2451 = arith.constant 0 : i32
      %dma_wait3A_2452 = tpu.memref_slice %arg7[%dma_wait3A_2449, %dma_wait3A_2450, %dma_wait3A_2451] : memref<16x32x128xf32, #tpu.memory_space<vmem>> -> memref<1x8x128xf32, #tpu.memory_space<vmem>>
      %dma_wait3A_2453 = tpu.memref_squeeze %dma_wait3A_2452 : memref<1x8x128xf32, #tpu.memory_space<vmem>> -> memref<8x128xf32, #tpu.memory_space<vmem>>
      %dma_wait3A_2454 = arith.constant 16 : i32
      %dma_wait3A_2455 = tpu.memref_slice %arg3[%dma_wait3A_2454, %multiple_of3A_1359] : memref<32x1000001xf32, #tpu.memory_space<hbm>> -> memref<8x128xf32, #tpu.memory_space<hbm>>
      %dma_wait3A_2456 = arith.constant 16 : i32
      %dma_wait3A_2457 = arith.constant 0 : i32
      %dma_wait3A_2458 = tpu.memref_slice %arg7[%dma_wait3A_2449, %dma_wait3A_2456, %dma_wait3A_2457] : memref<16x32x128xf32, #tpu.memory_space<vmem>> -> memref<1x8x128xf32, #tpu.memory_space<vmem>>
      %dma_wait3A_2459 = tpu.memref_squeeze %dma_wait3A_2458 : memref<1x8x128xf32, #tpu.memory_space<vmem>> -> memref<8x128xf32, #tpu.memory_space<vmem>>
      %dma_wait3A_2460 = arith.constant 16 : i32
      %dma_wait3A_2461 = tpu.memref_slice %arg3[%dma_wait3A_2460, %multiple_of3A_1359] : memref<32x1000001xf32, #tpu.memory_space<hbm>> -> memref<8x128xf32, #tpu.memory_space<hbm>>
      tpu.wait_dma2 semaphore(%arg9 : memref<!tpu.dma_semaphore, #tpu.memory_space<semaphore_mem>>) src(%dma_wait3A_2461 : memref<8x128xf32, #tpu.memory_space<hbm>>) dst(%dma_wait3A_2459 : memref<8x128xf32, #tpu.memory_space<vmem>>)
      %dma_wait3A_2462 = arith.constant 7 : i32
      %dma_wait3A_2463 = arith.constant 24 : i32
      %dma_wait3A_2464 = arith.constant 0 : i32
      %dma_wait3A_2465 = tpu.memref_slice %arg7[%dma_wait3A_2462, %dma_wait3A_2463, %dma_wait3A_2464] : memref<16x32x128xf32, #tpu.memory_space<vmem>> -> memref<1x8x128xf32, #tpu.memory_space<vmem>>
      %dma_wait3A_2466 = tpu.memref_squeeze %dma_wait3A_2465 : memref<1x8x128xf32, #tpu.memory_space<vmem>> -> memref<8x128xf32, #tpu.memory_space<vmem>>
      %dma_wait3A_2467 = arith.constant 24 : i32
      %dma_wait3A_2468 = tpu.memref_slice %arg3[%dma_wait3A_2467, %multiple_of3A_1359] : memref<32x1000001xf32, #tpu.memory_space<hbm>> -> memref<8x128xf32, #tpu.memory_space<hbm>>
      %dma_wait3A_2469 = arith.constant 24 : i32
      %dma_wait3A_2470 = arith.constant 0 : i32
      %dma_wait3A_2471 = tpu.memref_slice %arg7[%dma_wait3A_2462, %dma_wait3A_2469, %dma_wait3A_2470] : memref<16x32x128xf32, #tpu.memory_space<vmem>> -> memref<1x8x128xf32, #tpu.memory_space<vmem>>
      %dma_wait3A_2472 = tpu.memref_squeeze %dma_wait3A_2471 : memref<1x8x128xf32, #tpu.memory_space<vmem>> -> memref<8x128xf32, #tpu.memory_space<vmem>>
      %dma_wait3A_2473 = arith.constant 24 : i32
      %dma_wait3A_2474 = tpu.memref_slice %arg3[%dma_wait3A_2473, %multiple_of3A_1359] : memref<32x1000001xf32, #tpu.memory_space<hbm>> -> memref<8x128xf32, #tpu.memory_space<hbm>>
      tpu.wait_dma2 semaphore(%arg9 : memref<!tpu.dma_semaphore, #tpu.memory_space<semaphore_mem>>) src(%dma_wait3A_2474 : memref<8x128xf32, #tpu.memory_space<hbm>>) dst(%dma_wait3A_2472 : memref<8x128xf32, #tpu.memory_space<vmem>>)
      %dma_wait3A_2475 = arith.constant 8 : i32
      %dma_wait3A_2476 = arith.constant 0 : i32
      %dma_wait3A_2477 = arith.constant 0 : i32
      %dma_wait3A_2478 = tpu.memref_slice %arg7[%dma_wait3A_2475, %dma_wait3A_2476, %dma_wait3A_2477] : memref<16x32x128xf32, #tpu.memory_space<vmem>> -> memref<1x8x128xf32, #tpu.memory_space<vmem>>
      %dma_wait3A_2479 = tpu.memref_squeeze %dma_wait3A_2478 : memref<1x8x128xf32, #tpu.memory_space<vmem>> -> memref<8x128xf32, #tpu.memory_space<vmem>>
      %dma_wait3A_2480 = arith.constant 0 : i32
      %dma_wait3A_2481 = tpu.memref_slice %arg3[%dma_wait3A_2480, %multiple_of3A_1440] : memref<32x1000001xf32, #tpu.memory_space<hbm>> -> memref<8x128xf32, #tpu.memory_space<hbm>>
      %dma_wait3A_2482 = arith.constant 0 : i32
      %dma_wait3A_2483 = arith.constant 0 : i32
      %dma_wait3A_2484 = tpu.memref_slice %arg7[%dma_wait3A_2475, %dma_wait3A_2482, %dma_wait3A_2483] : memref<16x32x128xf32, #tpu.memory_space<vmem>> -> memref<1x8x128xf32, #tpu.memory_space<vmem>>
      %dma_wait3A_2485 = tpu.memref_squeeze %dma_wait3A_2484 : memref<1x8x128xf32, #tpu.memory_space<vmem>> -> memref<8x128xf32, #tpu.memory_space<vmem>>
      %dma_wait3A_2486 = arith.constant 0 : i32
      %dma_wait3A_2487 = tpu.memref_slice %arg3[%dma_wait3A_2486, %multiple_of3A_1440] : memref<32x1000001xf32, #tpu.memory_space<hbm>> -> memref<8x128xf32, #tpu.memory_space<hbm>>
      tpu.wait_dma2 semaphore(%arg9 : memref<!tpu.dma_semaphore, #tpu.memory_space<semaphore_mem>>) src(%dma_wait3A_2487 : memref<8x128xf32, #tpu.memory_space<hbm>>) dst(%dma_wait3A_2485 : memref<8x128xf32, #tpu.memory_space<vmem>>)
      %dma_wait3A_2488 = arith.constant 8 : i32
      %dma_wait3A_2489 = arith.constant 8 : i32
      %dma_wait3A_2490 = arith.constant 0 : i32
      %dma_wait3A_2491 = tpu.memref_slice %arg7[%dma_wait3A_2488, %dma_wait3A_2489, %dma_wait3A_2490] : memref<16x32x128xf32, #tpu.memory_space<vmem>> -> memref<1x8x128xf32, #tpu.memory_space<vmem>>
      %dma_wait3A_2492 = tpu.memref_squeeze %dma_wait3A_2491 : memref<1x8x128xf32, #tpu.memory_space<vmem>> -> memref<8x128xf32, #tpu.memory_space<vmem>>
      %dma_wait3A_2493 = arith.constant 8 : i32
      %dma_wait3A_2494 = tpu.memref_slice %arg3[%dma_wait3A_2493, %multiple_of3A_1440] : memref<32x1000001xf32, #tpu.memory_space<hbm>> -> memref<8x128xf32, #tpu.memory_space<hbm>>
      %dma_wait3A_2495 = arith.constant 8 : i32
      %dma_wait3A_2496 = arith.constant 0 : i32
      %dma_wait3A_2497 = tpu.memref_slice %arg7[%dma_wait3A_2488, %dma_wait3A_2495, %dma_wait3A_2496] : memref<16x32x128xf32, #tpu.memory_space<vmem>> -> memref<1x8x128xf32, #tpu.memory_space<vmem>>
      %dma_wait3A_2498 = tpu.memref_squeeze %dma_wait3A_2497 : memref<1x8x128xf32, #tpu.memory_space<vmem>> -> memref<8x128xf32, #tpu.memory_space<vmem>>
      %dma_wait3A_2499 = arith.constant 8 : i32
      %dma_wait3A_2500 = tpu.memref_slice %arg3[%dma_wait3A_2499, %multiple_of3A_1440] : memref<32x1000001xf32, #tpu.memory_space<hbm>> -> memref<8x128xf32, #tpu.memory_space<hbm>>
      tpu.wait_dma2 semaphore(%arg9 : memref<!tpu.dma_semaphore, #tpu.memory_space<semaphore_mem>>) src(%dma_wait3A_2500 : memref<8x128xf32, #tpu.memory_space<hbm>>) dst(%dma_wait3A_2498 : memref<8x128xf32, #tpu.memory_space<vmem>>)
      %dma_wait3A_2501 = arith.constant 8 : i32
      %dma_wait3A_2502 = arith.constant 16 : i32
      %dma_wait3A_2503 = arith.constant 0 : i32
      %dma_wait3A_2504 = tpu.memref_slice %arg7[%dma_wait3A_2501, %dma_wait3A_2502, %dma_wait3A_2503] : memref<16x32x128xf32, #tpu.memory_space<vmem>> -> memref<1x8x128xf32, #tpu.memory_space<vmem>>
      %dma_wait3A_2505 = tpu.memref_squeeze %dma_wait3A_2504 : memref<1x8x128xf32, #tpu.memory_space<vmem>> -> memref<8x128xf32, #tpu.memory_space<vmem>>
      %dma_wait3A_2506 = arith.constant 16 : i32
      %dma_wait3A_2507 = tpu.memref_slice %arg3[%dma_wait3A_2506, %multiple_of3A_1440] : memref<32x1000001xf32, #tpu.memory_space<hbm>> -> memref<8x128xf32, #tpu.memory_space<hbm>>
      %dma_wait3A_2508 = arith.constant 16 : i32
      %dma_wait3A_2509 = arith.constant 0 : i32
      %dma_wait3A_2510 = tpu.memref_slice %arg7[%dma_wait3A_2501, %dma_wait3A_2508, %dma_wait3A_2509] : memref<16x32x128xf32, #tpu.memory_space<vmem>> -> memref<1x8x128xf32, #tpu.memory_space<vmem>>
      %dma_wait3A_2511 = tpu.memref_squeeze %dma_wait3A_2510 : memref<1x8x128xf32, #tpu.memory_space<vmem>> -> memref<8x128xf32, #tpu.memory_space<vmem>>
      %dma_wait3A_2512 = arith.constant 16 : i32
      %dma_wait3A_2513 = tpu.memref_slice %arg3[%dma_wait3A_2512, %multiple_of3A_1440] : memref<32x1000001xf32, #tpu.memory_space<hbm>> -> memref<8x128xf32, #tpu.memory_space<hbm>>
      tpu.wait_dma2 semaphore(%arg9 : memref<!tpu.dma_semaphore, #tpu.memory_space<semaphore_mem>>) src(%dma_wait3A_2513 : memref<8x128xf32, #tpu.memory_space<hbm>>) dst(%dma_wait3A_2511 : memref<8x128xf32, #tpu.memory_space<vmem>>)
      %dma_wait3A_2514 = arith.constant 8 : i32
      %dma_wait3A_2515 = arith.constant 24 : i32
      %dma_wait3A_2516 = arith.constant 0 : i32
      %dma_wait3A_2517 = tpu.memref_slice %arg7[%dma_wait3A_2514, %dma_wait3A_2515, %dma_wait3A_2516] : memref<16x32x128xf32, #tpu.memory_space<vmem>> -> memref<1x8x128xf32, #tpu.memory_space<vmem>>
      %dma_wait3A_2518 = tpu.memref_squeeze %dma_wait3A_2517 : memref<1x8x128xf32, #tpu.memory_space<vmem>> -> memref<8x128xf32, #tpu.memory_space<vmem>>
      %dma_wait3A_2519 = arith.constant 24 : i32
      %dma_wait3A_2520 = tpu.memref_slice %arg3[%dma_wait3A_2519, %multiple_of3A_1440] : memref<32x1000001xf32, #tpu.memory_space<hbm>> -> memref<8x128xf32, #tpu.memory_space<hbm>>
      %dma_wait3A_2521 = arith.constant 24 : i32
      %dma_wait3A_2522 = arith.constant 0 : i32
      %dma_wait3A_2523 = tpu.memref_slice %arg7[%dma_wait3A_2514, %dma_wait3A_2521, %dma_wait3A_2522] : memref<16x32x128xf32, #tpu.memory_space<vmem>> -> memref<1x8x128xf32, #tpu.memory_space<vmem>>
      %dma_wait3A_2524 = tpu.memref_squeeze %dma_wait3A_2523 : memref<1x8x128xf32, #tpu.memory_space<vmem>> -> memref<8x128xf32, #tpu.memory_space<vmem>>
      %dma_wait3A_2525 = arith.constant 24 : i32
      %dma_wait3A_2526 = tpu.memref_slice %arg3[%dma_wait3A_2525, %multiple_of3A_1440] : memref<32x1000001xf32, #tpu.memory_space<hbm>> -> memref<8x128xf32, #tpu.memory_space<hbm>>
      tpu.wait_dma2 semaphore(%arg9 : memref<!tpu.dma_semaphore, #tpu.memory_space<semaphore_mem>>) src(%dma_wait3A_2526 : memref<8x128xf32, #tpu.memory_space<hbm>>) dst(%dma_wait3A_2524 : memref<8x128xf32, #tpu.memory_space<vmem>>)
      %dma_wait3A_2527 = arith.constant 9 : i32
      %dma_wait3A_2528 = arith.constant 0 : i32
      %dma_wait3A_2529 = arith.constant 0 : i32
      %dma_wait3A_2530 = tpu.memref_slice %arg7[%dma_wait3A_2527, %dma_wait3A_2528, %dma_wait3A_2529] : memref<16x32x128xf32, #tpu.memory_space<vmem>> -> memref<1x8x128xf32, #tpu.memory_space<vmem>>
      %dma_wait3A_2531 = tpu.memref_squeeze %dma_wait3A_2530 : memref<1x8x128xf32, #tpu.memory_space<vmem>> -> memref<8x128xf32, #tpu.memory_space<vmem>>
      %dma_wait3A_2532 = arith.constant 0 : i32
      %dma_wait3A_2533 = tpu.memref_slice %arg3[%dma_wait3A_2532, %multiple_of3A_1521] : memref<32x1000001xf32, #tpu.memory_space<hbm>> -> memref<8x128xf32, #tpu.memory_space<hbm>>
      %dma_wait3A_2534 = arith.constant 0 : i32
      %dma_wait3A_2535 = arith.constant 0 : i32
      %dma_wait3A_2536 = tpu.memref_slice %arg7[%dma_wait3A_2527, %dma_wait3A_2534, %dma_wait3A_2535] : memref<16x32x128xf32, #tpu.memory_space<vmem>> -> memref<1x8x128xf32, #tpu.memory_space<vmem>>
      %dma_wait3A_2537 = tpu.memref_squeeze %dma_wait3A_2536 : memref<1x8x128xf32, #tpu.memory_space<vmem>> -> memref<8x128xf32, #tpu.memory_space<vmem>>
      %dma_wait3A_2538 = arith.constant 0 : i32
      %dma_wait3A_2539 = tpu.memref_slice %arg3[%dma_wait3A_2538, %multiple_of3A_1521] : memref<32x1000001xf32, #tpu.memory_space<hbm>> -> memref<8x128xf32, #tpu.memory_space<hbm>>
      tpu.wait_dma2 semaphore(%arg9 : memref<!tpu.dma_semaphore, #tpu.memory_space<semaphore_mem>>) src(%dma_wait3A_2539 : memref<8x128xf32, #tpu.memory_space<hbm>>) dst(%dma_wait3A_2537 : memref<8x128xf32, #tpu.memory_space<vmem>>)
      %dma_wait3A_2540 = arith.constant 9 : i32
      %dma_wait3A_2541 = arith.constant 8 : i32
      %dma_wait3A_2542 = arith.constant 0 : i32
      %dma_wait3A_2543 = tpu.memref_slice %arg7[%dma_wait3A_2540, %dma_wait3A_2541, %dma_wait3A_2542] : memref<16x32x128xf32, #tpu.memory_space<vmem>> -> memref<1x8x128xf32, #tpu.memory_space<vmem>>
      %dma_wait3A_2544 = tpu.memref_squeeze %dma_wait3A_2543 : memref<1x8x128xf32, #tpu.memory_space<vmem>> -> memref<8x128xf32, #tpu.memory_space<vmem>>
      %dma_wait3A_2545 = arith.constant 8 : i32
      %dma_wait3A_2546 = tpu.memref_slice %arg3[%dma_wait3A_2545, %multiple_of3A_1521] : memref<32x1000001xf32, #tpu.memory_space<hbm>> -> memref<8x128xf32, #tpu.memory_space<hbm>>
      %dma_wait3A_2547 = arith.constant 8 : i32
      %dma_wait3A_2548 = arith.constant 0 : i32
      %dma_wait3A_2549 = tpu.memref_slice %arg7[%dma_wait3A_2540, %dma_wait3A_2547, %dma_wait3A_2548] : memref<16x32x128xf32, #tpu.memory_space<vmem>> -> memref<1x8x128xf32, #tpu.memory_space<vmem>>
      %dma_wait3A_2550 = tpu.memref_squeeze %dma_wait3A_2549 : memref<1x8x128xf32, #tpu.memory_space<vmem>> -> memref<8x128xf32, #tpu.memory_space<vmem>>
      %dma_wait3A_2551 = arith.constant 8 : i32
      %dma_wait3A_2552 = tpu.memref_slice %arg3[%dma_wait3A_2551, %multiple_of3A_1521] : memref<32x1000001xf32, #tpu.memory_space<hbm>> -> memref<8x128xf32, #tpu.memory_space<hbm>>
      tpu.wait_dma2 semaphore(%arg9 : memref<!tpu.dma_semaphore, #tpu.memory_space<semaphore_mem>>) src(%dma_wait3A_2552 : memref<8x128xf32, #tpu.memory_space<hbm>>) dst(%dma_wait3A_2550 : memref<8x128xf32, #tpu.memory_space<vmem>>)
      %dma_wait3A_2553 = arith.constant 9 : i32
      %dma_wait3A_2554 = arith.constant 16 : i32
      %dma_wait3A_2555 = arith.constant 0 : i32
      %dma_wait3A_2556 = tpu.memref_slice %arg7[%dma_wait3A_2553, %dma_wait3A_2554, %dma_wait3A_2555] : memref<16x32x128xf32, #tpu.memory_space<vmem>> -> memref<1x8x128xf32, #tpu.memory_space<vmem>>
      %dma_wait3A_2557 = tpu.memref_squeeze %dma_wait3A_2556 : memref<1x8x128xf32, #tpu.memory_space<vmem>> -> memref<8x128xf32, #tpu.memory_space<vmem>>
      %dma_wait3A_2558 = arith.constant 16 : i32
      %dma_wait3A_2559 = tpu.memref_slice %arg3[%dma_wait3A_2558, %multiple_of3A_1521] : memref<32x1000001xf32, #tpu.memory_space<hbm>> -> memref<8x128xf32, #tpu.memory_space<hbm>>
      %dma_wait3A_2560 = arith.constant 16 : i32
      %dma_wait3A_2561 = arith.constant 0 : i32
      %dma_wait3A_2562 = tpu.memref_slice %arg7[%dma_wait3A_2553, %dma_wait3A_2560, %dma_wait3A_2561] : memref<16x32x128xf32, #tpu.memory_space<vmem>> -> memref<1x8x128xf32, #tpu.memory_space<vmem>>
      %dma_wait3A_2563 = tpu.memref_squeeze %dma_wait3A_2562 : memref<1x8x128xf32, #tpu.memory_space<vmem>> -> memref<8x128xf32, #tpu.memory_space<vmem>>
      %dma_wait3A_2564 = arith.constant 16 : i32
      %dma_wait3A_2565 = tpu.memref_slice %arg3[%dma_wait3A_2564, %multiple_of3A_1521] : memref<32x1000001xf32, #tpu.memory_space<hbm>> -> memref<8x128xf32, #tpu.memory_space<hbm>>
      tpu.wait_dma2 semaphore(%arg9 : memref<!tpu.dma_semaphore, #tpu.memory_space<semaphore_mem>>) src(%dma_wait3A_2565 : memref<8x128xf32, #tpu.memory_space<hbm>>) dst(%dma_wait3A_2563 : memref<8x128xf32, #tpu.memory_space<vmem>>)
      %dma_wait3A_2566 = arith.constant 9 : i32
      %dma_wait3A_2567 = arith.constant 24 : i32
      %dma_wait3A_2568 = arith.constant 0 : i32
      %dma_wait3A_2569 = tpu.memref_slice %arg7[%dma_wait3A_2566, %dma_wait3A_2567, %dma_wait3A_2568] : memref<16x32x128xf32, #tpu.memory_space<vmem>> -> memref<1x8x128xf32, #tpu.memory_space<vmem>>
      %dma_wait3A_2570 = tpu.memref_squeeze %dma_wait3A_2569 : memref<1x8x128xf32, #tpu.memory_space<vmem>> -> memref<8x128xf32, #tpu.memory_space<vmem>>
      %dma_wait3A_2571 = arith.constant 24 : i32
      %dma_wait3A_2572 = tpu.memref_slice %arg3[%dma_wait3A_2571, %multiple_of3A_1521] : memref<32x1000001xf32, #tpu.memory_space<hbm>> -> memref<8x128xf32, #tpu.memory_space<hbm>>
      %dma_wait3A_2573 = arith.constant 24 : i32
      %dma_wait3A_2574 = arith.constant 0 : i32
      %dma_wait3A_2575 = tpu.memref_slice %arg7[%dma_wait3A_2566, %dma_wait3A_2573, %dma_wait3A_2574] : memref<16x32x128xf32, #tpu.memory_space<vmem>> -> memref<1x8x128xf32, #tpu.memory_space<vmem>>
      %dma_wait3A_2576 = tpu.memref_squeeze %dma_wait3A_2575 : memref<1x8x128xf32, #tpu.memory_space<vmem>> -> memref<8x128xf32, #tpu.memory_space<vmem>>
      %dma_wait3A_2577 = arith.constant 24 : i32
      %dma_wait3A_2578 = tpu.memref_slice %arg3[%dma_wait3A_2577, %multiple_of3A_1521] : memref<32x1000001xf32, #tpu.memory_space<hbm>> -> memref<8x128xf32, #tpu.memory_space<hbm>>
      tpu.wait_dma2 semaphore(%arg9 : memref<!tpu.dma_semaphore, #tpu.memory_space<semaphore_mem>>) src(%dma_wait3A_2578 : memref<8x128xf32, #tpu.memory_space<hbm>>) dst(%dma_wait3A_2576 : memref<8x128xf32, #tpu.memory_space<vmem>>)
      %dma_wait3A_2579 = arith.constant 10 : i32
      %dma_wait3A_2580 = arith.constant 0 : i32
      %dma_wait3A_2581 = arith.constant 0 : i32
      %dma_wait3A_2582 = tpu.memref_slice %arg7[%dma_wait3A_2579, %dma_wait3A_2580, %dma_wait3A_2581] : memref<16x32x128xf32, #tpu.memory_space<vmem>> -> memref<1x8x128xf32, #tpu.memory_space<vmem>>
      %dma_wait3A_2583 = tpu.memref_squeeze %dma_wait3A_2582 : memref<1x8x128xf32, #tpu.memory_space<vmem>> -> memref<8x128xf32, #tpu.memory_space<vmem>>
      %dma_wait3A_2584 = arith.constant 0 : i32
      %dma_wait3A_2585 = tpu.memref_slice %arg3[%dma_wait3A_2584, %multiple_of3A_1602] : memref<32x1000001xf32, #tpu.memory_space<hbm>> -> memref<8x128xf32, #tpu.memory_space<hbm>>
      %dma_wait3A_2586 = arith.constant 0 : i32
      %dma_wait3A_2587 = arith.constant 0 : i32
      %dma_wait3A_2588 = tpu.memref_slice %arg7[%dma_wait3A_2579, %dma_wait3A_2586, %dma_wait3A_2587] : memref<16x32x128xf32, #tpu.memory_space<vmem>> -> memref<1x8x128xf32, #tpu.memory_space<vmem>>
      %dma_wait3A_2589 = tpu.memref_squeeze %dma_wait3A_2588 : memref<1x8x128xf32, #tpu.memory_space<vmem>> -> memref<8x128xf32, #tpu.memory_space<vmem>>
      %dma_wait3A_2590 = arith.constant 0 : i32
      %dma_wait3A_2591 = tpu.memref_slice %arg3[%dma_wait3A_2590, %multiple_of3A_1602] : memref<32x1000001xf32, #tpu.memory_space<hbm>> -> memref<8x128xf32, #tpu.memory_space<hbm>>
      tpu.wait_dma2 semaphore(%arg9 : memref<!tpu.dma_semaphore, #tpu.memory_space<semaphore_mem>>) src(%dma_wait3A_2591 : memref<8x128xf32, #tpu.memory_space<hbm>>) dst(%dma_wait3A_2589 : memref<8x128xf32, #tpu.memory_space<vmem>>)
      %dma_wait3A_2592 = arith.constant 10 : i32
      %dma_wait3A_2593 = arith.constant 8 : i32
      %dma_wait3A_2594 = arith.constant 0 : i32
      %dma_wait3A_2595 = tpu.memref_slice %arg7[%dma_wait3A_2592, %dma_wait3A_2593, %dma_wait3A_2594] : memref<16x32x128xf32, #tpu.memory_space<vmem>> -> memref<1x8x128xf32, #tpu.memory_space<vmem>>
      %dma_wait3A_2596 = tpu.memref_squeeze %dma_wait3A_2595 : memref<1x8x128xf32, #tpu.memory_space<vmem>> -> memref<8x128xf32, #tpu.memory_space<vmem>>
      %dma_wait3A_2597 = arith.constant 8 : i32
      %dma_wait3A_2598 = tpu.memref_slice %arg3[%dma_wait3A_2597, %multiple_of3A_1602] : memref<32x1000001xf32, #tpu.memory_space<hbm>> -> memref<8x128xf32, #tpu.memory_space<hbm>>
      %dma_wait3A_2599 = arith.constant 8 : i32
      %dma_wait3A_2600 = arith.constant 0 : i32
      %dma_wait3A_2601 = tpu.memref_slice %arg7[%dma_wait3A_2592, %dma_wait3A_2599, %dma_wait3A_2600] : memref<16x32x128xf32, #tpu.memory_space<vmem>> -> memref<1x8x128xf32, #tpu.memory_space<vmem>>
      %dma_wait3A_2602 = tpu.memref_squeeze %dma_wait3A_2601 : memref<1x8x128xf32, #tpu.memory_space<vmem>> -> memref<8x128xf32, #tpu.memory_space<vmem>>
      %dma_wait3A_2603 = arith.constant 8 : i32
      %dma_wait3A_2604 = tpu.memref_slice %arg3[%dma_wait3A_2603, %multiple_of3A_1602] : memref<32x1000001xf32, #tpu.memory_space<hbm>> -> memref<8x128xf32, #tpu.memory_space<hbm>>
      tpu.wait_dma2 semaphore(%arg9 : memref<!tpu.dma_semaphore, #tpu.memory_space<semaphore_mem>>) src(%dma_wait3A_2604 : memref<8x128xf32, #tpu.memory_space<hbm>>) dst(%dma_wait3A_2602 : memref<8x128xf32, #tpu.memory_space<vmem>>)
      %dma_wait3A_2605 = arith.constant 10 : i32
      %dma_wait3A_2606 = arith.constant 16 : i32
      %dma_wait3A_2607 = arith.constant 0 : i32
      %dma_wait3A_2608 = tpu.memref_slice %arg7[%dma_wait3A_2605, %dma_wait3A_2606, %dma_wait3A_2607] : memref<16x32x128xf32, #tpu.memory_space<vmem>> -> memref<1x8x128xf32, #tpu.memory_space<vmem>>
      %dma_wait3A_2609 = tpu.memref_squeeze %dma_wait3A_2608 : memref<1x8x128xf32, #tpu.memory_space<vmem>> -> memref<8x128xf32, #tpu.memory_space<vmem>>
      %dma_wait3A_2610 = arith.constant 16 : i32
      %dma_wait3A_2611 = tpu.memref_slice %arg3[%dma_wait3A_2610, %multiple_of3A_1602] : memref<32x1000001xf32, #tpu.memory_space<hbm>> -> memref<8x128xf32, #tpu.memory_space<hbm>>
      %dma_wait3A_2612 = arith.constant 16 : i32
      %dma_wait3A_2613 = arith.constant 0 : i32
      %dma_wait3A_2614 = tpu.memref_slice %arg7[%dma_wait3A_2605, %dma_wait3A_2612, %dma_wait3A_2613] : memref<16x32x128xf32, #tpu.memory_space<vmem>> -> memref<1x8x128xf32, #tpu.memory_space<vmem>>
      %dma_wait3A_2615 = tpu.memref_squeeze %dma_wait3A_2614 : memref<1x8x128xf32, #tpu.memory_space<vmem>> -> memref<8x128xf32, #tpu.memory_space<vmem>>
      %dma_wait3A_2616 = arith.constant 16 : i32
      %dma_wait3A_2617 = tpu.memref_slice %arg3[%dma_wait3A_2616, %multiple_of3A_1602] : memref<32x1000001xf32, #tpu.memory_space<hbm>> -> memref<8x128xf32, #tpu.memory_space<hbm>>
      tpu.wait_dma2 semaphore(%arg9 : memref<!tpu.dma_semaphore, #tpu.memory_space<semaphore_mem>>) src(%dma_wait3A_2617 : memref<8x128xf32, #tpu.memory_space<hbm>>) dst(%dma_wait3A_2615 : memref<8x128xf32, #tpu.memory_space<vmem>>)
      %dma_wait3A_2618 = arith.constant 10 : i32
      %dma_wait3A_2619 = arith.constant 24 : i32
      %dma_wait3A_2620 = arith.constant 0 : i32
      %dma_wait3A_2621 = tpu.memref_slice %arg7[%dma_wait3A_2618, %dma_wait3A_2619, %dma_wait3A_2620] : memref<16x32x128xf32, #tpu.memory_space<vmem>> -> memref<1x8x128xf32, #tpu.memory_space<vmem>>
      %dma_wait3A_2622 = tpu.memref_squeeze %dma_wait3A_2621 : memref<1x8x128xf32, #tpu.memory_space<vmem>> -> memref<8x128xf32, #tpu.memory_space<vmem>>
      %dma_wait3A_2623 = arith.constant 24 : i32
      %dma_wait3A_2624 = tpu.memref_slice %arg3[%dma_wait3A_2623, %multiple_of3A_1602] : memref<32x1000001xf32, #tpu.memory_space<hbm>> -> memref<8x128xf32, #tpu.memory_space<hbm>>
      %dma_wait3A_2625 = arith.constant 24 : i32
      %dma_wait3A_2626 = arith.constant 0 : i32
      %dma_wait3A_2627 = tpu.memref_slice %arg7[%dma_wait3A_2618, %dma_wait3A_2625, %dma_wait3A_2626] : memref<16x32x128xf32, #tpu.memory_space<vmem>> -> memref<1x8x128xf32, #tpu.memory_space<vmem>>
      %dma_wait3A_2628 = tpu.memref_squeeze %dma_wait3A_2627 : memref<1x8x128xf32, #tpu.memory_space<vmem>> -> memref<8x128xf32, #tpu.memory_space<vmem>>
      %dma_wait3A_2629 = arith.constant 24 : i32
      %dma_wait3A_2630 = tpu.memref_slice %arg3[%dma_wait3A_2629, %multiple_of3A_1602] : memref<32x1000001xf32, #tpu.memory_space<hbm>> -> memref<8x128xf32, #tpu.memory_space<hbm>>
      tpu.wait_dma2 semaphore(%arg9 : memref<!tpu.dma_semaphore, #tpu.memory_space<semaphore_mem>>) src(%dma_wait3A_2630 : memref<8x128xf32, #tpu.memory_space<hbm>>) dst(%dma_wait3A_2628 : memref<8x128xf32, #tpu.memory_space<vmem>>)
      %dma_wait3A_2631 = arith.constant 11 : i32
      %dma_wait3A_2632 = arith.constant 0 : i32
      %dma_wait3A_2633 = arith.constant 0 : i32
      %dma_wait3A_2634 = tpu.memref_slice %arg7[%dma_wait3A_2631, %dma_wait3A_2632, %dma_wait3A_2633] : memref<16x32x128xf32, #tpu.memory_space<vmem>> -> memref<1x8x128xf32, #tpu.memory_space<vmem>>
      %dma_wait3A_2635 = tpu.memref_squeeze %dma_wait3A_2634 : memref<1x8x128xf32, #tpu.memory_space<vmem>> -> memref<8x128xf32, #tpu.memory_space<vmem>>
      %dma_wait3A_2636 = arith.constant 0 : i32
      %dma_wait3A_2637 = tpu.memref_slice %arg3[%dma_wait3A_2636, %multiple_of3A_1683] : memref<32x1000001xf32, #tpu.memory_space<hbm>> -> memref<8x128xf32, #tpu.memory_space<hbm>>
      %dma_wait3A_2638 = arith.constant 0 : i32
      %dma_wait3A_2639 = arith.constant 0 : i32
      %dma_wait3A_2640 = tpu.memref_slice %arg7[%dma_wait3A_2631, %dma_wait3A_2638, %dma_wait3A_2639] : memref<16x32x128xf32, #tpu.memory_space<vmem>> -> memref<1x8x128xf32, #tpu.memory_space<vmem>>
      %dma_wait3A_2641 = tpu.memref_squeeze %dma_wait3A_2640 : memref<1x8x128xf32, #tpu.memory_space<vmem>> -> memref<8x128xf32, #tpu.memory_space<vmem>>
      %dma_wait3A_2642 = arith.constant 0 : i32
      %dma_wait3A_2643 = tpu.memref_slice %arg3[%dma_wait3A_2642, %multiple_of3A_1683] : memref<32x1000001xf32, #tpu.memory_space<hbm>> -> memref<8x128xf32, #tpu.memory_space<hbm>>
      tpu.wait_dma2 semaphore(%arg9 : memref<!tpu.dma_semaphore, #tpu.memory_space<semaphore_mem>>) src(%dma_wait3A_2643 : memref<8x128xf32, #tpu.memory_space<hbm>>) dst(%dma_wait3A_2641 : memref<8x128xf32, #tpu.memory_space<vmem>>)
      %dma_wait3A_2644 = arith.constant 11 : i32
      %dma_wait3A_2645 = arith.constant 8 : i32
      %dma_wait3A_2646 = arith.constant 0 : i32
      %dma_wait3A_2647 = tpu.memref_slice %arg7[%dma_wait3A_2644, %dma_wait3A_2645, %dma_wait3A_2646] : memref<16x32x128xf32, #tpu.memory_space<vmem>> -> memref<1x8x128xf32, #tpu.memory_space<vmem>>
      %dma_wait3A_2648 = tpu.memref_squeeze %dma_wait3A_2647 : memref<1x8x128xf32, #tpu.memory_space<vmem>> -> memref<8x128xf32, #tpu.memory_space<vmem>>
      %dma_wait3A_2649 = arith.constant 8 : i32
      %dma_wait3A_2650 = tpu.memref_slice %arg3[%dma_wait3A_2649, %multiple_of3A_1683] : memref<32x1000001xf32, #tpu.memory_space<hbm>> -> memref<8x128xf32, #tpu.memory_space<hbm>>
      %dma_wait3A_2651 = arith.constant 8 : i32
      %dma_wait3A_2652 = arith.constant 0 : i32
      %dma_wait3A_2653 = tpu.memref_slice %arg7[%dma_wait3A_2644, %dma_wait3A_2651, %dma_wait3A_2652] : memref<16x32x128xf32, #tpu.memory_space<vmem>> -> memref<1x8x128xf32, #tpu.memory_space<vmem>>
      %dma_wait3A_2654 = tpu.memref_squeeze %dma_wait3A_2653 : memref<1x8x128xf32, #tpu.memory_space<vmem>> -> memref<8x128xf32, #tpu.memory_space<vmem>>
      %dma_wait3A_2655 = arith.constant 8 : i32
      %dma_wait3A_2656 = tpu.memref_slice %arg3[%dma_wait3A_2655, %multiple_of3A_1683] : memref<32x1000001xf32, #tpu.memory_space<hbm>> -> memref<8x128xf32, #tpu.memory_space<hbm>>
      tpu.wait_dma2 semaphore(%arg9 : memref<!tpu.dma_semaphore, #tpu.memory_space<semaphore_mem>>) src(%dma_wait3A_2656 : memref<8x128xf32, #tpu.memory_space<hbm>>) dst(%dma_wait3A_2654 : memref<8x128xf32, #tpu.memory_space<vmem>>)
      %dma_wait3A_2657 = arith.constant 11 : i32
      %dma_wait3A_2658 = arith.constant 16 : i32
      %dma_wait3A_2659 = arith.constant 0 : i32
      %dma_wait3A_2660 = tpu.memref_slice %arg7[%dma_wait3A_2657, %dma_wait3A_2658, %dma_wait3A_2659] : memref<16x32x128xf32, #tpu.memory_space<vmem>> -> memref<1x8x128xf32, #tpu.memory_space<vmem>>
      %dma_wait3A_2661 = tpu.memref_squeeze %dma_wait3A_2660 : memref<1x8x128xf32, #tpu.memory_space<vmem>> -> memref<8x128xf32, #tpu.memory_space<vmem>>
      %dma_wait3A_2662 = arith.constant 16 : i32
      %dma_wait3A_2663 = tpu.memref_slice %arg3[%dma_wait3A_2662, %multiple_of3A_1683] : memref<32x1000001xf32, #tpu.memory_space<hbm>> -> memref<8x128xf32, #tpu.memory_space<hbm>>
      %dma_wait3A_2664 = arith.constant 16 : i32
      %dma_wait3A_2665 = arith.constant 0 : i32
      %dma_wait3A_2666 = tpu.memref_slice %arg7[%dma_wait3A_2657, %dma_wait3A_2664, %dma_wait3A_2665] : memref<16x32x128xf32, #tpu.memory_space<vmem>> -> memref<1x8x128xf32, #tpu.memory_space<vmem>>
      %dma_wait3A_2667 = tpu.memref_squeeze %dma_wait3A_2666 : memref<1x8x128xf32, #tpu.memory_space<vmem>> -> memref<8x128xf32, #tpu.memory_space<vmem>>
      %dma_wait3A_2668 = arith.constant 16 : i32
      %dma_wait3A_2669 = tpu.memref_slice %arg3[%dma_wait3A_2668, %multiple_of3A_1683] : memref<32x1000001xf32, #tpu.memory_space<hbm>> -> memref<8x128xf32, #tpu.memory_space<hbm>>
      tpu.wait_dma2 semaphore(%arg9 : memref<!tpu.dma_semaphore, #tpu.memory_space<semaphore_mem>>) src(%dma_wait3A_2669 : memref<8x128xf32, #tpu.memory_space<hbm>>) dst(%dma_wait3A_2667 : memref<8x128xf32, #tpu.memory_space<vmem>>)
      %dma_wait3A_2670 = arith.constant 11 : i32
      %dma_wait3A_2671 = arith.constant 24 : i32
      %dma_wait3A_2672 = arith.constant 0 : i32
      %dma_wait3A_2673 = tpu.memref_slice %arg7[%dma_wait3A_2670, %dma_wait3A_2671, %dma_wait3A_2672] : memref<16x32x128xf32, #tpu.memory_space<vmem>> -> memref<1x8x128xf32, #tpu.memory_space<vmem>>
      %dma_wait3A_2674 = tpu.memref_squeeze %dma_wait3A_2673 : memref<1x8x128xf32, #tpu.memory_space<vmem>> -> memref<8x128xf32, #tpu.memory_space<vmem>>
      %dma_wait3A_2675 = arith.constant 24 : i32
      %dma_wait3A_2676 = tpu.memref_slice %arg3[%dma_wait3A_2675, %multiple_of3A_1683] : memref<32x1000001xf32, #tpu.memory_space<hbm>> -> memref<8x128xf32, #tpu.memory_space<hbm>>
      %dma_wait3A_2677 = arith.constant 24 : i32
      %dma_wait3A_2678 = arith.constant 0 : i32
      %dma_wait3A_2679 = tpu.memref_slice %arg7[%dma_wait3A_2670, %dma_wait3A_2677, %dma_wait3A_2678] : memref<16x32x128xf32, #tpu.memory_space<vmem>> -> memref<1x8x128xf32, #tpu.memory_space<vmem>>
      %dma_wait3A_2680 = tpu.memref_squeeze %dma_wait3A_2679 : memref<1x8x128xf32, #tpu.memory_space<vmem>> -> memref<8x128xf32, #tpu.memory_space<vmem>>
      %dma_wait3A_2681 = arith.constant 24 : i32
      %dma_wait3A_2682 = tpu.memref_slice %arg3[%dma_wait3A_2681, %multiple_of3A_1683] : memref<32x1000001xf32, #tpu.memory_space<hbm>> -> memref<8x128xf32, #tpu.memory_space<hbm>>
      tpu.wait_dma2 semaphore(%arg9 : memref<!tpu.dma_semaphore, #tpu.memory_space<semaphore_mem>>) src(%dma_wait3A_2682 : memref<8x128xf32, #tpu.memory_space<hbm>>) dst(%dma_wait3A_2680 : memref<8x128xf32, #tpu.memory_space<vmem>>)
      %dma_wait3A_2683 = arith.constant 12 : i32
      %dma_wait3A_2684 = arith.constant 0 : i32
      %dma_wait3A_2685 = arith.constant 0 : i32
      %dma_wait3A_2686 = tpu.memref_slice %arg7[%dma_wait3A_2683, %dma_wait3A_2684, %dma_wait3A_2685] : memref<16x32x128xf32, #tpu.memory_space<vmem>> -> memref<1x8x128xf32, #tpu.memory_space<vmem>>
      %dma_wait3A_2687 = tpu.memref_squeeze %dma_wait3A_2686 : memref<1x8x128xf32, #tpu.memory_space<vmem>> -> memref<8x128xf32, #tpu.memory_space<vmem>>
      %dma_wait3A_2688 = arith.constant 0 : i32
      %dma_wait3A_2689 = tpu.memref_slice %arg3[%dma_wait3A_2688, %multiple_of3A_1764] : memref<32x1000001xf32, #tpu.memory_space<hbm>> -> memref<8x128xf32, #tpu.memory_space<hbm>>
      %dma_wait3A_2690 = arith.constant 0 : i32
      %dma_wait3A_2691 = arith.constant 0 : i32
      %dma_wait3A_2692 = tpu.memref_slice %arg7[%dma_wait3A_2683, %dma_wait3A_2690, %dma_wait3A_2691] : memref<16x32x128xf32, #tpu.memory_space<vmem>> -> memref<1x8x128xf32, #tpu.memory_space<vmem>>
      %dma_wait3A_2693 = tpu.memref_squeeze %dma_wait3A_2692 : memref<1x8x128xf32, #tpu.memory_space<vmem>> -> memref<8x128xf32, #tpu.memory_space<vmem>>
      %dma_wait3A_2694 = arith.constant 0 : i32
      %dma_wait3A_2695 = tpu.memref_slice %arg3[%dma_wait3A_2694, %multiple_of3A_1764] : memref<32x1000001xf32, #tpu.memory_space<hbm>> -> memref<8x128xf32, #tpu.memory_space<hbm>>
      tpu.wait_dma2 semaphore(%arg9 : memref<!tpu.dma_semaphore, #tpu.memory_space<semaphore_mem>>) src(%dma_wait3A_2695 : memref<8x128xf32, #tpu.memory_space<hbm>>) dst(%dma_wait3A_2693 : memref<8x128xf32, #tpu.memory_space<vmem>>)
      %dma_wait3A_2696 = arith.constant 12 : i32
      %dma_wait3A_2697 = arith.constant 8 : i32
      %dma_wait3A_2698 = arith.constant 0 : i32
      %dma_wait3A_2699 = tpu.memref_slice %arg7[%dma_wait3A_2696, %dma_wait3A_2697, %dma_wait3A_2698] : memref<16x32x128xf32, #tpu.memory_space<vmem>> -> memref<1x8x128xf32, #tpu.memory_space<vmem>>
      %dma_wait3A_2700 = tpu.memref_squeeze %dma_wait3A_2699 : memref<1x8x128xf32, #tpu.memory_space<vmem>> -> memref<8x128xf32, #tpu.memory_space<vmem>>
      %dma_wait3A_2701 = arith.constant 8 : i32
      %dma_wait3A_2702 = tpu.memref_slice %arg3[%dma_wait3A_2701, %multiple_of3A_1764] : memref<32x1000001xf32, #tpu.memory_space<hbm>> -> memref<8x128xf32, #tpu.memory_space<hbm>>
      %dma_wait3A_2703 = arith.constant 8 : i32
      %dma_wait3A_2704 = arith.constant 0 : i32
      %dma_wait3A_2705 = tpu.memref_slice %arg7[%dma_wait3A_2696, %dma_wait3A_2703, %dma_wait3A_2704] : memref<16x32x128xf32, #tpu.memory_space<vmem>> -> memref<1x8x128xf32, #tpu.memory_space<vmem>>
      %dma_wait3A_2706 = tpu.memref_squeeze %dma_wait3A_2705 : memref<1x8x128xf32, #tpu.memory_space<vmem>> -> memref<8x128xf32, #tpu.memory_space<vmem>>
      %dma_wait3A_2707 = arith.constant 8 : i32
      %dma_wait3A_2708 = tpu.memref_slice %arg3[%dma_wait3A_2707, %multiple_of3A_1764] : memref<32x1000001xf32, #tpu.memory_space<hbm>> -> memref<8x128xf32, #tpu.memory_space<hbm>>
      tpu.wait_dma2 semaphore(%arg9 : memref<!tpu.dma_semaphore, #tpu.memory_space<semaphore_mem>>) src(%dma_wait3A_2708 : memref<8x128xf32, #tpu.memory_space<hbm>>) dst(%dma_wait3A_2706 : memref<8x128xf32, #tpu.memory_space<vmem>>)
      %dma_wait3A_2709 = arith.constant 12 : i32
      %dma_wait3A_2710 = arith.constant 16 : i32
      %dma_wait3A_2711 = arith.constant 0 : i32
      %dma_wait3A_2712 = tpu.memref_slice %arg7[%dma_wait3A_2709, %dma_wait3A_2710, %dma_wait3A_2711] : memref<16x32x128xf32, #tpu.memory_space<vmem>> -> memref<1x8x128xf32, #tpu.memory_space<vmem>>
      %dma_wait3A_2713 = tpu.memref_squeeze %dma_wait3A_2712 : memref<1x8x128xf32, #tpu.memory_space<vmem>> -> memref<8x128xf32, #tpu.memory_space<vmem>>
      %dma_wait3A_2714 = arith.constant 16 : i32
      %dma_wait3A_2715 = tpu.memref_slice %arg3[%dma_wait3A_2714, %multiple_of3A_1764] : memref<32x1000001xf32, #tpu.memory_space<hbm>> -> memref<8x128xf32, #tpu.memory_space<hbm>>
      %dma_wait3A_2716 = arith.constant 16 : i32
      %dma_wait3A_2717 = arith.constant 0 : i32
      %dma_wait3A_2718 = tpu.memref_slice %arg7[%dma_wait3A_2709, %dma_wait3A_2716, %dma_wait3A_2717] : memref<16x32x128xf32, #tpu.memory_space<vmem>> -> memref<1x8x128xf32, #tpu.memory_space<vmem>>
      %dma_wait3A_2719 = tpu.memref_squeeze %dma_wait3A_2718 : memref<1x8x128xf32, #tpu.memory_space<vmem>> -> memref<8x128xf32, #tpu.memory_space<vmem>>
      %dma_wait3A_2720 = arith.constant 16 : i32
      %dma_wait3A_2721 = tpu.memref_slice %arg3[%dma_wait3A_2720, %multiple_of3A_1764] : memref<32x1000001xf32, #tpu.memory_space<hbm>> -> memref<8x128xf32, #tpu.memory_space<hbm>>
      tpu.wait_dma2 semaphore(%arg9 : memref<!tpu.dma_semaphore, #tpu.memory_space<semaphore_mem>>) src(%dma_wait3A_2721 : memref<8x128xf32, #tpu.memory_space<hbm>>) dst(%dma_wait3A_2719 : memref<8x128xf32, #tpu.memory_space<vmem>>)
      %dma_wait3A_2722 = arith.constant 12 : i32
      %dma_wait3A_2723 = arith.constant 24 : i32
      %dma_wait3A_2724 = arith.constant 0 : i32
      %dma_wait3A_2725 = tpu.memref_slice %arg7[%dma_wait3A_2722, %dma_wait3A_2723, %dma_wait3A_2724] : memref<16x32x128xf32, #tpu.memory_space<vmem>> -> memref<1x8x128xf32, #tpu.memory_space<vmem>>
      %dma_wait3A_2726 = tpu.memref_squeeze %dma_wait3A_2725 : memref<1x8x128xf32, #tpu.memory_space<vmem>> -> memref<8x128xf32, #tpu.memory_space<vmem>>
      %dma_wait3A_2727 = arith.constant 24 : i32
      %dma_wait3A_2728 = tpu.memref_slice %arg3[%dma_wait3A_2727, %multiple_of3A_1764] : memref<32x1000001xf32, #tpu.memory_space<hbm>> -> memref<8x128xf32, #tpu.memory_space<hbm>>
      %dma_wait3A_2729 = arith.constant 24 : i32
      %dma_wait3A_2730 = arith.constant 0 : i32
      %dma_wait3A_2731 = tpu.memref_slice %arg7[%dma_wait3A_2722, %dma_wait3A_2729, %dma_wait3A_2730] : memref<16x32x128xf32, #tpu.memory_space<vmem>> -> memref<1x8x128xf32, #tpu.memory_space<vmem>>
      %dma_wait3A_2732 = tpu.memref_squeeze %dma_wait3A_2731 : memref<1x8x128xf32, #tpu.memory_space<vmem>> -> memref<8x128xf32, #tpu.memory_space<vmem>>
      %dma_wait3A_2733 = arith.constant 24 : i32
      %dma_wait3A_2734 = tpu.memref_slice %arg3[%dma_wait3A_2733, %multiple_of3A_1764] : memref<32x1000001xf32, #tpu.memory_space<hbm>> -> memref<8x128xf32, #tpu.memory_space<hbm>>
      tpu.wait_dma2 semaphore(%arg9 : memref<!tpu.dma_semaphore, #tpu.memory_space<semaphore_mem>>) src(%dma_wait3A_2734 : memref<8x128xf32, #tpu.memory_space<hbm>>) dst(%dma_wait3A_2732 : memref<8x128xf32, #tpu.memory_space<vmem>>)
      %dma_wait3A_2735 = arith.constant 13 : i32
      %dma_wait3A_2736 = arith.constant 0 : i32
      %dma_wait3A_2737 = arith.constant 0 : i32
      %dma_wait3A_2738 = tpu.memref_slice %arg7[%dma_wait3A_2735, %dma_wait3A_2736, %dma_wait3A_2737] : memref<16x32x128xf32, #tpu.memory_space<vmem>> -> memref<1x8x128xf32, #tpu.memory_space<vmem>>
      %dma_wait3A_2739 = tpu.memref_squeeze %dma_wait3A_2738 : memref<1x8x128xf32, #tpu.memory_space<vmem>> -> memref<8x128xf32, #tpu.memory_space<vmem>>
      %dma_wait3A_2740 = arith.constant 0 : i32
      %dma_wait3A_2741 = tpu.memref_slice %arg3[%dma_wait3A_2740, %multiple_of3A_1845] : memref<32x1000001xf32, #tpu.memory_space<hbm>> -> memref<8x128xf32, #tpu.memory_space<hbm>>
      %dma_wait3A_2742 = arith.constant 0 : i32
      %dma_wait3A_2743 = arith.constant 0 : i32
      %dma_wait3A_2744 = tpu.memref_slice %arg7[%dma_wait3A_2735, %dma_wait3A_2742, %dma_wait3A_2743] : memref<16x32x128xf32, #tpu.memory_space<vmem>> -> memref<1x8x128xf32, #tpu.memory_space<vmem>>
      %dma_wait3A_2745 = tpu.memref_squeeze %dma_wait3A_2744 : memref<1x8x128xf32, #tpu.memory_space<vmem>> -> memref<8x128xf32, #tpu.memory_space<vmem>>
      %dma_wait3A_2746 = arith.constant 0 : i32
      %dma_wait3A_2747 = tpu.memref_slice %arg3[%dma_wait3A_2746, %multiple_of3A_1845] : memref<32x1000001xf32, #tpu.memory_space<hbm>> -> memref<8x128xf32, #tpu.memory_space<hbm>>
      tpu.wait_dma2 semaphore(%arg9 : memref<!tpu.dma_semaphore, #tpu.memory_space<semaphore_mem>>) src(%dma_wait3A_2747 : memref<8x128xf32, #tpu.memory_space<hbm>>) dst(%dma_wait3A_2745 : memref<8x128xf32, #tpu.memory_space<vmem>>)
      %dma_wait3A_2748 = arith.constant 13 : i32
      %dma_wait3A_2749 = arith.constant 8 : i32
      %dma_wait3A_2750 = arith.constant 0 : i32
      %dma_wait3A_2751 = tpu.memref_slice %arg7[%dma_wait3A_2748, %dma_wait3A_2749, %dma_wait3A_2750] : memref<16x32x128xf32, #tpu.memory_space<vmem>> -> memref<1x8x128xf32, #tpu.memory_space<vmem>>
      %dma_wait3A_2752 = tpu.memref_squeeze %dma_wait3A_2751 : memref<1x8x128xf32, #tpu.memory_space<vmem>> -> memref<8x128xf32, #tpu.memory_space<vmem>>
      %dma_wait3A_2753 = arith.constant 8 : i32
      %dma_wait3A_2754 = tpu.memref_slice %arg3[%dma_wait3A_2753, %multiple_of3A_1845] : memref<32x1000001xf32, #tpu.memory_space<hbm>> -> memref<8x128xf32, #tpu.memory_space<hbm>>
      %dma_wait3A_2755 = arith.constant 8 : i32
      %dma_wait3A_2756 = arith.constant 0 : i32
      %dma_wait3A_2757 = tpu.memref_slice %arg7[%dma_wait3A_2748, %dma_wait3A_2755, %dma_wait3A_2756] : memref<16x32x128xf32, #tpu.memory_space<vmem>> -> memref<1x8x128xf32, #tpu.memory_space<vmem>>
      %dma_wait3A_2758 = tpu.memref_squeeze %dma_wait3A_2757 : memref<1x8x128xf32, #tpu.memory_space<vmem>> -> memref<8x128xf32, #tpu.memory_space<vmem>>
      %dma_wait3A_2759 = arith.constant 8 : i32
      %dma_wait3A_2760 = tpu.memref_slice %arg3[%dma_wait3A_2759, %multiple_of3A_1845] : memref<32x1000001xf32, #tpu.memory_space<hbm>> -> memref<8x128xf32, #tpu.memory_space<hbm>>
      tpu.wait_dma2 semaphore(%arg9 : memref<!tpu.dma_semaphore, #tpu.memory_space<semaphore_mem>>) src(%dma_wait3A_2760 : memref<8x128xf32, #tpu.memory_space<hbm>>) dst(%dma_wait3A_2758 : memref<8x128xf32, #tpu.memory_space<vmem>>)
      %dma_wait3A_2761 = arith.constant 13 : i32
      %dma_wait3A_2762 = arith.constant 16 : i32
      %dma_wait3A_2763 = arith.constant 0 : i32
      %dma_wait3A_2764 = tpu.memref_slice %arg7[%dma_wait3A_2761, %dma_wait3A_2762, %dma_wait3A_2763] : memref<16x32x128xf32, #tpu.memory_space<vmem>> -> memref<1x8x128xf32, #tpu.memory_space<vmem>>
      %dma_wait3A_2765 = tpu.memref_squeeze %dma_wait3A_2764 : memref<1x8x128xf32, #tpu.memory_space<vmem>> -> memref<8x128xf32, #tpu.memory_space<vmem>>
      %dma_wait3A_2766 = arith.constant 16 : i32
      %dma_wait3A_2767 = tpu.memref_slice %arg3[%dma_wait3A_2766, %multiple_of3A_1845] : memref<32x1000001xf32, #tpu.memory_space<hbm>> -> memref<8x128xf32, #tpu.memory_space<hbm>>
      %dma_wait3A_2768 = arith.constant 16 : i32
      %dma_wait3A_2769 = arith.constant 0 : i32
      %dma_wait3A_2770 = tpu.memref_slice %arg7[%dma_wait3A_2761, %dma_wait3A_2768, %dma_wait3A_2769] : memref<16x32x128xf32, #tpu.memory_space<vmem>> -> memref<1x8x128xf32, #tpu.memory_space<vmem>>
      %dma_wait3A_2771 = tpu.memref_squeeze %dma_wait3A_2770 : memref<1x8x128xf32, #tpu.memory_space<vmem>> -> memref<8x128xf32, #tpu.memory_space<vmem>>
      %dma_wait3A_2772 = arith.constant 16 : i32
      %dma_wait3A_2773 = tpu.memref_slice %arg3[%dma_wait3A_2772, %multiple_of3A_1845] : memref<32x1000001xf32, #tpu.memory_space<hbm>> -> memref<8x128xf32, #tpu.memory_space<hbm>>
      tpu.wait_dma2 semaphore(%arg9 : memref<!tpu.dma_semaphore, #tpu.memory_space<semaphore_mem>>) src(%dma_wait3A_2773 : memref<8x128xf32, #tpu.memory_space<hbm>>) dst(%dma_wait3A_2771 : memref<8x128xf32, #tpu.memory_space<vmem>>)
      %dma_wait3A_2774 = arith.constant 13 : i32
      %dma_wait3A_2775 = arith.constant 24 : i32
      %dma_wait3A_2776 = arith.constant 0 : i32
      %dma_wait3A_2777 = tpu.memref_slice %arg7[%dma_wait3A_2774, %dma_wait3A_2775, %dma_wait3A_2776] : memref<16x32x128xf32, #tpu.memory_space<vmem>> -> memref<1x8x128xf32, #tpu.memory_space<vmem>>
      %dma_wait3A_2778 = tpu.memref_squeeze %dma_wait3A_2777 : memref<1x8x128xf32, #tpu.memory_space<vmem>> -> memref<8x128xf32, #tpu.memory_space<vmem>>
      %dma_wait3A_2779 = arith.constant 24 : i32
      %dma_wait3A_2780 = tpu.memref_slice %arg3[%dma_wait3A_2779, %multiple_of3A_1845] : memref<32x1000001xf32, #tpu.memory_space<hbm>> -> memref<8x128xf32, #tpu.memory_space<hbm>>
      %dma_wait3A_2781 = arith.constant 24 : i32
      %dma_wait3A_2782 = arith.constant 0 : i32
      %dma_wait3A_2783 = tpu.memref_slice %arg7[%dma_wait3A_2774, %dma_wait3A_2781, %dma_wait3A_2782] : memref<16x32x128xf32, #tpu.memory_space<vmem>> -> memref<1x8x128xf32, #tpu.memory_space<vmem>>
      %dma_wait3A_2784 = tpu.memref_squeeze %dma_wait3A_2783 : memref<1x8x128xf32, #tpu.memory_space<vmem>> -> memref<8x128xf32, #tpu.memory_space<vmem>>
      %dma_wait3A_2785 = arith.constant 24 : i32
      %dma_wait3A_2786 = tpu.memref_slice %arg3[%dma_wait3A_2785, %multiple_of3A_1845] : memref<32x1000001xf32, #tpu.memory_space<hbm>> -> memref<8x128xf32, #tpu.memory_space<hbm>>
      tpu.wait_dma2 semaphore(%arg9 : memref<!tpu.dma_semaphore, #tpu.memory_space<semaphore_mem>>) src(%dma_wait3A_2786 : memref<8x128xf32, #tpu.memory_space<hbm>>) dst(%dma_wait3A_2784 : memref<8x128xf32, #tpu.memory_space<vmem>>)
      %dma_wait3A_2787 = arith.constant 14 : i32
      %dma_wait3A_2788 = arith.constant 0 : i32
      %dma_wait3A_2789 = arith.constant 0 : i32
      %dma_wait3A_2790 = tpu.memref_slice %arg7[%dma_wait3A_2787, %dma_wait3A_2788, %dma_wait3A_2789] : memref<16x32x128xf32, #tpu.memory_space<vmem>> -> memref<1x8x128xf32, #tpu.memory_space<vmem>>
      %dma_wait3A_2791 = tpu.memref_squeeze %dma_wait3A_2790 : memref<1x8x128xf32, #tpu.memory_space<vmem>> -> memref<8x128xf32, #tpu.memory_space<vmem>>
      %dma_wait3A_2792 = arith.constant 0 : i32
      %dma_wait3A_2793 = tpu.memref_slice %arg3[%dma_wait3A_2792, %multiple_of3A_1926] : memref<32x1000001xf32, #tpu.memory_space<hbm>> -> memref<8x128xf32, #tpu.memory_space<hbm>>
      %dma_wait3A_2794 = arith.constant 0 : i32
      %dma_wait3A_2795 = arith.constant 0 : i32
      %dma_wait3A_2796 = tpu.memref_slice %arg7[%dma_wait3A_2787, %dma_wait3A_2794, %dma_wait3A_2795] : memref<16x32x128xf32, #tpu.memory_space<vmem>> -> memref<1x8x128xf32, #tpu.memory_space<vmem>>
      %dma_wait3A_2797 = tpu.memref_squeeze %dma_wait3A_2796 : memref<1x8x128xf32, #tpu.memory_space<vmem>> -> memref<8x128xf32, #tpu.memory_space<vmem>>
      %dma_wait3A_2798 = arith.constant 0 : i32
      %dma_wait3A_2799 = tpu.memref_slice %arg3[%dma_wait3A_2798, %multiple_of3A_1926] : memref<32x1000001xf32, #tpu.memory_space<hbm>> -> memref<8x128xf32, #tpu.memory_space<hbm>>
      tpu.wait_dma2 semaphore(%arg9 : memref<!tpu.dma_semaphore, #tpu.memory_space<semaphore_mem>>) src(%dma_wait3A_2799 : memref<8x128xf32, #tpu.memory_space<hbm>>) dst(%dma_wait3A_2797 : memref<8x128xf32, #tpu.memory_space<vmem>>)
      %dma_wait3A_2800 = arith.constant 14 : i32
      %dma_wait3A_2801 = arith.constant 8 : i32
      %dma_wait3A_2802 = arith.constant 0 : i32
      %dma_wait3A_2803 = tpu.memref_slice %arg7[%dma_wait3A_2800, %dma_wait3A_2801, %dma_wait3A_2802] : memref<16x32x128xf32, #tpu.memory_space<vmem>> -> memref<1x8x128xf32, #tpu.memory_space<vmem>>
      %dma_wait3A_2804 = tpu.memref_squeeze %dma_wait3A_2803 : memref<1x8x128xf32, #tpu.memory_space<vmem>> -> memref<8x128xf32, #tpu.memory_space<vmem>>
      %dma_wait3A_2805 = arith.constant 8 : i32
      %dma_wait3A_2806 = tpu.memref_slice %arg3[%dma_wait3A_2805, %multiple_of3A_1926] : memref<32x1000001xf32, #tpu.memory_space<hbm>> -> memref<8x128xf32, #tpu.memory_space<hbm>>
      %dma_wait3A_2807 = arith.constant 8 : i32
      %dma_wait3A_2808 = arith.constant 0 : i32
      %dma_wait3A_2809 = tpu.memref_slice %arg7[%dma_wait3A_2800, %dma_wait3A_2807, %dma_wait3A_2808] : memref<16x32x128xf32, #tpu.memory_space<vmem>> -> memref<1x8x128xf32, #tpu.memory_space<vmem>>
      %dma_wait3A_2810 = tpu.memref_squeeze %dma_wait3A_2809 : memref<1x8x128xf32, #tpu.memory_space<vmem>> -> memref<8x128xf32, #tpu.memory_space<vmem>>
      %dma_wait3A_2811 = arith.constant 8 : i32
      %dma_wait3A_2812 = tpu.memref_slice %arg3[%dma_wait3A_2811, %multiple_of3A_1926] : memref<32x1000001xf32, #tpu.memory_space<hbm>> -> memref<8x128xf32, #tpu.memory_space<hbm>>
      tpu.wait_dma2 semaphore(%arg9 : memref<!tpu.dma_semaphore, #tpu.memory_space<semaphore_mem>>) src(%dma_wait3A_2812 : memref<8x128xf32, #tpu.memory_space<hbm>>) dst(%dma_wait3A_2810 : memref<8x128xf32, #tpu.memory_space<vmem>>)
      %dma_wait3A_2813 = arith.constant 14 : i32
      %dma_wait3A_2814 = arith.constant 16 : i32
      %dma_wait3A_2815 = arith.constant 0 : i32
      %dma_wait3A_2816 = tpu.memref_slice %arg7[%dma_wait3A_2813, %dma_wait3A_2814, %dma_wait3A_2815] : memref<16x32x128xf32, #tpu.memory_space<vmem>> -> memref<1x8x128xf32, #tpu.memory_space<vmem>>
      %dma_wait3A_2817 = tpu.memref_squeeze %dma_wait3A_2816 : memref<1x8x128xf32, #tpu.memory_space<vmem>> -> memref<8x128xf32, #tpu.memory_space<vmem>>
      %dma_wait3A_2818 = arith.constant 16 : i32
      %dma_wait3A_2819 = tpu.memref_slice %arg3[%dma_wait3A_2818, %multiple_of3A_1926] : memref<32x1000001xf32, #tpu.memory_space<hbm>> -> memref<8x128xf32, #tpu.memory_space<hbm>>
      %dma_wait3A_2820 = arith.constant 16 : i32
      %dma_wait3A_2821 = arith.constant 0 : i32
      %dma_wait3A_2822 = tpu.memref_slice %arg7[%dma_wait3A_2813, %dma_wait3A_2820, %dma_wait3A_2821] : memref<16x32x128xf32, #tpu.memory_space<vmem>> -> memref<1x8x128xf32, #tpu.memory_space<vmem>>
      %dma_wait3A_2823 = tpu.memref_squeeze %dma_wait3A_2822 : memref<1x8x128xf32, #tpu.memory_space<vmem>> -> memref<8x128xf32, #tpu.memory_space<vmem>>
      %dma_wait3A_2824 = arith.constant 16 : i32
      %dma_wait3A_2825 = tpu.memref_slice %arg3[%dma_wait3A_2824, %multiple_of3A_1926] : memref<32x1000001xf32, #tpu.memory_space<hbm>> -> memref<8x128xf32, #tpu.memory_space<hbm>>
      tpu.wait_dma2 semaphore(%arg9 : memref<!tpu.dma_semaphore, #tpu.memory_space<semaphore_mem>>) src(%dma_wait3A_2825 : memref<8x128xf32, #tpu.memory_space<hbm>>) dst(%dma_wait3A_2823 : memref<8x128xf32, #tpu.memory_space<vmem>>)
      %dma_wait3A_2826 = arith.constant 14 : i32
      %dma_wait3A_2827 = arith.constant 24 : i32
      %dma_wait3A_2828 = arith.constant 0 : i32
      %dma_wait3A_2829 = tpu.memref_slice %arg7[%dma_wait3A_2826, %dma_wait3A_2827, %dma_wait3A_2828] : memref<16x32x128xf32, #tpu.memory_space<vmem>> -> memref<1x8x128xf32, #tpu.memory_space<vmem>>
      %dma_wait3A_2830 = tpu.memref_squeeze %dma_wait3A_2829 : memref<1x8x128xf32, #tpu.memory_space<vmem>> -> memref<8x128xf32, #tpu.memory_space<vmem>>
      %dma_wait3A_2831 = arith.constant 24 : i32
      %dma_wait3A_2832 = tpu.memref_slice %arg3[%dma_wait3A_2831, %multiple_of3A_1926] : memref<32x1000001xf32, #tpu.memory_space<hbm>> -> memref<8x128xf32, #tpu.memory_space<hbm>>
      %dma_wait3A_2833 = arith.constant 24 : i32
      %dma_wait3A_2834 = arith.constant 0 : i32
      %dma_wait3A_2835 = tpu.memref_slice %arg7[%dma_wait3A_2826, %dma_wait3A_2833, %dma_wait3A_2834] : memref<16x32x128xf32, #tpu.memory_space<vmem>> -> memref<1x8x128xf32, #tpu.memory_space<vmem>>
      %dma_wait3A_2836 = tpu.memref_squeeze %dma_wait3A_2835 : memref<1x8x128xf32, #tpu.memory_space<vmem>> -> memref<8x128xf32, #tpu.memory_space<vmem>>
      %dma_wait3A_2837 = arith.constant 24 : i32
      %dma_wait3A_2838 = tpu.memref_slice %arg3[%dma_wait3A_2837, %multiple_of3A_1926] : memref<32x1000001xf32, #tpu.memory_space<hbm>> -> memref<8x128xf32, #tpu.memory_space<hbm>>
      tpu.wait_dma2 semaphore(%arg9 : memref<!tpu.dma_semaphore, #tpu.memory_space<semaphore_mem>>) src(%dma_wait3A_2838 : memref<8x128xf32, #tpu.memory_space<hbm>>) dst(%dma_wait3A_2836 : memref<8x128xf32, #tpu.memory_space<vmem>>)
      %dma_wait3A_2839 = arith.constant 15 : i32
      %dma_wait3A_2840 = arith.constant 0 : i32
      %dma_wait3A_2841 = arith.constant 0 : i32
      %dma_wait3A_2842 = tpu.memref_slice %arg7[%dma_wait3A_2839, %dma_wait3A_2840, %dma_wait3A_2841] : memref<16x32x128xf32, #tpu.memory_space<vmem>> -> memref<1x8x128xf32, #tpu.memory_space<vmem>>
      %dma_wait3A_2843 = tpu.memref_squeeze %dma_wait3A_2842 : memref<1x8x128xf32, #tpu.memory_space<vmem>> -> memref<8x128xf32, #tpu.memory_space<vmem>>
      %dma_wait3A_2844 = arith.constant 0 : i32
      %dma_wait3A_2845 = tpu.memref_slice %arg3[%dma_wait3A_2844, %multiple_of3A_2007] : memref<32x1000001xf32, #tpu.memory_space<hbm>> -> memref<8x128xf32, #tpu.memory_space<hbm>>
      %dma_wait3A_2846 = arith.constant 0 : i32
      %dma_wait3A_2847 = arith.constant 0 : i32
      %dma_wait3A_2848 = tpu.memref_slice %arg7[%dma_wait3A_2839, %dma_wait3A_2846, %dma_wait3A_2847] : memref<16x32x128xf32, #tpu.memory_space<vmem>> -> memref<1x8x128xf32, #tpu.memory_space<vmem>>
      %dma_wait3A_2849 = tpu.memref_squeeze %dma_wait3A_2848 : memref<1x8x128xf32, #tpu.memory_space<vmem>> -> memref<8x128xf32, #tpu.memory_space<vmem>>
      %dma_wait3A_2850 = arith.constant 0 : i32
      %dma_wait3A_2851 = tpu.memref_slice %arg3[%dma_wait3A_2850, %multiple_of3A_2007] : memref<32x1000001xf32, #tpu.memory_space<hbm>> -> memref<8x128xf32, #tpu.memory_space<hbm>>
      tpu.wait_dma2 semaphore(%arg9 : memref<!tpu.dma_semaphore, #tpu.memory_space<semaphore_mem>>) src(%dma_wait3A_2851 : memref<8x128xf32, #tpu.memory_space<hbm>>) dst(%dma_wait3A_2849 : memref<8x128xf32, #tpu.memory_space<vmem>>)
      %dma_wait3A_2852 = arith.constant 15 : i32
      %dma_wait3A_2853 = arith.constant 8 : i32
      %dma_wait3A_2854 = arith.constant 0 : i32
      %dma_wait3A_2855 = tpu.memref_slice %arg7[%dma_wait3A_2852, %dma_wait3A_2853, %dma_wait3A_2854] : memref<16x32x128xf32, #tpu.memory_space<vmem>> -> memref<1x8x128xf32, #tpu.memory_space<vmem>>
      %dma_wait3A_2856 = tpu.memref_squeeze %dma_wait3A_2855 : memref<1x8x128xf32, #tpu.memory_space<vmem>> -> memref<8x128xf32, #tpu.memory_space<vmem>>
      %dma_wait3A_2857 = arith.constant 8 : i32
      %dma_wait3A_2858 = tpu.memref_slice %arg3[%dma_wait3A_2857, %multiple_of3A_2007] : memref<32x1000001xf32, #tpu.memory_space<hbm>> -> memref<8x128xf32, #tpu.memory_space<hbm>>
      %dma_wait3A_2859 = arith.constant 8 : i32
      %dma_wait3A_2860 = arith.constant 0 : i32
      %dma_wait3A_2861 = tpu.memref_slice %arg7[%dma_wait3A_2852, %dma_wait3A_2859, %dma_wait3A_2860] : memref<16x32x128xf32, #tpu.memory_space<vmem>> -> memref<1x8x128xf32, #tpu.memory_space<vmem>>
      %dma_wait3A_2862 = tpu.memref_squeeze %dma_wait3A_2861 : memref<1x8x128xf32, #tpu.memory_space<vmem>> -> memref<8x128xf32, #tpu.memory_space<vmem>>
      %dma_wait3A_2863 = arith.constant 8 : i32
      %dma_wait3A_2864 = tpu.memref_slice %arg3[%dma_wait3A_2863, %multiple_of3A_2007] : memref<32x1000001xf32, #tpu.memory_space<hbm>> -> memref<8x128xf32, #tpu.memory_space<hbm>>
      tpu.wait_dma2 semaphore(%arg9 : memref<!tpu.dma_semaphore, #tpu.memory_space<semaphore_mem>>) src(%dma_wait3A_2864 : memref<8x128xf32, #tpu.memory_space<hbm>>) dst(%dma_wait3A_2862 : memref<8x128xf32, #tpu.memory_space<vmem>>)
      %dma_wait3A_2865 = arith.constant 15 : i32
      %dma_wait3A_2866 = arith.constant 16 : i32
      %dma_wait3A_2867 = arith.constant 0 : i32
      %dma_wait3A_2868 = tpu.memref_slice %arg7[%dma_wait3A_2865, %dma_wait3A_2866, %dma_wait3A_2867] : memref<16x32x128xf32, #tpu.memory_space<vmem>> -> memref<1x8x128xf32, #tpu.memory_space<vmem>>
      %dma_wait3A_2869 = tpu.memref_squeeze %dma_wait3A_2868 : memref<1x8x128xf32, #tpu.memory_space<vmem>> -> memref<8x128xf32, #tpu.memory_space<vmem>>
      %dma_wait3A_2870 = arith.constant 16 : i32
      %dma_wait3A_2871 = tpu.memref_slice %arg3[%dma_wait3A_2870, %multiple_of3A_2007] : memref<32x1000001xf32, #tpu.memory_space<hbm>> -> memref<8x128xf32, #tpu.memory_space<hbm>>
      %dma_wait3A_2872 = arith.constant 16 : i32
      %dma_wait3A_2873 = arith.constant 0 : i32
      %dma_wait3A_2874 = tpu.memref_slice %arg7[%dma_wait3A_2865, %dma_wait3A_2872, %dma_wait3A_2873] : memref<16x32x128xf32, #tpu.memory_space<vmem>> -> memref<1x8x128xf32, #tpu.memory_space<vmem>>
      %dma_wait3A_2875 = tpu.memref_squeeze %dma_wait3A_2874 : memref<1x8x128xf32, #tpu.memory_space<vmem>> -> memref<8x128xf32, #tpu.memory_space<vmem>>
      %dma_wait3A_2876 = arith.constant 16 : i32
      %dma_wait3A_2877 = tpu.memref_slice %arg3[%dma_wait3A_2876, %multiple_of3A_2007] : memref<32x1000001xf32, #tpu.memory_space<hbm>> -> memref<8x128xf32, #tpu.memory_space<hbm>>
      tpu.wait_dma2 semaphore(%arg9 : memref<!tpu.dma_semaphore, #tpu.memory_space<semaphore_mem>>) src(%dma_wait3A_2877 : memref<8x128xf32, #tpu.memory_space<hbm>>) dst(%dma_wait3A_2875 : memref<8x128xf32, #tpu.memory_space<vmem>>)
      %dma_wait3A_2878 = arith.constant 15 : i32
      %dma_wait3A_2879 = arith.constant 24 : i32
      %dma_wait3A_2880 = arith.constant 0 : i32
      %dma_wait3A_2881 = tpu.memref_slice %arg7[%dma_wait3A_2878, %dma_wait3A_2879, %dma_wait3A_2880] : memref<16x32x128xf32, #tpu.memory_space<vmem>> -> memref<1x8x128xf32, #tpu.memory_space<vmem>>
      %dma_wait3A_2882 = tpu.memref_squeeze %dma_wait3A_2881 : memref<1x8x128xf32, #tpu.memory_space<vmem>> -> memref<8x128xf32, #tpu.memory_space<vmem>>
      %dma_wait3A_2883 = arith.constant 24 : i32
      %dma_wait3A_2884 = tpu.memref_slice %arg3[%dma_wait3A_2883, %multiple_of3A_2007] : memref<32x1000001xf32, #tpu.memory_space<hbm>> -> memref<8x128xf32, #tpu.memory_space<hbm>>
      %dma_wait3A_2885 = arith.constant 24 : i32
      %dma_wait3A_2886 = arith.constant 0 : i32
      %dma_wait3A_2887 = tpu.memref_slice %arg7[%dma_wait3A_2878, %dma_wait3A_2885, %dma_wait3A_2886] : memref<16x32x128xf32, #tpu.memory_space<vmem>> -> memref<1x8x128xf32, #tpu.memory_space<vmem>>
      %dma_wait3A_2888 = tpu.memref_squeeze %dma_wait3A_2887 : memref<1x8x128xf32, #tpu.memory_space<vmem>> -> memref<8x128xf32, #tpu.memory_space<vmem>>
      %dma_wait3A_2889 = arith.constant 24 : i32
      %dma_wait3A_2890 = tpu.memref_slice %arg3[%dma_wait3A_2889, %multiple_of3A_2007] : memref<32x1000001xf32, #tpu.memory_space<hbm>> -> memref<8x128xf32, #tpu.memory_space<hbm>>
      tpu.wait_dma2 semaphore(%arg9 : memref<!tpu.dma_semaphore, #tpu.memory_space<semaphore_mem>>) src(%dma_wait3A_2890 : memref<8x128xf32, #tpu.memory_space<hbm>>) dst(%dma_wait3A_2888 : memref<8x128xf32, #tpu.memory_space<vmem>>)
      %mul3A_2891 = arith.constant 16 : i32
      %mul3A_2892 = arith.muli %scan3A_768, %mul3A_2891 : i32
      %get3A_2893 = arith.index_cast %mul3A_2892 : i32 to index
      %get3A_2894 = tpu.vector_load %arg6[%get3A_2893] {strides = array<i32>} : memref<512xi32, #tpu.memory_space<vmem>>, vector<16xi32>,
      %broadcast_in_dim3A_2895 = arith.constant 0 : i32
      %broadcast_in_dim3A_2896 = vector.broadcast %broadcast_in_dim3A_2895 : i32 to vector<16xi32>
      %gather3A = tpu.vector_load_idx %arg7[%iota3A, %broadcast_in_dim3A_2896, %get3A_2894] : memref<16x32x128xf32, #tpu.memory_space<vmem>>[vector<16xi32>, vector<16xi32>, vector<16xi32>], vector<16xf32>,
      %mul3A_2897 = arith.constant 16 : i32
      %mul3A_2898 = arith.muli %scan3A_768, %mul3A_2897 : i32
      %swap3A_2899 = arith.constant 0 : i32
      %swap3A_2900 = arith.index_cast %swap3A_2899 : i32 to index
      %swap3A_2901 = arith.index_cast %mul3A_2898 : i32 to index
      %swap3A_2902 = tpu.vector_load %arg8[%swap3A_2900, %swap3A_2901] {strides = array<i32>} : memref<32x512xf32, #tpu.memory_space<vmem>>, vector<16xf32>,
      tpu.vector_store %arg8[%swap3A_2900, %swap3A_2901], %gather3A {strides = array<i32>} : memref<32x512xf32, #tpu.memory_space<vmem>>, vector<16xf32>,
      %broadcast_in_dim3A_2903 = arith.constant 1 : i32
      %broadcast_in_dim3A_2904 = vector.broadcast %broadcast_in_dim3A_2903 : i32 to vector<16xi32>
      %gather3A_2905 = tpu.vector_load_idx %arg7[%iota3A, %broadcast_in_dim3A_2904, %get3A_2894] : memref<16x32x128xf32, #tpu.memory_space<vmem>>[vector<16xi32>, vector<16xi32>, vector<16xi32>], vector<16xf32>,
      %mul3A_2906 = arith.constant 16 : i32
      %mul3A_2907 = arith.muli %scan3A_768, %mul3A_2906 : i32
      %swap3A_2908 = arith.constant 1 : i32
      %swap3A_2909 = arith.index_cast %swap3A_2908 : i32 to index
      %swap3A_2910 = arith.index_cast %mul3A_2907 : i32 to index
      %swap3A_2911 = tpu.vector_load %arg8[%swap3A_2909, %swap3A_2910] {strides = array<i32>} : memref<32x512xf32, #tpu.memory_space<vmem>>, vector<16xf32>,
      tpu.vector_store %arg8[%swap3A_2909, %swap3A_2910], %gather3A_2905 {strides = array<i32>} : memref<32x512xf32, #tpu.memory_space<vmem>>, vector<16xf32>,
      %broadcast_in_dim3A_2912 = arith.constant 2 : i32
      %broadcast_in_dim3A_2913 = vector.broadcast %broadcast_in_dim3A_2912 : i32 to vector<16xi32>
      %gather3A_2914 = tpu.vector_load_idx %arg7[%iota3A, %broadcast_in_dim3A_2913, %get3A_2894] : memref<16x32x128xf32, #tpu.memory_space<vmem>>[vector<16xi32>, vector<16xi32>, vector<16xi32>], vector<16xf32>,
      %mul3A_2915 = arith.constant 16 : i32
      %mul3A_2916 = arith.muli %scan3A_768, %mul3A_2915 : i32
      %swap3A_2917 = arith.constant 2 : i32
      %swap3A_2918 = arith.index_cast %swap3A_2917 : i32 to index
      %swap3A_2919 = arith.index_cast %mul3A_2916 : i32 to index
      %swap3A_2920 = tpu.vector_load %arg8[%swap3A_2918, %swap3A_2919] {strides = array<i32>} : memref<32x512xf32, #tpu.memory_space<vmem>>, vector<16xf32>,
      tpu.vector_store %arg8[%swap3A_2918, %swap3A_2919], %gather3A_2914 {strides = array<i32>} : memref<32x512xf32, #tpu.memory_space<vmem>>, vector<16xf32>,
      %broadcast_in_dim3A_2921 = arith.constant 3 : i32
      %broadcast_in_dim3A_2922 = vector.broadcast %broadcast_in_dim3A_2921 : i32 to vector<16xi32>
      %gather3A_2923 = tpu.vector_load_idx %arg7[%iota3A, %broadcast_in_dim3A_2922, %get3A_2894] : memref<16x32x128xf32, #tpu.memory_space<vmem>>[vector<16xi32>, vector<16xi32>, vector<16xi32>], vector<16xf32>,
      %mul3A_2924 = arith.constant 16 : i32
      %mul3A_2925 = arith.muli %scan3A_768, %mul3A_2924 : i32
      %swap3A_2926 = arith.constant 3 : i32
      %swap3A_2927 = arith.index_cast %swap3A_2926 : i32 to index
      %swap3A_2928 = arith.index_cast %mul3A_2925 : i32 to index
      %swap3A_2929 = tpu.vector_load %arg8[%swap3A_2927, %swap3A_2928] {strides = array<i32>} : memref<32x512xf32, #tpu.memory_space<vmem>>, vector<16xf32>,
      tpu.vector_store %arg8[%swap3A_2927, %swap3A_2928], %gather3A_2923 {strides = array<i32>} : memref<32x512xf32, #tpu.memory_space<vmem>>, vector<16xf32>,
      %broadcast_in_dim3A_2930 = arith.constant 4 : i32
      %broadcast_in_dim3A_2931 = vector.broadcast %broadcast_in_dim3A_2930 : i32 to vector<16xi32>
      %gather3A_2932 = tpu.vector_load_idx %arg7[%iota3A, %broadcast_in_dim3A_2931, %get3A_2894] : memref<16x32x128xf32, #tpu.memory_space<vmem>>[vector<16xi32>, vector<16xi32>, vector<16xi32>], vector<16xf32>,
      %mul3A_2933 = arith.constant 16 : i32
      %mul3A_2934 = arith.muli %scan3A_768, %mul3A_2933 : i32
      %swap3A_2935 = arith.constant 4 : i32
      %swap3A_2936 = arith.index_cast %swap3A_2935 : i32 to index
      %swap3A_2937 = arith.index_cast %mul3A_2934 : i32 to index
      %swap3A_2938 = tpu.vector_load %arg8[%swap3A_2936, %swap3A_2937] {strides = array<i32>} : memref<32x512xf32, #tpu.memory_space<vmem>>, vector<16xf32>,
      tpu.vector_store %arg8[%swap3A_2936, %swap3A_2937], %gather3A_2932 {strides = array<i32>} : memref<32x512xf32, #tpu.memory_space<vmem>>, vector<16xf32>,
      %broadcast_in_dim3A_2939 = arith.constant 5 : i32
      %broadcast_in_dim3A_2940 = vector.broadcast %broadcast_in_dim3A_2939 : i32 to vector<16xi32>
      %gather3A_2941 = tpu.vector_load_idx %arg7[%iota3A, %broadcast_in_dim3A_2940, %get3A_2894] : memref<16x32x128xf32, #tpu.memory_space<vmem>>[vector<16xi32>, vector<16xi32>, vector<16xi32>], vector<16xf32>,
      %mul3A_2942 = arith.constant 16 : i32
      %mul3A_2943 = arith.muli %scan3A_768, %mul3A_2942 : i32
      %swap3A_2944 = arith.constant 5 : i32
      %swap3A_2945 = arith.index_cast %swap3A_2944 : i32 to index
      %swap3A_2946 = arith.index_cast %mul3A_2943 : i32 to index
      %swap3A_2947 = tpu.vector_load %arg8[%swap3A_2945, %swap3A_2946] {strides = array<i32>} : memref<32x512xf32, #tpu.memory_space<vmem>>, vector<16xf32>,
      tpu.vector_store %arg8[%swap3A_2945, %swap3A_2946], %gather3A_2941 {strides = array<i32>} : memref<32x512xf32, #tpu.memory_space<vmem>>, vector<16xf32>,
      %broadcast_in_dim3A_2948 = arith.constant 6 : i32
      %broadcast_in_dim3A_2949 = vector.broadcast %broadcast_in_dim3A_2948 : i32 to vector<16xi32>
      %gather3A_2950 = tpu.vector_load_idx %arg7[%iota3A, %broadcast_in_dim3A_2949, %get3A_2894] : memref<16x32x128xf32, #tpu.memory_space<vmem>>[vector<16xi32>, vector<16xi32>, vector<16xi32>], vector<16xf32>,
      %mul3A_2951 = arith.constant 16 : i32
      %mul3A_2952 = arith.muli %scan3A_768, %mul3A_2951 : i32
      %swap3A_2953 = arith.constant 6 : i32
      %swap3A_2954 = arith.index_cast %swap3A_2953 : i32 to index
      %swap3A_2955 = arith.index_cast %mul3A_2952 : i32 to index
      %swap3A_2956 = tpu.vector_load %arg8[%swap3A_2954, %swap3A_2955] {strides = array<i32>} : memref<32x512xf32, #tpu.memory_space<vmem>>, vector<16xf32>,
      tpu.vector_store %arg8[%swap3A_2954, %swap3A_2955], %gather3A_2950 {strides = array<i32>} : memref<32x512xf32, #tpu.memory_space<vmem>>, vector<16xf32>,
      %broadcast_in_dim3A_2957 = arith.constant 7 : i32
      %broadcast_in_dim3A_2958 = vector.broadcast %broadcast_in_dim3A_2957 : i32 to vector<16xi32>
      %gather3A_2959 = tpu.vector_load_idx %arg7[%iota3A, %broadcast_in_dim3A_2958, %get3A_2894] : memref<16x32x128xf32, #tpu.memory_space<vmem>>[vector<16xi32>, vector<16xi32>, vector<16xi32>], vector<16xf32>,
      %mul3A_2960 = arith.constant 16 : i32
      %mul3A_2961 = arith.muli %scan3A_768, %mul3A_2960 : i32
      %swap3A_2962 = arith.constant 7 : i32
      %swap3A_2963 = arith.index_cast %swap3A_2962 : i32 to index
      %swap3A_2964 = arith.index_cast %mul3A_2961 : i32 to index
      %swap3A_2965 = tpu.vector_load %arg8[%swap3A_2963, %swap3A_2964] {strides = array<i32>} : memref<32x512xf32, #tpu.memory_space<vmem>>, vector<16xf32>,
      tpu.vector_store %arg8[%swap3A_2963, %swap3A_2964], %gather3A_2959 {strides = array<i32>} : memref<32x512xf32, #tpu.memory_space<vmem>>, vector<16xf32>,
      %broadcast_in_dim3A_2966 = arith.constant 8 : i32
      %broadcast_in_dim3A_2967 = vector.broadcast %broadcast_in_dim3A_2966 : i32 to vector<16xi32>
      %gather3A_2968 = tpu.vector_load_idx %arg7[%iota3A, %broadcast_in_dim3A_2967, %get3A_2894] : memref<16x32x128xf32, #tpu.memory_space<vmem>>[vector<16xi32>, vector<16xi32>, vector<16xi32>], vector<16xf32>,
      %mul3A_2969 = arith.constant 16 : i32
      %mul3A_2970 = arith.muli %scan3A_768, %mul3A_2969 : i32
      %swap3A_2971 = arith.constant 8 : i32
      %swap3A_2972 = arith.index_cast %swap3A_2971 : i32 to index
      %swap3A_2973 = arith.index_cast %mul3A_2970 : i32 to index
      %swap3A_2974 = tpu.vector_load %arg8[%swap3A_2972, %swap3A_2973] {strides = array<i32>} : memref<32x512xf32, #tpu.memory_space<vmem>>, vector<16xf32>,
      tpu.vector_store %arg8[%swap3A_2972, %swap3A_2973], %gather3A_2968 {strides = array<i32>} : memref<32x512xf32, #tpu.memory_space<vmem>>, vector<16xf32>,
      %broadcast_in_dim3A_2975 = arith.constant 9 : i32
      %broadcast_in_dim3A_2976 = vector.broadcast %broadcast_in_dim3A_2975 : i32 to vector<16xi32>
      %gather3A_2977 = tpu.vector_load_idx %arg7[%iota3A, %broadcast_in_dim3A_2976, %get3A_2894] : memref<16x32x128xf32, #tpu.memory_space<vmem>>[vector<16xi32>, vector<16xi32>, vector<16xi32>], vector<16xf32>,
      %mul3A_2978 = arith.constant 16 : i32
      %mul3A_2979 = arith.muli %scan3A_768, %mul3A_2978 : i32
      %swap3A_2980 = arith.constant 9 : i32
      %swap3A_2981 = arith.index_cast %swap3A_2980 : i32 to index
      %swap3A_2982 = arith.index_cast %mul3A_2979 : i32 to index
      %swap3A_2983 = tpu.vector_load %arg8[%swap3A_2981, %swap3A_2982] {strides = array<i32>} : memref<32x512xf32, #tpu.memory_space<vmem>>, vector<16xf32>,
      tpu.vector_store %arg8[%swap3A_2981, %swap3A_2982], %gather3A_2977 {strides = array<i32>} : memref<32x512xf32, #tpu.memory_space<vmem>>, vector<16xf32>,
      %broadcast_in_dim3A_2984 = arith.constant 10 : i32
      %broadcast_in_dim3A_2985 = vector.broadcast %broadcast_in_dim3A_2984 : i32 to vector<16xi32>
      %gather3A_2986 = tpu.vector_load_idx %arg7[%iota3A, %broadcast_in_dim3A_2985, %get3A_2894] : memref<16x32x128xf32, #tpu.memory_space<vmem>>[vector<16xi32>, vector<16xi32>, vector<16xi32>], vector<16xf32>,
      %mul3A_2987 = arith.constant 16 : i32
      %mul3A_2988 = arith.muli %scan3A_768, %mul3A_2987 : i32
      %swap3A_2989 = arith.constant 10 : i32
      %swap3A_2990 = arith.index_cast %swap3A_2989 : i32 to index
      %swap3A_2991 = arith.index_cast %mul3A_2988 : i32 to index
      %swap3A_2992 = tpu.vector_load %arg8[%swap3A_2990, %swap3A_2991] {strides = array<i32>} : memref<32x512xf32, #tpu.memory_space<vmem>>, vector<16xf32>,
      tpu.vector_store %arg8[%swap3A_2990, %swap3A_2991], %gather3A_2986 {strides = array<i32>} : memref<32x512xf32, #tpu.memory_space<vmem>>, vector<16xf32>,
      %broadcast_in_dim3A_2993 = arith.constant 11 : i32
      %broadcast_in_dim3A_2994 = vector.broadcast %broadcast_in_dim3A_2993 : i32 to vector<16xi32>
      %gather3A_2995 = tpu.vector_load_idx %arg7[%iota3A, %broadcast_in_dim3A_2994, %get3A_2894] : memref<16x32x128xf32, #tpu.memory_space<vmem>>[vector<16xi32>, vector<16xi32>, vector<16xi32>], vector<16xf32>,
      %mul3A_2996 = arith.constant 16 : i32
      %mul3A_2997 = arith.muli %scan3A_768, %mul3A_2996 : i32
      %swap3A_2998 = arith.constant 11 : i32
      %swap3A_2999 = arith.index_cast %swap3A_2998 : i32 to index
      %swap3A_3000 = arith.index_cast %mul3A_2997 : i32 to index
      %swap3A_3001 = tpu.vector_load %arg8[%swap3A_2999, %swap3A_3000] {strides = array<i32>} : memref<32x512xf32, #tpu.memory_space<vmem>>, vector<16xf32>,
      tpu.vector_store %arg8[%swap3A_2999, %swap3A_3000], %gather3A_2995 {strides = array<i32>} : memref<32x512xf32, #tpu.memory_space<vmem>>, vector<16xf32>,
      %broadcast_in_dim3A_3002 = arith.constant 12 : i32
      %broadcast_in_dim3A_3003 = vector.broadcast %broadcast_in_dim3A_3002 : i32 to vector<16xi32>
      %gather3A_3004 = tpu.vector_load_idx %arg7[%iota3A, %broadcast_in_dim3A_3003, %get3A_2894] : memref<16x32x128xf32, #tpu.memory_space<vmem>>[vector<16xi32>, vector<16xi32>, vector<16xi32>], vector<16xf32>,
      %mul3A_3005 = arith.constant 16 : i32
      %mul3A_3006 = arith.muli %scan3A_768, %mul3A_3005 : i32
      %swap3A_3007 = arith.constant 12 : i32
      %swap3A_3008 = arith.index_cast %swap3A_3007 : i32 to index
      %swap3A_3009 = arith.index_cast %mul3A_3006 : i32 to index
      %swap3A_3010 = tpu.vector_load %arg8[%swap3A_3008, %swap3A_3009] {strides = array<i32>} : memref<32x512xf32, #tpu.memory_space<vmem>>, vector<16xf32>,
      tpu.vector_store %arg8[%swap3A_3008, %swap3A_3009], %gather3A_3004 {strides = array<i32>} : memref<32x512xf32, #tpu.memory_space<vmem>>, vector<16xf32>,
      %broadcast_in_dim3A_3011 = arith.constant 13 : i32
      %broadcast_in_dim3A_3012 = vector.broadcast %broadcast_in_dim3A_3011 : i32 to vector<16xi32>
      %gather3A_3013 = tpu.vector_load_idx %arg7[%iota3A, %broadcast_in_dim3A_3012, %get3A_2894] : memref<16x32x128xf32, #tpu.memory_space<vmem>>[vector<16xi32>, vector<16xi32>, vector<16xi32>], vector<16xf32>,
      %mul3A_3014 = arith.constant 16 : i32
      %mul3A_3015 = arith.muli %scan3A_768, %mul3A_3014 : i32
      %swap3A_3016 = arith.constant 13 : i32
      %swap3A_3017 = arith.index_cast %swap3A_3016 : i32 to index
      %swap3A_3018 = arith.index_cast %mul3A_3015 : i32 to index
      %swap3A_3019 = tpu.vector_load %arg8[%swap3A_3017, %swap3A_3018] {strides = array<i32>} : memref<32x512xf32, #tpu.memory_space<vmem>>, vector<16xf32>,
      tpu.vector_store %arg8[%swap3A_3017, %swap3A_3018], %gather3A_3013 {strides = array<i32>} : memref<32x512xf32, #tpu.memory_space<vmem>>, vector<16xf32>,
      %broadcast_in_dim3A_3020 = arith.constant 14 : i32
      %broadcast_in_dim3A_3021 = vector.broadcast %broadcast_in_dim3A_3020 : i32 to vector<16xi32>
      %gather3A_3022 = tpu.vector_load_idx %arg7[%iota3A, %broadcast_in_dim3A_3021, %get3A_2894] : memref<16x32x128xf32, #tpu.memory_space<vmem>>[vector<16xi32>, vector<16xi32>, vector<16xi32>], vector<16xf32>,
      %mul3A_3023 = arith.constant 16 : i32
      %mul3A_3024 = arith.muli %scan3A_768, %mul3A_3023 : i32
      %swap3A_3025 = arith.constant 14 : i32
      %swap3A_3026 = arith.index_cast %swap3A_3025 : i32 to index
      %swap3A_3027 = arith.index_cast %mul3A_3024 : i32 to index
      %swap3A_3028 = tpu.vector_load %arg8[%swap3A_3026, %swap3A_3027] {strides = array<i32>} : memref<32x512xf32, #tpu.memory_space<vmem>>, vector<16xf32>,
      tpu.vector_store %arg8[%swap3A_3026, %swap3A_3027], %gather3A_3022 {strides = array<i32>} : memref<32x512xf32, #tpu.memory_space<vmem>>, vector<16xf32>,
      %broadcast_in_dim3A_3029 = arith.constant 15 : i32
      %broadcast_in_dim3A_3030 = vector.broadcast %broadcast_in_dim3A_3029 : i32 to vector<16xi32>
      %gather3A_3031 = tpu.vector_load_idx %arg7[%iota3A, %broadcast_in_dim3A_3030, %get3A_2894] : memref<16x32x128xf32, #tpu.memory_space<vmem>>[vector<16xi32>, vector<16xi32>, vector<16xi32>], vector<16xf32>,
      %mul3A_3032 = arith.constant 16 : i32
      %mul3A_3033 = arith.muli %scan3A_768, %mul3A_3032 : i32
      %swap3A_3034 = arith.constant 15 : i32
      %swap3A_3035 = arith.index_cast %swap3A_3034 : i32 to index
      %swap3A_3036 = arith.index_cast %mul3A_3033 : i32 to index
      %swap3A_3037 = tpu.vector_load %arg8[%swap3A_3035, %swap3A_3036] {strides = array<i32>} : memref<32x512xf32, #tpu.memory_space<vmem>>, vector<16xf32>,
      tpu.vector_store %arg8[%swap3A_3035, %swap3A_3036], %gather3A_3031 {strides = array<i32>} : memref<32x512xf32, #tpu.memory_space<vmem>>, vector<16xf32>,
      %broadcast_in_dim3A_3038 = arith.constant 16 : i32
      %broadcast_in_dim3A_3039 = vector.broadcast %broadcast_in_dim3A_3038 : i32 to vector<16xi32>
      %gather3A_3040 = tpu.vector_load_idx %arg7[%iota3A, %broadcast_in_dim3A_3039, %get3A_2894] : memref<16x32x128xf32, #tpu.memory_space<vmem>>[vector<16xi32>, vector<16xi32>, vector<16xi32>], vector<16xf32>,
      %mul3A_3041 = arith.constant 16 : i32
      %mul3A_3042 = arith.muli %scan3A_768, %mul3A_3041 : i32
      %swap3A_3043 = arith.constant 16 : i32
      %swap3A_3044 = arith.index_cast %swap3A_3043 : i32 to index
      %swap3A_3045 = arith.index_cast %mul3A_3042 : i32 to index
      %swap3A_3046 = tpu.vector_load %arg8[%swap3A_3044, %swap3A_3045] {strides = array<i32>} : memref<32x512xf32, #tpu.memory_space<vmem>>, vector<16xf32>,
      tpu.vector_store %arg8[%swap3A_3044, %swap3A_3045], %gather3A_3040 {strides = array<i32>} : memref<32x512xf32, #tpu.memory_space<vmem>>, vector<16xf32>,
      %broadcast_in_dim3A_3047 = arith.constant 17 : i32
      %broadcast_in_dim3A_3048 = vector.broadcast %broadcast_in_dim3A_3047 : i32 to vector<16xi32>
      %gather3A_3049 = tpu.vector_load_idx %arg7[%iota3A, %broadcast_in_dim3A_3048, %get3A_2894] : memref<16x32x128xf32, #tpu.memory_space<vmem>>[vector<16xi32>, vector<16xi32>, vector<16xi32>], vector<16xf32>,
      %mul3A_3050 = arith.constant 16 : i32
      %mul3A_3051 = arith.muli %scan3A_768, %mul3A_3050 : i32
      %swap3A_3052 = arith.constant 17 : i32
      %swap3A_3053 = arith.index_cast %swap3A_3052 : i32 to index
      %swap3A_3054 = arith.index_cast %mul3A_3051 : i32 to index
      %swap3A_3055 = tpu.vector_load %arg8[%swap3A_3053, %swap3A_3054] {strides = array<i32>} : memref<32x512xf32, #tpu.memory_space<vmem>>, vector<16xf32>,
      tpu.vector_store %arg8[%swap3A_3053, %swap3A_3054], %gather3A_3049 {strides = array<i32>} : memref<32x512xf32, #tpu.memory_space<vmem>>, vector<16xf32>,
      %broadcast_in_dim3A_3056 = arith.constant 18 : i32
      %broadcast_in_dim3A_3057 = vector.broadcast %broadcast_in_dim3A_3056 : i32 to vector<16xi32>
      %gather3A_3058 = tpu.vector_load_idx %arg7[%iota3A, %broadcast_in_dim3A_3057, %get3A_2894] : memref<16x32x128xf32, #tpu.memory_space<vmem>>[vector<16xi32>, vector<16xi32>, vector<16xi32>], vector<16xf32>,
      %mul3A_3059 = arith.constant 16 : i32
      %mul3A_3060 = arith.muli %scan3A_768, %mul3A_3059 : i32
      %swap3A_3061 = arith.constant 18 : i32
      %swap3A_3062 = arith.index_cast %swap3A_3061 : i32 to index
      %swap3A_3063 = arith.index_cast %mul3A_3060 : i32 to index
      %swap3A_3064 = tpu.vector_load %arg8[%swap3A_3062, %swap3A_3063] {strides = array<i32>} : memref<32x512xf32, #tpu.memory_space<vmem>>, vector<16xf32>,
      tpu.vector_store %arg8[%swap3A_3062, %swap3A_3063], %gather3A_3058 {strides = array<i32>} : memref<32x512xf32, #tpu.memory_space<vmem>>, vector<16xf32>,
      %broadcast_in_dim3A_3065 = arith.constant 19 : i32
      %broadcast_in_dim3A_3066 = vector.broadcast %broadcast_in_dim3A_3065 : i32 to vector<16xi32>
      %gather3A_3067 = tpu.vector_load_idx %arg7[%iota3A, %broadcast_in_dim3A_3066, %get3A_2894] : memref<16x32x128xf32, #tpu.memory_space<vmem>>[vector<16xi32>, vector<16xi32>, vector<16xi32>], vector<16xf32>,
      %mul3A_3068 = arith.constant 16 : i32
      %mul3A_3069 = arith.muli %scan3A_768, %mul3A_3068 : i32
      %swap3A_3070 = arith.constant 19 : i32
      %swap3A_3071 = arith.index_cast %swap3A_3070 : i32 to index
      %swap3A_3072 = arith.index_cast %mul3A_3069 : i32 to index
      %swap3A_3073 = tpu.vector_load %arg8[%swap3A_3071, %swap3A_3072] {strides = array<i32>} : memref<32x512xf32, #tpu.memory_space<vmem>>, vector<16xf32>,
      tpu.vector_store %arg8[%swap3A_3071, %swap3A_3072], %gather3A_3067 {strides = array<i32>} : memref<32x512xf32, #tpu.memory_space<vmem>>, vector<16xf32>,
      %broadcast_in_dim3A_3074 = arith.constant 20 : i32
      %broadcast_in_dim3A_3075 = vector.broadcast %broadcast_in_dim3A_3074 : i32 to vector<16xi32>
      %gather3A_3076 = tpu.vector_load_idx %arg7[%iota3A, %broadcast_in_dim3A_3075, %get3A_2894] : memref<16x32x128xf32, #tpu.memory_space<vmem>>[vector<16xi32>, vector<16xi32>, vector<16xi32>], vector<16xf32>,
      %mul3A_3077 = arith.constant 16 : i32
      %mul3A_3078 = arith.muli %scan3A_768, %mul3A_3077 : i32
      %swap3A_3079 = arith.constant 20 : i32
      %swap3A_3080 = arith.index_cast %swap3A_3079 : i32 to index
      %swap3A_3081 = arith.index_cast %mul3A_3078 : i32 to index
      %swap3A_3082 = tpu.vector_load %arg8[%swap3A_3080, %swap3A_3081] {strides = array<i32>} : memref<32x512xf32, #tpu.memory_space<vmem>>, vector<16xf32>,
      tpu.vector_store %arg8[%swap3A_3080, %swap3A_3081], %gather3A_3076 {strides = array<i32>} : memref<32x512xf32, #tpu.memory_space<vmem>>, vector<16xf32>,
      %broadcast_in_dim3A_3083 = arith.constant 21 : i32
      %broadcast_in_dim3A_3084 = vector.broadcast %broadcast_in_dim3A_3083 : i32 to vector<16xi32>
      %gather3A_3085 = tpu.vector_load_idx %arg7[%iota3A, %broadcast_in_dim3A_3084, %get3A_2894] : memref<16x32x128xf32, #tpu.memory_space<vmem>>[vector<16xi32>, vector<16xi32>, vector<16xi32>], vector<16xf32>,
      %mul3A_3086 = arith.constant 16 : i32
      %mul3A_3087 = arith.muli %scan3A_768, %mul3A_3086 : i32
      %swap3A_3088 = arith.constant 21 : i32
      %swap3A_3089 = arith.index_cast %swap3A_3088 : i32 to index
      %swap3A_3090 = arith.index_cast %mul3A_3087 : i32 to index
      %swap3A_3091 = tpu.vector_load %arg8[%swap3A_3089, %swap3A_3090] {strides = array<i32>} : memref<32x512xf32, #tpu.memory_space<vmem>>, vector<16xf32>,
      tpu.vector_store %arg8[%swap3A_3089, %swap3A_3090], %gather3A_3085 {strides = array<i32>} : memref<32x512xf32, #tpu.memory_space<vmem>>, vector<16xf32>,
      %broadcast_in_dim3A_3092 = arith.constant 22 : i32
      %broadcast_in_dim3A_3093 = vector.broadcast %broadcast_in_dim3A_3092 : i32 to vector<16xi32>
      %gather3A_3094 = tpu.vector_load_idx %arg7[%iota3A, %broadcast_in_dim3A_3093, %get3A_2894] : memref<16x32x128xf32, #tpu.memory_space<vmem>>[vector<16xi32>, vector<16xi32>, vector<16xi32>], vector<16xf32>,
      %mul3A_3095 = arith.constant 16 : i32
      %mul3A_3096 = arith.muli %scan3A_768, %mul3A_3095 : i32
      %swap3A_3097 = arith.constant 22 : i32
      %swap3A_3098 = arith.index_cast %swap3A_3097 : i32 to index
      %swap3A_3099 = arith.index_cast %mul3A_3096 : i32 to index
      %swap3A_3100 = tpu.vector_load %arg8[%swap3A_3098, %swap3A_3099] {strides = array<i32>} : memref<32x512xf32, #tpu.memory_space<vmem>>, vector<16xf32>,
      tpu.vector_store %arg8[%swap3A_3098, %swap3A_3099], %gather3A_3094 {strides = array<i32>} : memref<32x512xf32, #tpu.memory_space<vmem>>, vector<16xf32>,
      %broadcast_in_dim3A_3101 = arith.constant 23 : i32
      %broadcast_in_dim3A_3102 = vector.broadcast %broadcast_in_dim3A_3101 : i32 to vector<16xi32>
      %gather3A_3103 = tpu.vector_load_idx %arg7[%iota3A, %broadcast_in_dim3A_3102, %get3A_2894] : memref<16x32x128xf32, #tpu.memory_space<vmem>>[vector<16xi32>, vector<16xi32>, vector<16xi32>], vector<16xf32>,
      %mul3A_3104 = arith.constant 16 : i32
      %mul3A_3105 = arith.muli %scan3A_768, %mul3A_3104 : i32
      %swap3A_3106 = arith.constant 23 : i32
      %swap3A_3107 = arith.index_cast %swap3A_3106 : i32 to index
      %swap3A_3108 = arith.index_cast %mul3A_3105 : i32 to index
      %swap3A_3109 = tpu.vector_load %arg8[%swap3A_3107, %swap3A_3108] {strides = array<i32>} : memref<32x512xf32, #tpu.memory_space<vmem>>, vector<16xf32>,
      tpu.vector_store %arg8[%swap3A_3107, %swap3A_3108], %gather3A_3103 {strides = array<i32>} : memref<32x512xf32, #tpu.memory_space<vmem>>, vector<16xf32>,
      %broadcast_in_dim3A_3110 = arith.constant 24 : i32
      %broadcast_in_dim3A_3111 = vector.broadcast %broadcast_in_dim3A_3110 : i32 to vector<16xi32>
      %gather3A_3112 = tpu.vector_load_idx %arg7[%iota3A, %broadcast_in_dim3A_3111, %get3A_2894] : memref<16x32x128xf32, #tpu.memory_space<vmem>>[vector<16xi32>, vector<16xi32>, vector<16xi32>], vector<16xf32>,
      %mul3A_3113 = arith.constant 16 : i32
      %mul3A_3114 = arith.muli %scan3A_768, %mul3A_3113 : i32
      %swap3A_3115 = arith.constant 24 : i32
      %swap3A_3116 = arith.index_cast %swap3A_3115 : i32 to index
      %swap3A_3117 = arith.index_cast %mul3A_3114 : i32 to index
      %swap3A_3118 = tpu.vector_load %arg8[%swap3A_3116, %swap3A_3117] {strides = array<i32>} : memref<32x512xf32, #tpu.memory_space<vmem>>, vector<16xf32>,
      tpu.vector_store %arg8[%swap3A_3116, %swap3A_3117], %gather3A_3112 {strides = array<i32>} : memref<32x512xf32, #tpu.memory_space<vmem>>, vector<16xf32>,
      %broadcast_in_dim3A_3119 = arith.constant 25 : i32
      %broadcast_in_dim3A_3120 = vector.broadcast %broadcast_in_dim3A_3119 : i32 to vector<16xi32>
      %gather3A_3121 = tpu.vector_load_idx %arg7[%iota3A, %broadcast_in_dim3A_3120, %get3A_2894] : memref<16x32x128xf32, #tpu.memory_space<vmem>>[vector<16xi32>, vector<16xi32>, vector<16xi32>], vector<16xf32>,
      %mul3A_3122 = arith.constant 16 : i32
      %mul3A_3123 = arith.muli %scan3A_768, %mul3A_3122 : i32
      %swap3A_3124 = arith.constant 25 : i32
      %swap3A_3125 = arith.index_cast %swap3A_3124 : i32 to index
      %swap3A_3126 = arith.index_cast %mul3A_3123 : i32 to index
      %swap3A_3127 = tpu.vector_load %arg8[%swap3A_3125, %swap3A_3126] {strides = array<i32>} : memref<32x512xf32, #tpu.memory_space<vmem>>, vector<16xf32>,
      tpu.vector_store %arg8[%swap3A_3125, %swap3A_3126], %gather3A_3121 {strides = array<i32>} : memref<32x512xf32, #tpu.memory_space<vmem>>, vector<16xf32>,
      %broadcast_in_dim3A_3128 = arith.constant 26 : i32
      %broadcast_in_dim3A_3129 = vector.broadcast %broadcast_in_dim3A_3128 : i32 to vector<16xi32>
      %gather3A_3130 = tpu.vector_load_idx %arg7[%iota3A, %broadcast_in_dim3A_3129, %get3A_2894] : memref<16x32x128xf32, #tpu.memory_space<vmem>>[vector<16xi32>, vector<16xi32>, vector<16xi32>], vector<16xf32>,
      %mul3A_3131 = arith.constant 16 : i32
      %mul3A_3132 = arith.muli %scan3A_768, %mul3A_3131 : i32
      %swap3A_3133 = arith.constant 26 : i32
      %swap3A_3134 = arith.index_cast %swap3A_3133 : i32 to index
      %swap3A_3135 = arith.index_cast %mul3A_3132 : i32 to index
      %swap3A_3136 = tpu.vector_load %arg8[%swap3A_3134, %swap3A_3135] {strides = array<i32>} : memref<32x512xf32, #tpu.memory_space<vmem>>, vector<16xf32>,
      tpu.vector_store %arg8[%swap3A_3134, %swap3A_3135], %gather3A_3130 {strides = array<i32>} : memref<32x512xf32, #tpu.memory_space<vmem>>, vector<16xf32>,
      %broadcast_in_dim3A_3137 = arith.constant 27 : i32
      %broadcast_in_dim3A_3138 = vector.broadcast %broadcast_in_dim3A_3137 : i32 to vector<16xi32>
      %gather3A_3139 = tpu.vector_load_idx %arg7[%iota3A, %broadcast_in_dim3A_3138, %get3A_2894] : memref<16x32x128xf32, #tpu.memory_space<vmem>>[vector<16xi32>, vector<16xi32>, vector<16xi32>], vector<16xf32>,
      %mul3A_3140 = arith.constant 16 : i32
      %mul3A_3141 = arith.muli %scan3A_768, %mul3A_3140 : i32
      %swap3A_3142 = arith.constant 27 : i32
      %swap3A_3143 = arith.index_cast %swap3A_3142 : i32 to index
      %swap3A_3144 = arith.index_cast %mul3A_3141 : i32 to index
      %swap3A_3145 = tpu.vector_load %arg8[%swap3A_3143, %swap3A_3144] {strides = array<i32>} : memref<32x512xf32, #tpu.memory_space<vmem>>, vector<16xf32>,
      tpu.vector_store %arg8[%swap3A_3143, %swap3A_3144], %gather3A_3139 {strides = array<i32>} : memref<32x512xf32, #tpu.memory_space<vmem>>, vector<16xf32>,
      %broadcast_in_dim3A_3146 = arith.constant 28 : i32
      %broadcast_in_dim3A_3147 = vector.broadcast %broadcast_in_dim3A_3146 : i32 to vector<16xi32>
      %gather3A_3148 = tpu.vector_load_idx %arg7[%iota3A, %broadcast_in_dim3A_3147, %get3A_2894] : memref<16x32x128xf32, #tpu.memory_space<vmem>>[vector<16xi32>, vector<16xi32>, vector<16xi32>], vector<16xf32>,
      %mul3A_3149 = arith.constant 16 : i32
      %mul3A_3150 = arith.muli %scan3A_768, %mul3A_3149 : i32
      %swap3A_3151 = arith.constant 28 : i32
      %swap3A_3152 = arith.index_cast %swap3A_3151 : i32 to index
      %swap3A_3153 = arith.index_cast %mul3A_3150 : i32 to index
      %swap3A_3154 = tpu.vector_load %arg8[%swap3A_3152, %swap3A_3153] {strides = array<i32>} : memref<32x512xf32, #tpu.memory_space<vmem>>, vector<16xf32>,
      tpu.vector_store %arg8[%swap3A_3152, %swap3A_3153], %gather3A_3148 {strides = array<i32>} : memref<32x512xf32, #tpu.memory_space<vmem>>, vector<16xf32>,
      %broadcast_in_dim3A_3155 = arith.constant 29 : i32
      %broadcast_in_dim3A_3156 = vector.broadcast %broadcast_in_dim3A_3155 : i32 to vector<16xi32>
      %gather3A_3157 = tpu.vector_load_idx %arg7[%iota3A, %broadcast_in_dim3A_3156, %get3A_2894] : memref<16x32x128xf32, #tpu.memory_space<vmem>>[vector<16xi32>, vector<16xi32>, vector<16xi32>], vector<16xf32>,
      %mul3A_3158 = arith.constant 16 : i32
      %mul3A_3159 = arith.muli %scan3A_768, %mul3A_3158 : i32
      %swap3A_3160 = arith.constant 29 : i32
      %swap3A_3161 = arith.index_cast %swap3A_3160 : i32 to index
      %swap3A_3162 = arith.index_cast %mul3A_3159 : i32 to index
      %swap3A_3163 = tpu.vector_load %arg8[%swap3A_3161, %swap3A_3162] {strides = array<i32>} : memref<32x512xf32, #tpu.memory_space<vmem>>, vector<16xf32>,
      tpu.vector_store %arg8[%swap3A_3161, %swap3A_3162], %gather3A_3157 {strides = array<i32>} : memref<32x512xf32, #tpu.memory_space<vmem>>, vector<16xf32>,
      %broadcast_in_dim3A_3164 = arith.constant 30 : i32
      %broadcast_in_dim3A_3165 = vector.broadcast %broadcast_in_dim3A_3164 : i32 to vector<16xi32>
      %gather3A_3166 = tpu.vector_load_idx %arg7[%iota3A, %broadcast_in_dim3A_3165, %get3A_2894] : memref<16x32x128xf32, #tpu.memory_space<vmem>>[vector<16xi32>, vector<16xi32>, vector<16xi32>], vector<16xf32>,
      %mul3A_3167 = arith.constant 16 : i32
      %mul3A_3168 = arith.muli %scan3A_768, %mul3A_3167 : i32
      %swap3A_3169 = arith.constant 30 : i32
      %swap3A_3170 = arith.index_cast %swap3A_3169 : i32 to index
      %swap3A_3171 = arith.index_cast %mul3A_3168 : i32 to index
      %swap3A_3172 = tpu.vector_load %arg8[%swap3A_3170, %swap3A_3171] {strides = array<i32>} : memref<32x512xf32, #tpu.memory_space<vmem>>, vector<16xf32>,
      tpu.vector_store %arg8[%swap3A_3170, %swap3A_3171], %gather3A_3166 {strides = array<i32>} : memref<32x512xf32, #tpu.memory_space<vmem>>, vector<16xf32>,
      %broadcast_in_dim3A_3173 = arith.constant 31 : i32
      %broadcast_in_dim3A_3174 = vector.broadcast %broadcast_in_dim3A_3173 : i32 to vector<16xi32>
      %gather3A_3175 = tpu.vector_load_idx %arg7[%iota3A, %broadcast_in_dim3A_3174, %get3A_2894] : memref<16x32x128xf32, #tpu.memory_space<vmem>>[vector<16xi32>, vector<16xi32>, vector<16xi32>], vector<16xf32>,
      %mul3A_3176 = arith.constant 16 : i32
      %mul3A_3177 = arith.muli %scan3A_768, %mul3A_3176 : i32
      %swap3A_3178 = arith.constant 31 : i32
      %swap3A_3179 = arith.index_cast %swap3A_3178 : i32 to index
      %swap3A_3180 = arith.index_cast %mul3A_3177 : i32 to index
      %swap3A_3181 = tpu.vector_load %arg8[%swap3A_3179, %swap3A_3180] {strides = array<i32>} : memref<32x512xf32, #tpu.memory_space<vmem>>, vector<16xf32>,
      tpu.vector_store %arg8[%swap3A_3179, %swap3A_3180], %gather3A_3175 {strides = array<i32>} : memref<32x512xf32, #tpu.memory_space<vmem>>, vector<16xf32>,
    }
    %scan3A_767 = arith.constant 32 : i32
    "tpu.region"() ({
      %run_scoped3A = tpu.sem_alloc : memref<!tpu.dma_semaphore, #tpu.memory_space<semaphore_mem>>
      %dma_start3A = arith.constant 0 : i32
      %dma_start3A_768 = tpu.memref_slice %arg4[%dma_start3A, %mul3A_2] : memref<32x16384xf32, #tpu.memory_space<hbm>> -> memref<32x512xf32, #tpu.memory_space<hbm>>
      %dma_start3A_769 = arith.constant 0 : i32
      %dma_start3A_770 = tpu.memref_slice %arg4[%dma_start3A_769, %mul3A_2] : memref<32x16384xf32, #tpu.memory_space<hbm>> -> memref<32x512xf32, #tpu.memory_space<hbm>>
      tpu.enqueue_dma source(%arg8 : memref<32x512xf32, #tpu.memory_space<vmem>>) target(%dma_start3A_770 : memref<32x512xf32, #tpu.memory_space<hbm>>) target_semaphore(%run_scoped3A : memref<!tpu.dma_semaphore, #tpu.memory_space<semaphore_mem>>)
      %dma_wait3A = arith.constant 0 : i32
      %dma_wait3A_771 = tpu.memref_slice %arg4[%dma_wait3A, %mul3A_2] : memref<32x16384xf32, #tpu.memory_space<hbm>> -> memref<32x512xf32, #tpu.memory_space<hbm>>
      %dma_wait3A_772 = arith.constant 0 : i32
      %dma_wait3A_773 = tpu.memref_slice %arg4[%dma_wait3A_772, %mul3A_2] : memref<32x16384xf32, #tpu.memory_space<hbm>> -> memref<32x512xf32, #tpu.memory_space<hbm>>
      tpu.wait_dma2 semaphore(%run_scoped3A : memref<!tpu.dma_semaphore, #tpu.memory_space<semaphore_mem>>) src(%arg8 : memref<32x512xf32, #tpu.memory_space<vmem>>) dst(%dma_wait3A_773 : memref<32x512xf32, #tpu.memory_space<hbm>>)
      tpu.yield
    }) : () -> ()
    return
  }
}

</mosaic_0001>

<sc_bundles>
// kernel: kernel.3.cloned.1.call-start
scs
__scs_entry_jumppad:
0x0: {  	(pc) =	sbr.rel $0x88, $3  }
0x1: {  	(tag) =	ssettag $0x0;
	lr =	simm.s32 $0x1  }
0x2: {  	[smem:$0x3F9F] =	sst lr;
	_ =	strace $0xD0000000  }
0x3: {  	_ = 	snop  }
0x4: {  	_ = 	snop  }
0x5: {  	_ = 	snop  }
0x6: {  	_ = 	snop  }
0x7: {  	_ = 	snop  }
__scs_overlays_trampoline_lowered:
0x8: {  	[smem:$0x3FAE] =	sst s0  }
0x9: {  	[smem:$0x3FAF] =	sst s1  }
0xa: {  	[smem:$0x3FB0] =	sst s2  }
0xb: {  	[smem:$0x3FB1] =	sst s3  }
0xc: {  	[smem:$0x3FB2] =	sst s4  }
0xd: {  	[smem:$0x3FB3] =	sst s5  }
0xe: {  	[smem:$0x3FB4] =	sst s6  }
0xf: {  	[smem:$0x3FB5] =	sst s7  }
0x10: {  	[smem:$0x3FB6] =	sst s8  }
0x11: {  	[smem:$0x3FB7] =	sst s9;
	s0 =	simm.s32 @!p0 $0x0  }
0x12: {  	s1 =	sld [smem:$0x3F9D];
	s0 =	simm.s32 @p0 $0x1  }
0x13: {  	[smem:$0x3FB8] =	sst s0;
	s0 =	simm.s32 @!p1 $0x0  }
0x14: {  	s2 =	sld [smem:$0x3F9C];
	s0 =	simm.s32 @p1 $0x1  }
0x15: {  	[smem:$0x3FB9] =	sst s0;
	s0 =	simm.s32 @!p2 $0x0  }
0x16: {  	s3 =	sld [smem:$0x3FDB];
	s0 =	simm.s32 @p2 $0x1  }
0x17: {  	s4 =	simm.s32 $0x1BF5;
	[smem:$0x3FBB] =	sst s0  }
0x18: {  	s0 =	sld [smem:$0x3F9E];
	_ =	swait.ge [sflag:s4], $0x0  }
0x19: {  	s7 =	sld [smem:$0x3F9F]  }
0x1a: {  	s8 =	sadd.s32 $0xFFFFE003, lr  }
0x1b: {  	s9 =	sadd.s32 $0xFFFFFEF7, lr;
	s5 =	simm.s32 $0xFFFFFFFF;
	p2 =	slt.u32 s8, $0xFFFFF086  }
0x1c: {  	p1 =	slt.u32 s9, $0xF7A;
	s5 =	simm.s32 @!p2 $0x0  }
0x1d: {  	s5 =	simm.s32 @p1 $0x1;
	p0 =	seq.s32 s7, s2  }
0x1e: {  	s7 =	smul.u32 @!p0 $0xF7A, s2;
	p2 =	seq.s32 @!p0 s5, $0x0  }
0x1f: {  	s9 =	smul.u32 $0xF7A, s1;
	s8 =	simm.s32 @!p0 $0x1BF5;
	p2 =	por !p2, p0  }
0x20: {  	[sflag:s8] =	ssyncset.s32 @!p0 $0xFFFFF086;
	s6 =	sadd.s32 @!p0 s3, s7;
	s7 =	simm.s32 @!p0 $0x108  }
0x21: {  	s3 =	sadd.s32 s3, s9;
	s6 =	sadd.s32 @!p0 $0x88, s6;
	s7 =	simm.s32 @p2 $0x1082  }
0x22: {  	[simem:s7], [sflag:s8] =	dma.local @!p0 [hbm:s6], $0xF7A  }
0x23: {  	s9 =	sor.u32 $0xD0000000, s2;
	s6 =	simm.s32 $0x108;
	_ =	swait.ge @!p0 [sflag:s8], $0x0  }
0x24: {  	s3 =	sadd.s32 $0x88, s3;
	s6 =	simm.s32 @!p1 $0x1082;
	[sflag:s4] =	ssyncset.s32 $0xFFFFF086  }
0x25: {  	[simem:s6], [sflag:s4] =	dma.local [hbm:s3], $0xF7A  }
0x26: {  	[smem:$0x3F9F] =	sst s1;
	(tag) =	ssettag s2;
	_ =	strace s9  }
0x27: {  	s1 =	sld [smem:$0x3FAF]  }
0x28: {  	s2 =	sld [smem:$0x3FB0]  }
0x29: {  	s4 =	sld [smem:$0x3FB2]  }
0x2a: {  	p0 =	seq.s32 s5, $0x0;
	s5 =	sld [smem:$0x3FB3]  }
0x2b: {  	s6 =	sld [smem:$0x3FB4]  }
0x2c: {  	s7 =	sld [smem:$0x3FB5]  }
0x2d: {  	s3 =	simm.s32 $0x108;
	s8 =	sld [smem:$0x3FB6]  }
0x2e: {  	s3 =	simm.s32 @!p0 $0x1082;
	s9 =	sld [smem:$0x3FB7]  }
0x2f: {  	lr =	sadd.s32 s0, s3;
	s0 =	sld [smem:$0x3FAE]  }
0x30: {  	s3 =	sld [smem:$0x3FB1]  }
0x31: {  	[smem:$0x3FBA] =	sst s10  }
0x32: {  	s10 =	sld [smem:$0x3FB8];
	_ =	sdelay $0x3  }
0x33: {  	p0 =	seq.s32 s10, $0x1;
	s10 =	sld [smem:$0x3FBA];
	_ =	sdelay $0x3  }
0x34: {  	[smem:$0x3FBA] =	sst s10  }
0x35: {  	s10 =	sld [smem:$0x3FB9];
	_ =	sdelay $0x3  }
0x36: {  	p1 =	seq.s32 s10, $0x1;
	s10 =	sld [smem:$0x3FBA];
	_ =	sdelay $0x3  }
0x37: {  	[smem:$0x3FBA] =	sst s10  }
0x38: {  	s10 =	sld [smem:$0x3FBB]  }
0x39: {  	_ = 	snop;
	(pc) =	sbr.ind lr, $3  }
0x3a: {  	_ = 	snop  }
0x3b: {  	_ = 	snop  }
0x3c: {  	p2 =	seq.s32 s10, $0x1;
	s10 =	sld [smem:$0x3FBA]  }
0x3d: {  	_ =	shalt  }
0x3e: {  	_ =	shalt  }
0x3f: {  	_ =	shalt  }
0x40: {  	_ =	shalt  }
0x41: {  	_ =	shalt  }
0x42: {  	_ =	shalt  }
0x43: {  	_ =	shalt  }
0x44: {  	_ =	shalt  }
0x45: {  	_ =	shalt  }
0x46: {  	_ =	shalt  }
0x47: {  	_ =	shalt  }
0x48: {  	_ =	shalt  }
0x49: {  	_ =	shalt  }
0x4a: {  	_ =	shalt  }
0x4b: {  	_ =	shalt  }
0x4c: {  	_ =	shalt  }
0x4d: {  	_ =	shalt  }
0x4e: {  	_ =	shalt  }
0x4f: {  	_ =	shalt  }
0x50: {  	_ =	shalt  }
0x51: {  	_ =	shalt  }
0x52: {  	_ =	shalt  }
0x53: {  	_ =	shalt  }
0x54: {  	_ =	shalt  }
0x55: {  	_ =	shalt  }
0x56: {  	_ =	shalt  }
0x57: {  	_ =	shalt  }
0x58: {  	_ =	shalt  }
0x59: {  	_ =	shalt  }
0x5a: {  	_ =	shalt  }
0x5b: {  	_ =	shalt  }
0x5c: {  	_ =	shalt  }
0x5d: {  	_ =	shalt  }
0x5e: {  	_ =	shalt  }
0x5f: {  	_ =	shalt  }
0x60: {  	_ =	shalt  }
0x61: {  	_ =	shalt  }
0x62: {  	_ =	shalt  }
0x63: {  	_ =	shalt  }
0x64: {  	_ =	shalt  }
0x65: {  	_ =	shalt  }
0x66: {  	_ =	shalt  }
0x67: {  	_ =	shalt  }
0x68: {  	_ =	shalt  }
0x69: {  	_ =	shalt  }
0x6a: {  	_ =	shalt  }
0x6b: {  	_ =	shalt  }
0x6c: {  	_ =	shalt  }
0x6d: {  	_ =	shalt  }
0x6e: {  	_ =	shalt  }
0x6f: {  	_ =	shalt  }
0x70: {  	_ =	shalt  }
0x71: {  	_ =	shalt  }
0x72: {  	_ =	shalt  }
0x73: {  	_ =	shalt  }
0x74: {  	_ =	shalt  }
0x75: {  	_ =	shalt  }
0x76: {  	_ =	shalt  }
0x77: {  	_ =	shalt  }
0x78: {  	_ =	shalt  }
0x79: {  	_ =	shalt  }
0x7a: {  	_ =	shalt  }
0x7b: {  	_ =	shalt  }
0x7c: {  	_ =	shalt  }
0x7d: {  	_ =	shalt  }
0x7e: {  	_ =	shalt  }
0x7f: {  	_ =	shalt  }
0x80: {  	_ =	shalt  }
0x81: {  	_ =	shalt  }
0x82: {  	_ =	shalt  }
0x83: {  	_ =	shalt  }
0x84: {  	_ =	shalt  }
0x85: {  	_ =	shalt  }
0x86: {  	_ =	shalt  }
0x87: {  	_ =	shalt  }
.Lfunc_end0:
.L_simem_size_0:
called_computation_lowered:
.L_overlay_start_0:
0x88: {  	s2 =	sld [smem:$0x3FD9]  }
0x89: {  	s3 =	sld [smem:$0x3FFE];
	_ =	sdelay $0x1  }
0x8a: {  	s1 =	srdreg.scid  }
0x8b: {  	s0 =	sand.u32 $0x1, s1  }
0x8c: {  	s17 =	sshll.u32 s0, $0xA;
	s2 =	sadd.s32 s3, s2  }
0x8d: {  	s2 =	sadd.s32 s2, s17  }
0x8e: {  	[smem:$0x3FC6] =	sst s2  }
0x8f: {  	_ = 	snop  }
0x90: {  	s2 =	sld [smem:$0x3FC8]  }
0x91: {  	s18 =	sld [smem:$0x3FD0];
	(tm) =	ssettm $0x1  }
0x92: {  	s4 =	sld [smem:$0x3FFB];
	_ =	sdelay $0x3  }
0x93: {  	_ =	strace s4  }
0x94: {  	s4 =	sld [smem:$0x3FFC];
	_ =	sdelay $0x3  }
0x95: {  	_ =	strace s4  }
0x96: {  	s4 =	sld [smem:$0x3FFD];
	_ =	sdelay $0x3  }
0x97: {  	_ =	strace s4  }
0x98: {  	_ =	strace $0x8FFFFFFF  }
0x99: {  	s19 =	sld [smem:$0x3FDB];
	_ =	sdelay $0x1  }
0x9a: {  	s5 =	simm.s32 $_scs_section_size  }
0x9b: {  	s6 =	simm.s32 $_size__tile_overlayer_lowered;
	s7 =	simm.s32 $_tile_overlayer_lowered  }
0x9c: {  	s22 =	simm.s32 $0x1BFF;
	s21 =	sshll.u32 s7, $0x1;
	s4 =	sadd.s32 s5, s19  }
0x9d: {  	s8 =	simm.s32 $0x0;
	s20 =	sshll.u32 s6, $0x1;
	s6 =	sadd.s32 s21, s4  }
0x9e: {  	[timem:s8], [sflag:s22] =	dma.local [hbm:s6], s20  }
0x9f: {  	_ =	swait.ge [sflag:s22], s20  }
0xa0: {  	s5 =	ssub.s32 $0x0, s20;
	[sflag:s22] =	ssyncset.done $0x0  }
0xa1: {  	[sflag:s22] =	ssyncadd.s32 s5;
	_ =	sdelay $0x1  }
0xa2: {  	s23 =	simm.s32 $0x1B8B  }
0xa3: {  	_ =	swait.ge [sflag:s23], $0x1  }
0xa4: {  	[sflag:s23] =	ssyncset.done $0x0  }
0xa5: {  	s25 =	simm.s32 $0x1B8E;
	s24 =	sld [smem:$0x3FFE];
	[sflag:s23] =	ssyncadd.s32 $0xFFFFFFFF  }
0xa6: {  	s26 =	simm.s32 $execute0_lowered;
	[smem:$0x3FD2] =	sst s25  }
0xa7: {  	s6 =	sshll.u32 s26, $0x1;
	_ =	strace $0x80000046;
	[dreg:$0x1] =	wrdreg $0xFFFFFFFF  }
0xa8: {  	s28 =	simm.s32 $_size_execute0_lowered;
	s4 =	sadd.s32 s4, s6;
	[dreg:$0x0] =	wrdreg $0x0  }
0xa9: {  	s6 =	sshll.u32 s28, $0x1;
	[dreg:$0x2] =	wrdreg s4  }
0xaa: {  	[dreg:$0x3] =	wrdreg s6  }
0xab: {  	[dreg:$0x4] =	wrdreg $0xC0  }
0xac: {  	_ =	task [dreg:s8], $0x5FFFF  }
0xad: {  	[dreg:$0x1] =	wrdreg $0xFFFFFFFF  }
0xae: {  	[dreg:$0x0] =	wrdreg $0x60  }
0xaf: {  	[dreg:$0x2] =	wrdreg s24  }
0xb0: {  	[dreg:$0x3] =	wrdreg s2  }
0xb1: {  	[dreg:$0x4] =	wrdreg s18  }
0xb2: {  	[dreg:$0x5] =	wrdreg $0x9  }
0xb3: {  	_ =	task.clear_ibuf [dreg:s8], $0x6FFFF;
	_ =	strace $0x90000046  }
0xb4: {  	s29 =	simm.s32 $0x9;
	_ =	strace $0x80000048  }
0xb5: {  	_ =	swait.ge [sflag:s29], $0x1  }
0xb6: {  	[sflag:s29] =	ssyncadd.s32 $0xFFFFFFFF  }
0xb7: {  	_ =	strace $0x90000048  }
0xb8: {  	_ =	sfence  }
0xb9: {  	s30 =	sld [smem:$0x0];
	_ =	sdelay $0x2  }
0xba: {  	s31 =	sshll.u32 s1, $0xD;
	s1 =	sshrl.u32 s1, $0x2  }
0xbb: {  	s3 =	sand.u32 $0x4000, s31;
	s1 =	sadd.s32 s1, s30  }
0xbc: {  	s0 =	sor.u32 s3, s0;
	s1 =	sshll.u32 s1, $0x11  }
0xbd: {  	s0 =	sor.u32 s1, s0  }
0xbe: {  	s0 =	sadd.s32 $0x8F2B, s0  }
0xbf: {  	[sflag:s0] =	ssyncadd.remote.s32 $0x1  }
0xc0: {  	_ =	sfence.sel $0xFFFF  }
0xc1: {  	[dreg:$0x0] =	wrdreg $0xFFFFFFFF;
	(pc) =	sbr.abs _section_cstart, $3  }
0xc2: {  	[dreg:$0x1] =	wrdreg $0xFFFFFFFF  }
0xc3: {  	_ =	task.clear_ibuf [dreg:s8], $0x2FFFF;
	_ =	strace $0x9FFFFFFF  }
0xc4: {  	(tm) =	ssettm $0x7FFFFFFF  }
0xc5: {  	_ =	shalt  }
tec
execute0_lowered:
.L_overlay_start_1:
0x0: {  	(tag) =	ssettag $0x1  }
0x1: {  	s4 =	rddreg [dreg:$0x0]  }
0x2: {  	s1 =	rddreg [dreg:$0x1]  }
0x3: {  	s5 =	rddreg [dreg:$0x2]  }
0x4: {  	s0 =	rddreg [dreg:$0x3];
	s2 =	simm.s32 $0x0  }
0x5: {  	s3 =	simm.s32 $0x800;
	[smem:$0x7FF] =	sst s2  }
0x6: {  	s21 =	simm.s32 $0xC00;
	_ =	strace $0x80000047;
	[dreg:$0x4] =	wrdreg s3  }
0x7: {  	s22 =	simm.s32 $0x1400;
	[dreg:$0x5] =	wrdreg s21  }
0x8: {  	s23 =	simm.s32 $0x1800;
	[dreg:$0x6] =	wrdreg s22  }
0x9: {  	s24 =	simm.s32 $0x1C00;
	[dreg:$0x7] =	wrdreg s23  }
0xa: {  	s25 =	simm.s32 $0x2000;
	[dreg:$0x8] =	wrdreg s24  }
0xb: {  	s26 =	simm.s32 $0x2400;
	[dreg:$0x9] =	wrdreg s25  }
0xc: {  	s28 =	simm.s32 $0x2800;
	[dreg:$0xa] =	wrdreg s26  }
0xd: {  	s29 =	simm.s32 $0x2C00;
	[dreg:$0xb] =	wrdreg s28  }
0xe: {  	s30 =	simm.s32 $0x3000;
	[dreg:$0xc] =	wrdreg s29  }
0xf: {  	s31 =	simm.s32 $0x3400;
	[dreg:$0xd] =	wrdreg s30  }
0x10: {  	s6 =	simm.s32 $0x3800;
	[dreg:$0xe] =	wrdreg s31  }
0x11: {  	s7 =	simm.s32 $0x3C00;
	[dreg:$0xf] =	wrdreg s6  }
0x12: {  	s8 =	simm.s32 $0x4000;
	[dreg:$0x10] =	wrdreg s7  }
0x13: {  	s9 =	simm.s32 $0x4400;
	[dreg:$0x11] =	wrdreg s8  }
0x14: {  	s10 =	simm.s32 $0x4800;
	[dreg:$0x12] =	wrdreg s9  }
0x15: {  	s11 =	simm.s32 $0x4C00;
	[dreg:$0x13] =	wrdreg s10  }
0x16: {  	s12 =	simm.s32 $0x5000;
	[dreg:$0x14] =	wrdreg s11  }
0x17: {  	s13 =	simm.s32 $0x5400;
	[dreg:$0x15] =	wrdreg s12  }
0x18: {  	s14 =	simm.s32 $0x5800;
	[dreg:$0x16] =	wrdreg s13  }
0x19: {  	s15 =	simm.s32 $0x5C00;
	[dreg:$0x17] =	wrdreg s14  }
0x1a: {  	s16 =	simm.s32 $0x6000;
	[dreg:$0x18] =	wrdreg s15  }
0x1b: {  	s17 =	simm.s32 $0x6400;
	[dreg:$0x19] =	wrdreg s16  }
0x1c: {  	s18 =	simm.s32 $0x6800;
	[dreg:$0x1a] =	wrdreg s17  }
0x1d: {  	s19 =	simm.s32 $0x6C00;
	[dreg:$0x1b] =	wrdreg s18  }
0x1e: {  	s20 =	simm.s32 $0x7000;
	[dreg:$0x1c] =	wrdreg s19  }
0x1f: {  	[dreg:$0x1d] =	wrdreg s20;
	s21 =	simm.s32 $0x7400  }
0x20: {  	s22 =	simm.s32 $0x7800;
	[dreg:$0x1e] =	wrdreg s21  }
0x21: {  	s23 =	simm.s32 $0x7C00;
	[dreg:$0x1f] =	wrdreg s22  }
0x22: {  	s24 =	simm.s32 $0x8000;
	[smem:$0x7DC] =	sst s23  }
0x23: {  	s25 =	simm.s32 $0x8400;
	[smem:$0x7DD] =	sst s24  }
0x24: {  	s26 =	simm.s32 $0x8800;
	[smem:$0x7DE] =	sst s25  }
0x25: {  	s28 =	simm.s32 $0x8C00;
	[smem:$0x7DF] =	sst s26  }
0x26: {  	s29 =	simm.s32 $0x9000;
	[smem:$0x7E0] =	sst s28  }
0x27: {  	s30 =	simm.s32 $0x9400;
	[smem:$0x7E1] =	sst s29  }
0x28: {  	s31 =	simm.s32 $0x9800;
	[smem:$0x7E2] =	sst s30  }
0x29: {  	s6 =	simm.s32 $0x9C00;
	[smem:$0x7E3] =	sst s31  }
0x2a: {  	s7 =	simm.s32 $0xA000;
	[smem:$0x7E4] =	sst s6  }
0x2b: {  	s8 =	simm.s32 $0xA400;
	[smem:$0x7E5] =	sst s7  }
0x2c: {  	s9 =	simm.s32 $0xA800;
	[smem:$0x7E6] =	sst s8  }
0x2d: {  	s10 =	simm.s32 $0xAC00;
	[smem:$0x7E7] =	sst s9  }
0x2e: {  	s11 =	simm.s32 $0xB000;
	[smem:$0x7E8] =	sst s10  }
0x2f: {  	s12 =	simm.s32 $0xB400;
	[smem:$0x7E9] =	sst s11  }
0x30: {  	s13 =	simm.s32 $0xB800;
	[smem:$0x7EA] =	sst s12  }
0x31: {  	s14 =	simm.s32 $0xBC00;
	[smem:$0x7EB] =	sst s13  }
0x32: {  	s15 =	simm.s32 $0xC000;
	[smem:$0x7EC] =	sst s14  }
0x33: {  	s16 =	simm.s32 $0xC800;
	[smem:$0x7ED] =	sst s15  }
0x34: {  	s17 =	simm.s32 $0xCC00;
	[smem:$0x7EF] =	sst s16  }
0x35: {  	s18 =	simm.s32 $0xD000;
	[smem:$0x7F0] =	sst s17  }
0x36: {  	s19 =	simm.s32 $0xD400;
	[smem:$0x7F1] =	sst s18  }
0x37: {  	s20 =	simm.s32 $0xD800;
	[smem:$0x7F2] =	sst s19  }
0x38: {  	s7 =	simm.s32 $0xC400;
	[smem:$0x7F3] =	sst s20  }
0x39: {  	s3 =	stileid.u32;
	s21 =	simm.s32 $0xDC00;
	[smem:$0x7EE] =	sst s7  }
0x3a: {  	s6 =	srdreg.scid;
	s22 =	simm.s32 $0xE000;
	[smem:$0x7F4] =	sst s21  }
0x3b: {  	s8 =	sshll.u32 s3, $0xA;
	s23 =	simm.s32 $0xE400;
	[smem:$0x7F5] =	sst s22  }
0x3c: {  	s25 =	simm.s32 $0xE800;
	s26 =	simm.s32 $0xEC00;
	[smem:$0x7F6] =	sst s23  }
0x3d: {  	s28 =	simm.s32 $0xF000;
	s29 =	simm.s32 $0xF400;
	[smem:$0x7F7] =	sst s25  }
0x3e: {  	s30 =	simm.s32 $0xF800;
	s31 =	simm.s32 $0xFC00;
	[smem:$0x7F8] =	sst s26  }
0x3f: {  	s11 =	simm.s32 $0x10000;
	s10 =	simm.s32 $0x1000;
	[smem:$0x7F9] =	sst s28  }
0x40: {  	s12 =	simm.s32 $0x10400;
	s13 =	simm.s32 $0x0;
	[smem:$0x7FA] =	sst s29  }
0x41: {  	s6 =	sand.u32 $0x1, s6;
	s7 =	simm.s32 $0x2;
	[smem:$0x7FB] =	sst s30  }
0x42: {  	[smem:$0x7FC] =	sst s31;
	s9 =	sshll.u32 s6, $0x9;
	s6 =	ssub.s32 $0x2, s6  }
0x43: {  	[smem:$0x7FD] =	sst s11;
	s8 =	sor.u32 s9, s8;
	s24 =	sshrl.u32 s6, $0x1  }
0x44: {  	s11 =	simm.s32 $0x20000;
	s9 =	sshrl.u32 s8, $0x3;
	s6 =	ssub.s32 s6, s24  }
0x45: {  	v0 =	vlaneseq.u32;
	s5 =	sadd.s32 s5, s8;
	s8 =	simm.s32 $0x1;
	s4 =	sadd.s32 s9, s4  }
0x46: {  	v0 =	vmul.u32 $0x1000, v0;
	s6 =	smax.u32 s6, $0x1;
	s9 =	simm.s32 $0x400;
	s4 =	sadd.s32 $0x400, s4  }
.LBB2_1:
0x47: {  	[tilespmem:s2], [sflag:$0x2] =	stream.linear.gather [hbm4b:s4+s2], $0x200, $0x38;
	[tilespmem:$0x14400] =	vst v63  }
0x48: {  	_ =	swait.ge [sflag:s7], $0x200  }
0x49: {  	[sflag:s7] =	ssyncset.done $0x0  }
0x4a: {  	[sflag:s7] =	ssyncadd.s32 $0xFFFFFE00  }
0x4b: {  	v1 =	vld [tilespmem:$0x0]  }
0x4c: {  	v2 =	vld [tilespmem:$0x10]  }
0x4d: {  	v3 =	vld [tilespmem:$0x20];
	_ =	sdelay $0x3  }
0x4e: {  	v4 =	vld [tilespmem:$0x30];
	vm0 =	veq.s32 v1, $0xFFFFFFFF  }
0x4f: {  	vm5 =	veq.s32 v2, $0xFFFFFFFF;
	vm6 =	veq.s32 v3, $0xFFFFFFFF;
	v1 =	vsel vm0, $0x0, v1  }
0x50: {  	v5 =	vld [tilespmem:$0x40];
	v2 =	vsel vm5, $0x0, v2;
	vm1 =	veq.s32 v1, $0xFFFFFF9C;
	v1 =	vadd.s32 $0x1, v1  }
0x51: {  	v6 =	vld [tilespmem:$0x50];
	vm0 =	veq.s32 v2, $0xFFFFFF9C;
	v2 =	vadd.s32 $0x1, v2;
	v1 =	vsel vm1, $0x1, v1  }
0x52: {  	v3 =	vsel vm6, $0x0, v3;
	v2 =	vsel vm0, $0x1, v2;
	[tilespmem:$0x0] =	vst v1  }
0x53: {  	vm7 =	veq.s32 v4, $0xFFFFFFFF;
	vm8 =	veq.s32 v3, $0xFFFFFF9C;
	v1 =	vand.u32 $0x7F, v1;
	[tilespmem:$0x10] =	vst v2  }
0x54: {  	[tilespmem:$0x200] =	vst v1;
	v1 =	vand.u32 $0x7F, v2;
	v2 =	vadd.s32 $0x1, v3;
	v3 =	vsel vm7, $0x0, v4  }
0x55: {  	[tilespmem:$0x210] =	vst v1;
	v1 =	vsel vm8, $0x1, v2;
	vm0 =	veq.s32 v3, $0xFFFFFF9C;
	v2 =	vadd.s32 $0x1, v3;
	v3 =	vld [tilespmem:$0x60]  }
0x56: {  	v38 =	vld [tilespmem:$0x70];
	vm9 =	veq.s32 v5, $0xFFFFFFFF;
	vm10 =	veq.s32 v6, $0xFFFFFFFF;
	[tilespmem:$0x20] =	vst v1;
	v1 =	vand.u32 $0x7F, v1  }
0x57: {  	v5 =	vsel vm9, $0x0, v5;
	v39 =	vsel vm10, $0x0, v6;
	v2 =	vsel vm0, $0x1, v2;
	[tilespmem:$0x220] =	vst v1  }
0x58: {  	v40 =	vld [tilespmem:$0x80];
	vm11 =	veq.s32 v5, $0xFFFFFF9C;
	v1 =	vand.u32 $0x7F, v2;
	[tilespmem:$0x30] =	vst v2;
	v2 =	vadd.s32 $0x1, v5  }
0x59: {  	v41 =	vld [tilespmem:$0x90];
	vm0 =	veq.s32 v39, $0xFFFFFF9C;
	[tilespmem:$0x230] =	vst v1;
	v1 =	vsel vm11, $0x1, v2;
	v2 =	vadd.s32 $0x1, v39  }
0x5a: {  	[tilespmem:$0x40] =	vst v1;
	v1 =	vand.u32 $0x7F, v1;
	v2 =	vsel vm0, $0x1, v2;
	vm12 =	veq.s32 v3, $0xFFFFFFFF  }
0x5b: {  	vm13 =	veq.s32 v38, $0xFFFFFFFF;
	[tilespmem:$0x240] =	vst v1;
	v1 =	vand.u32 $0x7F, v2;
	v3 =	vsel vm12, $0x0, v3  }
0x5c: {  	[tilespmem:$0x50] =	vst v2;
	vm14 =	veq.s32 v3, $0xFFFFFF9C;
	v2 =	vadd.s32 $0x1, v3;
	v3 =	vsel vm13, $0x0, v38  }
0x5d: {  	[tilespmem:$0x250] =	vst v1;
	v1 =	vsel vm14, $0x1, v2;
	vm0 =	veq.s32 v3, $0xFFFFFF9C;
	v2 =	vadd.s32 $0x1, v3;
	v3 =	vld [tilespmem:$0xA0]  }
0x5e: {  	v42 =	vld [tilespmem:$0xB0];
	vm15 =	veq.s32 v40, $0xFFFFFFFF;
	vm4 =	veq.s32 v41, $0xFFFFFFFF;
	[tilespmem:$0x60] =	vst v1;
	v1 =	vand.u32 $0x7F, v1  }
0x5f: {  	v43 =	vsel vm4, $0x0, v41;
	v5 =	vsel vm15, $0x0, v40;
	v2 =	vsel vm0, $0x1, v2;
	[tilespmem:$0x260] =	vst v1  }
0x60: {  	v44 =	vld [tilespmem:$0xC0];
	vm5 =	veq.s32 v5, $0xFFFFFF9C;
	v1 =	vand.u32 $0x7F, v2;
	[tilespmem:$0x70] =	vst v2;
	v2 =	vadd.s32 $0x1, v5  }
0x61: {  	v45 =	vld [tilespmem:$0xD0];
	vm0 =	veq.s32 v43, $0xFFFFFF9C;
	[tilespmem:$0x270] =	vst v1;
	v1 =	vsel vm5, $0x1, v2;
	v2 =	vadd.s32 $0x1, v43  }
0x62: {  	[tilespmem:$0x80] =	vst v1;
	v1 =	vand.u32 $0x7F, v1;
	v2 =	vsel vm0, $0x1, v2;
	vm6 =	veq.s32 v3, $0xFFFFFFFF  }
0x63: {  	vm7 =	veq.s32 v42, $0xFFFFFFFF;
	[tilespmem:$0x280] =	vst v1;
	v1 =	vand.u32 $0x7F, v2;
	v3 =	vsel vm6, $0x0, v3  }
0x64: {  	[tilespmem:$0x90] =	vst v2;
	vm8 =	veq.s32 v3, $0xFFFFFF9C;
	v2 =	vadd.s32 $0x1, v3;
	v3 =	vsel vm7, $0x0, v42  }
0x65: {  	[tilespmem:$0x290] =	vst v1;
	v1 =	vsel vm8, $0x1, v2;
	vm0 =	veq.s32 v3, $0xFFFFFF9C;
	v2 =	vadd.s32 $0x1, v3;
	v3 =	vld [tilespmem:$0xE0]  }
0x66: {  	v46 =	vld [tilespmem:$0xF0];
	vm9 =	veq.s32 v44, $0xFFFFFFFF;
	vm10 =	veq.s32 v45, $0xFFFFFFFF;
	[tilespmem:$0xA0] =	vst v1;
	v1 =	vand.u32 $0x7F, v1  }
0x67: {  	v47 =	vsel vm10, $0x0, v45;
	v5 =	vsel vm9, $0x0, v44;
	v2 =	vsel vm0, $0x1, v2;
	[tilespmem:$0x2A0] =	vst v1  }
0x68: {  	v48 =	vld [tilespmem:$0x100];
	vm11 =	veq.s32 v5, $0xFFFFFF9C;
	v1 =	vand.u32 $0x7F, v2;
	[tilespmem:$0xB0] =	vst v2;
	v2 =	vadd.s32 $0x1, v5  }
0x69: {  	v49 =	vld [tilespmem:$0x110];
	vm0 =	veq.s32 v47, $0xFFFFFF9C;
	[tilespmem:$0x2B0] =	vst v1;
	v1 =	vsel vm11, $0x1, v2;
	v2 =	vadd.s32 $0x1, v47  }
0x6a: {  	[tilespmem:$0xC0] =	vst v1;
	v1 =	vand.u32 $0x7F, v1;
	v2 =	vsel vm0, $0x1, v2;
	vm12 =	veq.s32 v3, $0xFFFFFFFF  }
0x6b: {  	vm13 =	veq.s32 v46, $0xFFFFFFFF;
	[tilespmem:$0x2C0] =	vst v1;
	v1 =	vand.u32 $0x7F, v2;
	v3 =	vsel vm12, $0x0, v3  }
0x6c: {  	[tilespmem:$0xD0] =	vst v2;
	vm14 =	veq.s32 v3, $0xFFFFFF9C;
	v2 =	vadd.s32 $0x1, v3;
	v3 =	vsel vm13, $0x0, v46  }
0x6d: {  	[tilespmem:$0x2D0] =	vst v1;
	v1 =	vsel vm14, $0x1, v2;
	vm0 =	veq.s32 v3, $0xFFFFFF9C;
	v2 =	vadd.s32 $0x1, v3;
	v3 =	vld [tilespmem:$0x120]  }
0x6e: {  	v50 =	vld [tilespmem:$0x130];
	vm4 =	veq.s32 v49, $0xFFFFFFFF;
	vm15 =	veq.s32 v48, $0xFFFFFFFF;
	[tilespmem:$0xE0] =	vst v1;
	v1 =	vand.u32 $0x7F, v1  }
0x6f: {  	v51 =	vsel vm4, $0x0, v49;
	v5 =	vsel vm15, $0x0, v48;
	v2 =	vsel vm0, $0x1, v2;
	[tilespmem:$0x2E0] =	vst v1  }
0x70: {  	v52 =	vld [tilespmem:$0x140];
	vm5 =	veq.s32 v5, $0xFFFFFF9C;
	v1 =	vand.u32 $0x7F, v2;
	[tilespmem:$0xF0] =	vst v2;
	v2 =	vadd.s32 $0x1, v5  }
0x71: {  	v53 =	vld [tilespmem:$0x150];
	vm0 =	veq.s32 v51, $0xFFFFFF9C;
	[tilespmem:$0x2F0] =	vst v1;
	v1 =	vsel vm5, $0x1, v2;
	v2 =	vadd.s32 $0x1, v51  }
0x72: {  	[tilespmem:$0x100] =	vst v1;
	v1 =	vand.u32 $0x7F, v1;
	v2 =	vsel vm0, $0x1, v2;
	vm6 =	veq.s32 v3, $0xFFFFFFFF  }
0x73: {  	vm7 =	veq.s32 v50, $0xFFFFFFFF;
	[tilespmem:$0x300] =	vst v1;
	v1 =	vand.u32 $0x7F, v2;
	v3 =	vsel vm6, $0x0, v3  }
0x74: {  	[tilespmem:$0x110] =	vst v2;
	vm8 =	veq.s32 v3, $0xFFFFFF9C;
	v2 =	vadd.s32 $0x1, v3;
	v3 =	vsel vm7, $0x0, v50  }
0x75: {  	[tilespmem:$0x310] =	vst v1;
	v1 =	vsel vm8, $0x1, v2;
	vm0 =	veq.s32 v3, $0xFFFFFF9C;
	v2 =	vadd.s32 $0x1, v3;
	v3 =	vld [tilespmem:$0x160]  }
0x76: {  	v54 =	vld [tilespmem:$0x170];
	vm10 =	veq.s32 v53, $0xFFFFFFFF;
	vm9 =	veq.s32 v52, $0xFFFFFFFF;
	[tilespmem:$0x120] =	vst v1;
	v1 =	vand.u32 $0x7F, v1  }
0x77: {  	v55 =	vsel vm10, $0x0, v53;
	v5 =	vsel vm9, $0x0, v52;
	v2 =	vsel vm0, $0x1, v2;
	[tilespmem:$0x320] =	vst v1  }
0x78: {  	v56 =	vld [tilespmem:$0x180];
	vm11 =	veq.s32 v5, $0xFFFFFF9C;
	v1 =	vand.u32 $0x7F, v2;
	[tilespmem:$0x130] =	vst v2;
	v2 =	vadd.s32 $0x1, v5  }
0x79: {  	v57 =	vld [tilespmem:$0x190];
	vm0 =	veq.s32 v55, $0xFFFFFF9C;
	[tilespmem:$0x330] =	vst v1;
	v1 =	vsel vm11, $0x1, v2;
	v2 =	vadd.s32 $0x1, v55  }
0x7a: {  	[tilespmem:$0x140] =	vst v1;
	v1 =	vand.u32 $0x7F, v1;
	v2 =	vsel vm0, $0x1, v2;
	vm12 =	veq.s32 v3, $0xFFFFFFFF  }
0x7b: {  	vm13 =	veq.s32 v54, $0xFFFFFFFF;
	[tilespmem:$0x340] =	vst v1;
	v1 =	vand.u32 $0x7F, v2;
	v3 =	vsel vm12, $0x0, v3  }
0x7c: {  	[tilespmem:$0x150] =	vst v2;
	vm14 =	veq.s32 v3, $0xFFFFFF9C;
	v2 =	vadd.s32 $0x1, v3;
	v3 =	vsel vm13, $0x0, v54  }
0x7d: {  	[tilespmem:$0x350] =	vst v1;
	v1 =	vsel vm14, $0x1, v2;
	vm0 =	veq.s32 v3, $0xFFFFFF9C;
	v2 =	vadd.s32 $0x1, v3;
	v3 =	vld [tilespmem:$0x1A0]  }
0x7e: {  	v58 =	vld [tilespmem:$0x1B0];
	vm4 =	veq.s32 v57, $0xFFFFFFFF;
	vm15 =	veq.s32 v56, $0xFFFFFFFF;
	[tilespmem:$0x160] =	vst v1;
	v1 =	vand.u32 $0x7F, v1  }
0x7f: {  	v59 =	vsel vm4, $0x0, v57;
	v5 =	vsel vm15, $0x0, v56;
	v2 =	vsel vm0, $0x1, v2;
	[tilespmem:$0x360] =	vst v1  }
0x80: {  	v60 =	vld [tilespmem:$0x1C0];
	vm5 =	veq.s32 v5, $0xFFFFFF9C;
	v1 =	vand.u32 $0x7F, v2;
	[tilespmem:$0x170] =	vst v2;
	v2 =	vadd.s32 $0x1, v5  }
0x81: {  	vm0 =	veq.s32 v59, $0xFFFFFF9C;
	[tilespmem:$0x370] =	vst v1;
	v1 =	vsel vm5, $0x1, v2  }
0x82: {  	v61 =	vld [tilespmem:$0x1D0];
	v2 =	vadd.s32 $0x1, v59;
	[tilespmem:$0x180] =	vst v1;
	v1 =	vand.u32 $0x7F, v1;
	vm6 =	veq.s32 v3, $0xFFFFFFFF  }
0x83: {  	vm7 =	veq.s32 v58, $0xFFFFFFFF;
	v2 =	vsel vm0, $0x1, v2;
	[tilespmem:$0x380] =	vst v1;
	v3 =	vsel vm6, $0x0, v3  }
0x84: {  	v1 =	vand.u32 $0x7F, v2;
	[tilespmem:$0x190] =	vst v2;
	vm8 =	veq.s32 v3, $0xFFFFFF9C;
	v2 =	vadd.s32 $0x1, v3  }
0x85: {  	vm9 =	veq.s32 v60, $0xFFFFFFFF;
	[tilespmem:$0x390] =	vst v1;
	v3 =	vsel vm7, $0x0, v58;
	v1 =	vsel vm8, $0x1, v2  }
0x86: {  	vm0 =	veq.s32 v3, $0xFFFFFF9C;
	v2 =	vadd.s32 $0x1, v3;
	v3 =	vld [tilespmem:$0x1E0];
	[tilespmem:$0x1A0] =	vst v1;
	v1 =	vand.u32 $0x7F, v1  }
0x87: {  	v63 =	vld [tilespmem:$0x1F0];
	vm10 =	veq.s32 v61, $0xFFFFFFFF;
	v62 =	vsel vm9, $0x0, v60;
	v2 =	vsel vm0, $0x1, v2;
	[tilespmem:$0x3A0] =	vst v1  }
0x88: {  	v4 =	vadd.s32 $0x1, v62;
	vm11 =	veq.s32 v62, $0xFFFFFF9C;
	v1 =	vand.u32 $0x7F, v2;
	[tilespmem:$0x1B0] =	vst v2  }
0x89: {  	v2 =	vsel vm10, $0x0, v61;
	[tilespmem:$0x3B0] =	vst v1;
	v1 =	vsel vm11, $0x1, v4  }
0x8a: {  	vm12 =	veq.s32 v2, $0xFFFFFF9C;
	v2 =	vadd.s32 $0x1, v2;
	[tilespmem:$0x1C0] =	vst v1;
	v1 =	vand.u32 $0x7F, v1  }
0x8b: {  	v2 =	vsel vm12, $0x1, v2;
	vm13 =	veq.s32 v3, $0xFFFFFFFF;
	[tilespmem:$0x3C0] =	vst v1  }
0x8c: {  	vm14 =	veq.s32 v63, $0xFFFFFFFF;
	v1 =	vand.u32 $0x7F, v2;
	[tilespmem:$0x1D0] =	vst v2;
	v3 =	vsel vm13, $0x0, v3  }
0x8d: {  	[tilespmem:$0x3D0] =	vst v1;
	v1 =	vsel vm14, $0x0, v63;
	vm0 =	veq.s32 v3, $0xFFFFFF9C;
	v2 =	vadd.s32 $0x1, v3  }
0x8e: {  	vm15 =	veq.s32 v1, $0xFFFFFF9C;
	v1 =	vadd.s32 $0x1, v1;
	v2 =	vsel vm0, $0x1, v2  }
0x8f: {  	v1 =	vsel vm15, $0x1, v1;
	[tilespmem:$0x1E0] =	vst v2  }
0x90: {  	v2 =	vand.u32 $0x7F, v2;
	[tilespmem:$0x1F0] =	vst v1  }
0x91: {  	s14 =	simm.s32 $0x200;
	v1 =	vand.u32 $0x7F, v1;
	[tilespmem:$0x3E0] =	vst v2  }
0x92: {  	s15 =	simm.s32 $0x0;
	s16 =	simm.s32 $0x0;
	s17 =	simm.s32 $0x0;
	[tilespmem:$0x3F0] =	vst v1  }
.LBB2_2:
0x93: {  	v1 =	vld [tilespmem:s15+$0x0];
	_ =	sdelay $0x4  }
0x94: {  	(v2sf) =	vpush v1, $0x0;
	_ =	sdelay $0xe  }
0x95: {  	s18 =	spop (v2sf)  }
0x96: {  	s19 =	sand.u32 $0x7F, s18  }
0x97: {  	(v2sf) =	vpush v1, $0x1;
	s20 =	sshra.s32 s18, $0x1F;
	p0 =	slt.s32 s18, $0x1;
	p1 =	sne.s32 s19, $0x0  }
0x98: {  	s22 =	sshrl.u32 s20, $0x19;
	p0 =	por !p0, !p1  }
0x99: {  	s19 =	simm.s32 $0x1;
	s18 =	sadd.s32 s22, s18;
	p0 =	por !p0, !p0  }
0x9a: {  	s18 =	sshrl.u32 s18, $0x7;
	s19 =	simm.s32 @!p0 $0x0  }
0x9b: {  	s18 =	ssub.s32 s18, s19  }
0x9c: {  	s18 =	sshll.u32 s18, $0xA  }
0x9d: {  	s23 =	sshrl.u32 s18, $0x3  }
0x9e: {  	s24 =	sadd.s32 $0x7A1400, s18;
	s19 =	sadd.s32 s1, s23  }
0x9f: {  	[tilespmem:s9], [sflag:$0x1] =	stream.linear.gather [hbm4b:s19+s2], $0x400, $0x38;
	[tilespmem:$0x14400] =	vst v63  }
0xa0: {  	s19 =	sshrl.u32 s24, $0x3  }
0xa1: {  	s25 =	rddreg [dreg:$0x4];
	s26 =	sadd.s32 $0xF42800, s18;
	s19 =	sadd.s32 s1, s19  }
0xa2: {  	[tilespmem:s25], [sflag:$0x1] =	stream.linear.gather [hbm4b:s19+s2], $0x400, $0x38;
	[tilespmem:$0x14400] =	vst v63  }
0xa3: {  	s18 =	sadd.s32 $0x16E3C00, s18;
	s19 =	sshrl.u32 s26, $0x3  }
0xa4: {  	s28 =	rddreg [dreg:$0x5];
	s18 =	sshrl.u32 s18, $0x3;
	s19 =	sadd.s32 s1, s19  }
0xa5: {  	[tilespmem:s28], [sflag:$0x1] =	stream.linear.gather [hbm4b:s19+s2], $0x400, $0x38;
	[tilespmem:$0x14400] =	vst v63  }
0xa6: {  	s18 =	sadd.s32 s1, s18;
	s29 =	spop (v2sf)  }
0xa7: {  	[tilespmem:s10], [sflag:$0x1] =	stream.linear.gather [hbm4b:s18+s2], $0x400, $0x38;
	[tilespmem:$0x14400] =	vst v63  }
0xa8: {  	(v2sf) =	vpush v1, $0x2;
	s30 =	sand.u32 $0x7F, s29  }
0xa9: {  	s31 =	sshra.s32 s29, $0x1F;
	p1 =	slt.s32 s29, $0x1;
	p2 =	sne.s32 s30, $0x0  }
0xaa: {  	s20 =	sshrl.u32 s31, $0x19;
	p0 =	por !p1, !p2  }
0xab: {  	s19 =	simm.s32 $0x1;
	s18 =	sadd.s32 s20, s29;
	p0 =	por !p0, !p0  }
0xac: {  	s18 =	sshrl.u32 s18, $0x7;
	s19 =	simm.s32 @!p0 $0x0  }
0xad: {  	s18 =	ssub.s32 s18, s19  }
0xae: {  	s18 =	sshll.u32 s18, $0xA  }
0xaf: {  	s22 =	sshrl.u32 s18, $0x3;
	s23 =	sadd.s32 $0x7A1400, s18  }
0xb0: {  	s21 =	rddreg [dreg:$0x6];
	s20 =	sadd.s32 s1, s22;
	s19 =	sshrl.u32 s23, $0x3  }
0xb1: {  	[tilespmem:s21], [sflag:$0x1] =	stream.linear.gather [hbm4b:s20+s2], $0x400, $0x38;
	[tilespmem:$0x14400] =	vst v63  }
0xb2: {  	s24 =	rddreg [dreg:$0x7];
	s25 =	sadd.s32 $0xF42800, s18;
	s19 =	sadd.s32 s1, s19  }
0xb3: {  	[tilespmem:s24], [sflag:$0x1] =	stream.linear.gather [hbm4b:s19+s2], $0x400, $0x38;
	[tilespmem:$0x14400] =	vst v63  }
0xb4: {  	s18 =	sadd.s32 $0x16E3C00, s18;
	s19 =	sshrl.u32 s25, $0x3  }
0xb5: {  	s26 =	rddreg [dreg:$0x8];
	s18 =	sshrl.u32 s18, $0x3;
	s19 =	sadd.s32 s1, s19  }
0xb6: {  	[tilespmem:s26], [sflag:$0x1] =	stream.linear.gather [hbm4b:s19+s2], $0x400, $0x38;
	[tilespmem:$0x14400] =	vst v63  }
0xb7: {  	s28 =	rddreg [dreg:$0x9];
	s18 =	sadd.s32 s1, s18;
	s29 =	spop (v2sf)  }
0xb8: {  	[tilespmem:s28], [sflag:$0x1] =	stream.linear.gather [hbm4b:s18+s2], $0x400, $0x38;
	[tilespmem:$0x14400] =	vst v63  }
0xb9: {  	(v2sf) =	vpush v1, $0x3;
	s30 =	sand.u32 $0x7F, s29  }
0xba: {  	s31 =	sshra.s32 s29, $0x1F;
	p3 =	slt.s32 s29, $0x1;
	p4 =	sne.s32 s30, $0x0  }
0xbb: {  	s20 =	sshrl.u32 s31, $0x19;
	p0 =	por !p3, !p4  }
0xbc: {  	s19 =	simm.s32 $0x1;
	s18 =	sadd.s32 s20, s29;
	p0 =	por !p0, !p0  }
0xbd: {  	s18 =	sshrl.u32 s18, $0x7;
	s19 =	simm.s32 @!p0 $0x0  }
0xbe: {  	s18 =	ssub.s32 s18, s19  }
0xbf: {  	s18 =	sshll.u32 s18, $0xA  }
0xc0: {  	s22 =	sshrl.u32 s18, $0x3;
	s23 =	sadd.s32 $0x7A1400, s18  }
0xc1: {  	s21 =	rddreg [dreg:$0xa];
	s20 =	sadd.s32 s1, s22;
	s19 =	sshrl.u32 s23, $0x3  }
0xc2: {  	[tilespmem:s21], [sflag:$0x1] =	stream.linear.gather [hbm4b:s20+s2], $0x400, $0x38;
	[tilespmem:$0x14400] =	vst v63  }
0xc3: {  	s24 =	rddreg [dreg:$0xb];
	s25 =	sadd.s32 $0xF42800, s18;
	s19 =	sadd.s32 s1, s19  }
0xc4: {  	[tilespmem:s24], [sflag:$0x1] =	stream.linear.gather [hbm4b:s19+s2], $0x400, $0x38;
	[tilespmem:$0x14400] =	vst v63  }
0xc5: {  	s18 =	sadd.s32 $0x16E3C00, s18;
	s19 =	sshrl.u32 s25, $0x3  }
0xc6: {  	s26 =	rddreg [dreg:$0xc];
	s18 =	sshrl.u32 s18, $0x3;
	s19 =	sadd.s32 s1, s19  }
0xc7: {  	[tilespmem:s26], [sflag:$0x1] =	stream.linear.gather [hbm4b:s19+s2], $0x400, $0x38;
	[tilespmem:$0x14400] =	vst v63  }
0xc8: {  	s28 =	rddreg [dreg:$0xd];
	s18 =	sadd.s32 s1, s18;
	s29 =	spop (v2sf)  }
0xc9: {  	[tilespmem:s28], [sflag:$0x1] =	stream.linear.gather [hbm4b:s18+s2], $0x400, $0x38;
	[tilespmem:$0x14400] =	vst v63  }
0xca: {  	(v2sf) =	vpush v1, $0x4;
	s30 =	sand.u32 $0x7F, s29  }
0xcb: {  	s31 =	sshra.s32 s29, $0x1F;
	p5 =	slt.s32 s29, $0x1;
	p6 =	sne.s32 s30, $0x0  }
0xcc: {  	s20 =	sshrl.u32 s31, $0x19;
	p0 =	por !p5, !p6  }
0xcd: {  	s19 =	simm.s32 $0x1;
	s18 =	sadd.s32 s20, s29;
	p0 =	por !p0, !p0  }
0xce: {  	s18 =	sshrl.u32 s18, $0x7;
	s19 =	simm.s32 @!p0 $0x0  }
0xcf: {  	s18 =	ssub.s32 s18, s19  }
0xd0: {  	s18 =	sshll.u32 s18, $0xA  }
0xd1: {  	s22 =	sshrl.u32 s18, $0x3;
	s23 =	sadd.s32 $0x7A1400, s18  }
0xd2: {  	s21 =	rddreg [dreg:$0xe];
	s20 =	sadd.s32 s1, s22;
	s19 =	sshrl.u32 s23, $0x3  }
0xd3: {  	[tilespmem:s21], [sflag:$0x1] =	stream.linear.gather [hbm4b:s20+s2], $0x400, $0x38;
	[tilespmem:$0x14400] =	vst v63  }
0xd4: {  	s24 =	rddreg [dreg:$0xf];
	s25 =	sadd.s32 $0xF42800, s18;
	s19 =	sadd.s32 s1, s19  }
0xd5: {  	[tilespmem:s24], [sflag:$0x1] =	stream.linear.gather [hbm4b:s19+s2], $0x400, $0x38;
	[tilespmem:$0x14400] =	vst v63  }
0xd6: {  	s18 =	sadd.s32 $0x16E3C00, s18;
	s19 =	sshrl.u32 s25, $0x3  }
0xd7: {  	s26 =	rddreg [dreg:$0x10];
	s18 =	sshrl.u32 s18, $0x3;
	s19 =	sadd.s32 s1, s19  }
0xd8: {  	[tilespmem:s26], [sflag:$0x1] =	stream.linear.gather [hbm4b:s19+s2], $0x400, $0x38;
	[tilespmem:$0x14400] =	vst v63  }
0xd9: {  	s28 =	rddreg [dreg:$0x11];
	s18 =	sadd.s32 s1, s18;
	s29 =	spop (v2sf)  }
0xda: {  	[tilespmem:s28], [sflag:$0x1] =	stream.linear.gather [hbm4b:s18+s2], $0x400, $0x38;
	[tilespmem:$0x14400] =	vst v63  }
0xdb: {  	(v2sf) =	vpush v1, $0x5;
	s30 =	sand.u32 $0x7F, s29  }
0xdc: {  	s31 =	sshra.s32 s29, $0x1F;
	p1 =	slt.s32 s29, $0x1;
	p2 =	sne.s32 s30, $0x0  }
0xdd: {  	s20 =	sshrl.u32 s31, $0x19;
	p0 =	por !p1, !p2  }
0xde: {  	s19 =	simm.s32 $0x1;
	s18 =	sadd.s32 s20, s29;
	p0 =	por !p0, !p0  }
0xdf: {  	s18 =	sshrl.u32 s18, $0x7;
	s19 =	simm.s32 @!p0 $0x0  }
0xe0: {  	s18 =	ssub.s32 s18, s19  }
0xe1: {  	s18 =	sshll.u32 s18, $0xA  }
0xe2: {  	s22 =	sshrl.u32 s18, $0x3;
	s23 =	sadd.s32 $0x7A1400, s18  }
0xe3: {  	s21 =	rddreg [dreg:$0x12];
	s20 =	sadd.s32 s1, s22;
	s19 =	sshrl.u32 s23, $0x3  }
0xe4: {  	[tilespmem:s21], [sflag:$0x1] =	stream.linear.gather [hbm4b:s20+s2], $0x400, $0x38;
	[tilespmem:$0x14400] =	vst v63  }
0xe5: {  	s24 =	rddreg [dreg:$0x13];
	s25 =	sadd.s32 $0xF42800, s18;
	s19 =	sadd.s32 s1, s19  }
0xe6: {  	[tilespmem:s24], [sflag:$0x1] =	stream.linear.gather [hbm4b:s19+s2], $0x400, $0x38;
	[tilespmem:$0x14400] =	vst v63  }
0xe7: {  	s18 =	sadd.s32 $0x16E3C00, s18;
	s19 =	sshrl.u32 s25, $0x3  }
0xe8: {  	s26 =	rddreg [dreg:$0x14];
	s18 =	sshrl.u32 s18, $0x3;
	s19 =	sadd.s32 s1, s19  }
0xe9: {  	[tilespmem:s26], [sflag:$0x1] =	stream.linear.gather [hbm4b:s19+s2], $0x400, $0x38;
	[tilespmem:$0x14400] =	vst v63  }
0xea: {  	s28 =	rddreg [dreg:$0x15];
	s18 =	sadd.s32 s1, s18;
	s29 =	spop (v2sf)  }
0xeb: {  	[tilespmem:s28], [sflag:$0x1] =	stream.linear.gather [hbm4b:s18+s2], $0x400, $0x38;
	[tilespmem:$0x14400] =	vst v63  }
0xec: {  	(v2sf) =	vpush v1, $0x6;
	s30 =	sand.u32 $0x7F, s29  }
0xed: {  	s31 =	sshra.s32 s29, $0x1F;
	p3 =	slt.s32 s29, $0x1;
	p4 =	sne.s32 s30, $0x0  }
0xee: {  	s20 =	sshrl.u32 s31, $0x19;
	p0 =	por !p3, !p4  }
0xef: {  	s19 =	simm.s32 $0x1;
	s18 =	sadd.s32 s20, s29;
	p0 =	por !p0, !p0  }
0xf0: {  	s18 =	sshrl.u32 s18, $0x7;
	s19 =	simm.s32 @!p0 $0x0  }
0xf1: {  	s18 =	ssub.s32 s18, s19  }
0xf2: {  	s18 =	sshll.u32 s18, $0xA  }
0xf3: {  	s22 =	sshrl.u32 s18, $0x3;
	s23 =	sadd.s32 $0x7A1400, s18  }
0xf4: {  	s21 =	rddreg [dreg:$0x16];
	s20 =	sadd.s32 s1, s22;
	s19 =	sshrl.u32 s23, $0x3  }
0xf5: {  	[tilespmem:s21], [sflag:$0x1] =	stream.linear.gather [hbm4b:s20+s2], $0x400, $0x38;
	[tilespmem:$0x14400] =	vst v63  }
0xf6: {  	s24 =	rddreg [dreg:$0x17];
	s25 =	sadd.s32 $0xF42800, s18;
	s19 =	sadd.s32 s1, s19  }
0xf7: {  	[tilespmem:s24], [sflag:$0x1] =	stream.linear.gather [hbm4b:s19+s2], $0x400, $0x38;
	[tilespmem:$0x14400] =	vst v63  }
0xf8: {  	s18 =	sadd.s32 $0x16E3C00, s18;
	s19 =	sshrl.u32 s25, $0x3  }
0xf9: {  	s26 =	rddreg [dreg:$0x18];
	s18 =	sshrl.u32 s18, $0x3;
	s19 =	sadd.s32 s1, s19  }
0xfa: {  	[tilespmem:s26], [sflag:$0x1] =	stream.linear.gather [hbm4b:s19+s2], $0x400, $0x38;
	[tilespmem:$0x14400] =	vst v63  }
0xfb: {  	s28 =	rddreg [dreg:$0x19];
	s18 =	sadd.s32 s1, s18;
	s29 =	spop (v2sf)  }
0xfc: {  	[tilespmem:s28], [sflag:$0x1] =	stream.linear.gather [hbm4b:s18+s2], $0x400, $0x38;
	[tilespmem:$0x14400] =	vst v63  }
0xfd: {  	(v2sf) =	vpush v1, $0x7;
	s30 =	sand.u32 $0x7F, s29  }
0xfe: {  	s31 =	sshra.s32 s29, $0x1F;
	p5 =	slt.s32 s29, $0x1;
	p6 =	sne.s32 s30, $0x0  }
0xff: {  	s20 =	sshrl.u32 s31, $0x19;
	p0 =	por !p5, !p6  }
0x100: {  	s19 =	simm.s32 $0x1;
	s18 =	sadd.s32 s20, s29;
	p0 =	por !p0, !p0  }
0x101: {  	s18 =	sshrl.u32 s18, $0x7;
	s19 =	simm.s32 @!p0 $0x0  }
0x102: {  	s18 =	ssub.s32 s18, s19  }
0x103: {  	s18 =	sshll.u32 s18, $0xA  }
0x104: {  	s22 =	sshrl.u32 s18, $0x3;
	s23 =	sadd.s32 $0x7A1400, s18  }
0x105: {  	s21 =	rddreg [dreg:$0x1a];
	s20 =	sadd.s32 s1, s22;
	s19 =	sshrl.u32 s23, $0x3  }
0x106: {  	[tilespmem:s21], [sflag:$0x1] =	stream.linear.gather [hbm4b:s20+s2], $0x400, $0x38;
	[tilespmem:$0x14400] =	vst v63  }
0x107: {  	s24 =	rddreg [dreg:$0x1b];
	s25 =	sadd.s32 $0xF42800, s18;
	s19 =	sadd.s32 s1, s19  }
0x108: {  	[tilespmem:s24], [sflag:$0x1] =	stream.linear.gather [hbm4b:s19+s2], $0x400, $0x38;
	[tilespmem:$0x14400] =	vst v63  }
0x109: {  	s18 =	sadd.s32 $0x16E3C00, s18;
	s19 =	sshrl.u32 s25, $0x3  }
0x10a: {  	s26 =	rddreg [dreg:$0x1c];
	s18 =	sshrl.u32 s18, $0x3;
	s19 =	sadd.s32 s1, s19  }
0x10b: {  	[tilespmem:s26], [sflag:$0x1] =	stream.linear.gather [hbm4b:s19+s2], $0x400, $0x38;
	[tilespmem:$0x14400] =	vst v63  }
0x10c: {  	s28 =	rddreg [dreg:$0x1d];
	s18 =	sadd.s32 s1, s18;
	s29 =	spop (v2sf)  }
0x10d: {  	[tilespmem:s28], [sflag:$0x1] =	stream.linear.gather [hbm4b:s18+s2], $0x400, $0x38;
	[tilespmem:$0x14400] =	vst v63  }
0x10e: {  	(v2sf) =	vpush v1, $0x8;
	s30 =	sand.u32 $0x7F, s29  }
0x10f: {  	s31 =	sshra.s32 s29, $0x1F;
	p1 =	slt.s32 s29, $0x1;
	p2 =	sne.s32 s30, $0x0  }
0x110: {  	s20 =	sshrl.u32 s31, $0x19;
	p0 =	por !p1, !p2  }
0x111: {  	s19 =	simm.s32 $0x1;
	s18 =	sadd.s32 s20, s29;
	p0 =	por !p0, !p0  }
0x112: {  	s18 =	sshrl.u32 s18, $0x7;
	s19 =	simm.s32 @!p0 $0x0  }
0x113: {  	s18 =	ssub.s32 s18, s19  }
0x114: {  	s18 =	sshll.u32 s18, $0xA  }
0x115: {  	s21 =	rddreg [dreg:$0x1e];
	s22 =	sshrl.u32 s18, $0x3;
	s23 =	sadd.s32 $0x7A1400, s18  }
0x116: {  	s24 =	rddreg [dreg:$0x1f];
	s20 =	sadd.s32 s1, s22;
	s19 =	sshrl.u32 s23, $0x3  }
0x117: {  	[tilespmem:s21], [sflag:$0x1] =	stream.linear.gather [hbm4b:s20+s2], $0x400, $0x38;
	[tilespmem:$0x14400] =	vst v63  }
0x118: {  	s26 =	sld [smem:$0x7DC];
	s25 =	sadd.s32 $0xF42800, s18;
	s19 =	sadd.s32 s1, s19  }
0x119: {  	[tilespmem:s24], [sflag:$0x1] =	stream.linear.gather [hbm4b:s19+s2], $0x400, $0x38;
	[tilespmem:$0x14400] =	vst v63  }
0x11a: {  	s18 =	sadd.s32 $0x16E3C00, s18;
	s19 =	sshrl.u32 s25, $0x3  }
0x11b: {  	s28 =	sld [smem:$0x7DD];
	s18 =	sshrl.u32 s18, $0x3;
	s19 =	sadd.s32 s1, s19  }
0x11c: {  	[tilespmem:s26], [sflag:$0x1] =	stream.linear.gather [hbm4b:s19+s2], $0x400, $0x38;
	[tilespmem:$0x14400] =	vst v63  }
0x11d: {  	s18 =	sadd.s32 s1, s18;
	s29 =	spop (v2sf)  }
0x11e: {  	[tilespmem:s28], [sflag:$0x1] =	stream.linear.gather [hbm4b:s18+s2], $0x400, $0x38;
	[tilespmem:$0x14400] =	vst v63  }
0x11f: {  	(v2sf) =	vpush v1, $0x9;
	s30 =	sand.u32 $0x7F, s29  }
0x120: {  	s31 =	sshra.s32 s29, $0x1F;
	p3 =	slt.s32 s29, $0x1;
	p4 =	sne.s32 s30, $0x0  }
0x121: {  	s20 =	sshrl.u32 s31, $0x19;
	p0 =	por !p3, !p4  }
0x122: {  	s19 =	simm.s32 $0x1;
	s18 =	sadd.s32 s20, s29;
	p0 =	por !p0, !p0  }
0x123: {  	s18 =	sshrl.u32 s18, $0x7;
	s19 =	simm.s32 @!p0 $0x0  }
0x124: {  	s18 =	ssub.s32 s18, s19  }
0x125: {  	s21 =	sld [smem:$0x7DE];
	s18 =	sshll.u32 s18, $0xA  }
0x126: {  	s22 =	sshrl.u32 s18, $0x3;
	s23 =	sadd.s32 $0x7A1400, s18  }
0x127: {  	s24 =	sld [smem:$0x7DF];
	s20 =	sadd.s32 s1, s22;
	s19 =	sshrl.u32 s23, $0x3  }
0x128: {  	[tilespmem:s21], [sflag:$0x1] =	stream.linear.gather [hbm4b:s20+s2], $0x400, $0x38;
	[tilespmem:$0x14400] =	vst v63  }
0x129: {  	s26 =	sld [smem:$0x7E0];
	s25 =	sadd.s32 $0xF42800, s18;
	s19 =	sadd.s32 s1, s19  }
0x12a: {  	[tilespmem:s24], [sflag:$0x1] =	stream.linear.gather [hbm4b:s19+s2], $0x400, $0x38;
	[tilespmem:$0x14400] =	vst v63  }
0x12b: {  	s18 =	sadd.s32 $0x16E3C00, s18;
	s19 =	sshrl.u32 s25, $0x3  }
0x12c: {  	s28 =	sld [smem:$0x7E1];
	s18 =	sshrl.u32 s18, $0x3;
	s19 =	sadd.s32 s1, s19  }
0x12d: {  	[tilespmem:s26], [sflag:$0x1] =	stream.linear.gather [hbm4b:s19+s2], $0x400, $0x38;
	[tilespmem:$0x14400] =	vst v63  }
0x12e: {  	s18 =	sadd.s32 s1, s18;
	s29 =	spop (v2sf)  }
0x12f: {  	[tilespmem:s28], [sflag:$0x1] =	stream.linear.gather [hbm4b:s18+s2], $0x400, $0x38;
	[tilespmem:$0x14400] =	vst v63  }
0x130: {  	(v2sf) =	vpush v1, $0xA;
	s30 =	sand.u32 $0x7F, s29  }
0x131: {  	s31 =	sshra.s32 s29, $0x1F;
	p5 =	slt.s32 s29, $0x1;
	p6 =	sne.s32 s30, $0x0  }
0x132: {  	s20 =	sshrl.u32 s31, $0x19;
	p0 =	por !p5, !p6  }
0x133: {  	s19 =	simm.s32 $0x1;
	s18 =	sadd.s32 s20, s29;
	p0 =	por !p0, !p0  }
0x134: {  	s18 =	sshrl.u32 s18, $0x7;
	s19 =	simm.s32 @!p0 $0x0  }
0x135: {  	s18 =	ssub.s32 s18, s19  }
0x136: {  	s21 =	sld [smem:$0x7E2];
	s18 =	sshll.u32 s18, $0xA  }
0x137: {  	s22 =	sshrl.u32 s18, $0x3;
	s23 =	sadd.s32 $0x7A1400, s18  }
0x138: {  	s24 =	sld [smem:$0x7E3];
	s20 =	sadd.s32 s1, s22;
	s19 =	sshrl.u32 s23, $0x3  }
0x139: {  	[tilespmem:s21], [sflag:$0x1] =	stream.linear.gather [hbm4b:s20+s2], $0x400, $0x38;
	[tilespmem:$0x14400] =	vst v63  }
0x13a: {  	s26 =	sld [smem:$0x7E4];
	s25 =	sadd.s32 $0xF42800, s18;
	s19 =	sadd.s32 s1, s19  }
0x13b: {  	[tilespmem:s24], [sflag:$0x1] =	stream.linear.gather [hbm4b:s19+s2], $0x400, $0x38;
	[tilespmem:$0x14400] =	vst v63  }
0x13c: {  	s18 =	sadd.s32 $0x16E3C00, s18;
	s19 =	sshrl.u32 s25, $0x3  }
0x13d: {  	s28 =	sld [smem:$0x7E5];
	s18 =	sshrl.u32 s18, $0x3;
	s19 =	sadd.s32 s1, s19  }
0x13e: {  	[tilespmem:s26], [sflag:$0x1] =	stream.linear.gather [hbm4b:s19+s2], $0x400, $0x38;
	[tilespmem:$0x14400] =	vst v63  }
0x13f: {  	s18 =	sadd.s32 s1, s18;
	s29 =	spop (v2sf)  }
0x140: {  	[tilespmem:s28], [sflag:$0x1] =	stream.linear.gather [hbm4b:s18+s2], $0x400, $0x38;
	[tilespmem:$0x14400] =	vst v63  }
0x141: {  	(v2sf) =	vpush v1, $0xB;
	s30 =	sand.u32 $0x7F, s29  }
0x142: {  	s31 =	sshra.s32 s29, $0x1F;
	p1 =	slt.s32 s29, $0x1;
	p2 =	sne.s32 s30, $0x0  }
0x143: {  	s20 =	sshrl.u32 s31, $0x19;
	p0 =	por !p1, !p2  }
0x144: {  	s19 =	simm.s32 $0x1;
	s18 =	sadd.s32 s20, s29;
	p0 =	por !p0, !p0  }
0x145: {  	s18 =	sshrl.u32 s18, $0x7;
	s19 =	simm.s32 @!p0 $0x0  }
0x146: {  	s18 =	ssub.s32 s18, s19  }
0x147: {  	s21 =	sld [smem:$0x7E6];
	s18 =	sshll.u32 s18, $0xA  }
0x148: {  	s22 =	sshrl.u32 s18, $0x3;
	s23 =	sadd.s32 $0x7A1400, s18  }
0x149: {  	s24 =	sld [smem:$0x7E7];
	s20 =	sadd.s32 s1, s22;
	s19 =	sshrl.u32 s23, $0x3  }
0x14a: {  	[tilespmem:s21], [sflag:$0x1] =	stream.linear.gather [hbm4b:s20+s2], $0x400, $0x38;
	[tilespmem:$0x14400] =	vst v63  }
0x14b: {  	s26 =	sld [smem:$0x7E8];
	s25 =	sadd.s32 $0xF42800, s18;
	s19 =	sadd.s32 s1, s19  }
0x14c: {  	[tilespmem:s24], [sflag:$0x1] =	stream.linear.gather [hbm4b:s19+s2], $0x400, $0x38;
	[tilespmem:$0x14400] =	vst v63  }
0x14d: {  	s18 =	sadd.s32 $0x16E3C00, s18;
	s19 =	sshrl.u32 s25, $0x3  }
0x14e: {  	s28 =	sld [smem:$0x7E9];
	s18 =	sshrl.u32 s18, $0x3;
	s19 =	sadd.s32 s1, s19  }
0x14f: {  	[tilespmem:s26], [sflag:$0x1] =	stream.linear.gather [hbm4b:s19+s2], $0x400, $0x38;
	[tilespmem:$0x14400] =	vst v63  }
0x150: {  	s18 =	sadd.s32 s1, s18;
	s29 =	spop (v2sf)  }
0x151: {  	[tilespmem:s28], [sflag:$0x1] =	stream.linear.gather [hbm4b:s18+s2], $0x400, $0x38;
	[tilespmem:$0x14400] =	vst v63  }
0x152: {  	(v2sf) =	vpush v1, $0xC;
	s30 =	sand.u32 $0x7F, s29  }
0x153: {  	s31 =	sshra.s32 s29, $0x1F;
	p3 =	slt.s32 s29, $0x1;
	p4 =	sne.s32 s30, $0x0  }
0x154: {  	s20 =	sshrl.u32 s31, $0x19;
	p0 =	por !p3, !p4  }
0x155: {  	s19 =	simm.s32 $0x1;
	s18 =	sadd.s32 s20, s29;
	p0 =	por !p0, !p0  }
0x156: {  	s18 =	sshrl.u32 s18, $0x7;
	s19 =	simm.s32 @!p0 $0x0  }
0x157: {  	s18 =	ssub.s32 s18, s19  }
0x158: {  	s21 =	sld [smem:$0x7EA];
	s18 =	sshll.u32 s18, $0xA  }
0x159: {  	s22 =	sshrl.u32 s18, $0x3;
	s23 =	sadd.s32 $0x7A1400, s18  }
0x15a: {  	s24 =	sld [smem:$0x7EB];
	s20 =	sadd.s32 s1, s22;
	s19 =	sshrl.u32 s23, $0x3  }
0x15b: {  	[tilespmem:s21], [sflag:$0x1] =	stream.linear.gather [hbm4b:s20+s2], $0x400, $0x38;
	[tilespmem:$0x14400] =	vst v63  }
0x15c: {  	s26 =	sld [smem:$0x7EC];
	s25 =	sadd.s32 $0xF42800, s18;
	s19 =	sadd.s32 s1, s19  }
0x15d: {  	[tilespmem:s24], [sflag:$0x1] =	stream.linear.gather [hbm4b:s19+s2], $0x400, $0x38;
	[tilespmem:$0x14400] =	vst v63  }
0x15e: {  	s18 =	sadd.s32 $0x16E3C00, s18;
	s19 =	sshrl.u32 s25, $0x3  }
0x15f: {  	s28 =	sld [smem:$0x7ED];
	s18 =	sshrl.u32 s18, $0x3;
	s19 =	sadd.s32 s1, s19  }
0x160: {  	[tilespmem:s26], [sflag:$0x1] =	stream.linear.gather [hbm4b:s19+s2], $0x400, $0x38;
	[tilespmem:$0x14400] =	vst v63  }
0x161: {  	s18 =	sadd.s32 s1, s18;
	s29 =	spop (v2sf)  }
0x162: {  	[tilespmem:s28], [sflag:$0x1] =	stream.linear.gather [hbm4b:s18+s2], $0x400, $0x38;
	[tilespmem:$0x14400] =	vst v63  }
0x163: {  	(v2sf) =	vpush v1, $0xD;
	s30 =	sand.u32 $0x7F, s29  }
0x164: {  	s31 =	sshra.s32 s29, $0x1F;
	p5 =	slt.s32 s29, $0x1;
	p6 =	sne.s32 s30, $0x0  }
0x165: {  	s20 =	sshrl.u32 s31, $0x19;
	p0 =	por !p5, !p6  }
0x166: {  	s19 =	simm.s32 $0x1;
	s18 =	sadd.s32 s20, s29;
	p0 =	por !p0, !p0  }
0x167: {  	s18 =	sshrl.u32 s18, $0x7;
	s19 =	simm.s32 @!p0 $0x0  }
0x168: {  	s18 =	ssub.s32 s18, s19  }
0x169: {  	s21 =	sld [smem:$0x7EE];
	s18 =	sshll.u32 s18, $0xA  }
0x16a: {  	s22 =	sshrl.u32 s18, $0x3;
	s23 =	sadd.s32 $0x7A1400, s18  }
0x16b: {  	s24 =	sld [smem:$0x7EF];
	s20 =	sadd.s32 s1, s22;
	s19 =	sshrl.u32 s23, $0x3  }
0x16c: {  	[tilespmem:s21], [sflag:$0x1] =	stream.linear.gather [hbm4b:s20+s2], $0x400, $0x38;
	[tilespmem:$0x14400] =	vst v63  }
0x16d: {  	s26 =	sld [smem:$0x7F0];
	s25 =	sadd.s32 $0xF42800, s18;
	s19 =	sadd.s32 s1, s19  }
0x16e: {  	[tilespmem:s24], [sflag:$0x1] =	stream.linear.gather [hbm4b:s19+s2], $0x400, $0x38;
	[tilespmem:$0x14400] =	vst v63  }
0x16f: {  	s18 =	sadd.s32 $0x16E3C00, s18;
	s19 =	sshrl.u32 s25, $0x3  }
0x170: {  	s28 =	sld [smem:$0x7F1];
	s18 =	sshrl.u32 s18, $0x3;
	s19 =	sadd.s32 s1, s19  }
0x171: {  	[tilespmem:s26], [sflag:$0x1] =	stream.linear.gather [hbm4b:s19+s2], $0x400, $0x38;
	[tilespmem:$0x14400] =	vst v63  }
0x172: {  	s18 =	sadd.s32 s1, s18;
	s29 =	spop (v2sf)  }
0x173: {  	[tilespmem:s28], [sflag:$0x1] =	stream.linear.gather [hbm4b:s18+s2], $0x400, $0x38;
	[tilespmem:$0x14400] =	vst v63  }
0x174: {  	(v2sf) =	vpush v1, $0xE;
	s30 =	sand.u32 $0x7F, s29  }
0x175: {  	s31 =	sshra.s32 s29, $0x1F;
	p1 =	slt.s32 s29, $0x1;
	p2 =	sne.s32 s30, $0x0  }
0x176: {  	s20 =	sshrl.u32 s31, $0x19;
	p0 =	por !p1, !p2  }
0x177: {  	s19 =	simm.s32 $0x1;
	s18 =	sadd.s32 s20, s29;
	p0 =	por !p0, !p0  }
0x178: {  	s18 =	sshrl.u32 s18, $0x7;
	s19 =	simm.s32 @!p0 $0x0  }
0x179: {  	s18 =	ssub.s32 s18, s19  }
0x17a: {  	s21 =	sld [smem:$0x7F2];
	s18 =	sshll.u32 s18, $0xA  }
0x17b: {  	s22 =	sshrl.u32 s18, $0x3;
	s23 =	sadd.s32 $0x7A1400, s18  }
0x17c: {  	s24 =	sld [smem:$0x7F3];
	s20 =	sadd.s32 s1, s22;
	s19 =	sshrl.u32 s23, $0x3  }
0x17d: {  	[tilespmem:s21], [sflag:$0x1] =	stream.linear.gather [hbm4b:s20+s2], $0x400, $0x38;
	[tilespmem:$0x14400] =	vst v63  }
0x17e: {  	s26 =	sld [smem:$0x7F4];
	s25 =	sadd.s32 $0xF42800, s18;
	s19 =	sadd.s32 s1, s19  }
0x17f: {  	[tilespmem:s24], [sflag:$0x1] =	stream.linear.gather [hbm4b:s19+s2], $0x400, $0x38;
	[tilespmem:$0x14400] =	vst v63  }
0x180: {  	s18 =	sadd.s32 $0x16E3C00, s18;
	s19 =	sshrl.u32 s25, $0x3  }
0x181: {  	s28 =	sld [smem:$0x7F5];
	s18 =	sshrl.u32 s18, $0x3;
	s19 =	sadd.s32 s1, s19  }
0x182: {  	[tilespmem:s26], [sflag:$0x1] =	stream.linear.gather [hbm4b:s19+s2], $0x400, $0x38;
	[tilespmem:$0x14400] =	vst v63  }
0x183: {  	s18 =	sadd.s32 s1, s18;
	s29 =	spop (v2sf)  }
0x184: {  	[tilespmem:s28], [sflag:$0x1] =	stream.linear.gather [hbm4b:s18+s2], $0x400, $0x38;
	[tilespmem:$0x14400] =	vst v63  }
0x185: {  	(v2sf) =	vpush v1, $0xF;
	s30 =	sand.u32 $0x7F, s29  }
0x186: {  	s31 =	sshra.s32 s29, $0x1F;
	p3 =	slt.s32 s29, $0x1;
	p4 =	sne.s32 s30, $0x0  }
0x187: {  	s20 =	sshrl.u32 s31, $0x19;
	p0 =	por !p3, !p4  }
0x188: {  	s19 =	simm.s32 $0x1;
	s18 =	sadd.s32 s20, s29;
	p0 =	por !p0, !p0  }
0x189: {  	s18 =	sshrl.u32 s18, $0x7;
	s19 =	simm.s32 @!p0 $0x0  }
0x18a: {  	s18 =	ssub.s32 s18, s19  }
0x18b: {  	s21 =	sld [smem:$0x7F6];
	s18 =	sshll.u32 s18, $0xA  }
0x18c: {  	s22 =	sshrl.u32 s18, $0x3;
	s23 =	sadd.s32 $0x7A1400, s18  }
0x18d: {  	s24 =	sld [smem:$0x7F7];
	s20 =	sadd.s32 s1, s22;
	s19 =	sshrl.u32 s23, $0x3  }
0x18e: {  	[tilespmem:s21], [sflag:$0x1] =	stream.linear.gather [hbm4b:s20+s2], $0x400, $0x38;
	[tilespmem:$0x14400] =	vst v63  }
0x18f: {  	s26 =	sld [smem:$0x7F8];
	s25 =	sadd.s32 $0xF42800, s18;
	s19 =	sadd.s32 s1, s19  }
0x190: {  	[tilespmem:s24], [sflag:$0x1] =	stream.linear.gather [hbm4b:s19+s2], $0x400, $0x38;
	[tilespmem:$0x14400] =	vst v63  }
0x191: {  	s18 =	sadd.s32 $0x16E3C00, s18;
	s19 =	sshrl.u32 s25, $0x3  }
0x192: {  	s28 =	sld [smem:$0x7F9];
	s18 =	sshrl.u32 s18, $0x3;
	s19 =	sadd.s32 s1, s19  }
0x193: {  	[tilespmem:s26], [sflag:$0x1] =	stream.linear.gather [hbm4b:s19+s2], $0x400, $0x38;
	[tilespmem:$0x14400] =	vst v63  }
0x194: {  	s18 =	sadd.s32 s1, s18;
	s29 =	spop (v2sf)  }
0x195: {  	[tilespmem:s28], [sflag:$0x1] =	stream.linear.gather [hbm4b:s18+s2], $0x400, $0x38;
	[tilespmem:$0x14400] =	vst v63  }
0x196: {  	s30 =	sand.u32 $0x7F, s29  }
0x197: {  	s31 =	sshra.s32 s29, $0x1F;
	p5 =	slt.s32 s29, $0x1;
	p6 =	sne.s32 s30, $0x0  }
0x198: {  	s20 =	sshrl.u32 s31, $0x19;
	p0 =	por !p5, !p6  }
0x199: {  	s19 =	simm.s32 $0x1;
	s18 =	sadd.s32 s20, s29;
	p0 =	por !p0, !p0  }
0x19a: {  	s18 =	sshrl.u32 s18, $0x7;
	s19 =	simm.s32 @!p0 $0x0  }
0x19b: {  	s18 =	ssub.s32 s18, s19  }
0x19c: {  	s21 =	sld [smem:$0x7FA];
	s18 =	sshll.u32 s18, $0xA  }
0x19d: {  	s22 =	sshrl.u32 s18, $0x3;
	s23 =	sadd.s32 $0x7A1400, s18  }
0x19e: {  	s24 =	sld [smem:$0x7FB];
	s20 =	sadd.s32 s1, s22;
	s19 =	sshrl.u32 s23, $0x3  }
0x19f: {  	[tilespmem:s21], [sflag:$0x1] =	stream.linear.gather [hbm4b:s20+s2], $0x400, $0x38;
	[tilespmem:$0x14400] =	vst v63  }
0x1a0: {  	s26 =	sld [smem:$0x7FC];
	s25 =	sadd.s32 $0xF42800, s18;
	s19 =	sadd.s32 s1, s19  }
0x1a1: {  	[tilespmem:s24], [sflag:$0x1] =	stream.linear.gather [hbm4b:s19+s2], $0x400, $0x38;
	[tilespmem:$0x14400] =	vst v63  }
0x1a2: {  	s18 =	sadd.s32 $0x16E3C00, s18;
	s19 =	sshrl.u32 s25, $0x3  }
0x1a3: {  	s28 =	sld [smem:$0x7FD];
	s18 =	sshrl.u32 s18, $0x3;
	s19 =	sadd.s32 s1, s19  }
0x1a4: {  	[tilespmem:s26], [sflag:$0x1] =	stream.linear.gather [hbm4b:s19+s2], $0x400, $0x38;
	[tilespmem:$0x14400] =	vst v63  }
0x1a5: {  	s18 =	sadd.s32 s1, s18  }
0x1a6: {  	[tilespmem:s28], [sflag:$0x1] =	stream.linear.gather [hbm4b:s18+s2], $0x400, $0x38;
	[tilespmem:$0x14400] =	vst v63  }
0x1a7: {  	_ =	swait.ge [sflag:s8], $0x400  }
0x1a8: {  	[sflag:s8] =	ssyncset.done $0x0  }
0x1a9: {  	[sflag:s8] =	ssyncadd.s32 $0xFFFFFC00  }
0x1aa: {  	_ =	swait.ge [sflag:s8], $0x400  }
0x1ab: {  	[sflag:s8] =	ssyncset.done $0x0  }
0x1ac: {  	[sflag:s8] =	ssyncadd.s32 $0xFFFFFC00  }
0x1ad: {  	_ =	swait.ge [sflag:s8], $0x400  }
0x1ae: {  	[sflag:s8] =	ssyncset.done $0x0  }
0x1af: {  	[sflag:s8] =	ssyncadd.s32 $0xFFFFFC00  }
0x1b0: {  	_ =	swait.ge [sflag:s8], $0x400  }
0x1b1: {  	[sflag:s8] =	ssyncset.done $0x0  }
0x1b2: {  	[sflag:s8] =	ssyncadd.s32 $0xFFFFFC00  }
0x1b3: {  	_ =	swait.ge [sflag:s8], $0x400  }
0x1b4: {  	[sflag:s8] =	ssyncset.done $0x0  }
0x1b5: {  	[sflag:s8] =	ssyncadd.s32 $0xFFFFFC00  }
0x1b6: {  	_ =	swait.ge [sflag:s8], $0x400  }
0x1b7: {  	[sflag:s8] =	ssyncset.done $0x0  }
0x1b8: {  	[sflag:s8] =	ssyncadd.s32 $0xFFFFFC00  }
0x1b9: {  	_ =	swait.ge [sflag:s8], $0x400  }
0x1ba: {  	[sflag:s8] =	ssyncset.done $0x0  }
0x1bb: {  	[sflag:s8] =	ssyncadd.s32 $0xFFFFFC00  }
0x1bc: {  	_ =	swait.ge [sflag:s8], $0x400  }
0x1bd: {  	[sflag:s8] =	ssyncset.done $0x0  }
0x1be: {  	[sflag:s8] =	ssyncadd.s32 $0xFFFFFC00  }
0x1bf: {  	_ =	swait.ge [sflag:s8], $0x400  }
0x1c0: {  	[sflag:s8] =	ssyncset.done $0x0  }
0x1c1: {  	[sflag:s8] =	ssyncadd.s32 $0xFFFFFC00  }
0x1c2: {  	_ =	swait.ge [sflag:s8], $0x400  }
0x1c3: {  	[sflag:s8] =	ssyncset.done $0x0  }
0x1c4: {  	[sflag:s8] =	ssyncadd.s32 $0xFFFFFC00  }
0x1c5: {  	_ =	swait.ge [sflag:s8], $0x400  }
0x1c6: {  	[sflag:s8] =	ssyncset.done $0x0  }
0x1c7: {  	[sflag:s8] =	ssyncadd.s32 $0xFFFFFC00  }
0x1c8: {  	_ =	swait.ge [sflag:s8], $0x400  }
0x1c9: {  	[sflag:s8] =	ssyncset.done $0x0  }
0x1ca: {  	[sflag:s8] =	ssyncadd.s32 $0xFFFFFC00  }
0x1cb: {  	_ =	swait.ge [sflag:s8], $0x400  }
0x1cc: {  	[sflag:s8] =	ssyncset.done $0x0  }
0x1cd: {  	[sflag:s8] =	ssyncadd.s32 $0xFFFFFC00  }
0x1ce: {  	_ =	swait.ge [sflag:s8], $0x400  }
0x1cf: {  	[sflag:s8] =	ssyncset.done $0x0  }
0x1d0: {  	[sflag:s8] =	ssyncadd.s32 $0xFFFFFC00  }
0x1d1: {  	_ =	swait.ge [sflag:s8], $0x400  }
0x1d2: {  	[sflag:s8] =	ssyncset.done $0x0  }
0x1d3: {  	[sflag:s8] =	ssyncadd.s32 $0xFFFFFC00  }
0x1d4: {  	_ =	swait.ge [sflag:s8], $0x400  }
0x1d5: {  	[sflag:s8] =	ssyncset.done $0x0  }
0x1d6: {  	[sflag:s8] =	ssyncadd.s32 $0xFFFFFC00  }
0x1d7: {  	_ =	swait.ge [sflag:s8], $0x400  }
0x1d8: {  	[sflag:s8] =	ssyncset.done $0x0  }
0x1d9: {  	[sflag:s8] =	ssyncadd.s32 $0xFFFFFC00  }
0x1da: {  	_ =	swait.ge [sflag:s8], $0x400  }
0x1db: {  	[sflag:s8] =	ssyncset.done $0x0  }
0x1dc: {  	[sflag:s8] =	ssyncadd.s32 $0xFFFFFC00  }
0x1dd: {  	_ =	swait.ge [sflag:s8], $0x400  }
0x1de: {  	[sflag:s8] =	ssyncset.done $0x0  }
0x1df: {  	[sflag:s8] =	ssyncadd.s32 $0xFFFFFC00  }
0x1e0: {  	_ =	swait.ge [sflag:s8], $0x400  }
0x1e1: {  	[sflag:s8] =	ssyncset.done $0x0  }
0x1e2: {  	[sflag:s8] =	ssyncadd.s32 $0xFFFFFC00  }
0x1e3: {  	_ =	swait.ge [sflag:s8], $0x400  }
0x1e4: {  	[sflag:s8] =	ssyncset.done $0x0  }
0x1e5: {  	[sflag:s8] =	ssyncadd.s32 $0xFFFFFC00  }
0x1e6: {  	_ =	swait.ge [sflag:s8], $0x400  }
0x1e7: {  	[sflag:s8] =	ssyncset.done $0x0  }
0x1e8: {  	[sflag:s8] =	ssyncadd.s32 $0xFFFFFC00  }
0x1e9: {  	_ =	swait.ge [sflag:s8], $0x400  }
0x1ea: {  	[sflag:s8] =	ssyncset.done $0x0  }
0x1eb: {  	[sflag:s8] =	ssyncadd.s32 $0xFFFFFC00  }
0x1ec: {  	_ =	swait.ge [sflag:s8], $0x400  }
0x1ed: {  	[sflag:s8] =	ssyncset.done $0x0  }
0x1ee: {  	[sflag:s8] =	ssyncadd.s32 $0xFFFFFC00  }
0x1ef: {  	_ =	swait.ge [sflag:s8], $0x400  }
0x1f0: {  	[sflag:s8] =	ssyncset.done $0x0  }
0x1f1: {  	[sflag:s8] =	ssyncadd.s32 $0xFFFFFC00  }
0x1f2: {  	_ =	swait.ge [sflag:s8], $0x400  }
0x1f3: {  	[sflag:s8] =	ssyncset.done $0x0  }
0x1f4: {  	[sflag:s8] =	ssyncadd.s32 $0xFFFFFC00  }
0x1f5: {  	_ =	swait.ge [sflag:s8], $0x400  }
0x1f6: {  	[sflag:s8] =	ssyncset.done $0x0  }
0x1f7: {  	[sflag:s8] =	ssyncadd.s32 $0xFFFFFC00  }
0x1f8: {  	_ =	swait.ge [sflag:s8], $0x400  }
0x1f9: {  	[sflag:s8] =	ssyncset.done $0x0  }
0x1fa: {  	[sflag:s8] =	ssyncadd.s32 $0xFFFFFC00  }
0x1fb: {  	_ =	swait.ge [sflag:s8], $0x400  }
0x1fc: {  	[sflag:s8] =	ssyncset.done $0x0  }
0x1fd: {  	[sflag:s8] =	ssyncadd.s32 $0xFFFFFC00  }
0x1fe: {  	_ =	swait.ge [sflag:s8], $0x400  }
0x1ff: {  	[sflag:s8] =	ssyncset.done $0x0  }
0x200: {  	[sflag:s8] =	ssyncadd.s32 $0xFFFFFC00  }
0x201: {  	_ =	swait.ge [sflag:s8], $0x400  }
0x202: {  	[sflag:s8] =	ssyncset.done $0x0  }
0x203: {  	[sflag:s8] =	ssyncadd.s32 $0xFFFFFC00  }
0x204: {  	_ =	swait.ge [sflag:s8], $0x400  }
0x205: {  	[sflag:s8] =	ssyncset.done $0x0  }
0x206: {  	[sflag:s8] =	ssyncadd.s32 $0xFFFFFC00  }
0x207: {  	_ =	swait.ge [sflag:s8], $0x400  }
0x208: {  	[sflag:s8] =	ssyncset.done $0x0  }
0x209: {  	[sflag:s8] =	ssyncadd.s32 $0xFFFFFC00  }
0x20a: {  	_ =	swait.ge [sflag:s8], $0x400  }
0x20b: {  	[sflag:s8] =	ssyncset.done $0x0  }
0x20c: {  	[sflag:s8] =	ssyncadd.s32 $0xFFFFFC00  }
0x20d: {  	_ =	swait.ge [sflag:s8], $0x400  }
0x20e: {  	[sflag:s8] =	ssyncset.done $0x0  }
0x20f: {  	[sflag:s8] =	ssyncadd.s32 $0xFFFFFC00  }
0x210: {  	_ =	swait.ge [sflag:s8], $0x400  }
0x211: {  	[sflag:s8] =	ssyncset.done $0x0  }
0x212: {  	[sflag:s8] =	ssyncadd.s32 $0xFFFFFC00  }
0x213: {  	_ =	swait.ge [sflag:s8], $0x400  }
0x214: {  	[sflag:s8] =	ssyncset.done $0x0  }
0x215: {  	[sflag:s8] =	ssyncadd.s32 $0xFFFFFC00  }
0x216: {  	_ =	swait.ge [sflag:s8], $0x400  }
0x217: {  	[sflag:s8] =	ssyncset.done $0x0  }
0x218: {  	[sflag:s8] =	ssyncadd.s32 $0xFFFFFC00  }
0x219: {  	_ =	swait.ge [sflag:s8], $0x400  }
0x21a: {  	[sflag:s8] =	ssyncset.done $0x0  }
0x21b: {  	[sflag:s8] =	ssyncadd.s32 $0xFFFFFC00  }
0x21c: {  	_ =	swait.ge [sflag:s8], $0x400  }
0x21d: {  	[sflag:s8] =	ssyncset.done $0x0  }
0x21e: {  	[sflag:s8] =	ssyncadd.s32 $0xFFFFFC00  }
0x21f: {  	_ =	swait.ge [sflag:s8], $0x400  }
0x220: {  	[sflag:s8] =	ssyncset.done $0x0  }
0x221: {  	[sflag:s8] =	ssyncadd.s32 $0xFFFFFC00  }
0x222: {  	_ =	swait.ge [sflag:s8], $0x400  }
0x223: {  	[sflag:s8] =	ssyncset.done $0x0  }
0x224: {  	[sflag:s8] =	ssyncadd.s32 $0xFFFFFC00  }
0x225: {  	_ =	swait.ge [sflag:s8], $0x400  }
0x226: {  	[sflag:s8] =	ssyncset.done $0x0  }
0x227: {  	[sflag:s8] =	ssyncadd.s32 $0xFFFFFC00  }
0x228: {  	_ =	swait.ge [sflag:s8], $0x400  }
0x229: {  	[sflag:s8] =	ssyncset.done $0x0  }
0x22a: {  	[sflag:s8] =	ssyncadd.s32 $0xFFFFFC00  }
0x22b: {  	_ =	swait.ge [sflag:s8], $0x400  }
0x22c: {  	[sflag:s8] =	ssyncset.done $0x0  }
0x22d: {  	[sflag:s8] =	ssyncadd.s32 $0xFFFFFC00  }
0x22e: {  	_ =	swait.ge [sflag:s8], $0x400  }
0x22f: {  	[sflag:s8] =	ssyncset.done $0x0  }
0x230: {  	[sflag:s8] =	ssyncadd.s32 $0xFFFFFC00  }
0x231: {  	_ =	swait.ge [sflag:s8], $0x400  }
0x232: {  	[sflag:s8] =	ssyncset.done $0x0  }
0x233: {  	[sflag:s8] =	ssyncadd.s32 $0xFFFFFC00  }
0x234: {  	_ =	swait.ge [sflag:s8], $0x400  }
0x235: {  	[sflag:s8] =	ssyncset.done $0x0  }
0x236: {  	[sflag:s8] =	ssyncadd.s32 $0xFFFFFC00  }
0x237: {  	_ =	swait.ge [sflag:s8], $0x400  }
0x238: {  	[sflag:s8] =	ssyncset.done $0x0  }
0x239: {  	[sflag:s8] =	ssyncadd.s32 $0xFFFFFC00  }
0x23a: {  	_ =	swait.ge [sflag:s8], $0x400  }
0x23b: {  	[sflag:s8] =	ssyncset.done $0x0  }
0x23c: {  	[sflag:s8] =	ssyncadd.s32 $0xFFFFFC00  }
0x23d: {  	_ =	swait.ge [sflag:s8], $0x400  }
0x23e: {  	[sflag:s8] =	ssyncset.done $0x0  }
0x23f: {  	[sflag:s8] =	ssyncadd.s32 $0xFFFFFC00  }
0x240: {  	_ =	swait.ge [sflag:s8], $0x400  }
0x241: {  	[sflag:s8] =	ssyncset.done $0x0  }
0x242: {  	[sflag:s8] =	ssyncadd.s32 $0xFFFFFC00  }
0x243: {  	_ =	swait.ge [sflag:s8], $0x400  }
0x244: {  	[sflag:s8] =	ssyncset.done $0x0  }
0x245: {  	[sflag:s8] =	ssyncadd.s32 $0xFFFFFC00  }
0x246: {  	_ =	swait.ge [sflag:s8], $0x400  }
0x247: {  	[sflag:s8] =	ssyncset.done $0x0  }
0x248: {  	[sflag:s8] =	ssyncadd.s32 $0xFFFFFC00  }
0x249: {  	_ =	swait.ge [sflag:s8], $0x400  }
0x24a: {  	[sflag:s8] =	ssyncset.done $0x0  }
0x24b: {  	[sflag:s8] =	ssyncadd.s32 $0xFFFFFC00  }
0x24c: {  	_ =	swait.ge [sflag:s8], $0x400  }
0x24d: {  	[sflag:s8] =	ssyncset.done $0x0  }
0x24e: {  	[sflag:s8] =	ssyncadd.s32 $0xFFFFFC00  }
0x24f: {  	_ =	swait.ge [sflag:s8], $0x400  }
0x250: {  	[sflag:s8] =	ssyncset.done $0x0  }
0x251: {  	[sflag:s8] =	ssyncadd.s32 $0xFFFFFC00  }
0x252: {  	_ =	swait.ge [sflag:s8], $0x400  }
0x253: {  	[sflag:s8] =	ssyncset.done $0x0  }
0x254: {  	[sflag:s8] =	ssyncadd.s32 $0xFFFFFC00  }
0x255: {  	_ =	swait.ge [sflag:s8], $0x400  }
0x256: {  	[sflag:s8] =	ssyncset.done $0x0  }
0x257: {  	[sflag:s8] =	ssyncadd.s32 $0xFFFFFC00  }
0x258: {  	_ =	swait.ge [sflag:s8], $0x400  }
0x259: {  	[sflag:s8] =	ssyncset.done $0x0  }
0x25a: {  	[sflag:s8] =	ssyncadd.s32 $0xFFFFFC00  }
0x25b: {  	_ =	swait.ge [sflag:s8], $0x400  }
0x25c: {  	[sflag:s8] =	ssyncset.done $0x0  }
0x25d: {  	[sflag:s8] =	ssyncadd.s32 $0xFFFFFC00  }
0x25e: {  	_ =	swait.ge [sflag:s8], $0x400  }
0x25f: {  	[sflag:s8] =	ssyncset.done $0x0  }
0x260: {  	[sflag:s8] =	ssyncadd.s32 $0xFFFFFC00  }
0x261: {  	_ =	swait.ge [sflag:s8], $0x400  }
0x262: {  	[sflag:s8] =	ssyncset.done $0x0  }
0x263: {  	[sflag:s8] =	ssyncadd.s32 $0xFFFFFC00  }
0x264: {  	_ =	swait.ge [sflag:s8], $0x400  }
0x265: {  	[sflag:s8] =	ssyncset.done $0x0  }
0x266: {  	[sflag:s8] =	ssyncadd.s32 $0xFFFFFC00  }
0x267: {  	v1 =	vld [tilespmem:s14+$0x0];
	_ =	sdelay $0x4  }
0x268: {  	v2 =	vadd.s32 v0, v1;
	_ =	sdelay $0x4  }
0x269: {  	v3 =	vor.u32 $0x80, v0;
	v2 =	vld.idx.msk [tilespmem:v2+s9+$0x0], $0xffff  }
0x26a: {  	v3 =	vadd.s32 v3, v1;
	_ =	sdelay $0x1  }
0x26b: {  	s30 =	sand.u32 $0xC00, s16;
	s29 =	sand.u32 $0x70, s17  }
0x26c: {  	s18 =	sor.u32 s29, s30  }
0x26d: {  	[tilespmem:s18+$0x10400] =	vst v2  }
0x26e: {  	v2 =	vld.idx.msk [tilespmem:v3+s9+$0x0], $0xffff;
	v3 =	vor.u32 $0x100, v0  }
0x26f: {  	v3 =	vadd.s32 v3, v1;
	_ =	sdelay $0x2  }
0x270: {  	s19 =	sadd.s32 $0x10400, s18  }
0x271: {  	[tilespmem:s19+$0x80] =	vst v2  }
0x272: {  	v2 =	vld.idx.msk [tilespmem:v3+s9+$0x0], $0xffff;
	v3 =	vor.u32 $0x180, v0  }
0x273: {  	v3 =	vadd.s32 v3, v1;
	_ =	sdelay $0x3  }
0x274: {  	[tilespmem:s19+$0x100] =	vst v2  }
0x275: {  	v2 =	vld.idx.msk [tilespmem:v3+s9+$0x0], $0xffff;
	v3 =	vor.u32 $0x200, v0  }
0x276: {  	v3 =	vadd.s32 v3, v1;
	_ =	sdelay $0x3  }
0x277: {  	[tilespmem:s19+$0x180] =	vst v2  }
0x278: {  	v2 =	vld.idx.msk [tilespmem:v3+s9+$0x0], $0xffff;
	v3 =	vor.u32 $0x280, v0  }
0x279: {  	v3 =	vadd.s32 v3, v1;
	_ =	sdelay $0x3  }
0x27a: {  	[tilespmem:s19+$0x200] =	vst v2  }
0x27b: {  	v2 =	vld.idx.msk [tilespmem:v3+s9+$0x0], $0xffff;
	v3 =	vor.u32 $0x300, v0  }
0x27c: {  	v3 =	vadd.s32 v3, v1;
	_ =	sdelay $0x3  }
0x27d: {  	[tilespmem:s19+$0x280] =	vst v2  }
0x27e: {  	v2 =	vld.idx.msk [tilespmem:v3+s9+$0x0], $0xffff;
	v3 =	vor.u32 $0x380, v0  }
0x27f: {  	v3 =	vadd.s32 v3, v1;
	_ =	sdelay $0x3  }
0x280: {  	[tilespmem:s19+$0x300] =	vst v2  }
0x281: {  	v2 =	vld.idx.msk [tilespmem:v3+s9+$0x0], $0xffff;
	v3 =	vor.u32 $0x400, v0  }
0x282: {  	v3 =	vadd.s32 v3, v1;
	_ =	sdelay $0x1  }
0x283: {  	s31 =	sor.u32 s16, s17  }
0x284: {  	s19 =	sor.u32 $0x380, s31  }
0x285: {  	[tilespmem:s19+$0x10400] =	vst v2  }
0x286: {  	v2 =	vld.idx.msk [tilespmem:v3+s9+$0x0], $0xffff;
	v3 =	vor.u32 $0x480, v0  }
0x287: {  	v3 =	vadd.s32 v3, v1;
	_ =	sdelay $0x3  }
0x288: {  	[tilespmem:s18+$0x11400] =	vst v2  }
0x289: {  	v2 =	vld.idx.msk [tilespmem:v3+s9+$0x0], $0xffff;
	v3 =	vor.u32 $0x500, v0  }
0x28a: {  	v3 =	vadd.s32 v3, v1;
	_ =	sdelay $0x3  }
0x28b: {  	[tilespmem:s18+$0x11480] =	vst v2  }
0x28c: {  	v2 =	vld.idx.msk [tilespmem:v3+s9+$0x0], $0xffff;
	v3 =	vor.u32 $0x580, v0  }
0x28d: {  	v3 =	vadd.s32 v3, v1;
	_ =	sdelay $0x3  }
0x28e: {  	[tilespmem:s18+$0x11500] =	vst v2  }
0x28f: {  	v2 =	vld.idx.msk [tilespmem:v3+s9+$0x0], $0xffff;
	v3 =	vor.u32 $0x600, v0  }
0x290: {  	v3 =	vadd.s32 v3, v1;
	_ =	sdelay $0x3  }
0x291: {  	[tilespmem:s18+$0x11580] =	vst v2  }
0x292: {  	v2 =	vld.idx.msk [tilespmem:v3+s9+$0x0], $0xffff;
	v3 =	vor.u32 $0x680, v0  }
0x293: {  	v3 =	vadd.s32 v3, v1;
	_ =	sdelay $0x3  }
0x294: {  	[tilespmem:s18+$0x11600] =	vst v2  }
0x295: {  	v2 =	vld.idx.msk [tilespmem:v3+s9+$0x0], $0xffff;
	v3 =	vor.u32 $0x700, v0  }
0x296: {  	v3 =	vadd.s32 v3, v1;
	_ =	sdelay $0x3  }
0x297: {  	[tilespmem:s18+$0x11680] =	vst v2  }
0x298: {  	v2 =	vld.idx.msk [tilespmem:v3+s9+$0x0], $0xffff;
	v3 =	vor.u32 $0x780, v0  }
0x299: {  	v3 =	vadd.s32 v3, v1;
	_ =	sdelay $0x3  }
0x29a: {  	[tilespmem:s18+$0x11700] =	vst v2  }
0x29b: {  	v2 =	vld.idx.msk [tilespmem:v3+s9+$0x0], $0xffff;
	v3 =	vor.u32 $0x800, v0  }
0x29c: {  	v3 =	vadd.s32 v3, v1;
	_ =	sdelay $0x3  }
0x29d: {  	[tilespmem:s18+$0x11780] =	vst v2  }
0x29e: {  	v2 =	vld.idx.msk [tilespmem:v3+s9+$0x0], $0xffff;
	v3 =	vor.u32 $0x880, v0  }
0x29f: {  	v3 =	vadd.s32 v3, v1;
	_ =	sdelay $0x3  }
0x2a0: {  	[tilespmem:s18+$0x12400] =	vst v2  }
0x2a1: {  	v2 =	vld.idx.msk [tilespmem:v3+s9+$0x0], $0xffff;
	v3 =	vor.u32 $0x900, v0  }
0x2a2: {  	v3 =	vadd.s32 v3, v1;
	_ =	sdelay $0x3  }
0x2a3: {  	[tilespmem:s18+$0x12480] =	vst v2  }
0x2a4: {  	v2 =	vld.idx.msk [tilespmem:v3+s9+$0x0], $0xffff;
	v3 =	vor.u32 $0x980, v0  }
0x2a5: {  	v3 =	vadd.s32 v3, v1;
	_ =	sdelay $0x3  }
0x2a6: {  	[tilespmem:s18+$0x12500] =	vst v2  }
0x2a7: {  	v2 =	vld.idx.msk [tilespmem:v3+s9+$0x0], $0xffff;
	v3 =	vor.u32 $0xA00, v0  }
0x2a8: {  	v3 =	vadd.s32 v3, v1;
	_ =	sdelay $0x3  }
0x2a9: {  	[tilespmem:s18+$0x12580] =	vst v2  }
0x2aa: {  	v2 =	vld.idx.msk [tilespmem:v3+s9+$0x0], $0xffff;
	v3 =	vor.u32 $0xA80, v0  }
0x2ab: {  	v3 =	vadd.s32 v3, v1;
	_ =	sdelay $0x3  }
0x2ac: {  	[tilespmem:s18+$0x12600] =	vst v2  }
0x2ad: {  	v2 =	vld.idx.msk [tilespmem:v3+s9+$0x0], $0xffff;
	v3 =	vor.u32 $0xB00, v0  }
0x2ae: {  	v3 =	vadd.s32 v3, v1;
	_ =	sdelay $0x3  }
0x2af: {  	[tilespmem:s18+$0x12680] =	vst v2  }
0x2b0: {  	v2 =	vld.idx.msk [tilespmem:v3+s9+$0x0], $0xffff;
	v3 =	vor.u32 $0xB80, v0  }
0x2b1: {  	v3 =	vadd.s32 v3, v1;
	_ =	sdelay $0x3  }
0x2b2: {  	[tilespmem:s18+$0x12700] =	vst v2  }
0x2b3: {  	v2 =	vld.idx.msk [tilespmem:v3+s9+$0x0], $0xffff;
	v3 =	vor.u32 $0xC00, v0  }
0x2b4: {  	v3 =	vadd.s32 v3, v1;
	_ =	sdelay $0x3  }
0x2b5: {  	[tilespmem:s18+$0x12780] =	vst v2  }
0x2b6: {  	v2 =	vld.idx.msk [tilespmem:v3+s9+$0x0], $0xffff;
	v3 =	vor.u32 $0xC80, v0  }
0x2b7: {  	v3 =	vadd.s32 v3, v1;
	_ =	sdelay $0x3  }
0x2b8: {  	[tilespmem:s18+$0x13400] =	vst v2  }
0x2b9: {  	v2 =	vld.idx.msk [tilespmem:v3+s9+$0x0], $0xffff;
	v3 =	vor.u32 $0xD00, v0  }
0x2ba: {  	v3 =	vadd.s32 v3, v1;
	_ =	sdelay $0x3  }
0x2bb: {  	[tilespmem:s18+$0x13480] =	vst v2  }
0x2bc: {  	v2 =	vld.idx.msk [tilespmem:v3+s9+$0x0], $0xffff;
	v3 =	vor.u32 $0xD80, v0  }
0x2bd: {  	v3 =	vadd.s32 v3, v1;
	_ =	sdelay $0x3  }
0x2be: {  	[tilespmem:s18+$0x13500] =	vst v2  }
0x2bf: {  	v2 =	vld.idx.msk [tilespmem:v3+s9+$0x0], $0xffff;
	v3 =	vor.u32 $0xE00, v0  }
0x2c0: {  	v3 =	vadd.s32 v3, v1;
	_ =	sdelay $0x3  }
0x2c1: {  	[tilespmem:s18+$0x13580] =	vst v2  }
0x2c2: {  	v2 =	vld.idx.msk [tilespmem:v3+s9+$0x0], $0xffff;
	v3 =	vor.u32 $0xE80, v0  }
0x2c3: {  	v3 =	vadd.s32 v3, v1;
	_ =	sdelay $0x3  }
0x2c4: {  	[tilespmem:s18+$0x13600] =	vst v2  }
0x2c5: {  	v2 =	vld.idx.msk [tilespmem:v3+s9+$0x0], $0xffff;
	v3 =	vor.u32 $0xF00, v0  }
0x2c6: {  	v3 =	vadd.s32 v3, v1;
	_ =	sdelay $0x3  }
0x2c7: {  	[tilespmem:s18+$0x13680] =	vst v2  }
0x2c8: {  	v2 =	vld.idx.msk [tilespmem:v3+s9+$0x0], $0xffff;
	v3 =	vor.u32 $0xF80, v0  }
0x2c9: {  	v1 =	vadd.s32 v3, v1;
	_ =	sdelay $0x3  }
0x2ca: {  	[tilespmem:s18+$0x13700] =	vst v2  }
0x2cb: {  	p0 =	sne.s32 s17, $0x1F0;
	v1 =	vld.idx.msk [tilespmem:v1+s9+$0x0], $0xffff  }
.Ltmp0:
0x2cc: {  	_ = 	snop;
	(pc) =	sbr.rel @p0 .LBB2_2-.Ltmp0, $3  }
0x2cd: {  	_ =	sdelay $0x1  }
0x2ce: {  	s15 =	sadd.s32 $0x10, s15  }
0x2cf: {  	s16 =	sadd.s32 $0x80, s16;
	s17 =	sadd.s32 $0x10, s17;
	s14 =	sadd.s32 $0x10, s14;
	[tilespmem:s18+$0x13780] =	vst v1  }
0x2d0: {  	s13 =	sadd.s32 $0x1, s13  }
0x2d1: {  	p0 =	sne.s32 s13, s6  }
.Ltmp1:
0x2d2: {  	_ = 	snop;
	(pc) =	sbr.rel @p0 .LBB2_1-.Ltmp1, $4  }
0x2d3: {  	[hbm4b:s5+s10] =	stream.strided.scatter [tilespmem:s12], [sflag:$0x2], $0x4000, s11, s10, $0x38;
	[tilespmem:$0x14400] =	vst v63  }
0x2d4: {  	_ =	swait.ge [sflag:s7], $0x4000  }
0x2d5: {  	[sflag:s7] =	ssyncset.done $0x0  }
0x2d6: {  	[sflag:s7] =	ssyncadd.s32 $0xFFFFC000  }
0x2d7: {  	_ =	sfence.sel $0x180000  }
0x2d8: {  	[bflag:$0x0] =	sbarrier.arrive $0xFFFF  }
0x2d9: {  	p0 =	sne.s32 s3, $0x0;
	_ =	strace $0x90000047  }
0x2da: {  	s0 =	sadd.s32 @!p0 $0x100000, s0;
	[bflag:$0x2] =	sbarrier.arrive $0xFFFF  }
0x2db: {  	[sflag:s0] =	ssyncadd.tile.s32 @!p0 $0x1;
	_ =	shalt  }
.Lfunc_end2:
_tile_overlayer_lowered:
.L_overlay_start_2:
0x2dc: {  	(tag) =	ssettag $0x2  }
0x2dd: {  	s0 =	rddreg [dreg:$0x0];
	s2 =	stileid.u32  }
0x2de: {  	s1 =	rddreg [dreg:$0x1];
	p0 =	sne.s32 s2, $0x0  }
0x2df: {  	s3 =	rddreg [dreg:$0x2];
	[bflag:$0x3] =	sbarrier.arrive $0xFFFF;
	s2 =	simm.s32 @!p0 $0x1C02  }
0x2e0: {  	[timem:s3], [sflag:s2] =	dma.local @!p0 [hbm:s0], s1  }
0x2e1: {  	s0 =	simm.s32 @!p0 $0x2  }
0x2e2: {  	_ =	swait.ge @!p0 [sflag:s0], s1  }
0x2e3: {  	s1 =	ssub.s32 @!p0 $0x0, s1;
	[sflag:s0] =	ssyncset.done @!p0 $0x0  }
0x2e4: {  	[sflag:s0] =	ssyncadd.s32 @!p0 s1  }
0x2e5: {  	[bflag:$0x3] =	sbarrier.arrive $0xFFFF  }
0x2e6: {  	_ =	shalt  }

</sc_bundles>
